<compile_context>
chip_gen: v7x
topology: tpu7x:2x2x1
jax: 0.10.2.dev20260603
libtpu: 0.0.44.dev20260713+nightly
codegen_flags: <defaults>
</compile_context>

<pallas_src>
import functools

import jax
import jax.numpy as jnp
from jax import lax
from jax.experimental import pallas as pl
from jax.experimental.pallas import tpu as pltpu
from jax.experimental.pallas import tpu_sc as plsc

NC = 2
NS = 16
L = 16

N_NODES = 10000
N_PAD_NODES = 10240
EMB = 128
CHUNK = 128
G = 2048

_NO_LAYOUT = pltpu.CompilerParams(needs_layout_passes=False)


def _rsqrt_newton(d):
    xi = lax.bitcast_convert_type(d, jnp.int32)
    xi = 0x5F3759DF - lax.shift_right_logical(xi, 1)
    y = lax.bitcast_convert_type(xi, jnp.float32)
    for _ in range(3):
        y = y * (1.5 - 0.5 * d * y * y)
    return y


def _sc_factors(uidx, iidx, w, e_pad):
    ept16 = e_pad // NS
    mesh = plsc.VectorSubcoreMesh(core_axis_name="c", subcore_axis_name="s")

    @functools.partial(
        pl.kernel,
        out_type=jax.ShapeDtypeStruct((NC, e_pad // CHUNK, CHUNK), jnp.float32),
        mesh=mesh,
        compiler_params=_NO_LAYOUT,
        scratch_types=[
            pltpu.VMEM((ept16 // CHUNK, CHUNK), jnp.int32),
            pltpu.VMEM((ept16 // CHUNK, CHUNK), jnp.float32),
            pltpu.VMEM((ept16 // CHUNK, CHUNK), jnp.float32),
            pltpu.VMEM((80, EMB), jnp.float32),
            pltpu.VMEM((80,), jnp.int32),
            pltpu.VMEM((8, EMB), jnp.float32),
            pltpu.VMEM_SHARED((80, EMB), jnp.float32),
        ],
    )
    def ka(idx_h, w_h, out_h, gidx, wloc, fout, hist, rowids, tbl, deg):
        c = lax.axis_index("c")
        s = lax.axis_index("s")
        pos16 = lax.iota(jnp.int32, L)
        zeros16 = jnp.zeros((L,), jnp.float32)
        nck = ept16 // CHUNK
        c0 = pl.multiple_of((s * ept16) // CHUNK, 8)

        pltpu.sync_copy(idx_h.at[c, pl.ds(c0, nck)], gidx)
        pltpu.sync_copy(w_h.at[c, pl.ds(c0, nck)], wloc)

        def zero_body(r, _):
            for j in range(EMB // L):
                hist[r, pl.ds(j * L, L)] = zeros16
            return 0

        lax.fori_loop(0, 80, zero_body, 0)
        for r in range(5):
            rowids[pl.ds(r * L, L)] = pos16 + r * L
        for j in range(EMB // L):
            for r in range(5):
                tbl[r, pl.ds(j * L, L)] = zeros16
        pltpu.sync_copy(tbl.at[pl.ds(0, 5)], deg.at[pl.ds(s * 5, 5)])
        plsc.subcore_barrier()

        def chunk_body(kk, _):
            for g in range(CHUNK // L):
                v = gidx[kk, pl.ds(g * L, L)]
                cnt, last = plsc.scan_count(v)
                plsc.addupdate_scatter(
                    hist,
                    [lax.shift_right_logical(v, 7), v & (EMB - 1)],
                    cnt.astype(jnp.float32), mask=last)
            return 0

        lax.fori_loop(0, nck, chunk_body, 0)
        pltpu.sync_copy(hist, deg.at[rowids], add=True)
        plsc.subcore_barrier()

        pltpu.sync_copy(deg.at[pl.ds(s * 5, 5)], tbl.at[pl.ds(0, 5)])

        def rsq_body(r, _):
            for j in range(EMB // L):
                d = jnp.maximum(tbl[r, pl.ds(j * L, L)], 1.0)
                tbl[r, pl.ds(j * L, L)] = _rsqrt_newton(d)
            return 0

        lax.fori_loop(0, 5, rsq_body, 0)
        pltpu.sync_copy(tbl.at[pl.ds(0, 5)], deg.at[pl.ds(s * 5, 5)])
        plsc.subcore_barrier()

        pltpu.sync_copy(deg, hist)

        def fac_body(kk, _):
            for g in range(CHUNK // L):
                v = gidx[kk, pl.ds(g * L, L)]
                f = plsc.load_gather(
                    hist,
                    [lax.shift_right_logical(v, 7), v & (EMB - 1)])
                wv = wloc[kk, pl.ds(g * L, L)]
                fout[kk, pl.ds(g * L, L)] = f * wv
            return 0

        lax.fori_loop(0, nck, fac_body, 0)
        pltpu.sync_copy(fout, out_h.at[c, pl.ds(c0, nck)])

    idx_stack = jnp.stack([uidx, iidx]).reshape(NC, e_pad // CHUNK, CHUNK)
    ones = jnp.ones_like(w)
    w_stack = jnp.stack([w, ones]).reshape(NC, e_pad // CHUNK, CHUNK)
    return ka(idx_stack, w_stack)


def _sc_messages(gidx_all, didx_all, ew2d, emb_stack, e_pad):
    ept = e_pad // NS
    ngrp = ept // G
    npair = G // CHUNK // 2
    nck = G // CHUNK
    mesh = plsc.VectorSubcoreMesh(core_axis_name="c", subcore_axis_name="s")

    @functools.partial(
        pl.kernel,
        out_type=jax.ShapeDtypeStruct((NC, N_PAD_NODES, EMB), jnp.float32),
        mesh=mesh,
        compiler_params=pltpu.CompilerParams(
            needs_layout_passes=False, use_tc_tiling_on_sc=False),
        scratch_types=[
            pltpu.VMEM((G // CHUNK, CHUNK), jnp.int32),
            pltpu.VMEM((G // CHUNK, CHUNK), jnp.int32),
            pltpu.VMEM((G // CHUNK, CHUNK), jnp.float32),
            pltpu.VMEM((CHUNK, EMB // 2), jnp.int32),
            pltpu.VMEM((CHUNK, EMB // 2), jnp.int32),
            pltpu.VMEM((CHUNK, EMB), jnp.float32),
            pltpu.VMEM_SHARED((N_PAD_NODES, EMB), jnp.float32),
            pltpu.SemaphoreType.DMA,
            pltpu.SemaphoreType.DMA,
        ],
    )
    def kb(gidx_h, didx_h, ew_h, emb_h, out_h,
           gl, dl, ewl, rows0, rows1, rowsf, acc, sem0, sem1):
        c = lax.axis_index("c")
        s = lax.axis_index("s")
        zeros16 = jnp.zeros((L,), jnp.float32)
        bufs = ((rows0, sem0), (rows1, sem1))

        def start_gather(kk, b):
            rows, sem = bufs[b]
            pltpu.async_copy(emb_h.at[gl.at[kk]], rows, sem)

        def drain_gather(b):
            rows, sem = bufs[b]
            pltpu.make_async_copy(emb_h.at[gl.at[0]], rows, sem).wait()



        def scale(kk, b):
            rows, sem = bufs[b]

            def scale_body(g2, _):
                evec = ewl[kk, pl.ds(g2 * L, L)]
                for l in range(L):
                    sc = evec[l]
                    e = g2 * L + l
                    for q in range(EMB // (2 * L)):
                        m32 = rows[e, pl.ds(q * L, L)]
                        mb = plsc.bitcast(m32, jnp.bfloat16)
                        a, b2 = plsc.unpack(
                            mb, format=plsc.PackFormat.INTERLEAVED)
                        rowsf[e, pl.ds(q * 2 * L, L)] = a * sc
                        rowsf[e, pl.ds(q * 2 * L + L, L)] = b2 * sc
                return 0

            lax.fori_loop(0, CHUNK // L, scale_body, 0)

        def zero_body(r, _):
            for j in range(EMB // L):
                rowsf[r, pl.ds(j * L, L)] = zeros16
            return 0

        lax.fori_loop(0, CHUNK, zero_body, 0)
        for m in range(5):
            pltpu.sync_copy(rowsf, acc.at[pl.ds((s * 5 + m) * CHUNK, CHUNK)])
        plsc.subcore_barrier()

        def msg_group(g_id, _):
            off = s * ept + g_id * G
            c0 = pl.multiple_of(off // CHUNK, 8)
            pltpu.sync_copy(gidx_h.at[c, pl.ds(c0, nck)], gl)
            pltpu.sync_copy(didx_h.at[c, pl.ds(c0, nck)], dl)
            pltpu.sync_copy(ew_h.at[pl.ds(c0, nck)], ewl)
            start_gather(0, 0)

            def pair_body(k2, _):
                drain_gather(0)
                start_gather(2 * k2 + 1, 1)
                scale(2 * k2, 0)
                pltpu.sync_copy(rowsf, acc.at[dl.at[2 * k2]], add=True)
                drain_gather(1)

                @pl.when(k2 < npair - 1)
                def _():
                    start_gather(2 * k2 + 2, 0)

                scale(2 * k2 + 1, 1)
                pltpu.sync_copy(rowsf, acc.at[dl.at[2 * k2 + 1]], add=True)
                return 0

            lax.fori_loop(0, npair, pair_body, 0)
            return 0

        lax.fori_loop(0, ngrp, msg_group, 0)
        plsc.subcore_barrier()

        for m in range(5):
            r0 = (s * 5 + m) * CHUNK
            pltpu.sync_copy(
                acc.at[pl.ds(r0, CHUNK)],
                out_h.at[c, pl.ds(pl.multiple_of(r0, 8), CHUNK)])

    return kb(gidx_all, didx_all, ew2d, emb_stack)


def _mm_relu_body(msg_ref, emb_ref, w_ref, out_ref):
    x = msg_ref[0] + emb_ref[0]
    y = lax.dot_general(
        x, w_ref[0],
        dimension_numbers=(((1,), (1,)), ((), ())),
        preferred_element_type=jnp.float32,
    )
    out_ref[0] = jnp.maximum(y, 0.0)


def _mm_relu(msg, emb, w):
    n = msg.shape[1]
    br = 2000
    return pl.pallas_call(
        _mm_relu_body,
        grid=(2, n // br),
        in_specs=[
            pl.BlockSpec((1, br, 128), lambda g, r: (g, r, 0)),
            pl.BlockSpec((1, br, 128), lambda g, r: (g, r, 0)),
            pl.BlockSpec((1, 128, 128), lambda g, r: (g, 0, 0)),
        ],
        out_specs=pl.BlockSpec((1, br, 128), lambda g, r: (g, r, 0)),
        out_shape=jax.ShapeDtypeStruct((2, n, 128), jnp.float32),
    )(msg, emb, w)


def kernel(u_emb, i_emb, edge_index, weights, W_u, W_i):
    e = edge_index.shape[1]
    per_round = G * NC * NS
    e_pad = -(-e // per_round) * per_round
    n_pad = e_pad - e

    uidx = edge_index[0]
    iidx = edge_index[1]
    if n_pad:
        pad_nodes = N_NODES + (
            jnp.arange(n_pad, dtype=jnp.int32) % (N_PAD_NODES - N_NODES))
        uidx = jnp.concatenate([uidx, pad_nodes])
        iidx = jnp.concatenate([iidx, pad_nodes])
        weights = jnp.concatenate([weights, jnp.zeros((n_pad,), jnp.float32)])

    pwb = _sc_factors(uidx, iidx, weights, e_pad)
    ew2d = pwb[0] * pwb[1]

    shape3 = (e_pad // CHUNK, CHUNK)
    gidx_all = jnp.stack(
        [iidx.reshape(shape3) + N_PAD_NODES, uidx.reshape(shape3)])
    didx_all = jnp.stack([uidx.reshape(shape3), iidx.reshape(shape3)])

    zpad = jnp.zeros((N_PAD_NODES - N_NODES, EMB), jnp.float32)
    emb_stack = jnp.concatenate([u_emb, zpad, i_emb, zpad])
    n_all = emb_stack.shape[0]
    emb_stack = (
        emb_stack.reshape(n_all, EMB // 32, 2, 16)
        .transpose(0, 1, 3, 2)
        .reshape(n_all, EMB // 2, 2)
        .astype(jnp.bfloat16))
    emb_stack = lax.bitcast_convert_type(emb_stack, jnp.int32)

    msg = _sc_messages(gidx_all, didx_all, ew2d, emb_stack, e_pad)
    msg = msg[:, :N_NODES]

    emb = jnp.stack([u_emb, i_emb])
    w = jnp.stack([W_u, W_i])
    out = _mm_relu(msg, emb, w)
    return (out[0], out[1])

# --- scband reference (transcript-rebuilt; emitter-appended) ---
"""Pipeline reference for scband-gcnlayer-197568495782 (READ-ONLY COPY).

The authoritative reference and input builder live on the scoring server;
editing this copy changes nothing except your own understanding.
"""

import jax, jax.numpy as jnp
import numpy as np

EMB_DIM = 128
NUM_USERS = 10000
NUM_ITEMS = 10000
NUM_EDGES = 320000


def _xavier_uniform(key, shape):
    fan_in, fan_out = shape[1], shape[0]
    bound = float(np.sqrt(6.0 / (fan_in + fan_out)))
    return jax.random.uniform(key, shape, dtype=jnp.float32, minval=-bound, maxval=bound)


def setup_inputs(seed: int = 0) -> dict:
    key = jax.random.key(seed)
    k1, k2, k3, k4, k5, k6 = jax.random.split(key, 6)
    u_emb = jax.random.normal(k1, (NUM_USERS, EMB_DIM), dtype=jnp.float32)
    i_emb = jax.random.normal(k2, (NUM_ITEMS, EMB_DIM), dtype=jnp.float32)
    edge_index = jax.random.randint(k3, (2, NUM_EDGES), 0, NUM_USERS, dtype=jnp.int64 if jax.config.jax_enable_x64 else jnp.int32).astype(jnp.int32)
    weights = jax.random.uniform(k4, (NUM_EDGES,), dtype=jnp.float32)
    W_u = _xavier_uniform(k5, (EMB_DIM, EMB_DIM))
    W_i = _xavier_uniform(k6, (EMB_DIM, EMB_DIM))
    return {"u_emb": u_emb, "i_emb": i_emb, "edge_index": edge_index, "weights": weights, "W_u": W_u, "W_i": W_i}


def reference(u_emb, i_emb, edge_index, weights, W_u, W_i):
    # eval mode: dropout disabled
    user_idx = edge_index[0]
    item_idx = edge_index[1]
    num_users = u_emb.shape[0]
    num_items = i_emb.shape[0]
    user_deg = jnp.maximum(jnp.bincount(user_idx, length=num_users).astype(jnp.float32), 1.0)
    item_deg = jnp.maximum(jnp.bincount(item_idx, length=num_items).astype(jnp.float32), 1.0)
    norm = 1.0 / (jnp.sqrt(user_deg[user_idx]) * jnp.sqrt(item_deg[item_idx]))
    edge_weights = (weights * norm)[:, None]
    new_u_msg = jnp.zeros_like(u_emb).at[user_idx].add(i_emb[item_idx] * edge_weights)
    new_i_msg = jnp.zeros_like(i_emb).at[item_idx].add(u_emb[user_idx] * edge_weights)
    new_u_msg = new_u_msg + u_emb
    new_i_msg = new_i_msg + i_emb
    new_u_emb = jax.nn.relu(new_u_msg @ W_u.T)
    new_i_emb = jax.nn.relu(new_i_msg @ W_i.T)
    return (new_u_emb, new_i_emb)

if __name__ == "__main__":
    import jax
    _d = setup_inputs()
    print(jax.jit(kernel)(*tuple(_d.values())))

</pallas_src>

<mosaic_0001>
#map = affine_map<(d0, d1) -> (0, 0, 0)>
#map1 = affine_map<(d0, d1) -> (0, 0)>
module attributes {stable_mosaic.version = 14 : i64} {
  func.func @kb(%arg0: i32, %arg1: i32, %arg2: memref<2x2560x128xi32, #tpu.memory_space<hbm>>, %arg3: memref<2x2560x128xi32, #tpu.memory_space<hbm>>, %arg4: memref<2560x128xf32, #tpu.memory_space<hbm>>, %arg5: memref<20480x64xi32, #tpu.memory_space<hbm>>, %arg6: memref<2x10240x128xf32, #tpu.memory_space<hbm>>, %arg7: memref<16x128xi32, #tpu.memory_space<vmem>>, %arg8: memref<16x128xi32, #tpu.memory_space<vmem>>, %arg9: memref<16x128xf32, #tpu.memory_space<vmem>>, %arg10: memref<128x64xi32, #tpu.memory_space<vmem>>, %arg11: memref<128x64xi32, #tpu.memory_space<vmem>>, %arg12: memref<128x128xf32, #tpu.memory_space<vmem>>, %arg13: memref<10240x128xf32, #tpu.memory_space<vmem_shared>>, %arg14: memref<!tpu.dma_semaphore, #tpu.memory_space<semaphore_mem>>, %arg15: memref<!tpu.dma_semaphore, #tpu.memory_space<semaphore_mem>>) attributes {dimension_semantics = [#tpu.dimension_semantics<core_parallel>, #tpu.dimension_semantics<subcore_parallel>], iteration_bounds = array<i64: 2, 16>, scalar_prefetch = 0 : i64, scratch_operands = 9 : i64, tpu.core_type = #tpu.core_type<sc_vector_subcore>, window_params = [{transform_indices = #map}, {transform_indices = #map}, {transform_indices = #map1}, {transform_indices = #map1}, {transform_indices = #map}]} {
    %broadcast_in_dim3A = arith.constant 0.000000e+00 : f32
    %broadcast_in_dim3A_0 = vector.broadcast %broadcast_in_dim3A : f32 to vector<16xf32>
    %scan3A = arith.constant 0 : i32
    %scan3A_1 = arith.constant 0 : i32
    %scan3A_2 = arith.constant 128 : i32
    %scan3A_3 = arith.addi %scan3A_1, %scan3A_2 : i32
    %scan3A_4 = arith.constant 1 : i32
    %scan3A_5 = scf.for %scan3A_77 = %scan3A_1 to %scan3A_3 step %scan3A_4 iter_args(%scan3A_78 = %scan3A) -> (i32)  : i32 {
      %swap3A = arith.index_cast %scan3A_77 : i32 to index
      %swap3A_79 = arith.constant 0 : index
      %swap3A_80 = tpu.vector_load %arg12[%swap3A, %swap3A_79] {strides = array<i32>} : memref<128x128xf32, #tpu.memory_space<vmem>>, vector<16xf32>,
      tpu.vector_store %arg12[%swap3A, %swap3A_79], %broadcast_in_dim3A_0 {strides = array<i32>} : memref<128x128xf32, #tpu.memory_space<vmem>>, vector<16xf32>,
      %swap3A_81 = arith.index_cast %scan3A_77 : i32 to index
      %swap3A_82 = arith.constant 16 : index
      %swap3A_83 = tpu.vector_load %arg12[%swap3A_81, %swap3A_82] {strides = array<i32>} : memref<128x128xf32, #tpu.memory_space<vmem>>, vector<16xf32>,
      tpu.vector_store %arg12[%swap3A_81, %swap3A_82], %broadcast_in_dim3A_0 {strides = array<i32>} : memref<128x128xf32, #tpu.memory_space<vmem>>, vector<16xf32>,
      %swap3A_84 = arith.index_cast %scan3A_77 : i32 to index
      %swap3A_85 = arith.constant 32 : index
      %swap3A_86 = tpu.vector_load %arg12[%swap3A_84, %swap3A_85] {strides = array<i32>} : memref<128x128xf32, #tpu.memory_space<vmem>>, vector<16xf32>,
      tpu.vector_store %arg12[%swap3A_84, %swap3A_85], %broadcast_in_dim3A_0 {strides = array<i32>} : memref<128x128xf32, #tpu.memory_space<vmem>>, vector<16xf32>,
      %swap3A_87 = arith.index_cast %scan3A_77 : i32 to index
      %swap3A_88 = arith.constant 48 : index
      %swap3A_89 = tpu.vector_load %arg12[%swap3A_87, %swap3A_88] {strides = array<i32>} : memref<128x128xf32, #tpu.memory_space<vmem>>, vector<16xf32>,
      tpu.vector_store %arg12[%swap3A_87, %swap3A_88], %broadcast_in_dim3A_0 {strides = array<i32>} : memref<128x128xf32, #tpu.memory_space<vmem>>, vector<16xf32>,
      %swap3A_90 = arith.index_cast %scan3A_77 : i32 to index
      %swap3A_91 = arith.constant 64 : index
      %swap3A_92 = tpu.vector_load %arg12[%swap3A_90, %swap3A_91] {strides = array<i32>} : memref<128x128xf32, #tpu.memory_space<vmem>>, vector<16xf32>,
      tpu.vector_store %arg12[%swap3A_90, %swap3A_91], %broadcast_in_dim3A_0 {strides = array<i32>} : memref<128x128xf32, #tpu.memory_space<vmem>>, vector<16xf32>,
      %swap3A_93 = arith.index_cast %scan3A_77 : i32 to index
      %swap3A_94 = arith.constant 80 : index
      %swap3A_95 = tpu.vector_load %arg12[%swap3A_93, %swap3A_94] {strides = array<i32>} : memref<128x128xf32, #tpu.memory_space<vmem>>, vector<16xf32>,
      tpu.vector_store %arg12[%swap3A_93, %swap3A_94], %broadcast_in_dim3A_0 {strides = array<i32>} : memref<128x128xf32, #tpu.memory_space<vmem>>, vector<16xf32>,
      %swap3A_96 = arith.index_cast %scan3A_77 : i32 to index
      %swap3A_97 = arith.constant 96 : index
      %swap3A_98 = tpu.vector_load %arg12[%swap3A_96, %swap3A_97] {strides = array<i32>} : memref<128x128xf32, #tpu.memory_space<vmem>>, vector<16xf32>,
      tpu.vector_store %arg12[%swap3A_96, %swap3A_97], %broadcast_in_dim3A_0 {strides = array<i32>} : memref<128x128xf32, #tpu.memory_space<vmem>>, vector<16xf32>,
      %swap3A_99 = arith.index_cast %scan3A_77 : i32 to index
      %swap3A_100 = arith.constant 112 : index
      %swap3A_101 = tpu.vector_load %arg12[%swap3A_99, %swap3A_100] {strides = array<i32>} : memref<128x128xf32, #tpu.memory_space<vmem>>, vector<16xf32>,
      tpu.vector_store %arg12[%swap3A_99, %swap3A_100], %broadcast_in_dim3A_0 {strides = array<i32>} : memref<128x128xf32, #tpu.memory_space<vmem>>, vector<16xf32>,
      %scan3A_102 = arith.constant 0 : i32
      scf.yield %scan3A_102 : i32
    }
    %scan3A_6 = arith.constant 128 : i32
    %mul3A = arith.constant 5 : i32
    %mul3A_7 = arith.muli %arg1, %mul3A : i32
    %add3A = arith.constant 0 : i32
    %add3A_8 = arith.addi %mul3A_7, %add3A : i32
    %mul3A_9 = arith.constant 128 : i32
    %mul3A_10 = arith.muli %add3A_8, %mul3A_9 : i32
    "tpu.region"() ({
      %run_scoped3A = tpu.sem_alloc : memref<!tpu.dma_semaphore, #tpu.memory_space<semaphore_mem>>
      %dma_start3A = arith.constant 0 : i32
      %dma_start3A_77 = tpu.memref_slice %arg13[%mul3A_10, %dma_start3A] : memref<10240x128xf32, #tpu.memory_space<vmem_shared>> -> memref<128x128xf32, #tpu.memory_space<vmem_shared>>
      %dma_start3A_78 = arith.constant 0 : i32
      %dma_start3A_79 = tpu.memref_slice %arg13[%mul3A_10, %dma_start3A_78] : memref<10240x128xf32, #tpu.memory_space<vmem_shared>> -> memref<128x128xf32, #tpu.memory_space<vmem_shared>>
      tpu.enqueue_dma source(%arg12 : memref<128x128xf32, #tpu.memory_space<vmem>>) target(%dma_start3A_79 : memref<128x128xf32, #tpu.memory_space<vmem_shared>>) target_semaphore(%run_scoped3A : memref<!tpu.dma_semaphore, #tpu.memory_space<semaphore_mem>>)
      %dma_wait3A = arith.constant 0 : i32
      %dma_wait3A_80 = tpu.memref_slice %arg13[%mul3A_10, %dma_wait3A] : memref<10240x128xf32, #tpu.memory_space<vmem_shared>> -> memref<128x128xf32, #tpu.memory_space<vmem_shared>>
      %dma_wait3A_81 = arith.constant 0 : i32
      %dma_wait3A_82 = tpu.memref_slice %arg13[%mul3A_10, %dma_wait3A_81] : memref<10240x128xf32, #tpu.memory_space<vmem_shared>> -> memref<128x128xf32, #tpu.memory_space<vmem_shared>>
      tpu.wait_dma2 semaphore(%run_scoped3A : memref<!tpu.dma_semaphore, #tpu.memory_space<semaphore_mem>>) src(%arg12 : memref<128x128xf32, #tpu.memory_space<vmem>>) dst(%dma_wait3A_82 : memref<128x128xf32, #tpu.memory_space<vmem_shared>>)
      tpu.yield
    }) : () -> ()
    %mul3A_11 = arith.constant 5 : i32
    %mul3A_12 = arith.muli %arg1, %mul3A_11 : i32
    %add3A_13 = arith.constant 1 : i32
    %add3A_14 = arith.addi %mul3A_12, %add3A_13 : i32
    %mul3A_15 = arith.constant 128 : i32
    %mul3A_16 = arith.muli %add3A_14, %mul3A_15 : i32
    "tpu.region"() ({
      %run_scoped3A = tpu.sem_alloc : memref<!tpu.dma_semaphore, #tpu.memory_space<semaphore_mem>>
      %dma_start3A = arith.constant 0 : i32
      %dma_start3A_77 = tpu.memref_slice %arg13[%mul3A_16, %dma_start3A] : memref<10240x128xf32, #tpu.memory_space<vmem_shared>> -> memref<128x128xf32, #tpu.memory_space<vmem_shared>>
      %dma_start3A_78 = arith.constant 0 : i32
      %dma_start3A_79 = tpu.memref_slice %arg13[%mul3A_16, %dma_start3A_78] : memref<10240x128xf32, #tpu.memory_space<vmem_shared>> -> memref<128x128xf32, #tpu.memory_space<vmem_shared>>
      tpu.enqueue_dma source(%arg12 : memref<128x128xf32, #tpu.memory_space<vmem>>) target(%dma_start3A_79 : memref<128x128xf32, #tpu.memory_space<vmem_shared>>) target_semaphore(%run_scoped3A : memref<!tpu.dma_semaphore, #tpu.memory_space<semaphore_mem>>)
      %dma_wait3A = arith.constant 0 : i32
      %dma_wait3A_80 = tpu.memref_slice %arg13[%mul3A_16, %dma_wait3A] : memref<10240x128xf32, #tpu.memory_space<vmem_shared>> -> memref<128x128xf32, #tpu.memory_space<vmem_shared>>
      %dma_wait3A_81 = arith.constant 0 : i32
      %dma_wait3A_82 = tpu.memref_slice %arg13[%mul3A_16, %dma_wait3A_81] : memref<10240x128xf32, #tpu.memory_space<vmem_shared>> -> memref<128x128xf32, #tpu.memory_space<vmem_shared>>
      tpu.wait_dma2 semaphore(%run_scoped3A : memref<!tpu.dma_semaphore, #tpu.memory_space<semaphore_mem>>) src(%arg12 : memref<128x128xf32, #tpu.memory_space<vmem>>) dst(%dma_wait3A_82 : memref<128x128xf32, #tpu.memory_space<vmem_shared>>)
      tpu.yield
    }) : () -> ()
    %mul3A_17 = arith.constant 5 : i32
    %mul3A_18 = arith.muli %arg1, %mul3A_17 : i32
    %add3A_19 = arith.constant 2 : i32
    %add3A_20 = arith.addi %mul3A_18, %add3A_19 : i32
    %mul3A_21 = arith.constant 128 : i32
    %mul3A_22 = arith.muli %add3A_20, %mul3A_21 : i32
    "tpu.region"() ({
      %run_scoped3A = tpu.sem_alloc : memref<!tpu.dma_semaphore, #tpu.memory_space<semaphore_mem>>
      %dma_start3A = arith.constant 0 : i32
      %dma_start3A_77 = tpu.memref_slice %arg13[%mul3A_22, %dma_start3A] : memref<10240x128xf32, #tpu.memory_space<vmem_shared>> -> memref<128x128xf32, #tpu.memory_space<vmem_shared>>
      %dma_start3A_78 = arith.constant 0 : i32
      %dma_start3A_79 = tpu.memref_slice %arg13[%mul3A_22, %dma_start3A_78] : memref<10240x128xf32, #tpu.memory_space<vmem_shared>> -> memref<128x128xf32, #tpu.memory_space<vmem_shared>>
      tpu.enqueue_dma source(%arg12 : memref<128x128xf32, #tpu.memory_space<vmem>>) target(%dma_start3A_79 : memref<128x128xf32, #tpu.memory_space<vmem_shared>>) target_semaphore(%run_scoped3A : memref<!tpu.dma_semaphore, #tpu.memory_space<semaphore_mem>>)
      %dma_wait3A = arith.constant 0 : i32
      %dma_wait3A_80 = tpu.memref_slice %arg13[%mul3A_22, %dma_wait3A] : memref<10240x128xf32, #tpu.memory_space<vmem_shared>> -> memref<128x128xf32, #tpu.memory_space<vmem_shared>>
      %dma_wait3A_81 = arith.constant 0 : i32
      %dma_wait3A_82 = tpu.memref_slice %arg13[%mul3A_22, %dma_wait3A_81] : memref<10240x128xf32, #tpu.memory_space<vmem_shared>> -> memref<128x128xf32, #tpu.memory_space<vmem_shared>>
      tpu.wait_dma2 semaphore(%run_scoped3A : memref<!tpu.dma_semaphore, #tpu.memory_space<semaphore_mem>>) src(%arg12 : memref<128x128xf32, #tpu.memory_space<vmem>>) dst(%dma_wait3A_82 : memref<128x128xf32, #tpu.memory_space<vmem_shared>>)
      tpu.yield
    }) : () -> ()
    %mul3A_23 = arith.constant 5 : i32
    %mul3A_24 = arith.muli %arg1, %mul3A_23 : i32
    %add3A_25 = arith.constant 3 : i32
    %add3A_26 = arith.addi %mul3A_24, %add3A_25 : i32
    %mul3A_27 = arith.constant 128 : i32
    %mul3A_28 = arith.muli %add3A_26, %mul3A_27 : i32
    "tpu.region"() ({
      %run_scoped3A = tpu.sem_alloc : memref<!tpu.dma_semaphore, #tpu.memory_space<semaphore_mem>>
      %dma_start3A = arith.constant 0 : i32
      %dma_start3A_77 = tpu.memref_slice %arg13[%mul3A_28, %dma_start3A] : memref<10240x128xf32, #tpu.memory_space<vmem_shared>> -> memref<128x128xf32, #tpu.memory_space<vmem_shared>>
      %dma_start3A_78 = arith.constant 0 : i32
      %dma_start3A_79 = tpu.memref_slice %arg13[%mul3A_28, %dma_start3A_78] : memref<10240x128xf32, #tpu.memory_space<vmem_shared>> -> memref<128x128xf32, #tpu.memory_space<vmem_shared>>
      tpu.enqueue_dma source(%arg12 : memref<128x128xf32, #tpu.memory_space<vmem>>) target(%dma_start3A_79 : memref<128x128xf32, #tpu.memory_space<vmem_shared>>) target_semaphore(%run_scoped3A : memref<!tpu.dma_semaphore, #tpu.memory_space<semaphore_mem>>)
      %dma_wait3A = arith.constant 0 : i32
      %dma_wait3A_80 = tpu.memref_slice %arg13[%mul3A_28, %dma_wait3A] : memref<10240x128xf32, #tpu.memory_space<vmem_shared>> -> memref<128x128xf32, #tpu.memory_space<vmem_shared>>
      %dma_wait3A_81 = arith.constant 0 : i32
      %dma_wait3A_82 = tpu.memref_slice %arg13[%mul3A_28, %dma_wait3A_81] : memref<10240x128xf32, #tpu.memory_space<vmem_shared>> -> memref<128x128xf32, #tpu.memory_space<vmem_shared>>
      tpu.wait_dma2 semaphore(%run_scoped3A : memref<!tpu.dma_semaphore, #tpu.memory_space<semaphore_mem>>) src(%arg12 : memref<128x128xf32, #tpu.memory_space<vmem>>) dst(%dma_wait3A_82 : memref<128x128xf32, #tpu.memory_space<vmem_shared>>)
      tpu.yield
    }) : () -> ()
    %mul3A_29 = arith.constant 5 : i32
    %mul3A_30 = arith.muli %arg1, %mul3A_29 : i32
    %add3A_31 = arith.constant 4 : i32
    %add3A_32 = arith.addi %mul3A_30, %add3A_31 : i32
    %mul3A_33 = arith.constant 128 : i32
    %mul3A_34 = arith.muli %add3A_32, %mul3A_33 : i32
    "tpu.region"() ({
      %run_scoped3A = tpu.sem_alloc : memref<!tpu.dma_semaphore, #tpu.memory_space<semaphore_mem>>
      %dma_start3A = arith.constant 0 : i32
      %dma_start3A_77 = tpu.memref_slice %arg13[%mul3A_34, %dma_start3A] : memref<10240x128xf32, #tpu.memory_space<vmem_shared>> -> memref<128x128xf32, #tpu.memory_space<vmem_shared>>
      %dma_start3A_78 = arith.constant 0 : i32
      %dma_start3A_79 = tpu.memref_slice %arg13[%mul3A_34, %dma_start3A_78] : memref<10240x128xf32, #tpu.memory_space<vmem_shared>> -> memref<128x128xf32, #tpu.memory_space<vmem_shared>>
      tpu.enqueue_dma source(%arg12 : memref<128x128xf32, #tpu.memory_space<vmem>>) target(%dma_start3A_79 : memref<128x128xf32, #tpu.memory_space<vmem_shared>>) target_semaphore(%run_scoped3A : memref<!tpu.dma_semaphore, #tpu.memory_space<semaphore_mem>>)
      %dma_wait3A = arith.constant 0 : i32
      %dma_wait3A_80 = tpu.memref_slice %arg13[%mul3A_34, %dma_wait3A] : memref<10240x128xf32, #tpu.memory_space<vmem_shared>> -> memref<128x128xf32, #tpu.memory_space<vmem_shared>>
      %dma_wait3A_81 = arith.constant 0 : i32
      %dma_wait3A_82 = tpu.memref_slice %arg13[%mul3A_34, %dma_wait3A_81] : memref<10240x128xf32, #tpu.memory_space<vmem_shared>> -> memref<128x128xf32, #tpu.memory_space<vmem_shared>>
      tpu.wait_dma2 semaphore(%run_scoped3A : memref<!tpu.dma_semaphore, #tpu.memory_space<semaphore_mem>>) src(%arg12 : memref<128x128xf32, #tpu.memory_space<vmem>>) dst(%dma_wait3A_82 : memref<128x128xf32, #tpu.memory_space<vmem_shared>>)
      tpu.yield
    }) : () -> ()
    %barrier3A = arith.constant 0 : index
    tpu.barrier barrier_id(%barrier3A)
    %scan3A_35 = arith.constant 0 : i32
    %scan3A_36 = arith.constant 0 : i32
    %scan3A_37 = arith.constant 10 : i32
    %scan3A_38 = arith.addi %scan3A_36, %scan3A_37 : i32
    %scan3A_39 = arith.constant 1 : i32
    %scan3A_40 = scf.for %scan3A_77 = %scan3A_36 to %scan3A_38 step %scan3A_39 iter_args(%scan3A_78 = %scan3A_35) -> (i32)  : i32 {
      %mul3A_79 = arith.constant 20480 : i32
      %mul3A_80 = arith.muli %arg1, %mul3A_79 : i32
      %mul3A_81 = arith.constant 2048 : i32
      %mul3A_82 = arith.muli %scan3A_77, %mul3A_81 : i32
      %add3A_83 = arith.addi %mul3A_80, %mul3A_82 : i32
      %jit3A = arith.constant 128 : i32
      %div3A = arith.divsi %add3A_83, %jit3A : i32
      %sign3A = arith.constant 0 : i32
      %sign3A_84 = arith.cmpi sgt, %add3A_83, %sign3A : i32
      %sign3A_85 = arith.extui %sign3A_84 : i1 to i32
      %sign3A_86 = arith.constant 0 : i32
      %sign3A_87 = arith.cmpi slt, %add3A_83, %sign3A_86 : i32
      %sign3A_88 = arith.extui %sign3A_87 : i1 to i32
      %sign3A_89 = arith.subi %sign3A_85, %sign3A_88 : i32
      %sign3A_90 = arith.constant 0 : i32
      %sign3A_91 = arith.cmpi sgt, %jit3A, %sign3A_90 : i32
      %sign3A_92 = arith.extui %sign3A_91 : i1 to i32
      %sign3A_93 = arith.constant 0 : i32
      %sign3A_94 = arith.cmpi slt, %jit3A, %sign3A_93 : i32
      %sign3A_95 = arith.extui %sign3A_94 : i1 to i32
      %sign3A_96 = arith.subi %sign3A_92, %sign3A_95 : i32
      %ne3A = arith.cmpi ne, %sign3A_89, %sign3A_96 : i32
      %rem3A = arith.remsi %add3A_83, %jit3A : i32
      %ne3A_97 = arith.constant 0 : i32
      %ne3A_98 = arith.cmpi ne, %rem3A, %ne3A_97 : i32
      %and3A = arith.andi %ne3A, %ne3A_98 : i1
      %sub3A = arith.constant 1 : i32
      %sub3A_99 = arith.subi %div3A, %sub3A : i32
      %select_n3A = arith.select %and3A, %sub3A_99, %div3A : i32
      %multiple_of3A_100 = tpu.assume_multiple %select_n3A, 8 : i32
      "tpu.region"() ({
        %run_scoped3A = tpu.sem_alloc : memref<!tpu.dma_semaphore, #tpu.memory_space<semaphore_mem>>
        %dma_start3A_115 = arith.constant 0 : i32
        %dma_start3A_116 = tpu.memref_slice %arg2[%arg0, %multiple_of3A_100, %dma_start3A_115] : memref<2x2560x128xi32, #tpu.memory_space<hbm>> -> memref<1x16x128xi32, #tpu.memory_space<hbm>>
        %dma_start3A_117 = tpu.memref_squeeze %dma_start3A_116 : memref<1x16x128xi32, #tpu.memory_space<hbm>> -> memref<16x128xi32, #tpu.memory_space<hbm>>
        %dma_start3A_118 = arith.constant 0 : i32
        %dma_start3A_119 = tpu.memref_slice %arg2[%arg0, %multiple_of3A_100, %dma_start3A_118] : memref<2x2560x128xi32, #tpu.memory_space<hbm>> -> memref<1x16x128xi32, #tpu.memory_space<hbm>>
        %dma_start3A_120 = tpu.memref_squeeze %dma_start3A_119 : memref<1x16x128xi32, #tpu.memory_space<hbm>> -> memref<16x128xi32, #tpu.memory_space<hbm>>
        tpu.enqueue_dma source(%dma_start3A_120 : memref<16x128xi32, #tpu.memory_space<hbm>>) target(%arg7 : memref<16x128xi32, #tpu.memory_space<vmem>>) target_semaphore(%run_scoped3A : memref<!tpu.dma_semaphore, #tpu.memory_space<semaphore_mem>>)
        %dma_wait3A = arith.constant 0 : i32
        %dma_wait3A_121 = tpu.memref_slice %arg2[%arg0, %multiple_of3A_100, %dma_wait3A] : memref<2x2560x128xi32, #tpu.memory_space<hbm>> -> memref<1x16x128xi32, #tpu.memory_space<hbm>>
        %dma_wait3A_122 = tpu.memref_squeeze %dma_wait3A_121 : memref<1x16x128xi32, #tpu.memory_space<hbm>> -> memref<16x128xi32, #tpu.memory_space<hbm>>
        %dma_wait3A_123 = arith.constant 0 : i32
        %dma_wait3A_124 = tpu.memref_slice %arg2[%arg0, %multiple_of3A_100, %dma_wait3A_123] : memref<2x2560x128xi32, #tpu.memory_space<hbm>> -> memref<1x16x128xi32, #tpu.memory_space<hbm>>
        %dma_wait3A_125 = tpu.memref_squeeze %dma_wait3A_124 : memref<1x16x128xi32, #tpu.memory_space<hbm>> -> memref<16x128xi32, #tpu.memory_space<hbm>>
        tpu.wait_dma2 semaphore(%run_scoped3A : memref<!tpu.dma_semaphore, #tpu.memory_space<semaphore_mem>>) src(%dma_wait3A_125 : memref<16x128xi32, #tpu.memory_space<hbm>>) dst(%arg7 : memref<16x128xi32, #tpu.memory_space<vmem>>)
        tpu.yield
      }) : () -> ()
      "tpu.region"() ({
        %run_scoped3A = tpu.sem_alloc : memref<!tpu.dma_semaphore, #tpu.memory_space<semaphore_mem>>
        %dma_start3A_115 = arith.constant 0 : i32
        %dma_start3A_116 = tpu.memref_slice %arg3[%arg0, %multiple_of3A_100, %dma_start3A_115] : memref<2x2560x128xi32, #tpu.memory_space<hbm>> -> memref<1x16x128xi32, #tpu.memory_space<hbm>>
        %dma_start3A_117 = tpu.memref_squeeze %dma_start3A_116 : memref<1x16x128xi32, #tpu.memory_space<hbm>> -> memref<16x128xi32, #tpu.memory_space<hbm>>
        %dma_start3A_118 = arith.constant 0 : i32
        %dma_start3A_119 = tpu.memref_slice %arg3[%arg0, %multiple_of3A_100, %dma_start3A_118] : memref<2x2560x128xi32, #tpu.memory_space<hbm>> -> memref<1x16x128xi32, #tpu.memory_space<hbm>>
        %dma_start3A_120 = tpu.memref_squeeze %dma_start3A_119 : memref<1x16x128xi32, #tpu.memory_space<hbm>> -> memref<16x128xi32, #tpu.memory_space<hbm>>
        tpu.enqueue_dma source(%dma_start3A_120 : memref<16x128xi32, #tpu.memory_space<hbm>>) target(%arg8 : memref<16x128xi32, #tpu.memory_space<vmem>>) target_semaphore(%run_scoped3A : memref<!tpu.dma_semaphore, #tpu.memory_space<semaphore_mem>>)
        %dma_wait3A = arith.constant 0 : i32
        %dma_wait3A_121 = tpu.memref_slice %arg3[%arg0, %multiple_of3A_100, %dma_wait3A] : memref<2x2560x128xi32, #tpu.memory_space<hbm>> -> memref<1x16x128xi32, #tpu.memory_space<hbm>>
        %dma_wait3A_122 = tpu.memref_squeeze %dma_wait3A_121 : memref<1x16x128xi32, #tpu.memory_space<hbm>> -> memref<16x128xi32, #tpu.memory_space<hbm>>
        %dma_wait3A_123 = arith.constant 0 : i32
        %dma_wait3A_124 = tpu.memref_slice %arg3[%arg0, %multiple_of3A_100, %dma_wait3A_123] : memref<2x2560x128xi32, #tpu.memory_space<hbm>> -> memref<1x16x128xi32, #tpu.memory_space<hbm>>
        %dma_wait3A_125 = tpu.memref_squeeze %dma_wait3A_124 : memref<1x16x128xi32, #tpu.memory_space<hbm>> -> memref<16x128xi32, #tpu.memory_space<hbm>>
        tpu.wait_dma2 semaphore(%run_scoped3A : memref<!tpu.dma_semaphore, #tpu.memory_space<semaphore_mem>>) src(%dma_wait3A_125 : memref<16x128xi32, #tpu.memory_space<hbm>>) dst(%arg8 : memref<16x128xi32, #tpu.memory_space<vmem>>)
        tpu.yield
      }) : () -> ()
      "tpu.region"() ({
        %run_scoped3A = tpu.sem_alloc : memref<!tpu.dma_semaphore, #tpu.memory_space<semaphore_mem>>
        %dma_start3A_115 = arith.constant 0 : i32
        %dma_start3A_116 = tpu.memref_slice %arg4[%multiple_of3A_100, %dma_start3A_115] : memref<2560x128xf32, #tpu.memory_space<hbm>> -> memref<16x128xf32, #tpu.memory_space<hbm>>
        %dma_start3A_117 = arith.constant 0 : i32
        %dma_start3A_118 = tpu.memref_slice %arg4[%multiple_of3A_100, %dma_start3A_117] : memref<2560x128xf32, #tpu.memory_space<hbm>> -> memref<16x128xf32, #tpu.memory_space<hbm>>
        tpu.enqueue_dma source(%dma_start3A_118 : memref<16x128xf32, #tpu.memory_space<hbm>>) target(%arg9 : memref<16x128xf32, #tpu.memory_space<vmem>>) target_semaphore(%run_scoped3A : memref<!tpu.dma_semaphore, #tpu.memory_space<semaphore_mem>>)
        %dma_wait3A = arith.constant 0 : i32
        %dma_wait3A_119 = tpu.memref_slice %arg4[%multiple_of3A_100, %dma_wait3A] : memref<2560x128xf32, #tpu.memory_space<hbm>> -> memref<16x128xf32, #tpu.memory_space<hbm>>
        %dma_wait3A_120 = arith.constant 0 : i32
        %dma_wait3A_121 = tpu.memref_slice %arg4[%multiple_of3A_100, %dma_wait3A_120] : memref<2560x128xf32, #tpu.memory_space<hbm>> -> memref<16x128xf32, #tpu.memory_space<hbm>>
        tpu.wait_dma2 semaphore(%run_scoped3A : memref<!tpu.dma_semaphore, #tpu.memory_space<semaphore_mem>>) src(%dma_wait3A_121 : memref<16x128xf32, #tpu.memory_space<hbm>>) dst(%arg9 : memref<16x128xf32, #tpu.memory_space<vmem>>)
        tpu.yield
      }) : () -> ()
      %dma_start3A = arith.constant 0 : i32
      %dma_start3A_101 = arith.constant 0 : i32
      %dma_start3A_102 = tpu.memref_slice %arg7[%dma_start3A, %dma_start3A_101] : memref<16x128xi32, #tpu.memory_space<vmem>> -> memref<1x128xi32, #tpu.memory_space<vmem>>
      %dma_start3A_103 = tpu.memref_squeeze %dma_start3A_102 : memref<1x128xi32, #tpu.memory_space<vmem>> -> memref<128xi32, #tpu.memory_space<vmem>>
      %dma_start3A_104 = arith.constant 0 : i32
      %dma_start3A_105 = arith.constant 0 : i32
      %dma_start3A_106 = tpu.memref_slice %arg5[%dma_start3A_104, %dma_start3A_105] : memref<20480x64xi32, #tpu.memory_space<hbm>> -> memref<20480x64xi32, #tpu.memory_space<hbm>>
      tpu.enqueue_indirect_dma source(%dma_start3A_106 : memref<20480x64xi32, #tpu.memory_space<hbm>>) target(%arg10 : memref<128x64xi32, #tpu.memory_space<vmem>>) offsets(%dma_start3A_103 : memref<128xi32, #tpu.memory_space<vmem>>) semaphore(%arg14 : memref<!tpu.dma_semaphore, #tpu.memory_space<semaphore_mem>>)
      %scan3A_107 = arith.constant 0 : i32
      %scan3A_108 = arith.constant 0 : i32
      %scan3A_109 = arith.constant 8 : i32
      %scan3A_110 = arith.addi %scan3A_108, %scan3A_109 : i32
      %scan3A_111 = arith.constant 1 : i32
      %scan3A_112 = scf.for %scan3A_115 = %scan3A_108 to %scan3A_110 step %scan3A_111 iter_args(%scan3A_116 = %scan3A_107) -> (i32)  : i32 {
        %dma_wait3A = arith.constant 0 : i32
        %dma_wait3A_117 = arith.constant 0 : i32
        %dma_wait3A_118 = tpu.memref_slice %arg7[%dma_wait3A, %dma_wait3A_117] : memref<16x128xi32, #tpu.memory_space<vmem>> -> memref<1x128xi32, #tpu.memory_space<vmem>>
        %dma_wait3A_119 = tpu.memref_squeeze %dma_wait3A_118 : memref<1x128xi32, #tpu.memory_space<vmem>> -> memref<128xi32, #tpu.memory_space<vmem>>
        %dma_wait3A_120 = arith.constant 0 : i32
        %dma_wait3A_121 = arith.constant 0 : i32
        %dma_wait3A_122 = tpu.memref_slice %arg5[%dma_wait3A_120, %dma_wait3A_121] : memref<20480x64xi32, #tpu.memory_space<hbm>> -> memref<20480x64xi32, #tpu.memory_space<hbm>>
        tpu.wait_indirect_dma semaphore(%arg14 : memref<!tpu.dma_semaphore, #tpu.memory_space<semaphore_mem>>) src(%dma_wait3A_122 : memref<20480x64xi32, #tpu.memory_space<hbm>>) dst(%arg10 : memref<128x64xi32, #tpu.memory_space<vmem>>)
        %mul3A_123 = arith.constant 2 : i32
        %mul3A_124 = arith.muli %mul3A_123, %scan3A_115 : i32
        %add3A_125 = arith.constant 1 : i32
        %add3A_126 = arith.addi %mul3A_124, %add3A_125 : i32
        %dma_start3A_127 = arith.constant 0 : i32
        %dma_start3A_128 = tpu.memref_slice %arg7[%add3A_126, %dma_start3A_127] : memref<16x128xi32, #tpu.memory_space<vmem>> -> memref<1x128xi32, #tpu.memory_space<vmem>>
        %dma_start3A_129 = tpu.memref_squeeze %dma_start3A_128 : memref<1x128xi32, #tpu.memory_space<vmem>> -> memref<128xi32, #tpu.memory_space<vmem>>
        %dma_start3A_130 = arith.constant 0 : i32
        %dma_start3A_131 = arith.constant 0 : i32
        %dma_start3A_132 = tpu.memref_slice %arg5[%dma_start3A_130, %dma_start3A_131] : memref<20480x64xi32, #tpu.memory_space<hbm>> -> memref<20480x64xi32, #tpu.memory_space<hbm>>
        tpu.enqueue_indirect_dma source(%dma_start3A_132 : memref<20480x64xi32, #tpu.memory_space<hbm>>) target(%arg11 : memref<128x64xi32, #tpu.memory_space<vmem>>) offsets(%dma_start3A_129 : memref<128xi32, #tpu.memory_space<vmem>>) semaphore(%arg15 : memref<!tpu.dma_semaphore, #tpu.memory_space<semaphore_mem>>)
        %mul3A_133 = arith.constant 2 : i32
        %mul3A_134 = arith.muli %mul3A_133, %scan3A_115 : i32
        %scan3A_135 = arith.constant 0 : i32
        %scan3A_136 = arith.constant 0 : i32
        %scan3A_137 = arith.constant 8 : i32
        %scan3A_138 = arith.addi %scan3A_136, %scan3A_137 : i32
        %scan3A_139 = arith.constant 1 : i32
        %scan3A_140 = scf.for %scan3A_169 = %scan3A_136 to %scan3A_138 step %scan3A_139 iter_args(%scan3A_170 = %scan3A_135) -> (i32)  : i32 {
          %mul3A_171 = arith.constant 16 : i32
          %mul3A_172 = arith.muli %scan3A_169, %mul3A_171 : i32
          %get3A = arith.index_cast %mul3A_134 : i32 to index
          %get3A_173 = arith.index_cast %mul3A_172 : i32 to index
          %get3A_174 = tpu.vector_load %arg9[%get3A, %get3A_173] {strides = array<i32>} : memref<16x128xf32, #tpu.memory_space<vmem>>, vector<16xf32>,
          %slice3A = vector.extract_strided_slice %get3A_174 {offsets = [0], sizes = [1], strides = [1]} : vector<16xf32> to vector<1xf32>
          %squeeze3A = vector.extract %slice3A[0] : f32 from vector<1xf32>
          %mul3A_175 = arith.constant 16 : i32
          %mul3A_176 = arith.muli %scan3A_169, %mul3A_175 : i32
          %add3A_177 = arith.constant 0 : i32
          %add3A_178 = arith.addi %mul3A_176, %add3A_177 : i32
          %get3A_179 = arith.index_cast %add3A_178 : i32 to index
          %get3A_180 = arith.constant 0 : index
          %get3A_181 = tpu.vector_load %arg10[%get3A_179, %get3A_180] {strides = array<i32>} : memref<128x64xi32, #tpu.memory_space<vmem>>, vector<16xi32>,
          %bitcast3A = vector.bitcast %get3A_181 : vector<16xi32> to vector<32xbf16>
          %unpack3A = tpu.unpack_subelements %bitcast3A, 0 {pack_format = #tpu.pack_format<interleaved>} : vector<32xbf16> -> vector<16xf32>
          %unpack3A_182 = tpu.unpack_subelements %bitcast3A, 1 {pack_format = #tpu.pack_format<interleaved>} : vector<32xbf16> -> vector<16xf32>
          %mul3A_183 = vector.broadcast %squeeze3A : f32 to vector<16xf32>
          %mul3A_184 = arith.mulf %unpack3A, %mul3A_183 : vector<16xf32>
          %swap3A = arith.index_cast %add3A_178 : i32 to index
          %swap3A_185 = arith.constant 0 : index
          %swap3A_186 = tpu.vector_load %arg12[%swap3A, %swap3A_185] {strides = array<i32>} : memref<128x128xf32, #tpu.memory_space<vmem>>, vector<16xf32>,
          tpu.vector_store %arg12[%swap3A, %swap3A_185], %mul3A_184 {strides = array<i32>} : memref<128x128xf32, #tpu.memory_space<vmem>>, vector<16xf32>,
          %mul3A_187 = vector.broadcast %squeeze3A : f32 to vector<16xf32>
          %mul3A_188 = arith.mulf %unpack3A_182, %mul3A_187 : vector<16xf32>
          %swap3A_189 = arith.index_cast %add3A_178 : i32 to index
          %swap3A_190 = arith.constant 16 : index
          %swap3A_191 = tpu.vector_load %arg12[%swap3A_189, %swap3A_190] {strides = array<i32>} : memref<128x128xf32, #tpu.memory_space<vmem>>, vector<16xf32>,
          tpu.vector_store %arg12[%swap3A_189, %swap3A_190], %mul3A_188 {strides = array<i32>} : memref<128x128xf32, #tpu.memory_space<vmem>>, vector<16xf32>,
          %get3A_192 = arith.index_cast %add3A_178 : i32 to index
          %get3A_193 = arith.constant 16 : index
          %get3A_194 = tpu.vector_load %arg10[%get3A_192, %get3A_193] {strides = array<i32>} : memref<128x64xi32, #tpu.memory_space<vmem>>, vector<16xi32>,
          %bitcast3A_195 = vector.bitcast %get3A_194 : vector<16xi32> to vector<32xbf16>
          %unpack3A_196 = tpu.unpack_subelements %bitcast3A_195, 0 {pack_format = #tpu.pack_format<interleaved>} : vector<32xbf16> -> vector<16xf32>
          %unpack3A_197 = tpu.unpack_subelements %bitcast3A_195, 1 {pack_format = #tpu.pack_format<interleaved>} : vector<32xbf16> -> vector<16xf32>
          %mul3A_198 = vector.broadcast %squeeze3A : f32 to vector<16xf32>
          %mul3A_199 = arith.mulf %unpack3A_196, %mul3A_198 : vector<16xf32>
          %swap3A_200 = arith.index_cast %add3A_178 : i32 to index
          %swap3A_201 = arith.constant 32 : index
          %swap3A_202 = tpu.vector_load %arg12[%swap3A_200, %swap3A_201] {strides = array<i32>} : memref<128x128xf32, #tpu.memory_space<vmem>>, vector<16xf32>,
          tpu.vector_store %arg12[%swap3A_200, %swap3A_201], %mul3A_199 {strides = array<i32>} : memref<128x128xf32, #tpu.memory_space<vmem>>, vector<16xf32>,
          %mul3A_203 = vector.broadcast %squeeze3A : f32 to vector<16xf32>
          %mul3A_204 = arith.mulf %unpack3A_197, %mul3A_203 : vector<16xf32>
          %swap3A_205 = arith.index_cast %add3A_178 : i32 to index
          %swap3A_206 = arith.constant 48 : index
          %swap3A_207 = tpu.vector_load %arg12[%swap3A_205, %swap3A_206] {strides = array<i32>} : memref<128x128xf32, #tpu.memory_space<vmem>>, vector<16xf32>,
          tpu.vector_store %arg12[%swap3A_205, %swap3A_206], %mul3A_204 {strides = array<i32>} : memref<128x128xf32, #tpu.memory_space<vmem>>, vector<16xf32>,
          %get3A_208 = arith.index_cast %add3A_178 : i32 to index
          %get3A_209 = arith.constant 32 : index
          %get3A_210 = tpu.vector_load %arg10[%get3A_208, %get3A_209] {strides = array<i32>} : memref<128x64xi32, #tpu.memory_space<vmem>>, vector<16xi32>,
          %bitcast3A_211 = vector.bitcast %get3A_210 : vector<16xi32> to vector<32xbf16>
          %unpack3A_212 = tpu.unpack_subelements %bitcast3A_211, 0 {pack_format = #tpu.pack_format<interleaved>} : vector<32xbf16> -> vector<16xf32>
          %unpack3A_213 = tpu.unpack_subelements %bitcast3A_211, 1 {pack_format = #tpu.pack_format<interleaved>} : vector<32xbf16> -> vector<16xf32>
          %mul3A_214 = vector.broadcast %squeeze3A : f32 to vector<16xf32>
          %mul3A_215 = arith.mulf %unpack3A_212, %mul3A_214 : vector<16xf32>
          %swap3A_216 = arith.index_cast %add3A_178 : i32 to index
          %swap3A_217 = arith.constant 64 : index
          %swap3A_218 = tpu.vector_load %arg12[%swap3A_216, %swap3A_217] {strides = array<i32>} : memref<128x128xf32, #tpu.memory_space<vmem>>, vector<16xf32>,
          tpu.vector_store %arg12[%swap3A_216, %swap3A_217], %mul3A_215 {strides = array<i32>} : memref<128x128xf32, #tpu.memory_space<vmem>>, vector<16xf32>,
          %mul3A_219 = vector.broadcast %squeeze3A : f32 to vector<16xf32>
          %mul3A_220 = arith.mulf %unpack3A_213, %mul3A_219 : vector<16xf32>
          %swap3A_221 = arith.index_cast %add3A_178 : i32 to index
          %swap3A_222 = arith.constant 80 : index
          %swap3A_223 = tpu.vector_load %arg12[%swap3A_221, %swap3A_222] {strides = array<i32>} : memref<128x128xf32, #tpu.memory_space<vmem>>, vector<16xf32>,
          tpu.vector_store %arg12[%swap3A_221, %swap3A_222], %mul3A_220 {strides = array<i32>} : memref<128x128xf32, #tpu.memory_space<vmem>>, vector<16xf32>,
          %get3A_224 = arith.index_cast %add3A_178 : i32 to index
          %get3A_225 = arith.constant 48 : index
          %get3A_226 = tpu.vector_load %arg10[%get3A_224, %get3A_225] {strides = array<i32>} : memref<128x64xi32, #tpu.memory_space<vmem>>, vector<16xi32>,
          %bitcast3A_227 = vector.bitcast %get3A_226 : vector<16xi32> to vector<32xbf16>
          %unpack3A_228 = tpu.unpack_subelements %bitcast3A_227, 0 {pack_format = #tpu.pack_format<interleaved>} : vector<32xbf16> -> vector<16xf32>
          %unpack3A_229 = tpu.unpack_subelements %bitcast3A_227, 1 {pack_format = #tpu.pack_format<interleaved>} : vector<32xbf16> -> vector<16xf32>
          %mul3A_230 = vector.broadcast %squeeze3A : f32 to vector<16xf32>
          %mul3A_231 = arith.mulf %unpack3A_228, %mul3A_230 : vector<16xf32>
          %swap3A_232 = arith.index_cast %add3A_178 : i32 to index
          %swap3A_233 = arith.constant 96 : index
          %swap3A_234 = tpu.vector_load %arg12[%swap3A_232, %swap3A_233] {strides = array<i32>} : memref<128x128xf32, #tpu.memory_space<vmem>>, vector<16xf32>,
          tpu.vector_store %arg12[%swap3A_232, %swap3A_233], %mul3A_231 {strides = array<i32>} : memref<128x128xf32, #tpu.memory_space<vmem>>, vector<16xf32>,
          %mul3A_235 = vector.broadcast %squeeze3A : f32 to vector<16xf32>
          %mul3A_236 = arith.mulf %unpack3A_229, %mul3A_235 : vector<16xf32>
          %swap3A_237 = arith.index_cast %add3A_178 : i32 to index
          %swap3A_238 = arith.constant 112 : index
          %swap3A_239 = tpu.vector_load %arg12[%swap3A_237, %swap3A_238] {strides = array<i32>} : memref<128x128xf32, #tpu.memory_space<vmem>>, vector<16xf32>,
          tpu.vector_store %arg12[%swap3A_237, %swap3A_238], %mul3A_236 {strides = array<i32>} : memref<128x128xf32, #tpu.memory_space<vmem>>, vector<16xf32>,
          %slice3A_240 = vector.extract_strided_slice %get3A_174 {offsets = [1], sizes = [1], strides = [1]} : vector<16xf32> to vector<1xf32>
          %squeeze3A_241 = vector.extract %slice3A_240[0] : f32 from vector<1xf32>
          %mul3A_242 = arith.constant 16 : i32
          %mul3A_243 = arith.muli %scan3A_169, %mul3A_242 : i32
          %add3A_244 = arith.constant 1 : i32
          %add3A_245 = arith.addi %mul3A_243, %add3A_244 : i32
          %get3A_246 = arith.index_cast %add3A_245 : i32 to index
          %get3A_247 = arith.constant 0 : index
          %get3A_248 = tpu.vector_load %arg10[%get3A_246, %get3A_247] {strides = array<i32>} : memref<128x64xi32, #tpu.memory_space<vmem>>, vector<16xi32>,
          %bitcast3A_249 = vector.bitcast %get3A_248 : vector<16xi32> to vector<32xbf16>
          %unpack3A_250 = tpu.unpack_subelements %bitcast3A_249, 0 {pack_format = #tpu.pack_format<interleaved>} : vector<32xbf16> -> vector<16xf32>
          %unpack3A_251 = tpu.unpack_subelements %bitcast3A_249, 1 {pack_format = #tpu.pack_format<interleaved>} : vector<32xbf16> -> vector<16xf32>
          %mul3A_252 = vector.broadcast %squeeze3A_241 : f32 to vector<16xf32>
          %mul3A_253 = arith.mulf %unpack3A_250, %mul3A_252 : vector<16xf32>
          %swap3A_254 = arith.index_cast %add3A_245 : i32 to index
          %swap3A_255 = arith.constant 0 : index
          %swap3A_256 = tpu.vector_load %arg12[%swap3A_254, %swap3A_255] {strides = array<i32>} : memref<128x128xf32, #tpu.memory_space<vmem>>, vector<16xf32>,
          tpu.vector_store %arg12[%swap3A_254, %swap3A_255], %mul3A_253 {strides = array<i32>} : memref<128x128xf32, #tpu.memory_space<vmem>>, vector<16xf32>,
          %mul3A_257 = vector.broadcast %squeeze3A_241 : f32 to vector<16xf32>
          %mul3A_258 = arith.mulf %unpack3A_251, %mul3A_257 : vector<16xf32>
          %swap3A_259 = arith.index_cast %add3A_245 : i32 to index
          %swap3A_260 = arith.constant 16 : index
          %swap3A_261 = tpu.vector_load %arg12[%swap3A_259, %swap3A_260] {strides = array<i32>} : memref<128x128xf32, #tpu.memory_space<vmem>>, vector<16xf32>,
          tpu.vector_store %arg12[%swap3A_259, %swap3A_260], %mul3A_258 {strides = array<i32>} : memref<128x128xf32, #tpu.memory_space<vmem>>, vector<16xf32>,
          %get3A_262 = arith.index_cast %add3A_245 : i32 to index
          %get3A_263 = arith.constant 16 : index
          %get3A_264 = tpu.vector_load %arg10[%get3A_262, %get3A_263] {strides = array<i32>} : memref<128x64xi32, #tpu.memory_space<vmem>>, vector<16xi32>,
          %bitcast3A_265 = vector.bitcast %get3A_264 : vector<16xi32> to vector<32xbf16>
          %unpack3A_266 = tpu.unpack_subelements %bitcast3A_265, 0 {pack_format = #tpu.pack_format<interleaved>} : vector<32xbf16> -> vector<16xf32>
          %unpack3A_267 = tpu.unpack_subelements %bitcast3A_265, 1 {pack_format = #tpu.pack_format<interleaved>} : vector<32xbf16> -> vector<16xf32>
          %mul3A_268 = vector.broadcast %squeeze3A_241 : f32 to vector<16xf32>
          %mul3A_269 = arith.mulf %unpack3A_266, %mul3A_268 : vector<16xf32>
          %swap3A_270 = arith.index_cast %add3A_245 : i32 to index
          %swap3A_271 = arith.constant 32 : index
          %swap3A_272 = tpu.vector_load %arg12[%swap3A_270, %swap3A_271] {strides = array<i32>} : memref<128x128xf32, #tpu.memory_space<vmem>>, vector<16xf32>,
          tpu.vector_store %arg12[%swap3A_270, %swap3A_271], %mul3A_269 {strides = array<i32>} : memref<128x128xf32, #tpu.memory_space<vmem>>, vector<16xf32>,
          %mul3A_273 = vector.broadcast %squeeze3A_241 : f32 to vector<16xf32>
          %mul3A_274 = arith.mulf %unpack3A_267, %mul3A_273 : vector<16xf32>
          %swap3A_275 = arith.index_cast %add3A_245 : i32 to index
          %swap3A_276 = arith.constant 48 : index
          %swap3A_277 = tpu.vector_load %arg12[%swap3A_275, %swap3A_276] {strides = array<i32>} : memref<128x128xf32, #tpu.memory_space<vmem>>, vector<16xf32>,
          tpu.vector_store %arg12[%swap3A_275, %swap3A_276], %mul3A_274 {strides = array<i32>} : memref<128x128xf32, #tpu.memory_space<vmem>>, vector<16xf32>,
          %get3A_278 = arith.index_cast %add3A_245 : i32 to index
          %get3A_279 = arith.constant 32 : index
          %get3A_280 = tpu.vector_load %arg10[%get3A_278, %get3A_279] {strides = array<i32>} : memref<128x64xi32, #tpu.memory_space<vmem>>, vector<16xi32>,
          %bitcast3A_281 = vector.bitcast %get3A_280 : vector<16xi32> to vector<32xbf16>
          %unpack3A_282 = tpu.unpack_subelements %bitcast3A_281, 0 {pack_format = #tpu.pack_format<interleaved>} : vector<32xbf16> -> vector<16xf32>
          %unpack3A_283 = tpu.unpack_subelements %bitcast3A_281, 1 {pack_format = #tpu.pack_format<interleaved>} : vector<32xbf16> -> vector<16xf32>
          %mul3A_284 = vector.broadcast %squeeze3A_241 : f32 to vector<16xf32>
          %mul3A_285 = arith.mulf %unpack3A_282, %mul3A_284 : vector<16xf32>
          %swap3A_286 = arith.index_cast %add3A_245 : i32 to index
          %swap3A_287 = arith.constant 64 : index
          %swap3A_288 = tpu.vector_load %arg12[%swap3A_286, %swap3A_287] {strides = array<i32>} : memref<128x128xf32, #tpu.memory_space<vmem>>, vector<16xf32>,
          tpu.vector_store %arg12[%swap3A_286, %swap3A_287], %mul3A_285 {strides = array<i32>} : memref<128x128xf32, #tpu.memory_space<vmem>>, vector<16xf32>,
          %mul3A_289 = vector.broadcast %squeeze3A_241 : f32 to vector<16xf32>
          %mul3A_290 = arith.mulf %unpack3A_283, %mul3A_289 : vector<16xf32>
          %swap3A_291 = arith.index_cast %add3A_245 : i32 to index
          %swap3A_292 = arith.constant 80 : index
          %swap3A_293 = tpu.vector_load %arg12[%swap3A_291, %swap3A_292] {strides = array<i32>} : memref<128x128xf32, #tpu.memory_space<vmem>>, vector<16xf32>,
          tpu.vector_store %arg12[%swap3A_291, %swap3A_292], %mul3A_290 {strides = array<i32>} : memref<128x128xf32, #tpu.memory_space<vmem>>, vector<16xf32>,
          %get3A_294 = arith.index_cast %add3A_245 : i32 to index
          %get3A_295 = arith.constant 48 : index
          %get3A_296 = tpu.vector_load %arg10[%get3A_294, %get3A_295] {strides = array<i32>} : memref<128x64xi32, #tpu.memory_space<vmem>>, vector<16xi32>,
          %bitcast3A_297 = vector.bitcast %get3A_296 : vector<16xi32> to vector<32xbf16>
          %unpack3A_298 = tpu.unpack_subelements %bitcast3A_297, 0 {pack_format = #tpu.pack_format<interleaved>} : vector<32xbf16> -> vector<16xf32>
          %unpack3A_299 = tpu.unpack_subelements %bitcast3A_297, 1 {pack_format = #tpu.pack_format<interleaved>} : vector<32xbf16> -> vector<16xf32>
          %mul3A_300 = vector.broadcast %squeeze3A_241 : f32 to vector<16xf32>
          %mul3A_301 = arith.mulf %unpack3A_298, %mul3A_300 : vector<16xf32>
          %swap3A_302 = arith.index_cast %add3A_245 : i32 to index
          %swap3A_303 = arith.constant 96 : index
          %swap3A_304 = tpu.vector_load %arg12[%swap3A_302, %swap3A_303] {strides = array<i32>} : memref<128x128xf32, #tpu.memory_space<vmem>>, vector<16xf32>,
          tpu.vector_store %arg12[%swap3A_302, %swap3A_303], %mul3A_301 {strides = array<i32>} : memref<128x128xf32, #tpu.memory_space<vmem>>, vector<16xf32>,
          %mul3A_305 = vector.broadcast %squeeze3A_241 : f32 to vector<16xf32>
          %mul3A_306 = arith.mulf %unpack3A_299, %mul3A_305 : vector<16xf32>
          %swap3A_307 = arith.index_cast %add3A_245 : i32 to index
          %swap3A_308 = arith.constant 112 : index
          %swap3A_309 = tpu.vector_load %arg12[%swap3A_307, %swap3A_308] {strides = array<i32>} : memref<128x128xf32, #tpu.memory_space<vmem>>, vector<16xf32>,
          tpu.vector_store %arg12[%swap3A_307, %swap3A_308], %mul3A_306 {strides = array<i32>} : memref<128x128xf32, #tpu.memory_space<vmem>>, vector<16xf32>,
          %slice3A_310 = vector.extract_strided_slice %get3A_174 {offsets = [2], sizes = [1], strides = [1]} : vector<16xf32> to vector<1xf32>
          %squeeze3A_311 = vector.extract %slice3A_310[0] : f32 from vector<1xf32>
          %mul3A_312 = arith.constant 16 : i32
          %mul3A_313 = arith.muli %scan3A_169, %mul3A_312 : i32
          %add3A_314 = arith.constant 2 : i32
          %add3A_315 = arith.addi %mul3A_313, %add3A_314 : i32
          %get3A_316 = arith.index_cast %add3A_315 : i32 to index
          %get3A_317 = arith.constant 0 : index
          %get3A_318 = tpu.vector_load %arg10[%get3A_316, %get3A_317] {strides = array<i32>} : memref<128x64xi32, #tpu.memory_space<vmem>>, vector<16xi32>,
          %bitcast3A_319 = vector.bitcast %get3A_318 : vector<16xi32> to vector<32xbf16>
          %unpack3A_320 = tpu.unpack_subelements %bitcast3A_319, 0 {pack_format = #tpu.pack_format<interleaved>} : vector<32xbf16> -> vector<16xf32>
          %unpack3A_321 = tpu.unpack_subelements %bitcast3A_319, 1 {pack_format = #tpu.pack_format<interleaved>} : vector<32xbf16> -> vector<16xf32>
          %mul3A_322 = vector.broadcast %squeeze3A_311 : f32 to vector<16xf32>
          %mul3A_323 = arith.mulf %unpack3A_320, %mul3A_322 : vector<16xf32>
          %swap3A_324 = arith.index_cast %add3A_315 : i32 to index
          %swap3A_325 = arith.constant 0 : index
          %swap3A_326 = tpu.vector_load %arg12[%swap3A_324, %swap3A_325] {strides = array<i32>} : memref<128x128xf32, #tpu.memory_space<vmem>>, vector<16xf32>,
          tpu.vector_store %arg12[%swap3A_324, %swap3A_325], %mul3A_323 {strides = array<i32>} : memref<128x128xf32, #tpu.memory_space<vmem>>, vector<16xf32>,
          %mul3A_327 = vector.broadcast %squeeze3A_311 : f32 to vector<16xf32>
          %mul3A_328 = arith.mulf %unpack3A_321, %mul3A_327 : vector<16xf32>
          %swap3A_329 = arith.index_cast %add3A_315 : i32 to index
          %swap3A_330 = arith.constant 16 : index
          %swap3A_331 = tpu.vector_load %arg12[%swap3A_329, %swap3A_330] {strides = array<i32>} : memref<128x128xf32, #tpu.memory_space<vmem>>, vector<16xf32>,
          tpu.vector_store %arg12[%swap3A_329, %swap3A_330], %mul3A_328 {strides = array<i32>} : memref<128x128xf32, #tpu.memory_space<vmem>>, vector<16xf32>,
          %get3A_332 = arith.index_cast %add3A_315 : i32 to index
          %get3A_333 = arith.constant 16 : index
          %get3A_334 = tpu.vector_load %arg10[%get3A_332, %get3A_333] {strides = array<i32>} : memref<128x64xi32, #tpu.memory_space<vmem>>, vector<16xi32>,
          %bitcast3A_335 = vector.bitcast %get3A_334 : vector<16xi32> to vector<32xbf16>
          %unpack3A_336 = tpu.unpack_subelements %bitcast3A_335, 0 {pack_format = #tpu.pack_format<interleaved>} : vector<32xbf16> -> vector<16xf32>
          %unpack3A_337 = tpu.unpack_subelements %bitcast3A_335, 1 {pack_format = #tpu.pack_format<interleaved>} : vector<32xbf16> -> vector<16xf32>
          %mul3A_338 = vector.broadcast %squeeze3A_311 : f32 to vector<16xf32>
          %mul3A_339 = arith.mulf %unpack3A_336, %mul3A_338 : vector<16xf32>
          %swap3A_340 = arith.index_cast %add3A_315 : i32 to index
          %swap3A_341 = arith.constant 32 : index
          %swap3A_342 = tpu.vector_load %arg12[%swap3A_340, %swap3A_341] {strides = array<i32>} : memref<128x128xf32, #tpu.memory_space<vmem>>, vector<16xf32>,
          tpu.vector_store %arg12[%swap3A_340, %swap3A_341], %mul3A_339 {strides = array<i32>} : memref<128x128xf32, #tpu.memory_space<vmem>>, vector<16xf32>,
          %mul3A_343 = vector.broadcast %squeeze3A_311 : f32 to vector<16xf32>
          %mul3A_344 = arith.mulf %unpack3A_337, %mul3A_343 : vector<16xf32>
          %swap3A_345 = arith.index_cast %add3A_315 : i32 to index
          %swap3A_346 = arith.constant 48 : index
          %swap3A_347 = tpu.vector_load %arg12[%swap3A_345, %swap3A_346] {strides = array<i32>} : memref<128x128xf32, #tpu.memory_space<vmem>>, vector<16xf32>,
          tpu.vector_store %arg12[%swap3A_345, %swap3A_346], %mul3A_344 {strides = array<i32>} : memref<128x128xf32, #tpu.memory_space<vmem>>, vector<16xf32>,
          %get3A_348 = arith.index_cast %add3A_315 : i32 to index
          %get3A_349 = arith.constant 32 : index
          %get3A_350 = tpu.vector_load %arg10[%get3A_348, %get3A_349] {strides = array<i32>} : memref<128x64xi32, #tpu.memory_space<vmem>>, vector<16xi32>,
          %bitcast3A_351 = vector.bitcast %get3A_350 : vector<16xi32> to vector<32xbf16>
          %unpack3A_352 = tpu.unpack_subelements %bitcast3A_351, 0 {pack_format = #tpu.pack_format<interleaved>} : vector<32xbf16> -> vector<16xf32>
          %unpack3A_353 = tpu.unpack_subelements %bitcast3A_351, 1 {pack_format = #tpu.pack_format<interleaved>} : vector<32xbf16> -> vector<16xf32>
          %mul3A_354 = vector.broadcast %squeeze3A_311 : f32 to vector<16xf32>
          %mul3A_355 = arith.mulf %unpack3A_352, %mul3A_354 : vector<16xf32>
          %swap3A_356 = arith.index_cast %add3A_315 : i32 to index
          %swap3A_357 = arith.constant 64 : index
          %swap3A_358 = tpu.vector_load %arg12[%swap3A_356, %swap3A_357] {strides = array<i32>} : memref<128x128xf32, #tpu.memory_space<vmem>>, vector<16xf32>,
          tpu.vector_store %arg12[%swap3A_356, %swap3A_357], %mul3A_355 {strides = array<i32>} : memref<128x128xf32, #tpu.memory_space<vmem>>, vector<16xf32>,
          %mul3A_359 = vector.broadcast %squeeze3A_311 : f32 to vector<16xf32>
          %mul3A_360 = arith.mulf %unpack3A_353, %mul3A_359 : vector<16xf32>
          %swap3A_361 = arith.index_cast %add3A_315 : i32 to index
          %swap3A_362 = arith.constant 80 : index
          %swap3A_363 = tpu.vector_load %arg12[%swap3A_361, %swap3A_362] {strides = array<i32>} : memref<128x128xf32, #tpu.memory_space<vmem>>, vector<16xf32>,
          tpu.vector_store %arg12[%swap3A_361, %swap3A_362], %mul3A_360 {strides = array<i32>} : memref<128x128xf32, #tpu.memory_space<vmem>>, vector<16xf32>,
          %get3A_364 = arith.index_cast %add3A_315 : i32 to index
          %get3A_365 = arith.constant 48 : index
          %get3A_366 = tpu.vector_load %arg10[%get3A_364, %get3A_365] {strides = array<i32>} : memref<128x64xi32, #tpu.memory_space<vmem>>, vector<16xi32>,
          %bitcast3A_367 = vector.bitcast %get3A_366 : vector<16xi32> to vector<32xbf16>
          %unpack3A_368 = tpu.unpack_subelements %bitcast3A_367, 0 {pack_format = #tpu.pack_format<interleaved>} : vector<32xbf16> -> vector<16xf32>
          %unpack3A_369 = tpu.unpack_subelements %bitcast3A_367, 1 {pack_format = #tpu.pack_format<interleaved>} : vector<32xbf16> -> vector<16xf32>
          %mul3A_370 = vector.broadcast %squeeze3A_311 : f32 to vector<16xf32>
          %mul3A_371 = arith.mulf %unpack3A_368, %mul3A_370 : vector<16xf32>
          %swap3A_372 = arith.index_cast %add3A_315 : i32 to index
          %swap3A_373 = arith.constant 96 : index
          %swap3A_374 = tpu.vector_load %arg12[%swap3A_372, %swap3A_373] {strides = array<i32>} : memref<128x128xf32, #tpu.memory_space<vmem>>, vector<16xf32>,
          tpu.vector_store %arg12[%swap3A_372, %swap3A_373], %mul3A_371 {strides = array<i32>} : memref<128x128xf32, #tpu.memory_space<vmem>>, vector<16xf32>,
          %mul3A_375 = vector.broadcast %squeeze3A_311 : f32 to vector<16xf32>
          %mul3A_376 = arith.mulf %unpack3A_369, %mul3A_375 : vector<16xf32>
          %swap3A_377 = arith.index_cast %add3A_315 : i32 to index
          %swap3A_378 = arith.constant 112 : index
          %swap3A_379 = tpu.vector_load %arg12[%swap3A_377, %swap3A_378] {strides = array<i32>} : memref<128x128xf32, #tpu.memory_space<vmem>>, vector<16xf32>,
          tpu.vector_store %arg12[%swap3A_377, %swap3A_378], %mul3A_376 {strides = array<i32>} : memref<128x128xf32, #tpu.memory_space<vmem>>, vector<16xf32>,
          %slice3A_380 = vector.extract_strided_slice %get3A_174 {offsets = [3], sizes = [1], strides = [1]} : vector<16xf32> to vector<1xf32>
          %squeeze3A_381 = vector.extract %slice3A_380[0] : f32 from vector<1xf32>
          %mul3A_382 = arith.constant 16 : i32
          %mul3A_383 = arith.muli %scan3A_169, %mul3A_382 : i32
          %add3A_384 = arith.constant 3 : i32
          %add3A_385 = arith.addi %mul3A_383, %add3A_384 : i32
          %get3A_386 = arith.index_cast %add3A_385 : i32 to index
          %get3A_387 = arith.constant 0 : index
          %get3A_388 = tpu.vector_load %arg10[%get3A_386, %get3A_387] {strides = array<i32>} : memref<128x64xi32, #tpu.memory_space<vmem>>, vector<16xi32>,
          %bitcast3A_389 = vector.bitcast %get3A_388 : vector<16xi32> to vector<32xbf16>
          %unpack3A_390 = tpu.unpack_subelements %bitcast3A_389, 0 {pack_format = #tpu.pack_format<interleaved>} : vector<32xbf16> -> vector<16xf32>
          %unpack3A_391 = tpu.unpack_subelements %bitcast3A_389, 1 {pack_format = #tpu.pack_format<interleaved>} : vector<32xbf16> -> vector<16xf32>
          %mul3A_392 = vector.broadcast %squeeze3A_381 : f32 to vector<16xf32>
          %mul3A_393 = arith.mulf %unpack3A_390, %mul3A_392 : vector<16xf32>
          %swap3A_394 = arith.index_cast %add3A_385 : i32 to index
          %swap3A_395 = arith.constant 0 : index
          %swap3A_396 = tpu.vector_load %arg12[%swap3A_394, %swap3A_395] {strides = array<i32>} : memref<128x128xf32, #tpu.memory_space<vmem>>, vector<16xf32>,
          tpu.vector_store %arg12[%swap3A_394, %swap3A_395], %mul3A_393 {strides = array<i32>} : memref<128x128xf32, #tpu.memory_space<vmem>>, vector<16xf32>,
          %mul3A_397 = vector.broadcast %squeeze3A_381 : f32 to vector<16xf32>
          %mul3A_398 = arith.mulf %unpack3A_391, %mul3A_397 : vector<16xf32>
          %swap3A_399 = arith.index_cast %add3A_385 : i32 to index
          %swap3A_400 = arith.constant 16 : index
          %swap3A_401 = tpu.vector_load %arg12[%swap3A_399, %swap3A_400] {strides = array<i32>} : memref<128x128xf32, #tpu.memory_space<vmem>>, vector<16xf32>,
          tpu.vector_store %arg12[%swap3A_399, %swap3A_400], %mul3A_398 {strides = array<i32>} : memref<128x128xf32, #tpu.memory_space<vmem>>, vector<16xf32>,
          %get3A_402 = arith.index_cast %add3A_385 : i32 to index
          %get3A_403 = arith.constant 16 : index
          %get3A_404 = tpu.vector_load %arg10[%get3A_402, %get3A_403] {strides = array<i32>} : memref<128x64xi32, #tpu.memory_space<vmem>>, vector<16xi32>,
          %bitcast3A_405 = vector.bitcast %get3A_404 : vector<16xi32> to vector<32xbf16>
          %unpack3A_406 = tpu.unpack_subelements %bitcast3A_405, 0 {pack_format = #tpu.pack_format<interleaved>} : vector<32xbf16> -> vector<16xf32>
          %unpack3A_407 = tpu.unpack_subelements %bitcast3A_405, 1 {pack_format = #tpu.pack_format<interleaved>} : vector<32xbf16> -> vector<16xf32>
          %mul3A_408 = vector.broadcast %squeeze3A_381 : f32 to vector<16xf32>
          %mul3A_409 = arith.mulf %unpack3A_406, %mul3A_408 : vector<16xf32>
          %swap3A_410 = arith.index_cast %add3A_385 : i32 to index
          %swap3A_411 = arith.constant 32 : index
          %swap3A_412 = tpu.vector_load %arg12[%swap3A_410, %swap3A_411] {strides = array<i32>} : memref<128x128xf32, #tpu.memory_space<vmem>>, vector<16xf32>,
          tpu.vector_store %arg12[%swap3A_410, %swap3A_411], %mul3A_409 {strides = array<i32>} : memref<128x128xf32, #tpu.memory_space<vmem>>, vector<16xf32>,
          %mul3A_413 = vector.broadcast %squeeze3A_381 : f32 to vector<16xf32>
          %mul3A_414 = arith.mulf %unpack3A_407, %mul3A_413 : vector<16xf32>
          %swap3A_415 = arith.index_cast %add3A_385 : i32 to index
          %swap3A_416 = arith.constant 48 : index
          %swap3A_417 = tpu.vector_load %arg12[%swap3A_415, %swap3A_416] {strides = array<i32>} : memref<128x128xf32, #tpu.memory_space<vmem>>, vector<16xf32>,
          tpu.vector_store %arg12[%swap3A_415, %swap3A_416], %mul3A_414 {strides = array<i32>} : memref<128x128xf32, #tpu.memory_space<vmem>>, vector<16xf32>,
          %get3A_418 = arith.index_cast %add3A_385 : i32 to index
          %get3A_419 = arith.constant 32 : index
          %get3A_420 = tpu.vector_load %arg10[%get3A_418, %get3A_419] {strides = array<i32>} : memref<128x64xi32, #tpu.memory_space<vmem>>, vector<16xi32>,
          %bitcast3A_421 = vector.bitcast %get3A_420 : vector<16xi32> to vector<32xbf16>
          %unpack3A_422 = tpu.unpack_subelements %bitcast3A_421, 0 {pack_format = #tpu.pack_format<interleaved>} : vector<32xbf16> -> vector<16xf32>
          %unpack3A_423 = tpu.unpack_subelements %bitcast3A_421, 1 {pack_format = #tpu.pack_format<interleaved>} : vector<32xbf16> -> vector<16xf32>
          %mul3A_424 = vector.broadcast %squeeze3A_381 : f32 to vector<16xf32>
          %mul3A_425 = arith.mulf %unpack3A_422, %mul3A_424 : vector<16xf32>
          %swap3A_426 = arith.index_cast %add3A_385 : i32 to index
          %swap3A_427 = arith.constant 64 : index
          %swap3A_428 = tpu.vector_load %arg12[%swap3A_426, %swap3A_427] {strides = array<i32>} : memref<128x128xf32, #tpu.memory_space<vmem>>, vector<16xf32>,
          tpu.vector_store %arg12[%swap3A_426, %swap3A_427], %mul3A_425 {strides = array<i32>} : memref<128x128xf32, #tpu.memory_space<vmem>>, vector<16xf32>,
          %mul3A_429 = vector.broadcast %squeeze3A_381 : f32 to vector<16xf32>
          %mul3A_430 = arith.mulf %unpack3A_423, %mul3A_429 : vector<16xf32>
          %swap3A_431 = arith.index_cast %add3A_385 : i32 to index
          %swap3A_432 = arith.constant 80 : index
          %swap3A_433 = tpu.vector_load %arg12[%swap3A_431, %swap3A_432] {strides = array<i32>} : memref<128x128xf32, #tpu.memory_space<vmem>>, vector<16xf32>,
          tpu.vector_store %arg12[%swap3A_431, %swap3A_432], %mul3A_430 {strides = array<i32>} : memref<128x128xf32, #tpu.memory_space<vmem>>, vector<16xf32>,
          %get3A_434 = arith.index_cast %add3A_385 : i32 to index
          %get3A_435 = arith.constant 48 : index
          %get3A_436 = tpu.vector_load %arg10[%get3A_434, %get3A_435] {strides = array<i32>} : memref<128x64xi32, #tpu.memory_space<vmem>>, vector<16xi32>,
          %bitcast3A_437 = vector.bitcast %get3A_436 : vector<16xi32> to vector<32xbf16>
          %unpack3A_438 = tpu.unpack_subelements %bitcast3A_437, 0 {pack_format = #tpu.pack_format<interleaved>} : vector<32xbf16> -> vector<16xf32>
          %unpack3A_439 = tpu.unpack_subelements %bitcast3A_437, 1 {pack_format = #tpu.pack_format<interleaved>} : vector<32xbf16> -> vector<16xf32>
          %mul3A_440 = vector.broadcast %squeeze3A_381 : f32 to vector<16xf32>
          %mul3A_441 = arith.mulf %unpack3A_438, %mul3A_440 : vector<16xf32>
          %swap3A_442 = arith.index_cast %add3A_385 : i32 to index
          %swap3A_443 = arith.constant 96 : index
          %swap3A_444 = tpu.vector_load %arg12[%swap3A_442, %swap3A_443] {strides = array<i32>} : memref<128x128xf32, #tpu.memory_space<vmem>>, vector<16xf32>,
          tpu.vector_store %arg12[%swap3A_442, %swap3A_443], %mul3A_441 {strides = array<i32>} : memref<128x128xf32, #tpu.memory_space<vmem>>, vector<16xf32>,
          %mul3A_445 = vector.broadcast %squeeze3A_381 : f32 to vector<16xf32>
          %mul3A_446 = arith.mulf %unpack3A_439, %mul3A_445 : vector<16xf32>
          %swap3A_447 = arith.index_cast %add3A_385 : i32 to index
          %swap3A_448 = arith.constant 112 : index
          %swap3A_449 = tpu.vector_load %arg12[%swap3A_447, %swap3A_448] {strides = array<i32>} : memref<128x128xf32, #tpu.memory_space<vmem>>, vector<16xf32>,
          tpu.vector_store %arg12[%swap3A_447, %swap3A_448], %mul3A_446 {strides = array<i32>} : memref<128x128xf32, #tpu.memory_space<vmem>>, vector<16xf32>,
          %slice3A_450 = vector.extract_strided_slice %get3A_174 {offsets = [4], sizes = [1], strides = [1]} : vector<16xf32> to vector<1xf32>
          %squeeze3A_451 = vector.extract %slice3A_450[0] : f32 from vector<1xf32>
          %mul3A_452 = arith.constant 16 : i32
          %mul3A_453 = arith.muli %scan3A_169, %mul3A_452 : i32
          %add3A_454 = arith.constant 4 : i32
          %add3A_455 = arith.addi %mul3A_453, %add3A_454 : i32
          %get3A_456 = arith.index_cast %add3A_455 : i32 to index
          %get3A_457 = arith.constant 0 : index
          %get3A_458 = tpu.vector_load %arg10[%get3A_456, %get3A_457] {strides = array<i32>} : memref<128x64xi32, #tpu.memory_space<vmem>>, vector<16xi32>,
          %bitcast3A_459 = vector.bitcast %get3A_458 : vector<16xi32> to vector<32xbf16>
          %unpack3A_460 = tpu.unpack_subelements %bitcast3A_459, 0 {pack_format = #tpu.pack_format<interleaved>} : vector<32xbf16> -> vector<16xf32>
          %unpack3A_461 = tpu.unpack_subelements %bitcast3A_459, 1 {pack_format = #tpu.pack_format<interleaved>} : vector<32xbf16> -> vector<16xf32>
          %mul3A_462 = vector.broadcast %squeeze3A_451 : f32 to vector<16xf32>
          %mul3A_463 = arith.mulf %unpack3A_460, %mul3A_462 : vector<16xf32>
          %swap3A_464 = arith.index_cast %add3A_455 : i32 to index
          %swap3A_465 = arith.constant 0 : index
          %swap3A_466 = tpu.vector_load %arg12[%swap3A_464, %swap3A_465] {strides = array<i32>} : memref<128x128xf32, #tpu.memory_space<vmem>>, vector<16xf32>,
          tpu.vector_store %arg12[%swap3A_464, %swap3A_465], %mul3A_463 {strides = array<i32>} : memref<128x128xf32, #tpu.memory_space<vmem>>, vector<16xf32>,
          %mul3A_467 = vector.broadcast %squeeze3A_451 : f32 to vector<16xf32>
          %mul3A_468 = arith.mulf %unpack3A_461, %mul3A_467 : vector<16xf32>
          %swap3A_469 = arith.index_cast %add3A_455 : i32 to index
          %swap3A_470 = arith.constant 16 : index
          %swap3A_471 = tpu.vector_load %arg12[%swap3A_469, %swap3A_470] {strides = array<i32>} : memref<128x128xf32, #tpu.memory_space<vmem>>, vector<16xf32>,
          tpu.vector_store %arg12[%swap3A_469, %swap3A_470], %mul3A_468 {strides = array<i32>} : memref<128x128xf32, #tpu.memory_space<vmem>>, vector<16xf32>,
          %get3A_472 = arith.index_cast %add3A_455 : i32 to index
          %get3A_473 = arith.constant 16 : index
          %get3A_474 = tpu.vector_load %arg10[%get3A_472, %get3A_473] {strides = array<i32>} : memref<128x64xi32, #tpu.memory_space<vmem>>, vector<16xi32>,
          %bitcast3A_475 = vector.bitcast %get3A_474 : vector<16xi32> to vector<32xbf16>
          %unpack3A_476 = tpu.unpack_subelements %bitcast3A_475, 0 {pack_format = #tpu.pack_format<interleaved>} : vector<32xbf16> -> vector<16xf32>
          %unpack3A_477 = tpu.unpack_subelements %bitcast3A_475, 1 {pack_format = #tpu.pack_format<interleaved>} : vector<32xbf16> -> vector<16xf32>
          %mul3A_478 = vector.broadcast %squeeze3A_451 : f32 to vector<16xf32>
          %mul3A_479 = arith.mulf %unpack3A_476, %mul3A_478 : vector<16xf32>
          %swap3A_480 = arith.index_cast %add3A_455 : i32 to index
          %swap3A_481 = arith.constant 32 : index
          %swap3A_482 = tpu.vector_load %arg12[%swap3A_480, %swap3A_481] {strides = array<i32>} : memref<128x128xf32, #tpu.memory_space<vmem>>, vector<16xf32>,
          tpu.vector_store %arg12[%swap3A_480, %swap3A_481], %mul3A_479 {strides = array<i32>} : memref<128x128xf32, #tpu.memory_space<vmem>>, vector<16xf32>,
          %mul3A_483 = vector.broadcast %squeeze3A_451 : f32 to vector<16xf32>
          %mul3A_484 = arith.mulf %unpack3A_477, %mul3A_483 : vector<16xf32>
          %swap3A_485 = arith.index_cast %add3A_455 : i32 to index
          %swap3A_486 = arith.constant 48 : index
          %swap3A_487 = tpu.vector_load %arg12[%swap3A_485, %swap3A_486] {strides = array<i32>} : memref<128x128xf32, #tpu.memory_space<vmem>>, vector<16xf32>,
          tpu.vector_store %arg12[%swap3A_485, %swap3A_486], %mul3A_484 {strides = array<i32>} : memref<128x128xf32, #tpu.memory_space<vmem>>, vector<16xf32>,
          %get3A_488 = arith.index_cast %add3A_455 : i32 to index
          %get3A_489 = arith.constant 32 : index
          %get3A_490 = tpu.vector_load %arg10[%get3A_488, %get3A_489] {strides = array<i32>} : memref<128x64xi32, #tpu.memory_space<vmem>>, vector<16xi32>,
          %bitcast3A_491 = vector.bitcast %get3A_490 : vector<16xi32> to vector<32xbf16>
          %unpack3A_492 = tpu.unpack_subelements %bitcast3A_491, 0 {pack_format = #tpu.pack_format<interleaved>} : vector<32xbf16> -> vector<16xf32>
          %unpack3A_493 = tpu.unpack_subelements %bitcast3A_491, 1 {pack_format = #tpu.pack_format<interleaved>} : vector<32xbf16> -> vector<16xf32>
          %mul3A_494 = vector.broadcast %squeeze3A_451 : f32 to vector<16xf32>
          %mul3A_495 = arith.mulf %unpack3A_492, %mul3A_494 : vector<16xf32>
          %swap3A_496 = arith.index_cast %add3A_455 : i32 to index
          %swap3A_497 = arith.constant 64 : index
          %swap3A_498 = tpu.vector_load %arg12[%swap3A_496, %swap3A_497] {strides = array<i32>} : memref<128x128xf32, #tpu.memory_space<vmem>>, vector<16xf32>,
          tpu.vector_store %arg12[%swap3A_496, %swap3A_497], %mul3A_495 {strides = array<i32>} : memref<128x128xf32, #tpu.memory_space<vmem>>, vector<16xf32>,
          %mul3A_499 = vector.broadcast %squeeze3A_451 : f32 to vector<16xf32>
          %mul3A_500 = arith.mulf %unpack3A_493, %mul3A_499 : vector<16xf32>
          %swap3A_501 = arith.index_cast %add3A_455 : i32 to index
          %swap3A_502 = arith.constant 80 : index
          %swap3A_503 = tpu.vector_load %arg12[%swap3A_501, %swap3A_502] {strides = array<i32>} : memref<128x128xf32, #tpu.memory_space<vmem>>, vector<16xf32>,
          tpu.vector_store %arg12[%swap3A_501, %swap3A_502], %mul3A_500 {strides = array<i32>} : memref<128x128xf32, #tpu.memory_space<vmem>>, vector<16xf32>,
          %get3A_504 = arith.index_cast %add3A_455 : i32 to index
          %get3A_505 = arith.constant 48 : index
          %get3A_506 = tpu.vector_load %arg10[%get3A_504, %get3A_505] {strides = array<i32>} : memref<128x64xi32, #tpu.memory_space<vmem>>, vector<16xi32>,
          %bitcast3A_507 = vector.bitcast %get3A_506 : vector<16xi32> to vector<32xbf16>
          %unpack3A_508 = tpu.unpack_subelements %bitcast3A_507, 0 {pack_format = #tpu.pack_format<interleaved>} : vector<32xbf16> -> vector<16xf32>
          %unpack3A_509 = tpu.unpack_subelements %bitcast3A_507, 1 {pack_format = #tpu.pack_format<interleaved>} : vector<32xbf16> -> vector<16xf32>
          %mul3A_510 = vector.broadcast %squeeze3A_451 : f32 to vector<16xf32>
          %mul3A_511 = arith.mulf %unpack3A_508, %mul3A_510 : vector<16xf32>
          %swap3A_512 = arith.index_cast %add3A_455 : i32 to index
          %swap3A_513 = arith.constant 96 : index
          %swap3A_514 = tpu.vector_load %arg12[%swap3A_512, %swap3A_513] {strides = array<i32>} : memref<128x128xf32, #tpu.memory_space<vmem>>, vector<16xf32>,
          tpu.vector_store %arg12[%swap3A_512, %swap3A_513], %mul3A_511 {strides = array<i32>} : memref<128x128xf32, #tpu.memory_space<vmem>>, vector<16xf32>,
          %mul3A_515 = vector.broadcast %squeeze3A_451 : f32 to vector<16xf32>
          %mul3A_516 = arith.mulf %unpack3A_509, %mul3A_515 : vector<16xf32>
          %swap3A_517 = arith.index_cast %add3A_455 : i32 to index
          %swap3A_518 = arith.constant 112 : index
          %swap3A_519 = tpu.vector_load %arg12[%swap3A_517, %swap3A_518] {strides = array<i32>} : memref<128x128xf32, #tpu.memory_space<vmem>>, vector<16xf32>,
          tpu.vector_store %arg12[%swap3A_517, %swap3A_518], %mul3A_516 {strides = array<i32>} : memref<128x128xf32, #tpu.memory_space<vmem>>, vector<16xf32>,
          %slice3A_520 = vector.extract_strided_slice %get3A_174 {offsets = [5], sizes = [1], strides = [1]} : vector<16xf32> to vector<1xf32>
          %squeeze3A_521 = vector.extract %slice3A_520[0] : f32 from vector<1xf32>
          %mul3A_522 = arith.constant 16 : i32
          %mul3A_523 = arith.muli %scan3A_169, %mul3A_522 : i32
          %add3A_524 = arith.constant 5 : i32
          %add3A_525 = arith.addi %mul3A_523, %add3A_524 : i32
          %get3A_526 = arith.index_cast %add3A_525 : i32 to index
          %get3A_527 = arith.constant 0 : index
          %get3A_528 = tpu.vector_load %arg10[%get3A_526, %get3A_527] {strides = array<i32>} : memref<128x64xi32, #tpu.memory_space<vmem>>, vector<16xi32>,
          %bitcast3A_529 = vector.bitcast %get3A_528 : vector<16xi32> to vector<32xbf16>
          %unpack3A_530 = tpu.unpack_subelements %bitcast3A_529, 0 {pack_format = #tpu.pack_format<interleaved>} : vector<32xbf16> -> vector<16xf32>
          %unpack3A_531 = tpu.unpack_subelements %bitcast3A_529, 1 {pack_format = #tpu.pack_format<interleaved>} : vector<32xbf16> -> vector<16xf32>
          %mul3A_532 = vector.broadcast %squeeze3A_521 : f32 to vector<16xf32>
          %mul3A_533 = arith.mulf %unpack3A_530, %mul3A_532 : vector<16xf32>
          %swap3A_534 = arith.index_cast %add3A_525 : i32 to index
          %swap3A_535 = arith.constant 0 : index
          %swap3A_536 = tpu.vector_load %arg12[%swap3A_534, %swap3A_535] {strides = array<i32>} : memref<128x128xf32, #tpu.memory_space<vmem>>, vector<16xf32>,
          tpu.vector_store %arg12[%swap3A_534, %swap3A_535], %mul3A_533 {strides = array<i32>} : memref<128x128xf32, #tpu.memory_space<vmem>>, vector<16xf32>,
          %mul3A_537 = vector.broadcast %squeeze3A_521 : f32 to vector<16xf32>
          %mul3A_538 = arith.mulf %unpack3A_531, %mul3A_537 : vector<16xf32>
          %swap3A_539 = arith.index_cast %add3A_525 : i32 to index
          %swap3A_540 = arith.constant 16 : index
          %swap3A_541 = tpu.vector_load %arg12[%swap3A_539, %swap3A_540] {strides = array<i32>} : memref<128x128xf32, #tpu.memory_space<vmem>>, vector<16xf32>,
          tpu.vector_store %arg12[%swap3A_539, %swap3A_540], %mul3A_538 {strides = array<i32>} : memref<128x128xf32, #tpu.memory_space<vmem>>, vector<16xf32>,
          %get3A_542 = arith.index_cast %add3A_525 : i32 to index
          %get3A_543 = arith.constant 16 : index
          %get3A_544 = tpu.vector_load %arg10[%get3A_542, %get3A_543] {strides = array<i32>} : memref<128x64xi32, #tpu.memory_space<vmem>>, vector<16xi32>,
          %bitcast3A_545 = vector.bitcast %get3A_544 : vector<16xi32> to vector<32xbf16>
          %unpack3A_546 = tpu.unpack_subelements %bitcast3A_545, 0 {pack_format = #tpu.pack_format<interleaved>} : vector<32xbf16> -> vector<16xf32>
          %unpack3A_547 = tpu.unpack_subelements %bitcast3A_545, 1 {pack_format = #tpu.pack_format<interleaved>} : vector<32xbf16> -> vector<16xf32>
          %mul3A_548 = vector.broadcast %squeeze3A_521 : f32 to vector<16xf32>
          %mul3A_549 = arith.mulf %unpack3A_546, %mul3A_548 : vector<16xf32>
          %swap3A_550 = arith.index_cast %add3A_525 : i32 to index
          %swap3A_551 = arith.constant 32 : index
          %swap3A_552 = tpu.vector_load %arg12[%swap3A_550, %swap3A_551] {strides = array<i32>} : memref<128x128xf32, #tpu.memory_space<vmem>>, vector<16xf32>,
          tpu.vector_store %arg12[%swap3A_550, %swap3A_551], %mul3A_549 {strides = array<i32>} : memref<128x128xf32, #tpu.memory_space<vmem>>, vector<16xf32>,
          %mul3A_553 = vector.broadcast %squeeze3A_521 : f32 to vector<16xf32>
          %mul3A_554 = arith.mulf %unpack3A_547, %mul3A_553 : vector<16xf32>
          %swap3A_555 = arith.index_cast %add3A_525 : i32 to index
          %swap3A_556 = arith.constant 48 : index
          %swap3A_557 = tpu.vector_load %arg12[%swap3A_555, %swap3A_556] {strides = array<i32>} : memref<128x128xf32, #tpu.memory_space<vmem>>, vector<16xf32>,
          tpu.vector_store %arg12[%swap3A_555, %swap3A_556], %mul3A_554 {strides = array<i32>} : memref<128x128xf32, #tpu.memory_space<vmem>>, vector<16xf32>,
          %get3A_558 = arith.index_cast %add3A_525 : i32 to index
          %get3A_559 = arith.constant 32 : index
          %get3A_560 = tpu.vector_load %arg10[%get3A_558, %get3A_559] {strides = array<i32>} : memref<128x64xi32, #tpu.memory_space<vmem>>, vector<16xi32>,
          %bitcast3A_561 = vector.bitcast %get3A_560 : vector<16xi32> to vector<32xbf16>
          %unpack3A_562 = tpu.unpack_subelements %bitcast3A_561, 0 {pack_format = #tpu.pack_format<interleaved>} : vector<32xbf16> -> vector<16xf32>
          %unpack3A_563 = tpu.unpack_subelements %bitcast3A_561, 1 {pack_format = #tpu.pack_format<interleaved>} : vector<32xbf16> -> vector<16xf32>
          %mul3A_564 = vector.broadcast %squeeze3A_521 : f32 to vector<16xf32>
          %mul3A_565 = arith.mulf %unpack3A_562, %mul3A_564 : vector<16xf32>
          %swap3A_566 = arith.index_cast %add3A_525 : i32 to index
          %swap3A_567 = arith.constant 64 : index
          %swap3A_568 = tpu.vector_load %arg12[%swap3A_566, %swap3A_567] {strides = array<i32>} : memref<128x128xf32, #tpu.memory_space<vmem>>, vector<16xf32>,
          tpu.vector_store %arg12[%swap3A_566, %swap3A_567], %mul3A_565 {strides = array<i32>} : memref<128x128xf32, #tpu.memory_space<vmem>>, vector<16xf32>,
          %mul3A_569 = vector.broadcast %squeeze3A_521 : f32 to vector<16xf32>
          %mul3A_570 = arith.mulf %unpack3A_563, %mul3A_569 : vector<16xf32>
          %swap3A_571 = arith.index_cast %add3A_525 : i32 to index
          %swap3A_572 = arith.constant 80 : index
          %swap3A_573 = tpu.vector_load %arg12[%swap3A_571, %swap3A_572] {strides = array<i32>} : memref<128x128xf32, #tpu.memory_space<vmem>>, vector<16xf32>,
          tpu.vector_store %arg12[%swap3A_571, %swap3A_572], %mul3A_570 {strides = array<i32>} : memref<128x128xf32, #tpu.memory_space<vmem>>, vector<16xf32>,
          %get3A_574 = arith.index_cast %add3A_525 : i32 to index
          %get3A_575 = arith.constant 48 : index
          %get3A_576 = tpu.vector_load %arg10[%get3A_574, %get3A_575] {strides = array<i32>} : memref<128x64xi32, #tpu.memory_space<vmem>>, vector<16xi32>,
          %bitcast3A_577 = vector.bitcast %get3A_576 : vector<16xi32> to vector<32xbf16>
          %unpack3A_578 = tpu.unpack_subelements %bitcast3A_577, 0 {pack_format = #tpu.pack_format<interleaved>} : vector<32xbf16> -> vector<16xf32>
          %unpack3A_579 = tpu.unpack_subelements %bitcast3A_577, 1 {pack_format = #tpu.pack_format<interleaved>} : vector<32xbf16> -> vector<16xf32>
          %mul3A_580 = vector.broadcast %squeeze3A_521 : f32 to vector<16xf32>
          %mul3A_581 = arith.mulf %unpack3A_578, %mul3A_580 : vector<16xf32>
          %swap3A_582 = arith.index_cast %add3A_525 : i32 to index
          %swap3A_583 = arith.constant 96 : index
          %swap3A_584 = tpu.vector_load %arg12[%swap3A_582, %swap3A_583] {strides = array<i32>} : memref<128x128xf32, #tpu.memory_space<vmem>>, vector<16xf32>,
          tpu.vector_store %arg12[%swap3A_582, %swap3A_583], %mul3A_581 {strides = array<i32>} : memref<128x128xf32, #tpu.memory_space<vmem>>, vector<16xf32>,
          %mul3A_585 = vector.broadcast %squeeze3A_521 : f32 to vector<16xf32>
          %mul3A_586 = arith.mulf %unpack3A_579, %mul3A_585 : vector<16xf32>
          %swap3A_587 = arith.index_cast %add3A_525 : i32 to index
          %swap3A_588 = arith.constant 112 : index
          %swap3A_589 = tpu.vector_load %arg12[%swap3A_587, %swap3A_588] {strides = array<i32>} : memref<128x128xf32, #tpu.memory_space<vmem>>, vector<16xf32>,
          tpu.vector_store %arg12[%swap3A_587, %swap3A_588], %mul3A_586 {strides = array<i32>} : memref<128x128xf32, #tpu.memory_space<vmem>>, vector<16xf32>,
          %slice3A_590 = vector.extract_strided_slice %get3A_174 {offsets = [6], sizes = [1], strides = [1]} : vector<16xf32> to vector<1xf32>
          %squeeze3A_591 = vector.extract %slice3A_590[0] : f32 from vector<1xf32>
          %mul3A_592 = arith.constant 16 : i32
          %mul3A_593 = arith.muli %scan3A_169, %mul3A_592 : i32
          %add3A_594 = arith.constant 6 : i32
          %add3A_595 = arith.addi %mul3A_593, %add3A_594 : i32
          %get3A_596 = arith.index_cast %add3A_595 : i32 to index
          %get3A_597 = arith.constant 0 : index
          %get3A_598 = tpu.vector_load %arg10[%get3A_596, %get3A_597] {strides = array<i32>} : memref<128x64xi32, #tpu.memory_space<vmem>>, vector<16xi32>,
          %bitcast3A_599 = vector.bitcast %get3A_598 : vector<16xi32> to vector<32xbf16>
          %unpack3A_600 = tpu.unpack_subelements %bitcast3A_599, 0 {pack_format = #tpu.pack_format<interleaved>} : vector<32xbf16> -> vector<16xf32>
          %unpack3A_601 = tpu.unpack_subelements %bitcast3A_599, 1 {pack_format = #tpu.pack_format<interleaved>} : vector<32xbf16> -> vector<16xf32>
          %mul3A_602 = vector.broadcast %squeeze3A_591 : f32 to vector<16xf32>
          %mul3A_603 = arith.mulf %unpack3A_600, %mul3A_602 : vector<16xf32>
          %swap3A_604 = arith.index_cast %add3A_595 : i32 to index
          %swap3A_605 = arith.constant 0 : index
          %swap3A_606 = tpu.vector_load %arg12[%swap3A_604, %swap3A_605] {strides = array<i32>} : memref<128x128xf32, #tpu.memory_space<vmem>>, vector<16xf32>,
          tpu.vector_store %arg12[%swap3A_604, %swap3A_605], %mul3A_603 {strides = array<i32>} : memref<128x128xf32, #tpu.memory_space<vmem>>, vector<16xf32>,
          %mul3A_607 = vector.broadcast %squeeze3A_591 : f32 to vector<16xf32>
          %mul3A_608 = arith.mulf %unpack3A_601, %mul3A_607 : vector<16xf32>
          %swap3A_609 = arith.index_cast %add3A_595 : i32 to index
          %swap3A_610 = arith.constant 16 : index
          %swap3A_611 = tpu.vector_load %arg12[%swap3A_609, %swap3A_610] {strides = array<i32>} : memref<128x128xf32, #tpu.memory_space<vmem>>, vector<16xf32>,
          tpu.vector_store %arg12[%swap3A_609, %swap3A_610], %mul3A_608 {strides = array<i32>} : memref<128x128xf32, #tpu.memory_space<vmem>>, vector<16xf32>,
          %get3A_612 = arith.index_cast %add3A_595 : i32 to index
          %get3A_613 = arith.constant 16 : index
          %get3A_614 = tpu.vector_load %arg10[%get3A_612, %get3A_613] {strides = array<i32>} : memref<128x64xi32, #tpu.memory_space<vmem>>, vector<16xi32>,
          %bitcast3A_615 = vector.bitcast %get3A_614 : vector<16xi32> to vector<32xbf16>
          %unpack3A_616 = tpu.unpack_subelements %bitcast3A_615, 0 {pack_format = #tpu.pack_format<interleaved>} : vector<32xbf16> -> vector<16xf32>
          %unpack3A_617 = tpu.unpack_subelements %bitcast3A_615, 1 {pack_format = #tpu.pack_format<interleaved>} : vector<32xbf16> -> vector<16xf32>
          %mul3A_618 = vector.broadcast %squeeze3A_591 : f32 to vector<16xf32>
          %mul3A_619 = arith.mulf %unpack3A_616, %mul3A_618 : vector<16xf32>
          %swap3A_620 = arith.index_cast %add3A_595 : i32 to index
          %swap3A_621 = arith.constant 32 : index
          %swap3A_622 = tpu.vector_load %arg12[%swap3A_620, %swap3A_621] {strides = array<i32>} : memref<128x128xf32, #tpu.memory_space<vmem>>, vector<16xf32>,
          tpu.vector_store %arg12[%swap3A_620, %swap3A_621], %mul3A_619 {strides = array<i32>} : memref<128x128xf32, #tpu.memory_space<vmem>>, vector<16xf32>,
          %mul3A_623 = vector.broadcast %squeeze3A_591 : f32 to vector<16xf32>
          %mul3A_624 = arith.mulf %unpack3A_617, %mul3A_623 : vector<16xf32>
          %swap3A_625 = arith.index_cast %add3A_595 : i32 to index
          %swap3A_626 = arith.constant 48 : index
          %swap3A_627 = tpu.vector_load %arg12[%swap3A_625, %swap3A_626] {strides = array<i32>} : memref<128x128xf32, #tpu.memory_space<vmem>>, vector<16xf32>,
          tpu.vector_store %arg12[%swap3A_625, %swap3A_626], %mul3A_624 {strides = array<i32>} : memref<128x128xf32, #tpu.memory_space<vmem>>, vector<16xf32>,
          %get3A_628 = arith.index_cast %add3A_595 : i32 to index
          %get3A_629 = arith.constant 32 : index
          %get3A_630 = tpu.vector_load %arg10[%get3A_628, %get3A_629] {strides = array<i32>} : memref<128x64xi32, #tpu.memory_space<vmem>>, vector<16xi32>,
          %bitcast3A_631 = vector.bitcast %get3A_630 : vector<16xi32> to vector<32xbf16>
          %unpack3A_632 = tpu.unpack_subelements %bitcast3A_631, 0 {pack_format = #tpu.pack_format<interleaved>} : vector<32xbf16> -> vector<16xf32>
          %unpack3A_633 = tpu.unpack_subelements %bitcast3A_631, 1 {pack_format = #tpu.pack_format<interleaved>} : vector<32xbf16> -> vector<16xf32>
          %mul3A_634 = vector.broadcast %squeeze3A_591 : f32 to vector<16xf32>
          %mul3A_635 = arith.mulf %unpack3A_632, %mul3A_634 : vector<16xf32>
          %swap3A_636 = arith.index_cast %add3A_595 : i32 to index
          %swap3A_637 = arith.constant 64 : index
          %swap3A_638 = tpu.vector_load %arg12[%swap3A_636, %swap3A_637] {strides = array<i32>} : memref<128x128xf32, #tpu.memory_space<vmem>>, vector<16xf32>,
          tpu.vector_store %arg12[%swap3A_636, %swap3A_637], %mul3A_635 {strides = array<i32>} : memref<128x128xf32, #tpu.memory_space<vmem>>, vector<16xf32>,
          %mul3A_639 = vector.broadcast %squeeze3A_591 : f32 to vector<16xf32>
          %mul3A_640 = arith.mulf %unpack3A_633, %mul3A_639 : vector<16xf32>
          %swap3A_641 = arith.index_cast %add3A_595 : i32 to index
          %swap3A_642 = arith.constant 80 : index
          %swap3A_643 = tpu.vector_load %arg12[%swap3A_641, %swap3A_642] {strides = array<i32>} : memref<128x128xf32, #tpu.memory_space<vmem>>, vector<16xf32>,
          tpu.vector_store %arg12[%swap3A_641, %swap3A_642], %mul3A_640 {strides = array<i32>} : memref<128x128xf32, #tpu.memory_space<vmem>>, vector<16xf32>,
          %get3A_644 = arith.index_cast %add3A_595 : i32 to index
          %get3A_645 = arith.constant 48 : index
          %get3A_646 = tpu.vector_load %arg10[%get3A_644, %get3A_645] {strides = array<i32>} : memref<128x64xi32, #tpu.memory_space<vmem>>, vector<16xi32>,
          %bitcast3A_647 = vector.bitcast %get3A_646 : vector<16xi32> to vector<32xbf16>
          %unpack3A_648 = tpu.unpack_subelements %bitcast3A_647, 0 {pack_format = #tpu.pack_format<interleaved>} : vector<32xbf16> -> vector<16xf32>
          %unpack3A_649 = tpu.unpack_subelements %bitcast3A_647, 1 {pack_format = #tpu.pack_format<interleaved>} : vector<32xbf16> -> vector<16xf32>
          %mul3A_650 = vector.broadcast %squeeze3A_591 : f32 to vector<16xf32>
          %mul3A_651 = arith.mulf %unpack3A_648, %mul3A_650 : vector<16xf32>
          %swap3A_652 = arith.index_cast %add3A_595 : i32 to index
          %swap3A_653 = arith.constant 96 : index
          %swap3A_654 = tpu.vector_load %arg12[%swap3A_652, %swap3A_653] {strides = array<i32>} : memref<128x128xf32, #tpu.memory_space<vmem>>, vector<16xf32>,
          tpu.vector_store %arg12[%swap3A_652, %swap3A_653], %mul3A_651 {strides = array<i32>} : memref<128x128xf32, #tpu.memory_space<vmem>>, vector<16xf32>,
          %mul3A_655 = vector.broadcast %squeeze3A_591 : f32 to vector<16xf32>
          %mul3A_656 = arith.mulf %unpack3A_649, %mul3A_655 : vector<16xf32>
          %swap3A_657 = arith.index_cast %add3A_595 : i32 to index
          %swap3A_658 = arith.constant 112 : index
          %swap3A_659 = tpu.vector_load %arg12[%swap3A_657, %swap3A_658] {strides = array<i32>} : memref<128x128xf32, #tpu.memory_space<vmem>>, vector<16xf32>,
          tpu.vector_store %arg12[%swap3A_657, %swap3A_658], %mul3A_656 {strides = array<i32>} : memref<128x128xf32, #tpu.memory_space<vmem>>, vector<16xf32>,
          %slice3A_660 = vector.extract_strided_slice %get3A_174 {offsets = [7], sizes = [1], strides = [1]} : vector<16xf32> to vector<1xf32>
          %squeeze3A_661 = vector.extract %slice3A_660[0] : f32 from vector<1xf32>
          %mul3A_662 = arith.constant 16 : i32
          %mul3A_663 = arith.muli %scan3A_169, %mul3A_662 : i32
          %add3A_664 = arith.constant 7 : i32
          %add3A_665 = arith.addi %mul3A_663, %add3A_664 : i32
          %get3A_666 = arith.index_cast %add3A_665 : i32 to index
          %get3A_667 = arith.constant 0 : index
          %get3A_668 = tpu.vector_load %arg10[%get3A_666, %get3A_667] {strides = array<i32>} : memref<128x64xi32, #tpu.memory_space<vmem>>, vector<16xi32>,
          %bitcast3A_669 = vector.bitcast %get3A_668 : vector<16xi32> to vector<32xbf16>
          %unpack3A_670 = tpu.unpack_subelements %bitcast3A_669, 0 {pack_format = #tpu.pack_format<interleaved>} : vector<32xbf16> -> vector<16xf32>
          %unpack3A_671 = tpu.unpack_subelements %bitcast3A_669, 1 {pack_format = #tpu.pack_format<interleaved>} : vector<32xbf16> -> vector<16xf32>
          %mul3A_672 = vector.broadcast %squeeze3A_661 : f32 to vector<16xf32>
          %mul3A_673 = arith.mulf %unpack3A_670, %mul3A_672 : vector<16xf32>
          %swap3A_674 = arith.index_cast %add3A_665 : i32 to index
          %swap3A_675 = arith.constant 0 : index
          %swap3A_676 = tpu.vector_load %arg12[%swap3A_674, %swap3A_675] {strides = array<i32>} : memref<128x128xf32, #tpu.memory_space<vmem>>, vector<16xf32>,
          tpu.vector_store %arg12[%swap3A_674, %swap3A_675], %mul3A_673 {strides = array<i32>} : memref<128x128xf32, #tpu.memory_space<vmem>>, vector<16xf32>,
          %mul3A_677 = vector.broadcast %squeeze3A_661 : f32 to vector<16xf32>
          %mul3A_678 = arith.mulf %unpack3A_671, %mul3A_677 : vector<16xf32>
          %swap3A_679 = arith.index_cast %add3A_665 : i32 to index
          %swap3A_680 = arith.constant 16 : index
          %swap3A_681 = tpu.vector_load %arg12[%swap3A_679, %swap3A_680] {strides = array<i32>} : memref<128x128xf32, #tpu.memory_space<vmem>>, vector<16xf32>,
          tpu.vector_store %arg12[%swap3A_679, %swap3A_680], %mul3A_678 {strides = array<i32>} : memref<128x128xf32, #tpu.memory_space<vmem>>, vector<16xf32>,
          %get3A_682 = arith.index_cast %add3A_665 : i32 to index
          %get3A_683 = arith.constant 16 : index
          %get3A_684 = tpu.vector_load %arg10[%get3A_682, %get3A_683] {strides = array<i32>} : memref<128x64xi32, #tpu.memory_space<vmem>>, vector<16xi32>,
          %bitcast3A_685 = vector.bitcast %get3A_684 : vector<16xi32> to vector<32xbf16>
          %unpack3A_686 = tpu.unpack_subelements %bitcast3A_685, 0 {pack_format = #tpu.pack_format<interleaved>} : vector<32xbf16> -> vector<16xf32>
          %unpack3A_687 = tpu.unpack_subelements %bitcast3A_685, 1 {pack_format = #tpu.pack_format<interleaved>} : vector<32xbf16> -> vector<16xf32>
          %mul3A_688 = vector.broadcast %squeeze3A_661 : f32 to vector<16xf32>
          %mul3A_689 = arith.mulf %unpack3A_686, %mul3A_688 : vector<16xf32>
          %swap3A_690 = arith.index_cast %add3A_665 : i32 to index
          %swap3A_691 = arith.constant 32 : index
          %swap3A_692 = tpu.vector_load %arg12[%swap3A_690, %swap3A_691] {strides = array<i32>} : memref<128x128xf32, #tpu.memory_space<vmem>>, vector<16xf32>,
          tpu.vector_store %arg12[%swap3A_690, %swap3A_691], %mul3A_689 {strides = array<i32>} : memref<128x128xf32, #tpu.memory_space<vmem>>, vector<16xf32>,
          %mul3A_693 = vector.broadcast %squeeze3A_661 : f32 to vector<16xf32>
          %mul3A_694 = arith.mulf %unpack3A_687, %mul3A_693 : vector<16xf32>
          %swap3A_695 = arith.index_cast %add3A_665 : i32 to index
          %swap3A_696 = arith.constant 48 : index
          %swap3A_697 = tpu.vector_load %arg12[%swap3A_695, %swap3A_696] {strides = array<i32>} : memref<128x128xf32, #tpu.memory_space<vmem>>, vector<16xf32>,
          tpu.vector_store %arg12[%swap3A_695, %swap3A_696], %mul3A_694 {strides = array<i32>} : memref<128x128xf32, #tpu.memory_space<vmem>>, vector<16xf32>,
          %get3A_698 = arith.index_cast %add3A_665 : i32 to index
          %get3A_699 = arith.constant 32 : index
          %get3A_700 = tpu.vector_load %arg10[%get3A_698, %get3A_699] {strides = array<i32>} : memref<128x64xi32, #tpu.memory_space<vmem>>, vector<16xi32>,
          %bitcast3A_701 = vector.bitcast %get3A_700 : vector<16xi32> to vector<32xbf16>
          %unpack3A_702 = tpu.unpack_subelements %bitcast3A_701, 0 {pack_format = #tpu.pack_format<interleaved>} : vector<32xbf16> -> vector<16xf32>
          %unpack3A_703 = tpu.unpack_subelements %bitcast3A_701, 1 {pack_format = #tpu.pack_format<interleaved>} : vector<32xbf16> -> vector<16xf32>
          %mul3A_704 = vector.broadcast %squeeze3A_661 : f32 to vector<16xf32>
          %mul3A_705 = arith.mulf %unpack3A_702, %mul3A_704 : vector<16xf32>
          %swap3A_706 = arith.index_cast %add3A_665 : i32 to index
          %swap3A_707 = arith.constant 64 : index
          %swap3A_708 = tpu.vector_load %arg12[%swap3A_706, %swap3A_707] {strides = array<i32>} : memref<128x128xf32, #tpu.memory_space<vmem>>, vector<16xf32>,
          tpu.vector_store %arg12[%swap3A_706, %swap3A_707], %mul3A_705 {strides = array<i32>} : memref<128x128xf32, #tpu.memory_space<vmem>>, vector<16xf32>,
          %mul3A_709 = vector.broadcast %squeeze3A_661 : f32 to vector<16xf32>
          %mul3A_710 = arith.mulf %unpack3A_703, %mul3A_709 : vector<16xf32>
          %swap3A_711 = arith.index_cast %add3A_665 : i32 to index
          %swap3A_712 = arith.constant 80 : index
          %swap3A_713 = tpu.vector_load %arg12[%swap3A_711, %swap3A_712] {strides = array<i32>} : memref<128x128xf32, #tpu.memory_space<vmem>>, vector<16xf32>,
          tpu.vector_store %arg12[%swap3A_711, %swap3A_712], %mul3A_710 {strides = array<i32>} : memref<128x128xf32, #tpu.memory_space<vmem>>, vector<16xf32>,
          %get3A_714 = arith.index_cast %add3A_665 : i32 to index
          %get3A_715 = arith.constant 48 : index
          %get3A_716 = tpu.vector_load %arg10[%get3A_714, %get3A_715] {strides = array<i32>} : memref<128x64xi32, #tpu.memory_space<vmem>>, vector<16xi32>,
          %bitcast3A_717 = vector.bitcast %get3A_716 : vector<16xi32> to vector<32xbf16>
          %unpack3A_718 = tpu.unpack_subelements %bitcast3A_717, 0 {pack_format = #tpu.pack_format<interleaved>} : vector<32xbf16> -> vector<16xf32>
          %unpack3A_719 = tpu.unpack_subelements %bitcast3A_717, 1 {pack_format = #tpu.pack_format<interleaved>} : vector<32xbf16> -> vector<16xf32>
          %mul3A_720 = vector.broadcast %squeeze3A_661 : f32 to vector<16xf32>
          %mul3A_721 = arith.mulf %unpack3A_718, %mul3A_720 : vector<16xf32>
          %swap3A_722 = arith.index_cast %add3A_665 : i32 to index
          %swap3A_723 = arith.constant 96 : index
          %swap3A_724 = tpu.vector_load %arg12[%swap3A_722, %swap3A_723] {strides = array<i32>} : memref<128x128xf32, #tpu.memory_space<vmem>>, vector<16xf32>,
          tpu.vector_store %arg12[%swap3A_722, %swap3A_723], %mul3A_721 {strides = array<i32>} : memref<128x128xf32, #tpu.memory_space<vmem>>, vector<16xf32>,
          %mul3A_725 = vector.broadcast %squeeze3A_661 : f32 to vector<16xf32>
          %mul3A_726 = arith.mulf %unpack3A_719, %mul3A_725 : vector<16xf32>
          %swap3A_727 = arith.index_cast %add3A_665 : i32 to index
          %swap3A_728 = arith.constant 112 : index
          %swap3A_729 = tpu.vector_load %arg12[%swap3A_727, %swap3A_728] {strides = array<i32>} : memref<128x128xf32, #tpu.memory_space<vmem>>, vector<16xf32>,
          tpu.vector_store %arg12[%swap3A_727, %swap3A_728], %mul3A_726 {strides = array<i32>} : memref<128x128xf32, #tpu.memory_space<vmem>>, vector<16xf32>,
          %slice3A_730 = vector.extract_strided_slice %get3A_174 {offsets = [8], sizes = [1], strides = [1]} : vector<16xf32> to vector<1xf32>
          %squeeze3A_731 = vector.extract %slice3A_730[0] : f32 from vector<1xf32>
          %mul3A_732 = arith.constant 16 : i32
          %mul3A_733 = arith.muli %scan3A_169, %mul3A_732 : i32
          %add3A_734 = arith.constant 8 : i32
          %add3A_735 = arith.addi %mul3A_733, %add3A_734 : i32
          %get3A_736 = arith.index_cast %add3A_735 : i32 to index
          %get3A_737 = arith.constant 0 : index
          %get3A_738 = tpu.vector_load %arg10[%get3A_736, %get3A_737] {strides = array<i32>} : memref<128x64xi32, #tpu.memory_space<vmem>>, vector<16xi32>,
          %bitcast3A_739 = vector.bitcast %get3A_738 : vector<16xi32> to vector<32xbf16>
          %unpack3A_740 = tpu.unpack_subelements %bitcast3A_739, 0 {pack_format = #tpu.pack_format<interleaved>} : vector<32xbf16> -> vector<16xf32>
          %unpack3A_741 = tpu.unpack_subelements %bitcast3A_739, 1 {pack_format = #tpu.pack_format<interleaved>} : vector<32xbf16> -> vector<16xf32>
          %mul3A_742 = vector.broadcast %squeeze3A_731 : f32 to vector<16xf32>
          %mul3A_743 = arith.mulf %unpack3A_740, %mul3A_742 : vector<16xf32>
          %swap3A_744 = arith.index_cast %add3A_735 : i32 to index
          %swap3A_745 = arith.constant 0 : index
          %swap3A_746 = tpu.vector_load %arg12[%swap3A_744, %swap3A_745] {strides = array<i32>} : memref<128x128xf32, #tpu.memory_space<vmem>>, vector<16xf32>,
          tpu.vector_store %arg12[%swap3A_744, %swap3A_745], %mul3A_743 {strides = array<i32>} : memref<128x128xf32, #tpu.memory_space<vmem>>, vector<16xf32>,
          %mul3A_747 = vector.broadcast %squeeze3A_731 : f32 to vector<16xf32>
          %mul3A_748 = arith.mulf %unpack3A_741, %mul3A_747 : vector<16xf32>
          %swap3A_749 = arith.index_cast %add3A_735 : i32 to index
          %swap3A_750 = arith.constant 16 : index
          %swap3A_751 = tpu.vector_load %arg12[%swap3A_749, %swap3A_750] {strides = array<i32>} : memref<128x128xf32, #tpu.memory_space<vmem>>, vector<16xf32>,
          tpu.vector_store %arg12[%swap3A_749, %swap3A_750], %mul3A_748 {strides = array<i32>} : memref<128x128xf32, #tpu.memory_space<vmem>>, vector<16xf32>,
          %get3A_752 = arith.index_cast %add3A_735 : i32 to index
          %get3A_753 = arith.constant 16 : index
          %get3A_754 = tpu.vector_load %arg10[%get3A_752, %get3A_753] {strides = array<i32>} : memref<128x64xi32, #tpu.memory_space<vmem>>, vector<16xi32>,
          %bitcast3A_755 = vector.bitcast %get3A_754 : vector<16xi32> to vector<32xbf16>
          %unpack3A_756 = tpu.unpack_subelements %bitcast3A_755, 0 {pack_format = #tpu.pack_format<interleaved>} : vector<32xbf16> -> vector<16xf32>
          %unpack3A_757 = tpu.unpack_subelements %bitcast3A_755, 1 {pack_format = #tpu.pack_format<interleaved>} : vector<32xbf16> -> vector<16xf32>
          %mul3A_758 = vector.broadcast %squeeze3A_731 : f32 to vector<16xf32>
          %mul3A_759 = arith.mulf %unpack3A_756, %mul3A_758 : vector<16xf32>
          %swap3A_760 = arith.index_cast %add3A_735 : i32 to index
          %swap3A_761 = arith.constant 32 : index
          %swap3A_762 = tpu.vector_load %arg12[%swap3A_760, %swap3A_761] {strides = array<i32>} : memref<128x128xf32, #tpu.memory_space<vmem>>, vector<16xf32>,
          tpu.vector_store %arg12[%swap3A_760, %swap3A_761], %mul3A_759 {strides = array<i32>} : memref<128x128xf32, #tpu.memory_space<vmem>>, vector<16xf32>,
          %mul3A_763 = vector.broadcast %squeeze3A_731 : f32 to vector<16xf32>
          %mul3A_764 = arith.mulf %unpack3A_757, %mul3A_763 : vector<16xf32>
          %swap3A_765 = arith.index_cast %add3A_735 : i32 to index
          %swap3A_766 = arith.constant 48 : index
          %swap3A_767 = tpu.vector_load %arg12[%swap3A_765, %swap3A_766] {strides = array<i32>} : memref<128x128xf32, #tpu.memory_space<vmem>>, vector<16xf32>,
          tpu.vector_store %arg12[%swap3A_765, %swap3A_766], %mul3A_764 {strides = array<i32>} : memref<128x128xf32, #tpu.memory_space<vmem>>, vector<16xf32>,
          %get3A_768 = arith.index_cast %add3A_735 : i32 to index
          %get3A_769 = arith.constant 32 : index
          %get3A_770 = tpu.vector_load %arg10[%get3A_768, %get3A_769] {strides = array<i32>} : memref<128x64xi32, #tpu.memory_space<vmem>>, vector<16xi32>,
          %bitcast3A_771 = vector.bitcast %get3A_770 : vector<16xi32> to vector<32xbf16>
          %unpack3A_772 = tpu.unpack_subelements %bitcast3A_771, 0 {pack_format = #tpu.pack_format<interleaved>} : vector<32xbf16> -> vector<16xf32>
          %unpack3A_773 = tpu.unpack_subelements %bitcast3A_771, 1 {pack_format = #tpu.pack_format<interleaved>} : vector<32xbf16> -> vector<16xf32>
          %mul3A_774 = vector.broadcast %squeeze3A_731 : f32 to vector<16xf32>
          %mul3A_775 = arith.mulf %unpack3A_772, %mul3A_774 : vector<16xf32>
          %swap3A_776 = arith.index_cast %add3A_735 : i32 to index
          %swap3A_777 = arith.constant 64 : index
          %swap3A_778 = tpu.vector_load %arg12[%swap3A_776, %swap3A_777] {strides = array<i32>} : memref<128x128xf32, #tpu.memory_space<vmem>>, vector<16xf32>,
          tpu.vector_store %arg12[%swap3A_776, %swap3A_777], %mul3A_775 {strides = array<i32>} : memref<128x128xf32, #tpu.memory_space<vmem>>, vector<16xf32>,
          %mul3A_779 = vector.broadcast %squeeze3A_731 : f32 to vector<16xf32>
          %mul3A_780 = arith.mulf %unpack3A_773, %mul3A_779 : vector<16xf32>
          %swap3A_781 = arith.index_cast %add3A_735 : i32 to index
          %swap3A_782 = arith.constant 80 : index
          %swap3A_783 = tpu.vector_load %arg12[%swap3A_781, %swap3A_782] {strides = array<i32>} : memref<128x128xf32, #tpu.memory_space<vmem>>, vector<16xf32>,
          tpu.vector_store %arg12[%swap3A_781, %swap3A_782], %mul3A_780 {strides = array<i32>} : memref<128x128xf32, #tpu.memory_space<vmem>>, vector<16xf32>,
          %get3A_784 = arith.index_cast %add3A_735 : i32 to index
          %get3A_785 = arith.constant 48 : index
          %get3A_786 = tpu.vector_load %arg10[%get3A_784, %get3A_785] {strides = array<i32>} : memref<128x64xi32, #tpu.memory_space<vmem>>, vector<16xi32>,
          %bitcast3A_787 = vector.bitcast %get3A_786 : vector<16xi32> to vector<32xbf16>
          %unpack3A_788 = tpu.unpack_subelements %bitcast3A_787, 0 {pack_format = #tpu.pack_format<interleaved>} : vector<32xbf16> -> vector<16xf32>
          %unpack3A_789 = tpu.unpack_subelements %bitcast3A_787, 1 {pack_format = #tpu.pack_format<interleaved>} : vector<32xbf16> -> vector<16xf32>
          %mul3A_790 = vector.broadcast %squeeze3A_731 : f32 to vector<16xf32>
          %mul3A_791 = arith.mulf %unpack3A_788, %mul3A_790 : vector<16xf32>
          %swap3A_792 = arith.index_cast %add3A_735 : i32 to index
          %swap3A_793 = arith.constant 96 : index
          %swap3A_794 = tpu.vector_load %arg12[%swap3A_792, %swap3A_793] {strides = array<i32>} : memref<128x128xf32, #tpu.memory_space<vmem>>, vector<16xf32>,
          tpu.vector_store %arg12[%swap3A_792, %swap3A_793], %mul3A_791 {strides = array<i32>} : memref<128x128xf32, #tpu.memory_space<vmem>>, vector<16xf32>,
          %mul3A_795 = vector.broadcast %squeeze3A_731 : f32 to vector<16xf32>
          %mul3A_796 = arith.mulf %unpack3A_789, %mul3A_795 : vector<16xf32>
          %swap3A_797 = arith.index_cast %add3A_735 : i32 to index
          %swap3A_798 = arith.constant 112 : index
          %swap3A_799 = tpu.vector_load %arg12[%swap3A_797, %swap3A_798] {strides = array<i32>} : memref<128x128xf32, #tpu.memory_space<vmem>>, vector<16xf32>,
          tpu.vector_store %arg12[%swap3A_797, %swap3A_798], %mul3A_796 {strides = array<i32>} : memref<128x128xf32, #tpu.memory_space<vmem>>, vector<16xf32>,
          %slice3A_800 = vector.extract_strided_slice %get3A_174 {offsets = [9], sizes = [1], strides = [1]} : vector<16xf32> to vector<1xf32>
          %squeeze3A_801 = vector.extract %slice3A_800[0] : f32 from vector<1xf32>
          %mul3A_802 = arith.constant 16 : i32
          %mul3A_803 = arith.muli %scan3A_169, %mul3A_802 : i32
          %add3A_804 = arith.constant 9 : i32
          %add3A_805 = arith.addi %mul3A_803, %add3A_804 : i32
          %get3A_806 = arith.index_cast %add3A_805 : i32 to index
          %get3A_807 = arith.constant 0 : index
          %get3A_808 = tpu.vector_load %arg10[%get3A_806, %get3A_807] {strides = array<i32>} : memref<128x64xi32, #tpu.memory_space<vmem>>, vector<16xi32>,
          %bitcast3A_809 = vector.bitcast %get3A_808 : vector<16xi32> to vector<32xbf16>
          %unpack3A_810 = tpu.unpack_subelements %bitcast3A_809, 0 {pack_format = #tpu.pack_format<interleaved>} : vector<32xbf16> -> vector<16xf32>
          %unpack3A_811 = tpu.unpack_subelements %bitcast3A_809, 1 {pack_format = #tpu.pack_format<interleaved>} : vector<32xbf16> -> vector<16xf32>
          %mul3A_812 = vector.broadcast %squeeze3A_801 : f32 to vector<16xf32>
          %mul3A_813 = arith.mulf %unpack3A_810, %mul3A_812 : vector<16xf32>
          %swap3A_814 = arith.index_cast %add3A_805 : i32 to index
          %swap3A_815 = arith.constant 0 : index
          %swap3A_816 = tpu.vector_load %arg12[%swap3A_814, %swap3A_815] {strides = array<i32>} : memref<128x128xf32, #tpu.memory_space<vmem>>, vector<16xf32>,
          tpu.vector_store %arg12[%swap3A_814, %swap3A_815], %mul3A_813 {strides = array<i32>} : memref<128x128xf32, #tpu.memory_space<vmem>>, vector<16xf32>,
          %mul3A_817 = vector.broadcast %squeeze3A_801 : f32 to vector<16xf32>
          %mul3A_818 = arith.mulf %unpack3A_811, %mul3A_817 : vector<16xf32>
          %swap3A_819 = arith.index_cast %add3A_805 : i32 to index
          %swap3A_820 = arith.constant 16 : index
          %swap3A_821 = tpu.vector_load %arg12[%swap3A_819, %swap3A_820] {strides = array<i32>} : memref<128x128xf32, #tpu.memory_space<vmem>>, vector<16xf32>,
          tpu.vector_store %arg12[%swap3A_819, %swap3A_820], %mul3A_818 {strides = array<i32>} : memref<128x128xf32, #tpu.memory_space<vmem>>, vector<16xf32>,
          %get3A_822 = arith.index_cast %add3A_805 : i32 to index
          %get3A_823 = arith.constant 16 : index
          %get3A_824 = tpu.vector_load %arg10[%get3A_822, %get3A_823] {strides = array<i32>} : memref<128x64xi32, #tpu.memory_space<vmem>>, vector<16xi32>,
          %bitcast3A_825 = vector.bitcast %get3A_824 : vector<16xi32> to vector<32xbf16>
          %unpack3A_826 = tpu.unpack_subelements %bitcast3A_825, 0 {pack_format = #tpu.pack_format<interleaved>} : vector<32xbf16> -> vector<16xf32>
          %unpack3A_827 = tpu.unpack_subelements %bitcast3A_825, 1 {pack_format = #tpu.pack_format<interleaved>} : vector<32xbf16> -> vector<16xf32>
          %mul3A_828 = vector.broadcast %squeeze3A_801 : f32 to vector<16xf32>
          %mul3A_829 = arith.mulf %unpack3A_826, %mul3A_828 : vector<16xf32>
          %swap3A_830 = arith.index_cast %add3A_805 : i32 to index
          %swap3A_831 = arith.constant 32 : index
          %swap3A_832 = tpu.vector_load %arg12[%swap3A_830, %swap3A_831] {strides = array<i32>} : memref<128x128xf32, #tpu.memory_space<vmem>>, vector<16xf32>,
          tpu.vector_store %arg12[%swap3A_830, %swap3A_831], %mul3A_829 {strides = array<i32>} : memref<128x128xf32, #tpu.memory_space<vmem>>, vector<16xf32>,
          %mul3A_833 = vector.broadcast %squeeze3A_801 : f32 to vector<16xf32>
          %mul3A_834 = arith.mulf %unpack3A_827, %mul3A_833 : vector<16xf32>
          %swap3A_835 = arith.index_cast %add3A_805 : i32 to index
          %swap3A_836 = arith.constant 48 : index
          %swap3A_837 = tpu.vector_load %arg12[%swap3A_835, %swap3A_836] {strides = array<i32>} : memref<128x128xf32, #tpu.memory_space<vmem>>, vector<16xf32>,
          tpu.vector_store %arg12[%swap3A_835, %swap3A_836], %mul3A_834 {strides = array<i32>} : memref<128x128xf32, #tpu.memory_space<vmem>>, vector<16xf32>,
          %get3A_838 = arith.index_cast %add3A_805 : i32 to index
          %get3A_839 = arith.constant 32 : index
          %get3A_840 = tpu.vector_load %arg10[%get3A_838, %get3A_839] {strides = array<i32>} : memref<128x64xi32, #tpu.memory_space<vmem>>, vector<16xi32>,
          %bitcast3A_841 = vector.bitcast %get3A_840 : vector<16xi32> to vector<32xbf16>
          %unpack3A_842 = tpu.unpack_subelements %bitcast3A_841, 0 {pack_format = #tpu.pack_format<interleaved>} : vector<32xbf16> -> vector<16xf32>
          %unpack3A_843 = tpu.unpack_subelements %bitcast3A_841, 1 {pack_format = #tpu.pack_format<interleaved>} : vector<32xbf16> -> vector<16xf32>
          %mul3A_844 = vector.broadcast %squeeze3A_801 : f32 to vector<16xf32>
          %mul3A_845 = arith.mulf %unpack3A_842, %mul3A_844 : vector<16xf32>
          %swap3A_846 = arith.index_cast %add3A_805 : i32 to index
          %swap3A_847 = arith.constant 64 : index
          %swap3A_848 = tpu.vector_load %arg12[%swap3A_846, %swap3A_847] {strides = array<i32>} : memref<128x128xf32, #tpu.memory_space<vmem>>, vector<16xf32>,
          tpu.vector_store %arg12[%swap3A_846, %swap3A_847], %mul3A_845 {strides = array<i32>} : memref<128x128xf32, #tpu.memory_space<vmem>>, vector<16xf32>,
          %mul3A_849 = vector.broadcast %squeeze3A_801 : f32 to vector<16xf32>
          %mul3A_850 = arith.mulf %unpack3A_843, %mul3A_849 : vector<16xf32>
          %swap3A_851 = arith.index_cast %add3A_805 : i32 to index
          %swap3A_852 = arith.constant 80 : index
          %swap3A_853 = tpu.vector_load %arg12[%swap3A_851, %swap3A_852] {strides = array<i32>} : memref<128x128xf32, #tpu.memory_space<vmem>>, vector<16xf32>,
          tpu.vector_store %arg12[%swap3A_851, %swap3A_852], %mul3A_850 {strides = array<i32>} : memref<128x128xf32, #tpu.memory_space<vmem>>, vector<16xf32>,
          %get3A_854 = arith.index_cast %add3A_805 : i32 to index
          %get3A_855 = arith.constant 48 : index
          %get3A_856 = tpu.vector_load %arg10[%get3A_854, %get3A_855] {strides = array<i32>} : memref<128x64xi32, #tpu.memory_space<vmem>>, vector<16xi32>,
          %bitcast3A_857 = vector.bitcast %get3A_856 : vector<16xi32> to vector<32xbf16>
          %unpack3A_858 = tpu.unpack_subelements %bitcast3A_857, 0 {pack_format = #tpu.pack_format<interleaved>} : vector<32xbf16> -> vector<16xf32>
          %unpack3A_859 = tpu.unpack_subelements %bitcast3A_857, 1 {pack_format = #tpu.pack_format<interleaved>} : vector<32xbf16> -> vector<16xf32>
          %mul3A_860 = vector.broadcast %squeeze3A_801 : f32 to vector<16xf32>
          %mul3A_861 = arith.mulf %unpack3A_858, %mul3A_860 : vector<16xf32>
          %swap3A_862 = arith.index_cast %add3A_805 : i32 to index
          %swap3A_863 = arith.constant 96 : index
          %swap3A_864 = tpu.vector_load %arg12[%swap3A_862, %swap3A_863] {strides = array<i32>} : memref<128x128xf32, #tpu.memory_space<vmem>>, vector<16xf32>,
          tpu.vector_store %arg12[%swap3A_862, %swap3A_863], %mul3A_861 {strides = array<i32>} : memref<128x128xf32, #tpu.memory_space<vmem>>, vector<16xf32>,
          %mul3A_865 = vector.broadcast %squeeze3A_801 : f32 to vector<16xf32>
          %mul3A_866 = arith.mulf %unpack3A_859, %mul3A_865 : vector<16xf32>
          %swap3A_867 = arith.index_cast %add3A_805 : i32 to index
          %swap3A_868 = arith.constant 112 : index
          %swap3A_869 = tpu.vector_load %arg12[%swap3A_867, %swap3A_868] {strides = array<i32>} : memref<128x128xf32, #tpu.memory_space<vmem>>, vector<16xf32>,
          tpu.vector_store %arg12[%swap3A_867, %swap3A_868], %mul3A_866 {strides = array<i32>} : memref<128x128xf32, #tpu.memory_space<vmem>>, vector<16xf32>,
          %slice3A_870 = vector.extract_strided_slice %get3A_174 {offsets = [10], sizes = [1], strides = [1]} : vector<16xf32> to vector<1xf32>
          %squeeze3A_871 = vector.extract %slice3A_870[0] : f32 from vector<1xf32>
          %mul3A_872 = arith.constant 16 : i32
          %mul3A_873 = arith.muli %scan3A_169, %mul3A_872 : i32
          %add3A_874 = arith.constant 10 : i32
          %add3A_875 = arith.addi %mul3A_873, %add3A_874 : i32
          %get3A_876 = arith.index_cast %add3A_875 : i32 to index
          %get3A_877 = arith.constant 0 : index
          %get3A_878 = tpu.vector_load %arg10[%get3A_876, %get3A_877] {strides = array<i32>} : memref<128x64xi32, #tpu.memory_space<vmem>>, vector<16xi32>,
          %bitcast3A_879 = vector.bitcast %get3A_878 : vector<16xi32> to vector<32xbf16>
          %unpack3A_880 = tpu.unpack_subelements %bitcast3A_879, 0 {pack_format = #tpu.pack_format<interleaved>} : vector<32xbf16> -> vector<16xf32>
          %unpack3A_881 = tpu.unpack_subelements %bitcast3A_879, 1 {pack_format = #tpu.pack_format<interleaved>} : vector<32xbf16> -> vector<16xf32>
          %mul3A_882 = vector.broadcast %squeeze3A_871 : f32 to vector<16xf32>
          %mul3A_883 = arith.mulf %unpack3A_880, %mul3A_882 : vector<16xf32>
          %swap3A_884 = arith.index_cast %add3A_875 : i32 to index
          %swap3A_885 = arith.constant 0 : index
          %swap3A_886 = tpu.vector_load %arg12[%swap3A_884, %swap3A_885] {strides = array<i32>} : memref<128x128xf32, #tpu.memory_space<vmem>>, vector<16xf32>,
          tpu.vector_store %arg12[%swap3A_884, %swap3A_885], %mul3A_883 {strides = array<i32>} : memref<128x128xf32, #tpu.memory_space<vmem>>, vector<16xf32>,
          %mul3A_887 = vector.broadcast %squeeze3A_871 : f32 to vector<16xf32>
          %mul3A_888 = arith.mulf %unpack3A_881, %mul3A_887 : vector<16xf32>
          %swap3A_889 = arith.index_cast %add3A_875 : i32 to index
          %swap3A_890 = arith.constant 16 : index
          %swap3A_891 = tpu.vector_load %arg12[%swap3A_889, %swap3A_890] {strides = array<i32>} : memref<128x128xf32, #tpu.memory_space<vmem>>, vector<16xf32>,
          tpu.vector_store %arg12[%swap3A_889, %swap3A_890], %mul3A_888 {strides = array<i32>} : memref<128x128xf32, #tpu.memory_space<vmem>>, vector<16xf32>,
          %get3A_892 = arith.index_cast %add3A_875 : i32 to index
          %get3A_893 = arith.constant 16 : index
          %get3A_894 = tpu.vector_load %arg10[%get3A_892, %get3A_893] {strides = array<i32>} : memref<128x64xi32, #tpu.memory_space<vmem>>, vector<16xi32>,
          %bitcast3A_895 = vector.bitcast %get3A_894 : vector<16xi32> to vector<32xbf16>
          %unpack3A_896 = tpu.unpack_subelements %bitcast3A_895, 0 {pack_format = #tpu.pack_format<interleaved>} : vector<32xbf16> -> vector<16xf32>
          %unpack3A_897 = tpu.unpack_subelements %bitcast3A_895, 1 {pack_format = #tpu.pack_format<interleaved>} : vector<32xbf16> -> vector<16xf32>
          %mul3A_898 = vector.broadcast %squeeze3A_871 : f32 to vector<16xf32>
          %mul3A_899 = arith.mulf %unpack3A_896, %mul3A_898 : vector<16xf32>
          %swap3A_900 = arith.index_cast %add3A_875 : i32 to index
          %swap3A_901 = arith.constant 32 : index
          %swap3A_902 = tpu.vector_load %arg12[%swap3A_900, %swap3A_901] {strides = array<i32>} : memref<128x128xf32, #tpu.memory_space<vmem>>, vector<16xf32>,
          tpu.vector_store %arg12[%swap3A_900, %swap3A_901], %mul3A_899 {strides = array<i32>} : memref<128x128xf32, #tpu.memory_space<vmem>>, vector<16xf32>,
          %mul3A_903 = vector.broadcast %squeeze3A_871 : f32 to vector<16xf32>
          %mul3A_904 = arith.mulf %unpack3A_897, %mul3A_903 : vector<16xf32>
          %swap3A_905 = arith.index_cast %add3A_875 : i32 to index
          %swap3A_906 = arith.constant 48 : index
          %swap3A_907 = tpu.vector_load %arg12[%swap3A_905, %swap3A_906] {strides = array<i32>} : memref<128x128xf32, #tpu.memory_space<vmem>>, vector<16xf32>,
          tpu.vector_store %arg12[%swap3A_905, %swap3A_906], %mul3A_904 {strides = array<i32>} : memref<128x128xf32, #tpu.memory_space<vmem>>, vector<16xf32>,
          %get3A_908 = arith.index_cast %add3A_875 : i32 to index
          %get3A_909 = arith.constant 32 : index
          %get3A_910 = tpu.vector_load %arg10[%get3A_908, %get3A_909] {strides = array<i32>} : memref<128x64xi32, #tpu.memory_space<vmem>>, vector<16xi32>,
          %bitcast3A_911 = vector.bitcast %get3A_910 : vector<16xi32> to vector<32xbf16>
          %unpack3A_912 = tpu.unpack_subelements %bitcast3A_911, 0 {pack_format = #tpu.pack_format<interleaved>} : vector<32xbf16> -> vector<16xf32>
          %unpack3A_913 = tpu.unpack_subelements %bitcast3A_911, 1 {pack_format = #tpu.pack_format<interleaved>} : vector<32xbf16> -> vector<16xf32>
          %mul3A_914 = vector.broadcast %squeeze3A_871 : f32 to vector<16xf32>
          %mul3A_915 = arith.mulf %unpack3A_912, %mul3A_914 : vector<16xf32>
          %swap3A_916 = arith.index_cast %add3A_875 : i32 to index
          %swap3A_917 = arith.constant 64 : index
          %swap3A_918 = tpu.vector_load %arg12[%swap3A_916, %swap3A_917] {strides = array<i32>} : memref<128x128xf32, #tpu.memory_space<vmem>>, vector<16xf32>,
          tpu.vector_store %arg12[%swap3A_916, %swap3A_917], %mul3A_915 {strides = array<i32>} : memref<128x128xf32, #tpu.memory_space<vmem>>, vector<16xf32>,
          %mul3A_919 = vector.broadcast %squeeze3A_871 : f32 to vector<16xf32>
          %mul3A_920 = arith.mulf %unpack3A_913, %mul3A_919 : vector<16xf32>
          %swap3A_921 = arith.index_cast %add3A_875 : i32 to index
          %swap3A_922 = arith.constant 80 : index
          %swap3A_923 = tpu.vector_load %arg12[%swap3A_921, %swap3A_922] {strides = array<i32>} : memref<128x128xf32, #tpu.memory_space<vmem>>, vector<16xf32>,
          tpu.vector_store %arg12[%swap3A_921, %swap3A_922], %mul3A_920 {strides = array<i32>} : memref<128x128xf32, #tpu.memory_space<vmem>>, vector<16xf32>,
          %get3A_924 = arith.index_cast %add3A_875 : i32 to index
          %get3A_925 = arith.constant 48 : index
          %get3A_926 = tpu.vector_load %arg10[%get3A_924, %get3A_925] {strides = array<i32>} : memref<128x64xi32, #tpu.memory_space<vmem>>, vector<16xi32>,
          %bitcast3A_927 = vector.bitcast %get3A_926 : vector<16xi32> to vector<32xbf16>
          %unpack3A_928 = tpu.unpack_subelements %bitcast3A_927, 0 {pack_format = #tpu.pack_format<interleaved>} : vector<32xbf16> -> vector<16xf32>
          %unpack3A_929 = tpu.unpack_subelements %bitcast3A_927, 1 {pack_format = #tpu.pack_format<interleaved>} : vector<32xbf16> -> vector<16xf32>
          %mul3A_930 = vector.broadcast %squeeze3A_871 : f32 to vector<16xf32>
          %mul3A_931 = arith.mulf %unpack3A_928, %mul3A_930 : vector<16xf32>
          %swap3A_932 = arith.index_cast %add3A_875 : i32 to index
          %swap3A_933 = arith.constant 96 : index
          %swap3A_934 = tpu.vector_load %arg12[%swap3A_932, %swap3A_933] {strides = array<i32>} : memref<128x128xf32, #tpu.memory_space<vmem>>, vector<16xf32>,
          tpu.vector_store %arg12[%swap3A_932, %swap3A_933], %mul3A_931 {strides = array<i32>} : memref<128x128xf32, #tpu.memory_space<vmem>>, vector<16xf32>,
          %mul3A_935 = vector.broadcast %squeeze3A_871 : f32 to vector<16xf32>
          %mul3A_936 = arith.mulf %unpack3A_929, %mul3A_935 : vector<16xf32>
          %swap3A_937 = arith.index_cast %add3A_875 : i32 to index
          %swap3A_938 = arith.constant 112 : index
          %swap3A_939 = tpu.vector_load %arg12[%swap3A_937, %swap3A_938] {strides = array<i32>} : memref<128x128xf32, #tpu.memory_space<vmem>>, vector<16xf32>,
          tpu.vector_store %arg12[%swap3A_937, %swap3A_938], %mul3A_936 {strides = array<i32>} : memref<128x128xf32, #tpu.memory_space<vmem>>, vector<16xf32>,
          %slice3A_940 = vector.extract_strided_slice %get3A_174 {offsets = [11], sizes = [1], strides = [1]} : vector<16xf32> to vector<1xf32>
          %squeeze3A_941 = vector.extract %slice3A_940[0] : f32 from vector<1xf32>
          %mul3A_942 = arith.constant 16 : i32
          %mul3A_943 = arith.muli %scan3A_169, %mul3A_942 : i32
          %add3A_944 = arith.constant 11 : i32
          %add3A_945 = arith.addi %mul3A_943, %add3A_944 : i32
          %get3A_946 = arith.index_cast %add3A_945 : i32 to index
          %get3A_947 = arith.constant 0 : index
          %get3A_948 = tpu.vector_load %arg10[%get3A_946, %get3A_947] {strides = array<i32>} : memref<128x64xi32, #tpu.memory_space<vmem>>, vector<16xi32>,
          %bitcast3A_949 = vector.bitcast %get3A_948 : vector<16xi32> to vector<32xbf16>
          %unpack3A_950 = tpu.unpack_subelements %bitcast3A_949, 0 {pack_format = #tpu.pack_format<interleaved>} : vector<32xbf16> -> vector<16xf32>
          %unpack3A_951 = tpu.unpack_subelements %bitcast3A_949, 1 {pack_format = #tpu.pack_format<interleaved>} : vector<32xbf16> -> vector<16xf32>
          %mul3A_952 = vector.broadcast %squeeze3A_941 : f32 to vector<16xf32>
          %mul3A_953 = arith.mulf %unpack3A_950, %mul3A_952 : vector<16xf32>
          %swap3A_954 = arith.index_cast %add3A_945 : i32 to index
          %swap3A_955 = arith.constant 0 : index
          %swap3A_956 = tpu.vector_load %arg12[%swap3A_954, %swap3A_955] {strides = array<i32>} : memref<128x128xf32, #tpu.memory_space<vmem>>, vector<16xf32>,
          tpu.vector_store %arg12[%swap3A_954, %swap3A_955], %mul3A_953 {strides = array<i32>} : memref<128x128xf32, #tpu.memory_space<vmem>>, vector<16xf32>,
          %mul3A_957 = vector.broadcast %squeeze3A_941 : f32 to vector<16xf32>
          %mul3A_958 = arith.mulf %unpack3A_951, %mul3A_957 : vector<16xf32>
          %swap3A_959 = arith.index_cast %add3A_945 : i32 to index
          %swap3A_960 = arith.constant 16 : index
          %swap3A_961 = tpu.vector_load %arg12[%swap3A_959, %swap3A_960] {strides = array<i32>} : memref<128x128xf32, #tpu.memory_space<vmem>>, vector<16xf32>,
          tpu.vector_store %arg12[%swap3A_959, %swap3A_960], %mul3A_958 {strides = array<i32>} : memref<128x128xf32, #tpu.memory_space<vmem>>, vector<16xf32>,
          %get3A_962 = arith.index_cast %add3A_945 : i32 to index
          %get3A_963 = arith.constant 16 : index
          %get3A_964 = tpu.vector_load %arg10[%get3A_962, %get3A_963] {strides = array<i32>} : memref<128x64xi32, #tpu.memory_space<vmem>>, vector<16xi32>,
          %bitcast3A_965 = vector.bitcast %get3A_964 : vector<16xi32> to vector<32xbf16>
          %unpack3A_966 = tpu.unpack_subelements %bitcast3A_965, 0 {pack_format = #tpu.pack_format<interleaved>} : vector<32xbf16> -> vector<16xf32>
          %unpack3A_967 = tpu.unpack_subelements %bitcast3A_965, 1 {pack_format = #tpu.pack_format<interleaved>} : vector<32xbf16> -> vector<16xf32>
          %mul3A_968 = vector.broadcast %squeeze3A_941 : f32 to vector<16xf32>
          %mul3A_969 = arith.mulf %unpack3A_966, %mul3A_968 : vector<16xf32>
          %swap3A_970 = arith.index_cast %add3A_945 : i32 to index
          %swap3A_971 = arith.constant 32 : index
          %swap3A_972 = tpu.vector_load %arg12[%swap3A_970, %swap3A_971] {strides = array<i32>} : memref<128x128xf32, #tpu.memory_space<vmem>>, vector<16xf32>,
          tpu.vector_store %arg12[%swap3A_970, %swap3A_971], %mul3A_969 {strides = array<i32>} : memref<128x128xf32, #tpu.memory_space<vmem>>, vector<16xf32>,
          %mul3A_973 = vector.broadcast %squeeze3A_941 : f32 to vector<16xf32>
          %mul3A_974 = arith.mulf %unpack3A_967, %mul3A_973 : vector<16xf32>
          %swap3A_975 = arith.index_cast %add3A_945 : i32 to index
          %swap3A_976 = arith.constant 48 : index
          %swap3A_977 = tpu.vector_load %arg12[%swap3A_975, %swap3A_976] {strides = array<i32>} : memref<128x128xf32, #tpu.memory_space<vmem>>, vector<16xf32>,
          tpu.vector_store %arg12[%swap3A_975, %swap3A_976], %mul3A_974 {strides = array<i32>} : memref<128x128xf32, #tpu.memory_space<vmem>>, vector<16xf32>,
          %get3A_978 = arith.index_cast %add3A_945 : i32 to index
          %get3A_979 = arith.constant 32 : index
          %get3A_980 = tpu.vector_load %arg10[%get3A_978, %get3A_979] {strides = array<i32>} : memref<128x64xi32, #tpu.memory_space<vmem>>, vector<16xi32>,
          %bitcast3A_981 = vector.bitcast %get3A_980 : vector<16xi32> to vector<32xbf16>
          %unpack3A_982 = tpu.unpack_subelements %bitcast3A_981, 0 {pack_format = #tpu.pack_format<interleaved>} : vector<32xbf16> -> vector<16xf32>
          %unpack3A_983 = tpu.unpack_subelements %bitcast3A_981, 1 {pack_format = #tpu.pack_format<interleaved>} : vector<32xbf16> -> vector<16xf32>
          %mul3A_984 = vector.broadcast %squeeze3A_941 : f32 to vector<16xf32>
          %mul3A_985 = arith.mulf %unpack3A_982, %mul3A_984 : vector<16xf32>
          %swap3A_986 = arith.index_cast %add3A_945 : i32 to index
          %swap3A_987 = arith.constant 64 : index
          %swap3A_988 = tpu.vector_load %arg12[%swap3A_986, %swap3A_987] {strides = array<i32>} : memref<128x128xf32, #tpu.memory_space<vmem>>, vector<16xf32>,
          tpu.vector_store %arg12[%swap3A_986, %swap3A_987], %mul3A_985 {strides = array<i32>} : memref<128x128xf32, #tpu.memory_space<vmem>>, vector<16xf32>,
          %mul3A_989 = vector.broadcast %squeeze3A_941 : f32 to vector<16xf32>
          %mul3A_990 = arith.mulf %unpack3A_983, %mul3A_989 : vector<16xf32>
          %swap3A_991 = arith.index_cast %add3A_945 : i32 to index
          %swap3A_992 = arith.constant 80 : index
          %swap3A_993 = tpu.vector_load %arg12[%swap3A_991, %swap3A_992] {strides = array<i32>} : memref<128x128xf32, #tpu.memory_space<vmem>>, vector<16xf32>,
          tpu.vector_store %arg12[%swap3A_991, %swap3A_992], %mul3A_990 {strides = array<i32>} : memref<128x128xf32, #tpu.memory_space<vmem>>, vector<16xf32>,
          %get3A_994 = arith.index_cast %add3A_945 : i32 to index
          %get3A_995 = arith.constant 48 : index
          %get3A_996 = tpu.vector_load %arg10[%get3A_994, %get3A_995] {strides = array<i32>} : memref<128x64xi32, #tpu.memory_space<vmem>>, vector<16xi32>,
          %bitcast3A_997 = vector.bitcast %get3A_996 : vector<16xi32> to vector<32xbf16>
          %unpack3A_998 = tpu.unpack_subelements %bitcast3A_997, 0 {pack_format = #tpu.pack_format<interleaved>} : vector<32xbf16> -> vector<16xf32>
          %unpack3A_999 = tpu.unpack_subelements %bitcast3A_997, 1 {pack_format = #tpu.pack_format<interleaved>} : vector<32xbf16> -> vector<16xf32>
          %mul3A_1000 = vector.broadcast %squeeze3A_941 : f32 to vector<16xf32>
          %mul3A_1001 = arith.mulf %unpack3A_998, %mul3A_1000 : vector<16xf32>
          %swap3A_1002 = arith.index_cast %add3A_945 : i32 to index
          %swap3A_1003 = arith.constant 96 : index
          %swap3A_1004 = tpu.vector_load %arg12[%swap3A_1002, %swap3A_1003] {strides = array<i32>} : memref<128x128xf32, #tpu.memory_space<vmem>>, vector<16xf32>,
          tpu.vector_store %arg12[%swap3A_1002, %swap3A_1003], %mul3A_1001 {strides = array<i32>} : memref<128x128xf32, #tpu.memory_space<vmem>>, vector<16xf32>,
          %mul3A_1005 = vector.broadcast %squeeze3A_941 : f32 to vector<16xf32>
          %mul3A_1006 = arith.mulf %unpack3A_999, %mul3A_1005 : vector<16xf32>
          %swap3A_1007 = arith.index_cast %add3A_945 : i32 to index
          %swap3A_1008 = arith.constant 112 : index
          %swap3A_1009 = tpu.vector_load %arg12[%swap3A_1007, %swap3A_1008] {strides = array<i32>} : memref<128x128xf32, #tpu.memory_space<vmem>>, vector<16xf32>,
          tpu.vector_store %arg12[%swap3A_1007, %swap3A_1008], %mul3A_1006 {strides = array<i32>} : memref<128x128xf32, #tpu.memory_space<vmem>>, vector<16xf32>,
          %slice3A_1010 = vector.extract_strided_slice %get3A_174 {offsets = [12], sizes = [1], strides = [1]} : vector<16xf32> to vector<1xf32>
          %squeeze3A_1011 = vector.extract %slice3A_1010[0] : f32 from vector<1xf32>
          %mul3A_1012 = arith.constant 16 : i32
          %mul3A_1013 = arith.muli %scan3A_169, %mul3A_1012 : i32
          %add3A_1014 = arith.constant 12 : i32
          %add3A_1015 = arith.addi %mul3A_1013, %add3A_1014 : i32
          %get3A_1016 = arith.index_cast %add3A_1015 : i32 to index
          %get3A_1017 = arith.constant 0 : index
          %get3A_1018 = tpu.vector_load %arg10[%get3A_1016, %get3A_1017] {strides = array<i32>} : memref<128x64xi32, #tpu.memory_space<vmem>>, vector<16xi32>,
          %bitcast3A_1019 = vector.bitcast %get3A_1018 : vector<16xi32> to vector<32xbf16>
          %unpack3A_1020 = tpu.unpack_subelements %bitcast3A_1019, 0 {pack_format = #tpu.pack_format<interleaved>} : vector<32xbf16> -> vector<16xf32>
          %unpack3A_1021 = tpu.unpack_subelements %bitcast3A_1019, 1 {pack_format = #tpu.pack_format<interleaved>} : vector<32xbf16> -> vector<16xf32>
          %mul3A_1022 = vector.broadcast %squeeze3A_1011 : f32 to vector<16xf32>
          %mul3A_1023 = arith.mulf %unpack3A_1020, %mul3A_1022 : vector<16xf32>
          %swap3A_1024 = arith.index_cast %add3A_1015 : i32 to index
          %swap3A_1025 = arith.constant 0 : index
          %swap3A_1026 = tpu.vector_load %arg12[%swap3A_1024, %swap3A_1025] {strides = array<i32>} : memref<128x128xf32, #tpu.memory_space<vmem>>, vector<16xf32>,
          tpu.vector_store %arg12[%swap3A_1024, %swap3A_1025], %mul3A_1023 {strides = array<i32>} : memref<128x128xf32, #tpu.memory_space<vmem>>, vector<16xf32>,
          %mul3A_1027 = vector.broadcast %squeeze3A_1011 : f32 to vector<16xf32>
          %mul3A_1028 = arith.mulf %unpack3A_1021, %mul3A_1027 : vector<16xf32>
          %swap3A_1029 = arith.index_cast %add3A_1015 : i32 to index
          %swap3A_1030 = arith.constant 16 : index
          %swap3A_1031 = tpu.vector_load %arg12[%swap3A_1029, %swap3A_1030] {strides = array<i32>} : memref<128x128xf32, #tpu.memory_space<vmem>>, vector<16xf32>,
          tpu.vector_store %arg12[%swap3A_1029, %swap3A_1030], %mul3A_1028 {strides = array<i32>} : memref<128x128xf32, #tpu.memory_space<vmem>>, vector<16xf32>,
          %get3A_1032 = arith.index_cast %add3A_1015 : i32 to index
          %get3A_1033 = arith.constant 16 : index
          %get3A_1034 = tpu.vector_load %arg10[%get3A_1032, %get3A_1033] {strides = array<i32>} : memref<128x64xi32, #tpu.memory_space<vmem>>, vector<16xi32>,
          %bitcast3A_1035 = vector.bitcast %get3A_1034 : vector<16xi32> to vector<32xbf16>
          %unpack3A_1036 = tpu.unpack_subelements %bitcast3A_1035, 0 {pack_format = #tpu.pack_format<interleaved>} : vector<32xbf16> -> vector<16xf32>
          %unpack3A_1037 = tpu.unpack_subelements %bitcast3A_1035, 1 {pack_format = #tpu.pack_format<interleaved>} : vector<32xbf16> -> vector<16xf32>
          %mul3A_1038 = vector.broadcast %squeeze3A_1011 : f32 to vector<16xf32>
          %mul3A_1039 = arith.mulf %unpack3A_1036, %mul3A_1038 : vector<16xf32>
          %swap3A_1040 = arith.index_cast %add3A_1015 : i32 to index
          %swap3A_1041 = arith.constant 32 : index
          %swap3A_1042 = tpu.vector_load %arg12[%swap3A_1040, %swap3A_1041] {strides = array<i32>} : memref<128x128xf32, #tpu.memory_space<vmem>>, vector<16xf32>,
          tpu.vector_store %arg12[%swap3A_1040, %swap3A_1041], %mul3A_1039 {strides = array<i32>} : memref<128x128xf32, #tpu.memory_space<vmem>>, vector<16xf32>,
          %mul3A_1043 = vector.broadcast %squeeze3A_1011 : f32 to vector<16xf32>
          %mul3A_1044 = arith.mulf %unpack3A_1037, %mul3A_1043 : vector<16xf32>
          %swap3A_1045 = arith.index_cast %add3A_1015 : i32 to index
          %swap3A_1046 = arith.constant 48 : index
          %swap3A_1047 = tpu.vector_load %arg12[%swap3A_1045, %swap3A_1046] {strides = array<i32>} : memref<128x128xf32, #tpu.memory_space<vmem>>, vector<16xf32>,
          tpu.vector_store %arg12[%swap3A_1045, %swap3A_1046], %mul3A_1044 {strides = array<i32>} : memref<128x128xf32, #tpu.memory_space<vmem>>, vector<16xf32>,
          %get3A_1048 = arith.index_cast %add3A_1015 : i32 to index
          %get3A_1049 = arith.constant 32 : index
          %get3A_1050 = tpu.vector_load %arg10[%get3A_1048, %get3A_1049] {strides = array<i32>} : memref<128x64xi32, #tpu.memory_space<vmem>>, vector<16xi32>,
          %bitcast3A_1051 = vector.bitcast %get3A_1050 : vector<16xi32> to vector<32xbf16>
          %unpack3A_1052 = tpu.unpack_subelements %bitcast3A_1051, 0 {pack_format = #tpu.pack_format<interleaved>} : vector<32xbf16> -> vector<16xf32>
          %unpack3A_1053 = tpu.unpack_subelements %bitcast3A_1051, 1 {pack_format = #tpu.pack_format<interleaved>} : vector<32xbf16> -> vector<16xf32>
          %mul3A_1054 = vector.broadcast %squeeze3A_1011 : f32 to vector<16xf32>
          %mul3A_1055 = arith.mulf %unpack3A_1052, %mul3A_1054 : vector<16xf32>
          %swap3A_1056 = arith.index_cast %add3A_1015 : i32 to index
          %swap3A_1057 = arith.constant 64 : index
          %swap3A_1058 = tpu.vector_load %arg12[%swap3A_1056, %swap3A_1057] {strides = array<i32>} : memref<128x128xf32, #tpu.memory_space<vmem>>, vector<16xf32>,
          tpu.vector_store %arg12[%swap3A_1056, %swap3A_1057], %mul3A_1055 {strides = array<i32>} : memref<128x128xf32, #tpu.memory_space<vmem>>, vector<16xf32>,
          %mul3A_1059 = vector.broadcast %squeeze3A_1011 : f32 to vector<16xf32>
          %mul3A_1060 = arith.mulf %unpack3A_1053, %mul3A_1059 : vector<16xf32>
          %swap3A_1061 = arith.index_cast %add3A_1015 : i32 to index
          %swap3A_1062 = arith.constant 80 : index
          %swap3A_1063 = tpu.vector_load %arg12[%swap3A_1061, %swap3A_1062] {strides = array<i32>} : memref<128x128xf32, #tpu.memory_space<vmem>>, vector<16xf32>,
          tpu.vector_store %arg12[%swap3A_1061, %swap3A_1062], %mul3A_1060 {strides = array<i32>} : memref<128x128xf32, #tpu.memory_space<vmem>>, vector<16xf32>,
          %get3A_1064 = arith.index_cast %add3A_1015 : i32 to index
          %get3A_1065 = arith.constant 48 : index
          %get3A_1066 = tpu.vector_load %arg10[%get3A_1064, %get3A_1065] {strides = array<i32>} : memref<128x64xi32, #tpu.memory_space<vmem>>, vector<16xi32>,
          %bitcast3A_1067 = vector.bitcast %get3A_1066 : vector<16xi32> to vector<32xbf16>
          %unpack3A_1068 = tpu.unpack_subelements %bitcast3A_1067, 0 {pack_format = #tpu.pack_format<interleaved>} : vector<32xbf16> -> vector<16xf32>
          %unpack3A_1069 = tpu.unpack_subelements %bitcast3A_1067, 1 {pack_format = #tpu.pack_format<interleaved>} : vector<32xbf16> -> vector<16xf32>
          %mul3A_1070 = vector.broadcast %squeeze3A_1011 : f32 to vector<16xf32>
          %mul3A_1071 = arith.mulf %unpack3A_1068, %mul3A_1070 : vector<16xf32>
          %swap3A_1072 = arith.index_cast %add3A_1015 : i32 to index
          %swap3A_1073 = arith.constant 96 : index
          %swap3A_1074 = tpu.vector_load %arg12[%swap3A_1072, %swap3A_1073] {strides = array<i32>} : memref<128x128xf32, #tpu.memory_space<vmem>>, vector<16xf32>,
          tpu.vector_store %arg12[%swap3A_1072, %swap3A_1073], %mul3A_1071 {strides = array<i32>} : memref<128x128xf32, #tpu.memory_space<vmem>>, vector<16xf32>,
          %mul3A_1075 = vector.broadcast %squeeze3A_1011 : f32 to vector<16xf32>
          %mul3A_1076 = arith.mulf %unpack3A_1069, %mul3A_1075 : vector<16xf32>
          %swap3A_1077 = arith.index_cast %add3A_1015 : i32 to index
          %swap3A_1078 = arith.constant 112 : index
          %swap3A_1079 = tpu.vector_load %arg12[%swap3A_1077, %swap3A_1078] {strides = array<i32>} : memref<128x128xf32, #tpu.memory_space<vmem>>, vector<16xf32>,
          tpu.vector_store %arg12[%swap3A_1077, %swap3A_1078], %mul3A_1076 {strides = array<i32>} : memref<128x128xf32, #tpu.memory_space<vmem>>, vector<16xf32>,
          %slice3A_1080 = vector.extract_strided_slice %get3A_174 {offsets = [13], sizes = [1], strides = [1]} : vector<16xf32> to vector<1xf32>
          %squeeze3A_1081 = vector.extract %slice3A_1080[0] : f32 from vector<1xf32>
          %mul3A_1082 = arith.constant 16 : i32
          %mul3A_1083 = arith.muli %scan3A_169, %mul3A_1082 : i32
          %add3A_1084 = arith.constant 13 : i32
          %add3A_1085 = arith.addi %mul3A_1083, %add3A_1084 : i32
          %get3A_1086 = arith.index_cast %add3A_1085 : i32 to index
          %get3A_1087 = arith.constant 0 : index
          %get3A_1088 = tpu.vector_load %arg10[%get3A_1086, %get3A_1087] {strides = array<i32>} : memref<128x64xi32, #tpu.memory_space<vmem>>, vector<16xi32>,
          %bitcast3A_1089 = vector.bitcast %get3A_1088 : vector<16xi32> to vector<32xbf16>
          %unpack3A_1090 = tpu.unpack_subelements %bitcast3A_1089, 0 {pack_format = #tpu.pack_format<interleaved>} : vector<32xbf16> -> vector<16xf32>
          %unpack3A_1091 = tpu.unpack_subelements %bitcast3A_1089, 1 {pack_format = #tpu.pack_format<interleaved>} : vector<32xbf16> -> vector<16xf32>
          %mul3A_1092 = vector.broadcast %squeeze3A_1081 : f32 to vector<16xf32>
          %mul3A_1093 = arith.mulf %unpack3A_1090, %mul3A_1092 : vector<16xf32>
          %swap3A_1094 = arith.index_cast %add3A_1085 : i32 to index
          %swap3A_1095 = arith.constant 0 : index
          %swap3A_1096 = tpu.vector_load %arg12[%swap3A_1094, %swap3A_1095] {strides = array<i32>} : memref<128x128xf32, #tpu.memory_space<vmem>>, vector<16xf32>,
          tpu.vector_store %arg12[%swap3A_1094, %swap3A_1095], %mul3A_1093 {strides = array<i32>} : memref<128x128xf32, #tpu.memory_space<vmem>>, vector<16xf32>,
          %mul3A_1097 = vector.broadcast %squeeze3A_1081 : f32 to vector<16xf32>
          %mul3A_1098 = arith.mulf %unpack3A_1091, %mul3A_1097 : vector<16xf32>
          %swap3A_1099 = arith.index_cast %add3A_1085 : i32 to index
          %swap3A_1100 = arith.constant 16 : index
          %swap3A_1101 = tpu.vector_load %arg12[%swap3A_1099, %swap3A_1100] {strides = array<i32>} : memref<128x128xf32, #tpu.memory_space<vmem>>, vector<16xf32>,
          tpu.vector_store %arg12[%swap3A_1099, %swap3A_1100], %mul3A_1098 {strides = array<i32>} : memref<128x128xf32, #tpu.memory_space<vmem>>, vector<16xf32>,
          %get3A_1102 = arith.index_cast %add3A_1085 : i32 to index
          %get3A_1103 = arith.constant 16 : index
          %get3A_1104 = tpu.vector_load %arg10[%get3A_1102, %get3A_1103] {strides = array<i32>} : memref<128x64xi32, #tpu.memory_space<vmem>>, vector<16xi32>,
          %bitcast3A_1105 = vector.bitcast %get3A_1104 : vector<16xi32> to vector<32xbf16>
          %unpack3A_1106 = tpu.unpack_subelements %bitcast3A_1105, 0 {pack_format = #tpu.pack_format<interleaved>} : vector<32xbf16> -> vector<16xf32>
          %unpack3A_1107 = tpu.unpack_subelements %bitcast3A_1105, 1 {pack_format = #tpu.pack_format<interleaved>} : vector<32xbf16> -> vector<16xf32>
          %mul3A_1108 = vector.broadcast %squeeze3A_1081 : f32 to vector<16xf32>
          %mul3A_1109 = arith.mulf %unpack3A_1106, %mul3A_1108 : vector<16xf32>
          %swap3A_1110 = arith.index_cast %add3A_1085 : i32 to index
          %swap3A_1111 = arith.constant 32 : index
          %swap3A_1112 = tpu.vector_load %arg12[%swap3A_1110, %swap3A_1111] {strides = array<i32>} : memref<128x128xf32, #tpu.memory_space<vmem>>, vector<16xf32>,
          tpu.vector_store %arg12[%swap3A_1110, %swap3A_1111], %mul3A_1109 {strides = array<i32>} : memref<128x128xf32, #tpu.memory_space<vmem>>, vector<16xf32>,
          %mul3A_1113 = vector.broadcast %squeeze3A_1081 : f32 to vector<16xf32>
          %mul3A_1114 = arith.mulf %unpack3A_1107, %mul3A_1113 : vector<16xf32>
          %swap3A_1115 = arith.index_cast %add3A_1085 : i32 to index
          %swap3A_1116 = arith.constant 48 : index
          %swap3A_1117 = tpu.vector_load %arg12[%swap3A_1115, %swap3A_1116] {strides = array<i32>} : memref<128x128xf32, #tpu.memory_space<vmem>>, vector<16xf32>,
          tpu.vector_store %arg12[%swap3A_1115, %swap3A_1116], %mul3A_1114 {strides = array<i32>} : memref<128x128xf32, #tpu.memory_space<vmem>>, vector<16xf32>,
          %get3A_1118 = arith.index_cast %add3A_1085 : i32 to index
          %get3A_1119 = arith.constant 32 : index
          %get3A_1120 = tpu.vector_load %arg10[%get3A_1118, %get3A_1119] {strides = array<i32>} : memref<128x64xi32, #tpu.memory_space<vmem>>, vector<16xi32>,
          %bitcast3A_1121 = vector.bitcast %get3A_1120 : vector<16xi32> to vector<32xbf16>
          %unpack3A_1122 = tpu.unpack_subelements %bitcast3A_1121, 0 {pack_format = #tpu.pack_format<interleaved>} : vector<32xbf16> -> vector<16xf32>
          %unpack3A_1123 = tpu.unpack_subelements %bitcast3A_1121, 1 {pack_format = #tpu.pack_format<interleaved>} : vector<32xbf16> -> vector<16xf32>
          %mul3A_1124 = vector.broadcast %squeeze3A_1081 : f32 to vector<16xf32>
          %mul3A_1125 = arith.mulf %unpack3A_1122, %mul3A_1124 : vector<16xf32>
          %swap3A_1126 = arith.index_cast %add3A_1085 : i32 to index
          %swap3A_1127 = arith.constant 64 : index
          %swap3A_1128 = tpu.vector_load %arg12[%swap3A_1126, %swap3A_1127] {strides = array<i32>} : memref<128x128xf32, #tpu.memory_space<vmem>>, vector<16xf32>,
          tpu.vector_store %arg12[%swap3A_1126, %swap3A_1127], %mul3A_1125 {strides = array<i32>} : memref<128x128xf32, #tpu.memory_space<vmem>>, vector<16xf32>,
          %mul3A_1129 = vector.broadcast %squeeze3A_1081 : f32 to vector<16xf32>
          %mul3A_1130 = arith.mulf %unpack3A_1123, %mul3A_1129 : vector<16xf32>
          %swap3A_1131 = arith.index_cast %add3A_1085 : i32 to index
          %swap3A_1132 = arith.constant 80 : index
          %swap3A_1133 = tpu.vector_load %arg12[%swap3A_1131, %swap3A_1132] {strides = array<i32>} : memref<128x128xf32, #tpu.memory_space<vmem>>, vector<16xf32>,
          tpu.vector_store %arg12[%swap3A_1131, %swap3A_1132], %mul3A_1130 {strides = array<i32>} : memref<128x128xf32, #tpu.memory_space<vmem>>, vector<16xf32>,
          %get3A_1134 = arith.index_cast %add3A_1085 : i32 to index
          %get3A_1135 = arith.constant 48 : index
          %get3A_1136 = tpu.vector_load %arg10[%get3A_1134, %get3A_1135] {strides = array<i32>} : memref<128x64xi32, #tpu.memory_space<vmem>>, vector<16xi32>,
          %bitcast3A_1137 = vector.bitcast %get3A_1136 : vector<16xi32> to vector<32xbf16>
          %unpack3A_1138 = tpu.unpack_subelements %bitcast3A_1137, 0 {pack_format = #tpu.pack_format<interleaved>} : vector<32xbf16> -> vector<16xf32>
          %unpack3A_1139 = tpu.unpack_subelements %bitcast3A_1137, 1 {pack_format = #tpu.pack_format<interleaved>} : vector<32xbf16> -> vector<16xf32>
          %mul3A_1140 = vector.broadcast %squeeze3A_1081 : f32 to vector<16xf32>
          %mul3A_1141 = arith.mulf %unpack3A_1138, %mul3A_1140 : vector<16xf32>
          %swap3A_1142 = arith.index_cast %add3A_1085 : i32 to index
          %swap3A_1143 = arith.constant 96 : index
          %swap3A_1144 = tpu.vector_load %arg12[%swap3A_1142, %swap3A_1143] {strides = array<i32>} : memref<128x128xf32, #tpu.memory_space<vmem>>, vector<16xf32>,
          tpu.vector_store %arg12[%swap3A_1142, %swap3A_1143], %mul3A_1141 {strides = array<i32>} : memref<128x128xf32, #tpu.memory_space<vmem>>, vector<16xf32>,
          %mul3A_1145 = vector.broadcast %squeeze3A_1081 : f32 to vector<16xf32>
          %mul3A_1146 = arith.mulf %unpack3A_1139, %mul3A_1145 : vector<16xf32>
          %swap3A_1147 = arith.index_cast %add3A_1085 : i32 to index
          %swap3A_1148 = arith.constant 112 : index
          %swap3A_1149 = tpu.vector_load %arg12[%swap3A_1147, %swap3A_1148] {strides = array<i32>} : memref<128x128xf32, #tpu.memory_space<vmem>>, vector<16xf32>,
          tpu.vector_store %arg12[%swap3A_1147, %swap3A_1148], %mul3A_1146 {strides = array<i32>} : memref<128x128xf32, #tpu.memory_space<vmem>>, vector<16xf32>,
          %slice3A_1150 = vector.extract_strided_slice %get3A_174 {offsets = [14], sizes = [1], strides = [1]} : vector<16xf32> to vector<1xf32>
          %squeeze3A_1151 = vector.extract %slice3A_1150[0] : f32 from vector<1xf32>
          %mul3A_1152 = arith.constant 16 : i32
          %mul3A_1153 = arith.muli %scan3A_169, %mul3A_1152 : i32
          %add3A_1154 = arith.constant 14 : i32
          %add3A_1155 = arith.addi %mul3A_1153, %add3A_1154 : i32
          %get3A_1156 = arith.index_cast %add3A_1155 : i32 to index
          %get3A_1157 = arith.constant 0 : index
          %get3A_1158 = tpu.vector_load %arg10[%get3A_1156, %get3A_1157] {strides = array<i32>} : memref<128x64xi32, #tpu.memory_space<vmem>>, vector<16xi32>,
          %bitcast3A_1159 = vector.bitcast %get3A_1158 : vector<16xi32> to vector<32xbf16>
          %unpack3A_1160 = tpu.unpack_subelements %bitcast3A_1159, 0 {pack_format = #tpu.pack_format<interleaved>} : vector<32xbf16> -> vector<16xf32>
          %unpack3A_1161 = tpu.unpack_subelements %bitcast3A_1159, 1 {pack_format = #tpu.pack_format<interleaved>} : vector<32xbf16> -> vector<16xf32>
          %mul3A_1162 = vector.broadcast %squeeze3A_1151 : f32 to vector<16xf32>
          %mul3A_1163 = arith.mulf %unpack3A_1160, %mul3A_1162 : vector<16xf32>
          %swap3A_1164 = arith.index_cast %add3A_1155 : i32 to index
          %swap3A_1165 = arith.constant 0 : index
          %swap3A_1166 = tpu.vector_load %arg12[%swap3A_1164, %swap3A_1165] {strides = array<i32>} : memref<128x128xf32, #tpu.memory_space<vmem>>, vector<16xf32>,
          tpu.vector_store %arg12[%swap3A_1164, %swap3A_1165], %mul3A_1163 {strides = array<i32>} : memref<128x128xf32, #tpu.memory_space<vmem>>, vector<16xf32>,
          %mul3A_1167 = vector.broadcast %squeeze3A_1151 : f32 to vector<16xf32>
          %mul3A_1168 = arith.mulf %unpack3A_1161, %mul3A_1167 : vector<16xf32>
          %swap3A_1169 = arith.index_cast %add3A_1155 : i32 to index
          %swap3A_1170 = arith.constant 16 : index
          %swap3A_1171 = tpu.vector_load %arg12[%swap3A_1169, %swap3A_1170] {strides = array<i32>} : memref<128x128xf32, #tpu.memory_space<vmem>>, vector<16xf32>,
          tpu.vector_store %arg12[%swap3A_1169, %swap3A_1170], %mul3A_1168 {strides = array<i32>} : memref<128x128xf32, #tpu.memory_space<vmem>>, vector<16xf32>,
          %get3A_1172 = arith.index_cast %add3A_1155 : i32 to index
          %get3A_1173 = arith.constant 16 : index
          %get3A_1174 = tpu.vector_load %arg10[%get3A_1172, %get3A_1173] {strides = array<i32>} : memref<128x64xi32, #tpu.memory_space<vmem>>, vector<16xi32>,
          %bitcast3A_1175 = vector.bitcast %get3A_1174 : vector<16xi32> to vector<32xbf16>
          %unpack3A_1176 = tpu.unpack_subelements %bitcast3A_1175, 0 {pack_format = #tpu.pack_format<interleaved>} : vector<32xbf16> -> vector<16xf32>
          %unpack3A_1177 = tpu.unpack_subelements %bitcast3A_1175, 1 {pack_format = #tpu.pack_format<interleaved>} : vector<32xbf16> -> vector<16xf32>
          %mul3A_1178 = vector.broadcast %squeeze3A_1151 : f32 to vector<16xf32>
          %mul3A_1179 = arith.mulf %unpack3A_1176, %mul3A_1178 : vector<16xf32>
          %swap3A_1180 = arith.index_cast %add3A_1155 : i32 to index
          %swap3A_1181 = arith.constant 32 : index
          %swap3A_1182 = tpu.vector_load %arg12[%swap3A_1180, %swap3A_1181] {strides = array<i32>} : memref<128x128xf32, #tpu.memory_space<vmem>>, vector<16xf32>,
          tpu.vector_store %arg12[%swap3A_1180, %swap3A_1181], %mul3A_1179 {strides = array<i32>} : memref<128x128xf32, #tpu.memory_space<vmem>>, vector<16xf32>,
          %mul3A_1183 = vector.broadcast %squeeze3A_1151 : f32 to vector<16xf32>
          %mul3A_1184 = arith.mulf %unpack3A_1177, %mul3A_1183 : vector<16xf32>
          %swap3A_1185 = arith.index_cast %add3A_1155 : i32 to index
          %swap3A_1186 = arith.constant 48 : index
          %swap3A_1187 = tpu.vector_load %arg12[%swap3A_1185, %swap3A_1186] {strides = array<i32>} : memref<128x128xf32, #tpu.memory_space<vmem>>, vector<16xf32>,
          tpu.vector_store %arg12[%swap3A_1185, %swap3A_1186], %mul3A_1184 {strides = array<i32>} : memref<128x128xf32, #tpu.memory_space<vmem>>, vector<16xf32>,
          %get3A_1188 = arith.index_cast %add3A_1155 : i32 to index
          %get3A_1189 = arith.constant 32 : index
          %get3A_1190 = tpu.vector_load %arg10[%get3A_1188, %get3A_1189] {strides = array<i32>} : memref<128x64xi32, #tpu.memory_space<vmem>>, vector<16xi32>,
          %bitcast3A_1191 = vector.bitcast %get3A_1190 : vector<16xi32> to vector<32xbf16>
          %unpack3A_1192 = tpu.unpack_subelements %bitcast3A_1191, 0 {pack_format = #tpu.pack_format<interleaved>} : vector<32xbf16> -> vector<16xf32>
          %unpack3A_1193 = tpu.unpack_subelements %bitcast3A_1191, 1 {pack_format = #tpu.pack_format<interleaved>} : vector<32xbf16> -> vector<16xf32>
          %mul3A_1194 = vector.broadcast %squeeze3A_1151 : f32 to vector<16xf32>
          %mul3A_1195 = arith.mulf %unpack3A_1192, %mul3A_1194 : vector<16xf32>
          %swap3A_1196 = arith.index_cast %add3A_1155 : i32 to index
          %swap3A_1197 = arith.constant 64 : index
          %swap3A_1198 = tpu.vector_load %arg12[%swap3A_1196, %swap3A_1197] {strides = array<i32>} : memref<128x128xf32, #tpu.memory_space<vmem>>, vector<16xf32>,
          tpu.vector_store %arg12[%swap3A_1196, %swap3A_1197], %mul3A_1195 {strides = array<i32>} : memref<128x128xf32, #tpu.memory_space<vmem>>, vector<16xf32>,
          %mul3A_1199 = vector.broadcast %squeeze3A_1151 : f32 to vector<16xf32>
          %mul3A_1200 = arith.mulf %unpack3A_1193, %mul3A_1199 : vector<16xf32>
          %swap3A_1201 = arith.index_cast %add3A_1155 : i32 to index
          %swap3A_1202 = arith.constant 80 : index
          %swap3A_1203 = tpu.vector_load %arg12[%swap3A_1201, %swap3A_1202] {strides = array<i32>} : memref<128x128xf32, #tpu.memory_space<vmem>>, vector<16xf32>,
          tpu.vector_store %arg12[%swap3A_1201, %swap3A_1202], %mul3A_1200 {strides = array<i32>} : memref<128x128xf32, #tpu.memory_space<vmem>>, vector<16xf32>,
          %get3A_1204 = arith.index_cast %add3A_1155 : i32 to index
          %get3A_1205 = arith.constant 48 : index
          %get3A_1206 = tpu.vector_load %arg10[%get3A_1204, %get3A_1205] {strides = array<i32>} : memref<128x64xi32, #tpu.memory_space<vmem>>, vector<16xi32>,
          %bitcast3A_1207 = vector.bitcast %get3A_1206 : vector<16xi32> to vector<32xbf16>
          %unpack3A_1208 = tpu.unpack_subelements %bitcast3A_1207, 0 {pack_format = #tpu.pack_format<interleaved>} : vector<32xbf16> -> vector<16xf32>
          %unpack3A_1209 = tpu.unpack_subelements %bitcast3A_1207, 1 {pack_format = #tpu.pack_format<interleaved>} : vector<32xbf16> -> vector<16xf32>
          %mul3A_1210 = vector.broadcast %squeeze3A_1151 : f32 to vector<16xf32>
          %mul3A_1211 = arith.mulf %unpack3A_1208, %mul3A_1210 : vector<16xf32>
          %swap3A_1212 = arith.index_cast %add3A_1155 : i32 to index
          %swap3A_1213 = arith.constant 96 : index
          %swap3A_1214 = tpu.vector_load %arg12[%swap3A_1212, %swap3A_1213] {strides = array<i32>} : memref<128x128xf32, #tpu.memory_space<vmem>>, vector<16xf32>,
          tpu.vector_store %arg12[%swap3A_1212, %swap3A_1213], %mul3A_1211 {strides = array<i32>} : memref<128x128xf32, #tpu.memory_space<vmem>>, vector<16xf32>,
          %mul3A_1215 = vector.broadcast %squeeze3A_1151 : f32 to vector<16xf32>
          %mul3A_1216 = arith.mulf %unpack3A_1209, %mul3A_1215 : vector<16xf32>
          %swap3A_1217 = arith.index_cast %add3A_1155 : i32 to index
          %swap3A_1218 = arith.constant 112 : index
          %swap3A_1219 = tpu.vector_load %arg12[%swap3A_1217, %swap3A_1218] {strides = array<i32>} : memref<128x128xf32, #tpu.memory_space<vmem>>, vector<16xf32>,
          tpu.vector_store %arg12[%swap3A_1217, %swap3A_1218], %mul3A_1216 {strides = array<i32>} : memref<128x128xf32, #tpu.memory_space<vmem>>, vector<16xf32>,
          %slice3A_1220 = vector.extract_strided_slice %get3A_174 {offsets = [15], sizes = [1], strides = [1]} : vector<16xf32> to vector<1xf32>
          %squeeze3A_1221 = vector.extract %slice3A_1220[0] : f32 from vector<1xf32>
          %mul3A_1222 = arith.constant 16 : i32
          %mul3A_1223 = arith.muli %scan3A_169, %mul3A_1222 : i32
          %add3A_1224 = arith.constant 15 : i32
          %add3A_1225 = arith.addi %mul3A_1223, %add3A_1224 : i32
          %get3A_1226 = arith.index_cast %add3A_1225 : i32 to index
          %get3A_1227 = arith.constant 0 : index
          %get3A_1228 = tpu.vector_load %arg10[%get3A_1226, %get3A_1227] {strides = array<i32>} : memref<128x64xi32, #tpu.memory_space<vmem>>, vector<16xi32>,
          %bitcast3A_1229 = vector.bitcast %get3A_1228 : vector<16xi32> to vector<32xbf16>
          %unpack3A_1230 = tpu.unpack_subelements %bitcast3A_1229, 0 {pack_format = #tpu.pack_format<interleaved>} : vector<32xbf16> -> vector<16xf32>
          %unpack3A_1231 = tpu.unpack_subelements %bitcast3A_1229, 1 {pack_format = #tpu.pack_format<interleaved>} : vector<32xbf16> -> vector<16xf32>
          %mul3A_1232 = vector.broadcast %squeeze3A_1221 : f32 to vector<16xf32>
          %mul3A_1233 = arith.mulf %unpack3A_1230, %mul3A_1232 : vector<16xf32>
          %swap3A_1234 = arith.index_cast %add3A_1225 : i32 to index
          %swap3A_1235 = arith.constant 0 : index
          %swap3A_1236 = tpu.vector_load %arg12[%swap3A_1234, %swap3A_1235] {strides = array<i32>} : memref<128x128xf32, #tpu.memory_space<vmem>>, vector<16xf32>,
          tpu.vector_store %arg12[%swap3A_1234, %swap3A_1235], %mul3A_1233 {strides = array<i32>} : memref<128x128xf32, #tpu.memory_space<vmem>>, vector<16xf32>,
          %mul3A_1237 = vector.broadcast %squeeze3A_1221 : f32 to vector<16xf32>
          %mul3A_1238 = arith.mulf %unpack3A_1231, %mul3A_1237 : vector<16xf32>
          %swap3A_1239 = arith.index_cast %add3A_1225 : i32 to index
          %swap3A_1240 = arith.constant 16 : index
          %swap3A_1241 = tpu.vector_load %arg12[%swap3A_1239, %swap3A_1240] {strides = array<i32>} : memref<128x128xf32, #tpu.memory_space<vmem>>, vector<16xf32>,
          tpu.vector_store %arg12[%swap3A_1239, %swap3A_1240], %mul3A_1238 {strides = array<i32>} : memref<128x128xf32, #tpu.memory_space<vmem>>, vector<16xf32>,
          %get3A_1242 = arith.index_cast %add3A_1225 : i32 to index
          %get3A_1243 = arith.constant 16 : index
          %get3A_1244 = tpu.vector_load %arg10[%get3A_1242, %get3A_1243] {strides = array<i32>} : memref<128x64xi32, #tpu.memory_space<vmem>>, vector<16xi32>,
          %bitcast3A_1245 = vector.bitcast %get3A_1244 : vector<16xi32> to vector<32xbf16>
          %unpack3A_1246 = tpu.unpack_subelements %bitcast3A_1245, 0 {pack_format = #tpu.pack_format<interleaved>} : vector<32xbf16> -> vector<16xf32>
          %unpack3A_1247 = tpu.unpack_subelements %bitcast3A_1245, 1 {pack_format = #tpu.pack_format<interleaved>} : vector<32xbf16> -> vector<16xf32>
          %mul3A_1248 = vector.broadcast %squeeze3A_1221 : f32 to vector<16xf32>
          %mul3A_1249 = arith.mulf %unpack3A_1246, %mul3A_1248 : vector<16xf32>
          %swap3A_1250 = arith.index_cast %add3A_1225 : i32 to index
          %swap3A_1251 = arith.constant 32 : index
          %swap3A_1252 = tpu.vector_load %arg12[%swap3A_1250, %swap3A_1251] {strides = array<i32>} : memref<128x128xf32, #tpu.memory_space<vmem>>, vector<16xf32>,
          tpu.vector_store %arg12[%swap3A_1250, %swap3A_1251], %mul3A_1249 {strides = array<i32>} : memref<128x128xf32, #tpu.memory_space<vmem>>, vector<16xf32>,
          %mul3A_1253 = vector.broadcast %squeeze3A_1221 : f32 to vector<16xf32>
          %mul3A_1254 = arith.mulf %unpack3A_1247, %mul3A_1253 : vector<16xf32>
          %swap3A_1255 = arith.index_cast %add3A_1225 : i32 to index
          %swap3A_1256 = arith.constant 48 : index
          %swap3A_1257 = tpu.vector_load %arg12[%swap3A_1255, %swap3A_1256] {strides = array<i32>} : memref<128x128xf32, #tpu.memory_space<vmem>>, vector<16xf32>,
          tpu.vector_store %arg12[%swap3A_1255, %swap3A_1256], %mul3A_1254 {strides = array<i32>} : memref<128x128xf32, #tpu.memory_space<vmem>>, vector<16xf32>,
          %get3A_1258 = arith.index_cast %add3A_1225 : i32 to index
          %get3A_1259 = arith.constant 32 : index
          %get3A_1260 = tpu.vector_load %arg10[%get3A_1258, %get3A_1259] {strides = array<i32>} : memref<128x64xi32, #tpu.memory_space<vmem>>, vector<16xi32>,
          %bitcast3A_1261 = vector.bitcast %get3A_1260 : vector<16xi32> to vector<32xbf16>
          %unpack3A_1262 = tpu.unpack_subelements %bitcast3A_1261, 0 {pack_format = #tpu.pack_format<interleaved>} : vector<32xbf16> -> vector<16xf32>
          %unpack3A_1263 = tpu.unpack_subelements %bitcast3A_1261, 1 {pack_format = #tpu.pack_format<interleaved>} : vector<32xbf16> -> vector<16xf32>
          %mul3A_1264 = vector.broadcast %squeeze3A_1221 : f32 to vector<16xf32>
          %mul3A_1265 = arith.mulf %unpack3A_1262, %mul3A_1264 : vector<16xf32>
          %swap3A_1266 = arith.index_cast %add3A_1225 : i32 to index
          %swap3A_1267 = arith.constant 64 : index
          %swap3A_1268 = tpu.vector_load %arg12[%swap3A_1266, %swap3A_1267] {strides = array<i32>} : memref<128x128xf32, #tpu.memory_space<vmem>>, vector<16xf32>,
          tpu.vector_store %arg12[%swap3A_1266, %swap3A_1267], %mul3A_1265 {strides = array<i32>} : memref<128x128xf32, #tpu.memory_space<vmem>>, vector<16xf32>,
          %mul3A_1269 = vector.broadcast %squeeze3A_1221 : f32 to vector<16xf32>
          %mul3A_1270 = arith.mulf %unpack3A_1263, %mul3A_1269 : vector<16xf32>
          %swap3A_1271 = arith.index_cast %add3A_1225 : i32 to index
          %swap3A_1272 = arith.constant 80 : index
          %swap3A_1273 = tpu.vector_load %arg12[%swap3A_1271, %swap3A_1272] {strides = array<i32>} : memref<128x128xf32, #tpu.memory_space<vmem>>, vector<16xf32>,
          tpu.vector_store %arg12[%swap3A_1271, %swap3A_1272], %mul3A_1270 {strides = array<i32>} : memref<128x128xf32, #tpu.memory_space<vmem>>, vector<16xf32>,
          %get3A_1274 = arith.index_cast %add3A_1225 : i32 to index
          %get3A_1275 = arith.constant 48 : index
          %get3A_1276 = tpu.vector_load %arg10[%get3A_1274, %get3A_1275] {strides = array<i32>} : memref<128x64xi32, #tpu.memory_space<vmem>>, vector<16xi32>,
          %bitcast3A_1277 = vector.bitcast %get3A_1276 : vector<16xi32> to vector<32xbf16>
          %unpack3A_1278 = tpu.unpack_subelements %bitcast3A_1277, 0 {pack_format = #tpu.pack_format<interleaved>} : vector<32xbf16> -> vector<16xf32>
          %unpack3A_1279 = tpu.unpack_subelements %bitcast3A_1277, 1 {pack_format = #tpu.pack_format<interleaved>} : vector<32xbf16> -> vector<16xf32>
          %mul3A_1280 = vector.broadcast %squeeze3A_1221 : f32 to vector<16xf32>
          %mul3A_1281 = arith.mulf %unpack3A_1278, %mul3A_1280 : vector<16xf32>
          %swap3A_1282 = arith.index_cast %add3A_1225 : i32 to index
          %swap3A_1283 = arith.constant 96 : index
          %swap3A_1284 = tpu.vector_load %arg12[%swap3A_1282, %swap3A_1283] {strides = array<i32>} : memref<128x128xf32, #tpu.memory_space<vmem>>, vector<16xf32>,
          tpu.vector_store %arg12[%swap3A_1282, %swap3A_1283], %mul3A_1281 {strides = array<i32>} : memref<128x128xf32, #tpu.memory_space<vmem>>, vector<16xf32>,
          %mul3A_1285 = vector.broadcast %squeeze3A_1221 : f32 to vector<16xf32>
          %mul3A_1286 = arith.mulf %unpack3A_1279, %mul3A_1285 : vector<16xf32>
          %swap3A_1287 = arith.index_cast %add3A_1225 : i32 to index
          %swap3A_1288 = arith.constant 112 : index
          %swap3A_1289 = tpu.vector_load %arg12[%swap3A_1287, %swap3A_1288] {strides = array<i32>} : memref<128x128xf32, #tpu.memory_space<vmem>>, vector<16xf32>,
          tpu.vector_store %arg12[%swap3A_1287, %swap3A_1288], %mul3A_1286 {strides = array<i32>} : memref<128x128xf32, #tpu.memory_space<vmem>>, vector<16xf32>,
          %scan3A_1290 = arith.constant 0 : i32
          scf.yield %scan3A_1290 : i32
        }
        %scan3A_141 = arith.constant 8 : i32
        %mul3A_142 = arith.constant 2 : i32
        %mul3A_143 = arith.muli %mul3A_142, %scan3A_115 : i32
        "tpu.region"() ({
          %run_scoped3A = tpu.sem_alloc : memref<!tpu.dma_semaphore, #tpu.memory_space<semaphore_mem>>
          %dma_start3A_169 = arith.constant 0 : i32
          %dma_start3A_170 = tpu.memref_slice %arg8[%mul3A_143, %dma_start3A_169] : memref<16x128xi32, #tpu.memory_space<vmem>> -> memref<1x128xi32, #tpu.memory_space<vmem>>
          %dma_start3A_171 = tpu.memref_squeeze %dma_start3A_170 : memref<1x128xi32, #tpu.memory_space<vmem>> -> memref<128xi32, #tpu.memory_space<vmem>>
          %dma_start3A_172 = arith.constant 0 : i32
          %dma_start3A_173 = arith.constant 0 : i32
          %dma_start3A_174 = tpu.memref_slice %arg13[%dma_start3A_172, %dma_start3A_173] : memref<10240x128xf32, #tpu.memory_space<vmem_shared>> -> memref<10240x128xf32, #tpu.memory_space<vmem_shared>>
          tpu.enqueue_indirect_dma source(%arg12 : memref<128x128xf32, #tpu.memory_space<vmem>>) target(%dma_start3A_174 : memref<10240x128xf32, #tpu.memory_space<vmem_shared>>) offsets(%dma_start3A_171 : memref<128xi32, #tpu.memory_space<vmem>>) semaphore(%run_scoped3A : memref<!tpu.dma_semaphore, #tpu.memory_space<semaphore_mem>>) {add = true}
          %dma_wait3A_175 = arith.constant 0 : i32
          %dma_wait3A_176 = tpu.memref_slice %arg8[%mul3A_143, %dma_wait3A_175] : memref<16x128xi32, #tpu.memory_space<vmem>> -> memref<1x128xi32, #tpu.memory_space<vmem>>
          %dma_wait3A_177 = tpu.memref_squeeze %dma_wait3A_176 : memref<1x128xi32, #tpu.memory_space<vmem>> -> memref<128xi32, #tpu.memory_space<vmem>>
          %dma_wait3A_178 = arith.constant 0 : i32
          %dma_wait3A_179 = arith.constant 0 : i32
          %dma_wait3A_180 = tpu.memref_slice %arg13[%dma_wait3A_178, %dma_wait3A_179] : memref<10240x128xf32, #tpu.memory_space<vmem_shared>> -> memref<10240x128xf32, #tpu.memory_space<vmem_shared>>
          tpu.wait_indirect_dma semaphore(%run_scoped3A : memref<!tpu.dma_semaphore, #tpu.memory_space<semaphore_mem>>) src(%arg12 : memref<128x128xf32, #tpu.memory_space<vmem>>) dst(%dma_wait3A_180 : memref<10240x128xf32, #tpu.memory_space<vmem_shared>>)
          tpu.yield
        }) : () -> ()
        %dma_wait3A_144 = arith.constant 0 : i32
        %dma_wait3A_145 = arith.constant 0 : i32
        %dma_wait3A_146 = tpu.memref_slice %arg7[%dma_wait3A_144, %dma_wait3A_145] : memref<16x128xi32, #tpu.memory_space<vmem>> -> memref<1x128xi32, #tpu.memory_space<vmem>>
        %dma_wait3A_147 = tpu.memref_squeeze %dma_wait3A_146 : memref<1x128xi32, #tpu.memory_space<vmem>> -> memref<128xi32, #tpu.memory_space<vmem>>
        %dma_wait3A_148 = arith.constant 0 : i32
        %dma_wait3A_149 = arith.constant 0 : i32
        %dma_wait3A_150 = tpu.memref_slice %arg5[%dma_wait3A_148, %dma_wait3A_149] : memref<20480x64xi32, #tpu.memory_space<hbm>> -> memref<20480x64xi32, #tpu.memory_space<hbm>>
        tpu.wait_indirect_dma semaphore(%arg15 : memref<!tpu.dma_semaphore, #tpu.memory_space<semaphore_mem>>) src(%dma_wait3A_150 : memref<20480x64xi32, #tpu.memory_space<hbm>>) dst(%arg11 : memref<128x64xi32, #tpu.memory_space<vmem>>)
        %lt3A = arith.constant 7 : i32
        %lt3A_151 = arith.cmpi slt, %scan3A_115, %lt3A : i32
        %convert_element_type3A = arith.extui %lt3A_151 : i1 to i32
        %cond3A = arith.constant 0 : i32
        %cond3A_152 = arith.cmpi ne, %convert_element_type3A, %cond3A : i32
        scf.if %cond3A_152 {
          %mul3A_169 = arith.constant 2 : i32
          %mul3A_170 = arith.muli %mul3A_169, %scan3A_115 : i32
          %add3A_171 = arith.constant 2 : i32
          %add3A_172 = arith.addi %mul3A_170, %add3A_171 : i32
          %dma_start3A_173 = arith.constant 0 : i32
          %dma_start3A_174 = tpu.memref_slice %arg7[%add3A_172, %dma_start3A_173] : memref<16x128xi32, #tpu.memory_space<vmem>> -> memref<1x128xi32, #tpu.memory_space<vmem>>
          %dma_start3A_175 = tpu.memref_squeeze %dma_start3A_174 : memref<1x128xi32, #tpu.memory_space<vmem>> -> memref<128xi32, #tpu.memory_space<vmem>>
          %dma_start3A_176 = arith.constant 0 : i32
          %dma_start3A_177 = arith.constant 0 : i32
          %dma_start3A_178 = tpu.memref_slice %arg5[%dma_start3A_176, %dma_start3A_177] : memref<20480x64xi32, #tpu.memory_space<hbm>> -> memref<20480x64xi32, #tpu.memory_space<hbm>>
          tpu.enqueue_indirect_dma source(%dma_start3A_178 : memref<20480x64xi32, #tpu.memory_space<hbm>>) target(%arg10 : memref<128x64xi32, #tpu.memory_space<vmem>>) offsets(%dma_start3A_175 : memref<128xi32, #tpu.memory_space<vmem>>) semaphore(%arg14 : memref<!tpu.dma_semaphore, #tpu.memory_space<semaphore_mem>>)
        } else {
        }
        %mul3A_153 = arith.constant 2 : i32
        %mul3A_154 = arith.muli %mul3A_153, %scan3A_115 : i32
        %add3A_155 = arith.constant 1 : i32
        %add3A_156 = arith.addi %mul3A_154, %add3A_155 : i32
        %scan3A_157 = arith.constant 0 : i32
        %scan3A_158 = arith.constant 0 : i32
        %scan3A_159 = arith.constant 8 : i32
        %scan3A_160 = arith.addi %scan3A_158, %scan3A_159 : i32
        %scan3A_161 = arith.constant 1 : i32
        %scan3A_162 = scf.for %scan3A_169 = %scan3A_158 to %scan3A_160 step %scan3A_161 iter_args(%scan3A_170 = %scan3A_157) -> (i32)  : i32 {
          %mul3A_171 = arith.constant 16 : i32
          %mul3A_172 = arith.muli %scan3A_169, %mul3A_171 : i32
          %get3A = arith.index_cast %add3A_156 : i32 to index
          %get3A_173 = arith.index_cast %mul3A_172 : i32 to index
          %get3A_174 = tpu.vector_load %arg9[%get3A, %get3A_173] {strides = array<i32>} : memref<16x128xf32, #tpu.memory_space<vmem>>, vector<16xf32>,
          %slice3A = vector.extract_strided_slice %get3A_174 {offsets = [0], sizes = [1], strides = [1]} : vector<16xf32> to vector<1xf32>
          %squeeze3A = vector.extract %slice3A[0] : f32 from vector<1xf32>
          %mul3A_175 = arith.constant 16 : i32
          %mul3A_176 = arith.muli %scan3A_169, %mul3A_175 : i32
          %add3A_177 = arith.constant 0 : i32
          %add3A_178 = arith.addi %mul3A_176, %add3A_177 : i32
          %get3A_179 = arith.index_cast %add3A_178 : i32 to index
          %get3A_180 = arith.constant 0 : index
          %get3A_181 = tpu.vector_load %arg11[%get3A_179, %get3A_180] {strides = array<i32>} : memref<128x64xi32, #tpu.memory_space<vmem>>, vector<16xi32>,
          %bitcast3A = vector.bitcast %get3A_181 : vector<16xi32> to vector<32xbf16>
          %unpack3A = tpu.unpack_subelements %bitcast3A, 0 {pack_format = #tpu.pack_format<interleaved>} : vector<32xbf16> -> vector<16xf32>
          %unpack3A_182 = tpu.unpack_subelements %bitcast3A, 1 {pack_format = #tpu.pack_format<interleaved>} : vector<32xbf16> -> vector<16xf32>
          %mul3A_183 = vector.broadcast %squeeze3A : f32 to vector<16xf32>
          %mul3A_184 = arith.mulf %unpack3A, %mul3A_183 : vector<16xf32>
          %swap3A = arith.index_cast %add3A_178 : i32 to index
          %swap3A_185 = arith.constant 0 : index
          %swap3A_186 = tpu.vector_load %arg12[%swap3A, %swap3A_185] {strides = array<i32>} : memref<128x128xf32, #tpu.memory_space<vmem>>, vector<16xf32>,
          tpu.vector_store %arg12[%swap3A, %swap3A_185], %mul3A_184 {strides = array<i32>} : memref<128x128xf32, #tpu.memory_space<vmem>>, vector<16xf32>,
          %mul3A_187 = vector.broadcast %squeeze3A : f32 to vector<16xf32>
          %mul3A_188 = arith.mulf %unpack3A_182, %mul3A_187 : vector<16xf32>
          %swap3A_189 = arith.index_cast %add3A_178 : i32 to index
          %swap3A_190 = arith.constant 16 : index
          %swap3A_191 = tpu.vector_load %arg12[%swap3A_189, %swap3A_190] {strides = array<i32>} : memref<128x128xf32, #tpu.memory_space<vmem>>, vector<16xf32>,
          tpu.vector_store %arg12[%swap3A_189, %swap3A_190], %mul3A_188 {strides = array<i32>} : memref<128x128xf32, #tpu.memory_space<vmem>>, vector<16xf32>,
          %get3A_192 = arith.index_cast %add3A_178 : i32 to index
          %get3A_193 = arith.constant 16 : index
          %get3A_194 = tpu.vector_load %arg11[%get3A_192, %get3A_193] {strides = array<i32>} : memref<128x64xi32, #tpu.memory_space<vmem>>, vector<16xi32>,
          %bitcast3A_195 = vector.bitcast %get3A_194 : vector<16xi32> to vector<32xbf16>
          %unpack3A_196 = tpu.unpack_subelements %bitcast3A_195, 0 {pack_format = #tpu.pack_format<interleaved>} : vector<32xbf16> -> vector<16xf32>
          %unpack3A_197 = tpu.unpack_subelements %bitcast3A_195, 1 {pack_format = #tpu.pack_format<interleaved>} : vector<32xbf16> -> vector<16xf32>
          %mul3A_198 = vector.broadcast %squeeze3A : f32 to vector<16xf32>
          %mul3A_199 = arith.mulf %unpack3A_196, %mul3A_198 : vector<16xf32>
          %swap3A_200 = arith.index_cast %add3A_178 : i32 to index
          %swap3A_201 = arith.constant 32 : index
          %swap3A_202 = tpu.vector_load %arg12[%swap3A_200, %swap3A_201] {strides = array<i32>} : memref<128x128xf32, #tpu.memory_space<vmem>>, vector<16xf32>,
          tpu.vector_store %arg12[%swap3A_200, %swap3A_201], %mul3A_199 {strides = array<i32>} : memref<128x128xf32, #tpu.memory_space<vmem>>, vector<16xf32>,
          %mul3A_203 = vector.broadcast %squeeze3A : f32 to vector<16xf32>
          %mul3A_204 = arith.mulf %unpack3A_197, %mul3A_203 : vector<16xf32>
          %swap3A_205 = arith.index_cast %add3A_178 : i32 to index
          %swap3A_206 = arith.constant 48 : index
          %swap3A_207 = tpu.vector_load %arg12[%swap3A_205, %swap3A_206] {strides = array<i32>} : memref<128x128xf32, #tpu.memory_space<vmem>>, vector<16xf32>,
          tpu.vector_store %arg12[%swap3A_205, %swap3A_206], %mul3A_204 {strides = array<i32>} : memref<128x128xf32, #tpu.memory_space<vmem>>, vector<16xf32>,
          %get3A_208 = arith.index_cast %add3A_178 : i32 to index
          %get3A_209 = arith.constant 32 : index
          %get3A_210 = tpu.vector_load %arg11[%get3A_208, %get3A_209] {strides = array<i32>} : memref<128x64xi32, #tpu.memory_space<vmem>>, vector<16xi32>,
          %bitcast3A_211 = vector.bitcast %get3A_210 : vector<16xi32> to vector<32xbf16>
          %unpack3A_212 = tpu.unpack_subelements %bitcast3A_211, 0 {pack_format = #tpu.pack_format<interleaved>} : vector<32xbf16> -> vector<16xf32>
          %unpack3A_213 = tpu.unpack_subelements %bitcast3A_211, 1 {pack_format = #tpu.pack_format<interleaved>} : vector<32xbf16> -> vector<16xf32>
          %mul3A_214 = vector.broadcast %squeeze3A : f32 to vector<16xf32>
          %mul3A_215 = arith.mulf %unpack3A_212, %mul3A_214 : vector<16xf32>
          %swap3A_216 = arith.index_cast %add3A_178 : i32 to index
          %swap3A_217 = arith.constant 64 : index
          %swap3A_218 = tpu.vector_load %arg12[%swap3A_216, %swap3A_217] {strides = array<i32>} : memref<128x128xf32, #tpu.memory_space<vmem>>, vector<16xf32>,
          tpu.vector_store %arg12[%swap3A_216, %swap3A_217], %mul3A_215 {strides = array<i32>} : memref<128x128xf32, #tpu.memory_space<vmem>>, vector<16xf32>,
          %mul3A_219 = vector.broadcast %squeeze3A : f32 to vector<16xf32>
          %mul3A_220 = arith.mulf %unpack3A_213, %mul3A_219 : vector<16xf32>
          %swap3A_221 = arith.index_cast %add3A_178 : i32 to index
          %swap3A_222 = arith.constant 80 : index
          %swap3A_223 = tpu.vector_load %arg12[%swap3A_221, %swap3A_222] {strides = array<i32>} : memref<128x128xf32, #tpu.memory_space<vmem>>, vector<16xf32>,
          tpu.vector_store %arg12[%swap3A_221, %swap3A_222], %mul3A_220 {strides = array<i32>} : memref<128x128xf32, #tpu.memory_space<vmem>>, vector<16xf32>,
          %get3A_224 = arith.index_cast %add3A_178 : i32 to index
          %get3A_225 = arith.constant 48 : index
          %get3A_226 = tpu.vector_load %arg11[%get3A_224, %get3A_225] {strides = array<i32>} : memref<128x64xi32, #tpu.memory_space<vmem>>, vector<16xi32>,
          %bitcast3A_227 = vector.bitcast %get3A_226 : vector<16xi32> to vector<32xbf16>
          %unpack3A_228 = tpu.unpack_subelements %bitcast3A_227, 0 {pack_format = #tpu.pack_format<interleaved>} : vector<32xbf16> -> vector<16xf32>
          %unpack3A_229 = tpu.unpack_subelements %bitcast3A_227, 1 {pack_format = #tpu.pack_format<interleaved>} : vector<32xbf16> -> vector<16xf32>
          %mul3A_230 = vector.broadcast %squeeze3A : f32 to vector<16xf32>
          %mul3A_231 = arith.mulf %unpack3A_228, %mul3A_230 : vector<16xf32>
          %swap3A_232 = arith.index_cast %add3A_178 : i32 to index
          %swap3A_233 = arith.constant 96 : index
          %swap3A_234 = tpu.vector_load %arg12[%swap3A_232, %swap3A_233] {strides = array<i32>} : memref<128x128xf32, #tpu.memory_space<vmem>>, vector<16xf32>,
          tpu.vector_store %arg12[%swap3A_232, %swap3A_233], %mul3A_231 {strides = array<i32>} : memref<128x128xf32, #tpu.memory_space<vmem>>, vector<16xf32>,
          %mul3A_235 = vector.broadcast %squeeze3A : f32 to vector<16xf32>
          %mul3A_236 = arith.mulf %unpack3A_229, %mul3A_235 : vector<16xf32>
          %swap3A_237 = arith.index_cast %add3A_178 : i32 to index
          %swap3A_238 = arith.constant 112 : index
          %swap3A_239 = tpu.vector_load %arg12[%swap3A_237, %swap3A_238] {strides = array<i32>} : memref<128x128xf32, #tpu.memory_space<vmem>>, vector<16xf32>,
          tpu.vector_store %arg12[%swap3A_237, %swap3A_238], %mul3A_236 {strides = array<i32>} : memref<128x128xf32, #tpu.memory_space<vmem>>, vector<16xf32>,
          %slice3A_240 = vector.extract_strided_slice %get3A_174 {offsets = [1], sizes = [1], strides = [1]} : vector<16xf32> to vector<1xf32>
          %squeeze3A_241 = vector.extract %slice3A_240[0] : f32 from vector<1xf32>
          %mul3A_242 = arith.constant 16 : i32
          %mul3A_243 = arith.muli %scan3A_169, %mul3A_242 : i32
          %add3A_244 = arith.constant 1 : i32
          %add3A_245 = arith.addi %mul3A_243, %add3A_244 : i32
          %get3A_246 = arith.index_cast %add3A_245 : i32 to index
          %get3A_247 = arith.constant 0 : index
          %get3A_248 = tpu.vector_load %arg11[%get3A_246, %get3A_247] {strides = array<i32>} : memref<128x64xi32, #tpu.memory_space<vmem>>, vector<16xi32>,
          %bitcast3A_249 = vector.bitcast %get3A_248 : vector<16xi32> to vector<32xbf16>
          %unpack3A_250 = tpu.unpack_subelements %bitcast3A_249, 0 {pack_format = #tpu.pack_format<interleaved>} : vector<32xbf16> -> vector<16xf32>
          %unpack3A_251 = tpu.unpack_subelements %bitcast3A_249, 1 {pack_format = #tpu.pack_format<interleaved>} : vector<32xbf16> -> vector<16xf32>
          %mul3A_252 = vector.broadcast %squeeze3A_241 : f32 to vector<16xf32>
          %mul3A_253 = arith.mulf %unpack3A_250, %mul3A_252 : vector<16xf32>
          %swap3A_254 = arith.index_cast %add3A_245 : i32 to index
          %swap3A_255 = arith.constant 0 : index
          %swap3A_256 = tpu.vector_load %arg12[%swap3A_254, %swap3A_255] {strides = array<i32>} : memref<128x128xf32, #tpu.memory_space<vmem>>, vector<16xf32>,
          tpu.vector_store %arg12[%swap3A_254, %swap3A_255], %mul3A_253 {strides = array<i32>} : memref<128x128xf32, #tpu.memory_space<vmem>>, vector<16xf32>,
          %mul3A_257 = vector.broadcast %squeeze3A_241 : f32 to vector<16xf32>
          %mul3A_258 = arith.mulf %unpack3A_251, %mul3A_257 : vector<16xf32>
          %swap3A_259 = arith.index_cast %add3A_245 : i32 to index
          %swap3A_260 = arith.constant 16 : index
          %swap3A_261 = tpu.vector_load %arg12[%swap3A_259, %swap3A_260] {strides = array<i32>} : memref<128x128xf32, #tpu.memory_space<vmem>>, vector<16xf32>,
          tpu.vector_store %arg12[%swap3A_259, %swap3A_260], %mul3A_258 {strides = array<i32>} : memref<128x128xf32, #tpu.memory_space<vmem>>, vector<16xf32>,
          %get3A_262 = arith.index_cast %add3A_245 : i32 to index
          %get3A_263 = arith.constant 16 : index
          %get3A_264 = tpu.vector_load %arg11[%get3A_262, %get3A_263] {strides = array<i32>} : memref<128x64xi32, #tpu.memory_space<vmem>>, vector<16xi32>,
          %bitcast3A_265 = vector.bitcast %get3A_264 : vector<16xi32> to vector<32xbf16>
          %unpack3A_266 = tpu.unpack_subelements %bitcast3A_265, 0 {pack_format = #tpu.pack_format<interleaved>} : vector<32xbf16> -> vector<16xf32>
          %unpack3A_267 = tpu.unpack_subelements %bitcast3A_265, 1 {pack_format = #tpu.pack_format<interleaved>} : vector<32xbf16> -> vector<16xf32>
          %mul3A_268 = vector.broadcast %squeeze3A_241 : f32 to vector<16xf32>
          %mul3A_269 = arith.mulf %unpack3A_266, %mul3A_268 : vector<16xf32>
          %swap3A_270 = arith.index_cast %add3A_245 : i32 to index
          %swap3A_271 = arith.constant 32 : index
          %swap3A_272 = tpu.vector_load %arg12[%swap3A_270, %swap3A_271] {strides = array<i32>} : memref<128x128xf32, #tpu.memory_space<vmem>>, vector<16xf32>,
          tpu.vector_store %arg12[%swap3A_270, %swap3A_271], %mul3A_269 {strides = array<i32>} : memref<128x128xf32, #tpu.memory_space<vmem>>, vector<16xf32>,
          %mul3A_273 = vector.broadcast %squeeze3A_241 : f32 to vector<16xf32>
          %mul3A_274 = arith.mulf %unpack3A_267, %mul3A_273 : vector<16xf32>
          %swap3A_275 = arith.index_cast %add3A_245 : i32 to index
          %swap3A_276 = arith.constant 48 : index
          %swap3A_277 = tpu.vector_load %arg12[%swap3A_275, %swap3A_276] {strides = array<i32>} : memref<128x128xf32, #tpu.memory_space<vmem>>, vector<16xf32>,
          tpu.vector_store %arg12[%swap3A_275, %swap3A_276], %mul3A_274 {strides = array<i32>} : memref<128x128xf32, #tpu.memory_space<vmem>>, vector<16xf32>,
          %get3A_278 = arith.index_cast %add3A_245 : i32 to index
          %get3A_279 = arith.constant 32 : index
          %get3A_280 = tpu.vector_load %arg11[%get3A_278, %get3A_279] {strides = array<i32>} : memref<128x64xi32, #tpu.memory_space<vmem>>, vector<16xi32>,
          %bitcast3A_281 = vector.bitcast %get3A_280 : vector<16xi32> to vector<32xbf16>
          %unpack3A_282 = tpu.unpack_subelements %bitcast3A_281, 0 {pack_format = #tpu.pack_format<interleaved>} : vector<32xbf16> -> vector<16xf32>
          %unpack3A_283 = tpu.unpack_subelements %bitcast3A_281, 1 {pack_format = #tpu.pack_format<interleaved>} : vector<32xbf16> -> vector<16xf32>
          %mul3A_284 = vector.broadcast %squeeze3A_241 : f32 to vector<16xf32>
          %mul3A_285 = arith.mulf %unpack3A_282, %mul3A_284 : vector<16xf32>
          %swap3A_286 = arith.index_cast %add3A_245 : i32 to index
          %swap3A_287 = arith.constant 64 : index
          %swap3A_288 = tpu.vector_load %arg12[%swap3A_286, %swap3A_287] {strides = array<i32>} : memref<128x128xf32, #tpu.memory_space<vmem>>, vector<16xf32>,
          tpu.vector_store %arg12[%swap3A_286, %swap3A_287], %mul3A_285 {strides = array<i32>} : memref<128x128xf32, #tpu.memory_space<vmem>>, vector<16xf32>,
          %mul3A_289 = vector.broadcast %squeeze3A_241 : f32 to vector<16xf32>
          %mul3A_290 = arith.mulf %unpack3A_283, %mul3A_289 : vector<16xf32>
          %swap3A_291 = arith.index_cast %add3A_245 : i32 to index
          %swap3A_292 = arith.constant 80 : index
          %swap3A_293 = tpu.vector_load %arg12[%swap3A_291, %swap3A_292] {strides = array<i32>} : memref<128x128xf32, #tpu.memory_space<vmem>>, vector<16xf32>,
          tpu.vector_store %arg12[%swap3A_291, %swap3A_292], %mul3A_290 {strides = array<i32>} : memref<128x128xf32, #tpu.memory_space<vmem>>, vector<16xf32>,
          %get3A_294 = arith.index_cast %add3A_245 : i32 to index
          %get3A_295 = arith.constant 48 : index
          %get3A_296 = tpu.vector_load %arg11[%get3A_294, %get3A_295] {strides = array<i32>} : memref<128x64xi32, #tpu.memory_space<vmem>>, vector<16xi32>,
          %bitcast3A_297 = vector.bitcast %get3A_296 : vector<16xi32> to vector<32xbf16>
          %unpack3A_298 = tpu.unpack_subelements %bitcast3A_297, 0 {pack_format = #tpu.pack_format<interleaved>} : vector<32xbf16> -> vector<16xf32>
          %unpack3A_299 = tpu.unpack_subelements %bitcast3A_297, 1 {pack_format = #tpu.pack_format<interleaved>} : vector<32xbf16> -> vector<16xf32>
          %mul3A_300 = vector.broadcast %squeeze3A_241 : f32 to vector<16xf32>
          %mul3A_301 = arith.mulf %unpack3A_298, %mul3A_300 : vector<16xf32>
          %swap3A_302 = arith.index_cast %add3A_245 : i32 to index
          %swap3A_303 = arith.constant 96 : index
          %swap3A_304 = tpu.vector_load %arg12[%swap3A_302, %swap3A_303] {strides = array<i32>} : memref<128x128xf32, #tpu.memory_space<vmem>>, vector<16xf32>,
          tpu.vector_store %arg12[%swap3A_302, %swap3A_303], %mul3A_301 {strides = array<i32>} : memref<128x128xf32, #tpu.memory_space<vmem>>, vector<16xf32>,
          %mul3A_305 = vector.broadcast %squeeze3A_241 : f32 to vector<16xf32>
          %mul3A_306 = arith.mulf %unpack3A_299, %mul3A_305 : vector<16xf32>
          %swap3A_307 = arith.index_cast %add3A_245 : i32 to index
          %swap3A_308 = arith.constant 112 : index
          %swap3A_309 = tpu.vector_load %arg12[%swap3A_307, %swap3A_308] {strides = array<i32>} : memref<128x128xf32, #tpu.memory_space<vmem>>, vector<16xf32>,
          tpu.vector_store %arg12[%swap3A_307, %swap3A_308], %mul3A_306 {strides = array<i32>} : memref<128x128xf32, #tpu.memory_space<vmem>>, vector<16xf32>,
          %slice3A_310 = vector.extract_strided_slice %get3A_174 {offsets = [2], sizes = [1], strides = [1]} : vector<16xf32> to vector<1xf32>
          %squeeze3A_311 = vector.extract %slice3A_310[0] : f32 from vector<1xf32>
          %mul3A_312 = arith.constant 16 : i32
          %mul3A_313 = arith.muli %scan3A_169, %mul3A_312 : i32
          %add3A_314 = arith.constant 2 : i32
          %add3A_315 = arith.addi %mul3A_313, %add3A_314 : i32
          %get3A_316 = arith.index_cast %add3A_315 : i32 to index
          %get3A_317 = arith.constant 0 : index
          %get3A_318 = tpu.vector_load %arg11[%get3A_316, %get3A_317] {strides = array<i32>} : memref<128x64xi32, #tpu.memory_space<vmem>>, vector<16xi32>,
          %bitcast3A_319 = vector.bitcast %get3A_318 : vector<16xi32> to vector<32xbf16>
          %unpack3A_320 = tpu.unpack_subelements %bitcast3A_319, 0 {pack_format = #tpu.pack_format<interleaved>} : vector<32xbf16> -> vector<16xf32>
          %unpack3A_321 = tpu.unpack_subelements %bitcast3A_319, 1 {pack_format = #tpu.pack_format<interleaved>} : vector<32xbf16> -> vector<16xf32>
          %mul3A_322 = vector.broadcast %squeeze3A_311 : f32 to vector<16xf32>
          %mul3A_323 = arith.mulf %unpack3A_320, %mul3A_322 : vector<16xf32>
          %swap3A_324 = arith.index_cast %add3A_315 : i32 to index
          %swap3A_325 = arith.constant 0 : index
          %swap3A_326 = tpu.vector_load %arg12[%swap3A_324, %swap3A_325] {strides = array<i32>} : memref<128x128xf32, #tpu.memory_space<vmem>>, vector<16xf32>,
          tpu.vector_store %arg12[%swap3A_324, %swap3A_325], %mul3A_323 {strides = array<i32>} : memref<128x128xf32, #tpu.memory_space<vmem>>, vector<16xf32>,
          %mul3A_327 = vector.broadcast %squeeze3A_311 : f32 to vector<16xf32>
          %mul3A_328 = arith.mulf %unpack3A_321, %mul3A_327 : vector<16xf32>
          %swap3A_329 = arith.index_cast %add3A_315 : i32 to index
          %swap3A_330 = arith.constant 16 : index
          %swap3A_331 = tpu.vector_load %arg12[%swap3A_329, %swap3A_330] {strides = array<i32>} : memref<128x128xf32, #tpu.memory_space<vmem>>, vector<16xf32>,
          tpu.vector_store %arg12[%swap3A_329, %swap3A_330], %mul3A_328 {strides = array<i32>} : memref<128x128xf32, #tpu.memory_space<vmem>>, vector<16xf32>,
          %get3A_332 = arith.index_cast %add3A_315 : i32 to index
          %get3A_333 = arith.constant 16 : index
          %get3A_334 = tpu.vector_load %arg11[%get3A_332, %get3A_333] {strides = array<i32>} : memref<128x64xi32, #tpu.memory_space<vmem>>, vector<16xi32>,
          %bitcast3A_335 = vector.bitcast %get3A_334 : vector<16xi32> to vector<32xbf16>
          %unpack3A_336 = tpu.unpack_subelements %bitcast3A_335, 0 {pack_format = #tpu.pack_format<interleaved>} : vector<32xbf16> -> vector<16xf32>
          %unpack3A_337 = tpu.unpack_subelements %bitcast3A_335, 1 {pack_format = #tpu.pack_format<interleaved>} : vector<32xbf16> -> vector<16xf32>
          %mul3A_338 = vector.broadcast %squeeze3A_311 : f32 to vector<16xf32>
          %mul3A_339 = arith.mulf %unpack3A_336, %mul3A_338 : vector<16xf32>
          %swap3A_340 = arith.index_cast %add3A_315 : i32 to index
          %swap3A_341 = arith.constant 32 : index
          %swap3A_342 = tpu.vector_load %arg12[%swap3A_340, %swap3A_341] {strides = array<i32>} : memref<128x128xf32, #tpu.memory_space<vmem>>, vector<16xf32>,
          tpu.vector_store %arg12[%swap3A_340, %swap3A_341], %mul3A_339 {strides = array<i32>} : memref<128x128xf32, #tpu.memory_space<vmem>>, vector<16xf32>,
          %mul3A_343 = vector.broadcast %squeeze3A_311 : f32 to vector<16xf32>
          %mul3A_344 = arith.mulf %unpack3A_337, %mul3A_343 : vector<16xf32>
          %swap3A_345 = arith.index_cast %add3A_315 : i32 to index
          %swap3A_346 = arith.constant 48 : index
          %swap3A_347 = tpu.vector_load %arg12[%swap3A_345, %swap3A_346] {strides = array<i32>} : memref<128x128xf32, #tpu.memory_space<vmem>>, vector<16xf32>,
          tpu.vector_store %arg12[%swap3A_345, %swap3A_346], %mul3A_344 {strides = array<i32>} : memref<128x128xf32, #tpu.memory_space<vmem>>, vector<16xf32>,
          %get3A_348 = arith.index_cast %add3A_315 : i32 to index
          %get3A_349 = arith.constant 32 : index
          %get3A_350 = tpu.vector_load %arg11[%get3A_348, %get3A_349] {strides = array<i32>} : memref<128x64xi32, #tpu.memory_space<vmem>>, vector<16xi32>,
          %bitcast3A_351 = vector.bitcast %get3A_350 : vector<16xi32> to vector<32xbf16>
          %unpack3A_352 = tpu.unpack_subelements %bitcast3A_351, 0 {pack_format = #tpu.pack_format<interleaved>} : vector<32xbf16> -> vector<16xf32>
          %unpack3A_353 = tpu.unpack_subelements %bitcast3A_351, 1 {pack_format = #tpu.pack_format<interleaved>} : vector<32xbf16> -> vector<16xf32>
          %mul3A_354 = vector.broadcast %squeeze3A_311 : f32 to vector<16xf32>
          %mul3A_355 = arith.mulf %unpack3A_352, %mul3A_354 : vector<16xf32>
          %swap3A_356 = arith.index_cast %add3A_315 : i32 to index
          %swap3A_357 = arith.constant 64 : index
          %swap3A_358 = tpu.vector_load %arg12[%swap3A_356, %swap3A_357] {strides = array<i32>} : memref<128x128xf32, #tpu.memory_space<vmem>>, vector<16xf32>,
          tpu.vector_store %arg12[%swap3A_356, %swap3A_357], %mul3A_355 {strides = array<i32>} : memref<128x128xf32, #tpu.memory_space<vmem>>, vector<16xf32>,
          %mul3A_359 = vector.broadcast %squeeze3A_311 : f32 to vector<16xf32>
          %mul3A_360 = arith.mulf %unpack3A_353, %mul3A_359 : vector<16xf32>
          %swap3A_361 = arith.index_cast %add3A_315 : i32 to index
          %swap3A_362 = arith.constant 80 : index
          %swap3A_363 = tpu.vector_load %arg12[%swap3A_361, %swap3A_362] {strides = array<i32>} : memref<128x128xf32, #tpu.memory_space<vmem>>, vector<16xf32>,
          tpu.vector_store %arg12[%swap3A_361, %swap3A_362], %mul3A_360 {strides = array<i32>} : memref<128x128xf32, #tpu.memory_space<vmem>>, vector<16xf32>,
          %get3A_364 = arith.index_cast %add3A_315 : i32 to index
          %get3A_365 = arith.constant 48 : index
          %get3A_366 = tpu.vector_load %arg11[%get3A_364, %get3A_365] {strides = array<i32>} : memref<128x64xi32, #tpu.memory_space<vmem>>, vector<16xi32>,
          %bitcast3A_367 = vector.bitcast %get3A_366 : vector<16xi32> to vector<32xbf16>
          %unpack3A_368 = tpu.unpack_subelements %bitcast3A_367, 0 {pack_format = #tpu.pack_format<interleaved>} : vector<32xbf16> -> vector<16xf32>
          %unpack3A_369 = tpu.unpack_subelements %bitcast3A_367, 1 {pack_format = #tpu.pack_format<interleaved>} : vector<32xbf16> -> vector<16xf32>
          %mul3A_370 = vector.broadcast %squeeze3A_311 : f32 to vector<16xf32>
          %mul3A_371 = arith.mulf %unpack3A_368, %mul3A_370 : vector<16xf32>
          %swap3A_372 = arith.index_cast %add3A_315 : i32 to index
          %swap3A_373 = arith.constant 96 : index
          %swap3A_374 = tpu.vector_load %arg12[%swap3A_372, %swap3A_373] {strides = array<i32>} : memref<128x128xf32, #tpu.memory_space<vmem>>, vector<16xf32>,
          tpu.vector_store %arg12[%swap3A_372, %swap3A_373], %mul3A_371 {strides = array<i32>} : memref<128x128xf32, #tpu.memory_space<vmem>>, vector<16xf32>,
          %mul3A_375 = vector.broadcast %squeeze3A_311 : f32 to vector<16xf32>
          %mul3A_376 = arith.mulf %unpack3A_369, %mul3A_375 : vector<16xf32>
          %swap3A_377 = arith.index_cast %add3A_315 : i32 to index
          %swap3A_378 = arith.constant 112 : index
          %swap3A_379 = tpu.vector_load %arg12[%swap3A_377, %swap3A_378] {strides = array<i32>} : memref<128x128xf32, #tpu.memory_space<vmem>>, vector<16xf32>,
          tpu.vector_store %arg12[%swap3A_377, %swap3A_378], %mul3A_376 {strides = array<i32>} : memref<128x128xf32, #tpu.memory_space<vmem>>, vector<16xf32>,
          %slice3A_380 = vector.extract_strided_slice %get3A_174 {offsets = [3], sizes = [1], strides = [1]} : vector<16xf32> to vector<1xf32>
          %squeeze3A_381 = vector.extract %slice3A_380[0] : f32 from vector<1xf32>
          %mul3A_382 = arith.constant 16 : i32
          %mul3A_383 = arith.muli %scan3A_169, %mul3A_382 : i32
          %add3A_384 = arith.constant 3 : i32
          %add3A_385 = arith.addi %mul3A_383, %add3A_384 : i32
          %get3A_386 = arith.index_cast %add3A_385 : i32 to index
          %get3A_387 = arith.constant 0 : index
          %get3A_388 = tpu.vector_load %arg11[%get3A_386, %get3A_387] {strides = array<i32>} : memref<128x64xi32, #tpu.memory_space<vmem>>, vector<16xi32>,
          %bitcast3A_389 = vector.bitcast %get3A_388 : vector<16xi32> to vector<32xbf16>
          %unpack3A_390 = tpu.unpack_subelements %bitcast3A_389, 0 {pack_format = #tpu.pack_format<interleaved>} : vector<32xbf16> -> vector<16xf32>
          %unpack3A_391 = tpu.unpack_subelements %bitcast3A_389, 1 {pack_format = #tpu.pack_format<interleaved>} : vector<32xbf16> -> vector<16xf32>
          %mul3A_392 = vector.broadcast %squeeze3A_381 : f32 to vector<16xf32>
          %mul3A_393 = arith.mulf %unpack3A_390, %mul3A_392 : vector<16xf32>
          %swap3A_394 = arith.index_cast %add3A_385 : i32 to index
          %swap3A_395 = arith.constant 0 : index
          %swap3A_396 = tpu.vector_load %arg12[%swap3A_394, %swap3A_395] {strides = array<i32>} : memref<128x128xf32, #tpu.memory_space<vmem>>, vector<16xf32>,
          tpu.vector_store %arg12[%swap3A_394, %swap3A_395], %mul3A_393 {strides = array<i32>} : memref<128x128xf32, #tpu.memory_space<vmem>>, vector<16xf32>,
          %mul3A_397 = vector.broadcast %squeeze3A_381 : f32 to vector<16xf32>
          %mul3A_398 = arith.mulf %unpack3A_391, %mul3A_397 : vector<16xf32>
          %swap3A_399 = arith.index_cast %add3A_385 : i32 to index
          %swap3A_400 = arith.constant 16 : index
          %swap3A_401 = tpu.vector_load %arg12[%swap3A_399, %swap3A_400] {strides = array<i32>} : memref<128x128xf32, #tpu.memory_space<vmem>>, vector<16xf32>,
          tpu.vector_store %arg12[%swap3A_399, %swap3A_400], %mul3A_398 {strides = array<i32>} : memref<128x128xf32, #tpu.memory_space<vmem>>, vector<16xf32>,
          %get3A_402 = arith.index_cast %add3A_385 : i32 to index
          %get3A_403 = arith.constant 16 : index
          %get3A_404 = tpu.vector_load %arg11[%get3A_402, %get3A_403] {strides = array<i32>} : memref<128x64xi32, #tpu.memory_space<vmem>>, vector<16xi32>,
          %bitcast3A_405 = vector.bitcast %get3A_404 : vector<16xi32> to vector<32xbf16>
          %unpack3A_406 = tpu.unpack_subelements %bitcast3A_405, 0 {pack_format = #tpu.pack_format<interleaved>} : vector<32xbf16> -> vector<16xf32>
          %unpack3A_407 = tpu.unpack_subelements %bitcast3A_405, 1 {pack_format = #tpu.pack_format<interleaved>} : vector<32xbf16> -> vector<16xf32>
          %mul3A_408 = vector.broadcast %squeeze3A_381 : f32 to vector<16xf32>
          %mul3A_409 = arith.mulf %unpack3A_406, %mul3A_408 : vector<16xf32>
          %swap3A_410 = arith.index_cast %add3A_385 : i32 to index
          %swap3A_411 = arith.constant 32 : index
          %swap3A_412 = tpu.vector_load %arg12[%swap3A_410, %swap3A_411] {strides = array<i32>} : memref<128x128xf32, #tpu.memory_space<vmem>>, vector<16xf32>,
          tpu.vector_store %arg12[%swap3A_410, %swap3A_411], %mul3A_409 {strides = array<i32>} : memref<128x128xf32, #tpu.memory_space<vmem>>, vector<16xf32>,
          %mul3A_413 = vector.broadcast %squeeze3A_381 : f32 to vector<16xf32>
          %mul3A_414 = arith.mulf %unpack3A_407, %mul3A_413 : vector<16xf32>
          %swap3A_415 = arith.index_cast %add3A_385 : i32 to index
          %swap3A_416 = arith.constant 48 : index
          %swap3A_417 = tpu.vector_load %arg12[%swap3A_415, %swap3A_416] {strides = array<i32>} : memref<128x128xf32, #tpu.memory_space<vmem>>, vector<16xf32>,
          tpu.vector_store %arg12[%swap3A_415, %swap3A_416], %mul3A_414 {strides = array<i32>} : memref<128x128xf32, #tpu.memory_space<vmem>>, vector<16xf32>,
          %get3A_418 = arith.index_cast %add3A_385 : i32 to index
          %get3A_419 = arith.constant 32 : index
          %get3A_420 = tpu.vector_load %arg11[%get3A_418, %get3A_419] {strides = array<i32>} : memref<128x64xi32, #tpu.memory_space<vmem>>, vector<16xi32>,
          %bitcast3A_421 = vector.bitcast %get3A_420 : vector<16xi32> to vector<32xbf16>
          %unpack3A_422 = tpu.unpack_subelements %bitcast3A_421, 0 {pack_format = #tpu.pack_format<interleaved>} : vector<32xbf16> -> vector<16xf32>
          %unpack3A_423 = tpu.unpack_subelements %bitcast3A_421, 1 {pack_format = #tpu.pack_format<interleaved>} : vector<32xbf16> -> vector<16xf32>
          %mul3A_424 = vector.broadcast %squeeze3A_381 : f32 to vector<16xf32>
          %mul3A_425 = arith.mulf %unpack3A_422, %mul3A_424 : vector<16xf32>
          %swap3A_426 = arith.index_cast %add3A_385 : i32 to index
          %swap3A_427 = arith.constant 64 : index
          %swap3A_428 = tpu.vector_load %arg12[%swap3A_426, %swap3A_427] {strides = array<i32>} : memref<128x128xf32, #tpu.memory_space<vmem>>, vector<16xf32>,
          tpu.vector_store %arg12[%swap3A_426, %swap3A_427], %mul3A_425 {strides = array<i32>} : memref<128x128xf32, #tpu.memory_space<vmem>>, vector<16xf32>,
          %mul3A_429 = vector.broadcast %squeeze3A_381 : f32 to vector<16xf32>
          %mul3A_430 = arith.mulf %unpack3A_423, %mul3A_429 : vector<16xf32>
          %swap3A_431 = arith.index_cast %add3A_385 : i32 to index
          %swap3A_432 = arith.constant 80 : index
          %swap3A_433 = tpu.vector_load %arg12[%swap3A_431, %swap3A_432] {strides = array<i32>} : memref<128x128xf32, #tpu.memory_space<vmem>>, vector<16xf32>,
          tpu.vector_store %arg12[%swap3A_431, %swap3A_432], %mul3A_430 {strides = array<i32>} : memref<128x128xf32, #tpu.memory_space<vmem>>, vector<16xf32>,
          %get3A_434 = arith.index_cast %add3A_385 : i32 to index
          %get3A_435 = arith.constant 48 : index
          %get3A_436 = tpu.vector_load %arg11[%get3A_434, %get3A_435] {strides = array<i32>} : memref<128x64xi32, #tpu.memory_space<vmem>>, vector<16xi32>,
          %bitcast3A_437 = vector.bitcast %get3A_436 : vector<16xi32> to vector<32xbf16>
          %unpack3A_438 = tpu.unpack_subelements %bitcast3A_437, 0 {pack_format = #tpu.pack_format<interleaved>} : vector<32xbf16> -> vector<16xf32>
          %unpack3A_439 = tpu.unpack_subelements %bitcast3A_437, 1 {pack_format = #tpu.pack_format<interleaved>} : vector<32xbf16> -> vector<16xf32>
          %mul3A_440 = vector.broadcast %squeeze3A_381 : f32 to vector<16xf32>
          %mul3A_441 = arith.mulf %unpack3A_438, %mul3A_440 : vector<16xf32>
          %swap3A_442 = arith.index_cast %add3A_385 : i32 to index
          %swap3A_443 = arith.constant 96 : index
          %swap3A_444 = tpu.vector_load %arg12[%swap3A_442, %swap3A_443] {strides = array<i32>} : memref<128x128xf32, #tpu.memory_space<vmem>>, vector<16xf32>,
          tpu.vector_store %arg12[%swap3A_442, %swap3A_443], %mul3A_441 {strides = array<i32>} : memref<128x128xf32, #tpu.memory_space<vmem>>, vector<16xf32>,
          %mul3A_445 = vector.broadcast %squeeze3A_381 : f32 to vector<16xf32>
          %mul3A_446 = arith.mulf %unpack3A_439, %mul3A_445 : vector<16xf32>
          %swap3A_447 = arith.index_cast %add3A_385 : i32 to index
          %swap3A_448 = arith.constant 112 : index
          %swap3A_449 = tpu.vector_load %arg12[%swap3A_447, %swap3A_448] {strides = array<i32>} : memref<128x128xf32, #tpu.memory_space<vmem>>, vector<16xf32>,
          tpu.vector_store %arg12[%swap3A_447, %swap3A_448], %mul3A_446 {strides = array<i32>} : memref<128x128xf32, #tpu.memory_space<vmem>>, vector<16xf32>,
          %slice3A_450 = vector.extract_strided_slice %get3A_174 {offsets = [4], sizes = [1], strides = [1]} : vector<16xf32> to vector<1xf32>
          %squeeze3A_451 = vector.extract %slice3A_450[0] : f32 from vector<1xf32>
          %mul3A_452 = arith.constant 16 : i32
          %mul3A_453 = arith.muli %scan3A_169, %mul3A_452 : i32
          %add3A_454 = arith.constant 4 : i32
          %add3A_455 = arith.addi %mul3A_453, %add3A_454 : i32
          %get3A_456 = arith.index_cast %add3A_455 : i32 to index
          %get3A_457 = arith.constant 0 : index
          %get3A_458 = tpu.vector_load %arg11[%get3A_456, %get3A_457] {strides = array<i32>} : memref<128x64xi32, #tpu.memory_space<vmem>>, vector<16xi32>,
          %bitcast3A_459 = vector.bitcast %get3A_458 : vector<16xi32> to vector<32xbf16>
          %unpack3A_460 = tpu.unpack_subelements %bitcast3A_459, 0 {pack_format = #tpu.pack_format<interleaved>} : vector<32xbf16> -> vector<16xf32>
          %unpack3A_461 = tpu.unpack_subelements %bitcast3A_459, 1 {pack_format = #tpu.pack_format<interleaved>} : vector<32xbf16> -> vector<16xf32>
          %mul3A_462 = vector.broadcast %squeeze3A_451 : f32 to vector<16xf32>
          %mul3A_463 = arith.mulf %unpack3A_460, %mul3A_462 : vector<16xf32>
          %swap3A_464 = arith.index_cast %add3A_455 : i32 to index
          %swap3A_465 = arith.constant 0 : index
          %swap3A_466 = tpu.vector_load %arg12[%swap3A_464, %swap3A_465] {strides = array<i32>} : memref<128x128xf32, #tpu.memory_space<vmem>>, vector<16xf32>,
          tpu.vector_store %arg12[%swap3A_464, %swap3A_465], %mul3A_463 {strides = array<i32>} : memref<128x128xf32, #tpu.memory_space<vmem>>, vector<16xf32>,
          %mul3A_467 = vector.broadcast %squeeze3A_451 : f32 to vector<16xf32>
          %mul3A_468 = arith.mulf %unpack3A_461, %mul3A_467 : vector<16xf32>
          %swap3A_469 = arith.index_cast %add3A_455 : i32 to index
          %swap3A_470 = arith.constant 16 : index
          %swap3A_471 = tpu.vector_load %arg12[%swap3A_469, %swap3A_470] {strides = array<i32>} : memref<128x128xf32, #tpu.memory_space<vmem>>, vector<16xf32>,
          tpu.vector_store %arg12[%swap3A_469, %swap3A_470], %mul3A_468 {strides = array<i32>} : memref<128x128xf32, #tpu.memory_space<vmem>>, vector<16xf32>,
          %get3A_472 = arith.index_cast %add3A_455 : i32 to index
          %get3A_473 = arith.constant 16 : index
          %get3A_474 = tpu.vector_load %arg11[%get3A_472, %get3A_473] {strides = array<i32>} : memref<128x64xi32, #tpu.memory_space<vmem>>, vector<16xi32>,
          %bitcast3A_475 = vector.bitcast %get3A_474 : vector<16xi32> to vector<32xbf16>
          %unpack3A_476 = tpu.unpack_subelements %bitcast3A_475, 0 {pack_format = #tpu.pack_format<interleaved>} : vector<32xbf16> -> vector<16xf32>
          %unpack3A_477 = tpu.unpack_subelements %bitcast3A_475, 1 {pack_format = #tpu.pack_format<interleaved>} : vector<32xbf16> -> vector<16xf32>
          %mul3A_478 = vector.broadcast %squeeze3A_451 : f32 to vector<16xf32>
          %mul3A_479 = arith.mulf %unpack3A_476, %mul3A_478 : vector<16xf32>
          %swap3A_480 = arith.index_cast %add3A_455 : i32 to index
          %swap3A_481 = arith.constant 32 : index
          %swap3A_482 = tpu.vector_load %arg12[%swap3A_480, %swap3A_481] {strides = array<i32>} : memref<128x128xf32, #tpu.memory_space<vmem>>, vector<16xf32>,
          tpu.vector_store %arg12[%swap3A_480, %swap3A_481], %mul3A_479 {strides = array<i32>} : memref<128x128xf32, #tpu.memory_space<vmem>>, vector<16xf32>,
          %mul3A_483 = vector.broadcast %squeeze3A_451 : f32 to vector<16xf32>
          %mul3A_484 = arith.mulf %unpack3A_477, %mul3A_483 : vector<16xf32>
          %swap3A_485 = arith.index_cast %add3A_455 : i32 to index
          %swap3A_486 = arith.constant 48 : index
          %swap3A_487 = tpu.vector_load %arg12[%swap3A_485, %swap3A_486] {strides = array<i32>} : memref<128x128xf32, #tpu.memory_space<vmem>>, vector<16xf32>,
          tpu.vector_store %arg12[%swap3A_485, %swap3A_486], %mul3A_484 {strides = array<i32>} : memref<128x128xf32, #tpu.memory_space<vmem>>, vector<16xf32>,
          %get3A_488 = arith.index_cast %add3A_455 : i32 to index
          %get3A_489 = arith.constant 32 : index
          %get3A_490 = tpu.vector_load %arg11[%get3A_488, %get3A_489] {strides = array<i32>} : memref<128x64xi32, #tpu.memory_space<vmem>>, vector<16xi32>,
          %bitcast3A_491 = vector.bitcast %get3A_490 : vector<16xi32> to vector<32xbf16>
          %unpack3A_492 = tpu.unpack_subelements %bitcast3A_491, 0 {pack_format = #tpu.pack_format<interleaved>} : vector<32xbf16> -> vector<16xf32>
          %unpack3A_493 = tpu.unpack_subelements %bitcast3A_491, 1 {pack_format = #tpu.pack_format<interleaved>} : vector<32xbf16> -> vector<16xf32>
          %mul3A_494 = vector.broadcast %squeeze3A_451 : f32 to vector<16xf32>
          %mul3A_495 = arith.mulf %unpack3A_492, %mul3A_494 : vector<16xf32>
          %swap3A_496 = arith.index_cast %add3A_455 : i32 to index
          %swap3A_497 = arith.constant 64 : index
          %swap3A_498 = tpu.vector_load %arg12[%swap3A_496, %swap3A_497] {strides = array<i32>} : memref<128x128xf32, #tpu.memory_space<vmem>>, vector<16xf32>,
          tpu.vector_store %arg12[%swap3A_496, %swap3A_497], %mul3A_495 {strides = array<i32>} : memref<128x128xf32, #tpu.memory_space<vmem>>, vector<16xf32>,
          %mul3A_499 = vector.broadcast %squeeze3A_451 : f32 to vector<16xf32>
          %mul3A_500 = arith.mulf %unpack3A_493, %mul3A_499 : vector<16xf32>
          %swap3A_501 = arith.index_cast %add3A_455 : i32 to index
          %swap3A_502 = arith.constant 80 : index
          %swap3A_503 = tpu.vector_load %arg12[%swap3A_501, %swap3A_502] {strides = array<i32>} : memref<128x128xf32, #tpu.memory_space<vmem>>, vector<16xf32>,
          tpu.vector_store %arg12[%swap3A_501, %swap3A_502], %mul3A_500 {strides = array<i32>} : memref<128x128xf32, #tpu.memory_space<vmem>>, vector<16xf32>,
          %get3A_504 = arith.index_cast %add3A_455 : i32 to index
          %get3A_505 = arith.constant 48 : index
          %get3A_506 = tpu.vector_load %arg11[%get3A_504, %get3A_505] {strides = array<i32>} : memref<128x64xi32, #tpu.memory_space<vmem>>, vector<16xi32>,
          %bitcast3A_507 = vector.bitcast %get3A_506 : vector<16xi32> to vector<32xbf16>
          %unpack3A_508 = tpu.unpack_subelements %bitcast3A_507, 0 {pack_format = #tpu.pack_format<interleaved>} : vector<32xbf16> -> vector<16xf32>
          %unpack3A_509 = tpu.unpack_subelements %bitcast3A_507, 1 {pack_format = #tpu.pack_format<interleaved>} : vector<32xbf16> -> vector<16xf32>
          %mul3A_510 = vector.broadcast %squeeze3A_451 : f32 to vector<16xf32>
          %mul3A_511 = arith.mulf %unpack3A_508, %mul3A_510 : vector<16xf32>
          %swap3A_512 = arith.index_cast %add3A_455 : i32 to index
          %swap3A_513 = arith.constant 96 : index
          %swap3A_514 = tpu.vector_load %arg12[%swap3A_512, %swap3A_513] {strides = array<i32>} : memref<128x128xf32, #tpu.memory_space<vmem>>, vector<16xf32>,
          tpu.vector_store %arg12[%swap3A_512, %swap3A_513], %mul3A_511 {strides = array<i32>} : memref<128x128xf32, #tpu.memory_space<vmem>>, vector<16xf32>,
          %mul3A_515 = vector.broadcast %squeeze3A_451 : f32 to vector<16xf32>
          %mul3A_516 = arith.mulf %unpack3A_509, %mul3A_515 : vector<16xf32>
          %swap3A_517 = arith.index_cast %add3A_455 : i32 to index
          %swap3A_518 = arith.constant 112 : index
          %swap3A_519 = tpu.vector_load %arg12[%swap3A_517, %swap3A_518] {strides = array<i32>} : memref<128x128xf32, #tpu.memory_space<vmem>>, vector<16xf32>,
          tpu.vector_store %arg12[%swap3A_517, %swap3A_518], %mul3A_516 {strides = array<i32>} : memref<128x128xf32, #tpu.memory_space<vmem>>, vector<16xf32>,
          %slice3A_520 = vector.extract_strided_slice %get3A_174 {offsets = [5], sizes = [1], strides = [1]} : vector<16xf32> to vector<1xf32>
          %squeeze3A_521 = vector.extract %slice3A_520[0] : f32 from vector<1xf32>
          %mul3A_522 = arith.constant 16 : i32
          %mul3A_523 = arith.muli %scan3A_169, %mul3A_522 : i32
          %add3A_524 = arith.constant 5 : i32
          %add3A_525 = arith.addi %mul3A_523, %add3A_524 : i32
          %get3A_526 = arith.index_cast %add3A_525 : i32 to index
          %get3A_527 = arith.constant 0 : index
          %get3A_528 = tpu.vector_load %arg11[%get3A_526, %get3A_527] {strides = array<i32>} : memref<128x64xi32, #tpu.memory_space<vmem>>, vector<16xi32>,
          %bitcast3A_529 = vector.bitcast %get3A_528 : vector<16xi32> to vector<32xbf16>
          %unpack3A_530 = tpu.unpack_subelements %bitcast3A_529, 0 {pack_format = #tpu.pack_format<interleaved>} : vector<32xbf16> -> vector<16xf32>
          %unpack3A_531 = tpu.unpack_subelements %bitcast3A_529, 1 {pack_format = #tpu.pack_format<interleaved>} : vector<32xbf16> -> vector<16xf32>
          %mul3A_532 = vector.broadcast %squeeze3A_521 : f32 to vector<16xf32>
          %mul3A_533 = arith.mulf %unpack3A_530, %mul3A_532 : vector<16xf32>
          %swap3A_534 = arith.index_cast %add3A_525 : i32 to index
          %swap3A_535 = arith.constant 0 : index
          %swap3A_536 = tpu.vector_load %arg12[%swap3A_534, %swap3A_535] {strides = array<i32>} : memref<128x128xf32, #tpu.memory_space<vmem>>, vector<16xf32>,
          tpu.vector_store %arg12[%swap3A_534, %swap3A_535], %mul3A_533 {strides = array<i32>} : memref<128x128xf32, #tpu.memory_space<vmem>>, vector<16xf32>,
          %mul3A_537 = vector.broadcast %squeeze3A_521 : f32 to vector<16xf32>
          %mul3A_538 = arith.mulf %unpack3A_531, %mul3A_537 : vector<16xf32>
          %swap3A_539 = arith.index_cast %add3A_525 : i32 to index
          %swap3A_540 = arith.constant 16 : index
          %swap3A_541 = tpu.vector_load %arg12[%swap3A_539, %swap3A_540] {strides = array<i32>} : memref<128x128xf32, #tpu.memory_space<vmem>>, vector<16xf32>,
          tpu.vector_store %arg12[%swap3A_539, %swap3A_540], %mul3A_538 {strides = array<i32>} : memref<128x128xf32, #tpu.memory_space<vmem>>, vector<16xf32>,
          %get3A_542 = arith.index_cast %add3A_525 : i32 to index
          %get3A_543 = arith.constant 16 : index
          %get3A_544 = tpu.vector_load %arg11[%get3A_542, %get3A_543] {strides = array<i32>} : memref<128x64xi32, #tpu.memory_space<vmem>>, vector<16xi32>,
          %bitcast3A_545 = vector.bitcast %get3A_544 : vector<16xi32> to vector<32xbf16>
          %unpack3A_546 = tpu.unpack_subelements %bitcast3A_545, 0 {pack_format = #tpu.pack_format<interleaved>} : vector<32xbf16> -> vector<16xf32>
          %unpack3A_547 = tpu.unpack_subelements %bitcast3A_545, 1 {pack_format = #tpu.pack_format<interleaved>} : vector<32xbf16> -> vector<16xf32>
          %mul3A_548 = vector.broadcast %squeeze3A_521 : f32 to vector<16xf32>
          %mul3A_549 = arith.mulf %unpack3A_546, %mul3A_548 : vector<16xf32>
          %swap3A_550 = arith.index_cast %add3A_525 : i32 to index
          %swap3A_551 = arith.constant 32 : index
          %swap3A_552 = tpu.vector_load %arg12[%swap3A_550, %swap3A_551] {strides = array<i32>} : memref<128x128xf32, #tpu.memory_space<vmem>>, vector<16xf32>,
          tpu.vector_store %arg12[%swap3A_550, %swap3A_551], %mul3A_549 {strides = array<i32>} : memref<128x128xf32, #tpu.memory_space<vmem>>, vector<16xf32>,
          %mul3A_553 = vector.broadcast %squeeze3A_521 : f32 to vector<16xf32>
          %mul3A_554 = arith.mulf %unpack3A_547, %mul3A_553 : vector<16xf32>
          %swap3A_555 = arith.index_cast %add3A_525 : i32 to index
          %swap3A_556 = arith.constant 48 : index
          %swap3A_557 = tpu.vector_load %arg12[%swap3A_555, %swap3A_556] {strides = array<i32>} : memref<128x128xf32, #tpu.memory_space<vmem>>, vector<16xf32>,
          tpu.vector_store %arg12[%swap3A_555, %swap3A_556], %mul3A_554 {strides = array<i32>} : memref<128x128xf32, #tpu.memory_space<vmem>>, vector<16xf32>,
          %get3A_558 = arith.index_cast %add3A_525 : i32 to index
          %get3A_559 = arith.constant 32 : index
          %get3A_560 = tpu.vector_load %arg11[%get3A_558, %get3A_559] {strides = array<i32>} : memref<128x64xi32, #tpu.memory_space<vmem>>, vector<16xi32>,
          %bitcast3A_561 = vector.bitcast %get3A_560 : vector<16xi32> to vector<32xbf16>
          %unpack3A_562 = tpu.unpack_subelements %bitcast3A_561, 0 {pack_format = #tpu.pack_format<interleaved>} : vector<32xbf16> -> vector<16xf32>
          %unpack3A_563 = tpu.unpack_subelements %bitcast3A_561, 1 {pack_format = #tpu.pack_format<interleaved>} : vector<32xbf16> -> vector<16xf32>
          %mul3A_564 = vector.broadcast %squeeze3A_521 : f32 to vector<16xf32>
          %mul3A_565 = arith.mulf %unpack3A_562, %mul3A_564 : vector<16xf32>
          %swap3A_566 = arith.index_cast %add3A_525 : i32 to index
          %swap3A_567 = arith.constant 64 : index
          %swap3A_568 = tpu.vector_load %arg12[%swap3A_566, %swap3A_567] {strides = array<i32>} : memref<128x128xf32, #tpu.memory_space<vmem>>, vector<16xf32>,
          tpu.vector_store %arg12[%swap3A_566, %swap3A_567], %mul3A_565 {strides = array<i32>} : memref<128x128xf32, #tpu.memory_space<vmem>>, vector<16xf32>,
          %mul3A_569 = vector.broadcast %squeeze3A_521 : f32 to vector<16xf32>
          %mul3A_570 = arith.mulf %unpack3A_563, %mul3A_569 : vector<16xf32>
          %swap3A_571 = arith.index_cast %add3A_525 : i32 to index
          %swap3A_572 = arith.constant 80 : index
          %swap3A_573 = tpu.vector_load %arg12[%swap3A_571, %swap3A_572] {strides = array<i32>} : memref<128x128xf32, #tpu.memory_space<vmem>>, vector<16xf32>,
          tpu.vector_store %arg12[%swap3A_571, %swap3A_572], %mul3A_570 {strides = array<i32>} : memref<128x128xf32, #tpu.memory_space<vmem>>, vector<16xf32>,
          %get3A_574 = arith.index_cast %add3A_525 : i32 to index
          %get3A_575 = arith.constant 48 : index
          %get3A_576 = tpu.vector_load %arg11[%get3A_574, %get3A_575] {strides = array<i32>} : memref<128x64xi32, #tpu.memory_space<vmem>>, vector<16xi32>,
          %bitcast3A_577 = vector.bitcast %get3A_576 : vector<16xi32> to vector<32xbf16>
          %unpack3A_578 = tpu.unpack_subelements %bitcast3A_577, 0 {pack_format = #tpu.pack_format<interleaved>} : vector<32xbf16> -> vector<16xf32>
          %unpack3A_579 = tpu.unpack_subelements %bitcast3A_577, 1 {pack_format = #tpu.pack_format<interleaved>} : vector<32xbf16> -> vector<16xf32>
          %mul3A_580 = vector.broadcast %squeeze3A_521 : f32 to vector<16xf32>
          %mul3A_581 = arith.mulf %unpack3A_578, %mul3A_580 : vector<16xf32>
          %swap3A_582 = arith.index_cast %add3A_525 : i32 to index
          %swap3A_583 = arith.constant 96 : index
          %swap3A_584 = tpu.vector_load %arg12[%swap3A_582, %swap3A_583] {strides = array<i32>} : memref<128x128xf32, #tpu.memory_space<vmem>>, vector<16xf32>,
          tpu.vector_store %arg12[%swap3A_582, %swap3A_583], %mul3A_581 {strides = array<i32>} : memref<128x128xf32, #tpu.memory_space<vmem>>, vector<16xf32>,
          %mul3A_585 = vector.broadcast %squeeze3A_521 : f32 to vector<16xf32>
          %mul3A_586 = arith.mulf %unpack3A_579, %mul3A_585 : vector<16xf32>
          %swap3A_587 = arith.index_cast %add3A_525 : i32 to index
          %swap3A_588 = arith.constant 112 : index
          %swap3A_589 = tpu.vector_load %arg12[%swap3A_587, %swap3A_588] {strides = array<i32>} : memref<128x128xf32, #tpu.memory_space<vmem>>, vector<16xf32>,
          tpu.vector_store %arg12[%swap3A_587, %swap3A_588], %mul3A_586 {strides = array<i32>} : memref<128x128xf32, #tpu.memory_space<vmem>>, vector<16xf32>,
          %slice3A_590 = vector.extract_strided_slice %get3A_174 {offsets = [6], sizes = [1], strides = [1]} : vector<16xf32> to vector<1xf32>
          %squeeze3A_591 = vector.extract %slice3A_590[0] : f32 from vector<1xf32>
          %mul3A_592 = arith.constant 16 : i32
          %mul3A_593 = arith.muli %scan3A_169, %mul3A_592 : i32
          %add3A_594 = arith.constant 6 : i32
          %add3A_595 = arith.addi %mul3A_593, %add3A_594 : i32
          %get3A_596 = arith.index_cast %add3A_595 : i32 to index
          %get3A_597 = arith.constant 0 : index
          %get3A_598 = tpu.vector_load %arg11[%get3A_596, %get3A_597] {strides = array<i32>} : memref<128x64xi32, #tpu.memory_space<vmem>>, vector<16xi32>,
          %bitcast3A_599 = vector.bitcast %get3A_598 : vector<16xi32> to vector<32xbf16>
          %unpack3A_600 = tpu.unpack_subelements %bitcast3A_599, 0 {pack_format = #tpu.pack_format<interleaved>} : vector<32xbf16> -> vector<16xf32>
          %unpack3A_601 = tpu.unpack_subelements %bitcast3A_599, 1 {pack_format = #tpu.pack_format<interleaved>} : vector<32xbf16> -> vector<16xf32>
          %mul3A_602 = vector.broadcast %squeeze3A_591 : f32 to vector<16xf32>
          %mul3A_603 = arith.mulf %unpack3A_600, %mul3A_602 : vector<16xf32>
          %swap3A_604 = arith.index_cast %add3A_595 : i32 to index
          %swap3A_605 = arith.constant 0 : index
          %swap3A_606 = tpu.vector_load %arg12[%swap3A_604, %swap3A_605] {strides = array<i32>} : memref<128x128xf32, #tpu.memory_space<vmem>>, vector<16xf32>,
          tpu.vector_store %arg12[%swap3A_604, %swap3A_605], %mul3A_603 {strides = array<i32>} : memref<128x128xf32, #tpu.memory_space<vmem>>, vector<16xf32>,
          %mul3A_607 = vector.broadcast %squeeze3A_591 : f32 to vector<16xf32>
          %mul3A_608 = arith.mulf %unpack3A_601, %mul3A_607 : vector<16xf32>
          %swap3A_609 = arith.index_cast %add3A_595 : i32 to index
          %swap3A_610 = arith.constant 16 : index
          %swap3A_611 = tpu.vector_load %arg12[%swap3A_609, %swap3A_610] {strides = array<i32>} : memref<128x128xf32, #tpu.memory_space<vmem>>, vector<16xf32>,
          tpu.vector_store %arg12[%swap3A_609, %swap3A_610], %mul3A_608 {strides = array<i32>} : memref<128x128xf32, #tpu.memory_space<vmem>>, vector<16xf32>,
          %get3A_612 = arith.index_cast %add3A_595 : i32 to index
          %get3A_613 = arith.constant 16 : index
          %get3A_614 = tpu.vector_load %arg11[%get3A_612, %get3A_613] {strides = array<i32>} : memref<128x64xi32, #tpu.memory_space<vmem>>, vector<16xi32>,
          %bitcast3A_615 = vector.bitcast %get3A_614 : vector<16xi32> to vector<32xbf16>
          %unpack3A_616 = tpu.unpack_subelements %bitcast3A_615, 0 {pack_format = #tpu.pack_format<interleaved>} : vector<32xbf16> -> vector<16xf32>
          %unpack3A_617 = tpu.unpack_subelements %bitcast3A_615, 1 {pack_format = #tpu.pack_format<interleaved>} : vector<32xbf16> -> vector<16xf32>
          %mul3A_618 = vector.broadcast %squeeze3A_591 : f32 to vector<16xf32>
          %mul3A_619 = arith.mulf %unpack3A_616, %mul3A_618 : vector<16xf32>
          %swap3A_620 = arith.index_cast %add3A_595 : i32 to index
          %swap3A_621 = arith.constant 32 : index
          %swap3A_622 = tpu.vector_load %arg12[%swap3A_620, %swap3A_621] {strides = array<i32>} : memref<128x128xf32, #tpu.memory_space<vmem>>, vector<16xf32>,
          tpu.vector_store %arg12[%swap3A_620, %swap3A_621], %mul3A_619 {strides = array<i32>} : memref<128x128xf32, #tpu.memory_space<vmem>>, vector<16xf32>,
          %mul3A_623 = vector.broadcast %squeeze3A_591 : f32 to vector<16xf32>
          %mul3A_624 = arith.mulf %unpack3A_617, %mul3A_623 : vector<16xf32>
          %swap3A_625 = arith.index_cast %add3A_595 : i32 to index
          %swap3A_626 = arith.constant 48 : index
          %swap3A_627 = tpu.vector_load %arg12[%swap3A_625, %swap3A_626] {strides = array<i32>} : memref<128x128xf32, #tpu.memory_space<vmem>>, vector<16xf32>,
          tpu.vector_store %arg12[%swap3A_625, %swap3A_626], %mul3A_624 {strides = array<i32>} : memref<128x128xf32, #tpu.memory_space<vmem>>, vector<16xf32>,
          %get3A_628 = arith.index_cast %add3A_595 : i32 to index
          %get3A_629 = arith.constant 32 : index
          %get3A_630 = tpu.vector_load %arg11[%get3A_628, %get3A_629] {strides = array<i32>} : memref<128x64xi32, #tpu.memory_space<vmem>>, vector<16xi32>,
          %bitcast3A_631 = vector.bitcast %get3A_630 : vector<16xi32> to vector<32xbf16>
          %unpack3A_632 = tpu.unpack_subelements %bitcast3A_631, 0 {pack_format = #tpu.pack_format<interleaved>} : vector<32xbf16> -> vector<16xf32>
          %unpack3A_633 = tpu.unpack_subelements %bitcast3A_631, 1 {pack_format = #tpu.pack_format<interleaved>} : vector<32xbf16> -> vector<16xf32>
          %mul3A_634 = vector.broadcast %squeeze3A_591 : f32 to vector<16xf32>
          %mul3A_635 = arith.mulf %unpack3A_632, %mul3A_634 : vector<16xf32>
          %swap3A_636 = arith.index_cast %add3A_595 : i32 to index
          %swap3A_637 = arith.constant 64 : index
          %swap3A_638 = tpu.vector_load %arg12[%swap3A_636, %swap3A_637] {strides = array<i32>} : memref<128x128xf32, #tpu.memory_space<vmem>>, vector<16xf32>,
          tpu.vector_store %arg12[%swap3A_636, %swap3A_637], %mul3A_635 {strides = array<i32>} : memref<128x128xf32, #tpu.memory_space<vmem>>, vector<16xf32>,
          %mul3A_639 = vector.broadcast %squeeze3A_591 : f32 to vector<16xf32>
          %mul3A_640 = arith.mulf %unpack3A_633, %mul3A_639 : vector<16xf32>
          %swap3A_641 = arith.index_cast %add3A_595 : i32 to index
          %swap3A_642 = arith.constant 80 : index
          %swap3A_643 = tpu.vector_load %arg12[%swap3A_641, %swap3A_642] {strides = array<i32>} : memref<128x128xf32, #tpu.memory_space<vmem>>, vector<16xf32>,
          tpu.vector_store %arg12[%swap3A_641, %swap3A_642], %mul3A_640 {strides = array<i32>} : memref<128x128xf32, #tpu.memory_space<vmem>>, vector<16xf32>,
          %get3A_644 = arith.index_cast %add3A_595 : i32 to index
          %get3A_645 = arith.constant 48 : index
          %get3A_646 = tpu.vector_load %arg11[%get3A_644, %get3A_645] {strides = array<i32>} : memref<128x64xi32, #tpu.memory_space<vmem>>, vector<16xi32>,
          %bitcast3A_647 = vector.bitcast %get3A_646 : vector<16xi32> to vector<32xbf16>
          %unpack3A_648 = tpu.unpack_subelements %bitcast3A_647, 0 {pack_format = #tpu.pack_format<interleaved>} : vector<32xbf16> -> vector<16xf32>
          %unpack3A_649 = tpu.unpack_subelements %bitcast3A_647, 1 {pack_format = #tpu.pack_format<interleaved>} : vector<32xbf16> -> vector<16xf32>
          %mul3A_650 = vector.broadcast %squeeze3A_591 : f32 to vector<16xf32>
          %mul3A_651 = arith.mulf %unpack3A_648, %mul3A_650 : vector<16xf32>
          %swap3A_652 = arith.index_cast %add3A_595 : i32 to index
          %swap3A_653 = arith.constant 96 : index
          %swap3A_654 = tpu.vector_load %arg12[%swap3A_652, %swap3A_653] {strides = array<i32>} : memref<128x128xf32, #tpu.memory_space<vmem>>, vector<16xf32>,
          tpu.vector_store %arg12[%swap3A_652, %swap3A_653], %mul3A_651 {strides = array<i32>} : memref<128x128xf32, #tpu.memory_space<vmem>>, vector<16xf32>,
          %mul3A_655 = vector.broadcast %squeeze3A_591 : f32 to vector<16xf32>
          %mul3A_656 = arith.mulf %unpack3A_649, %mul3A_655 : vector<16xf32>
          %swap3A_657 = arith.index_cast %add3A_595 : i32 to index
          %swap3A_658 = arith.constant 112 : index
          %swap3A_659 = tpu.vector_load %arg12[%swap3A_657, %swap3A_658] {strides = array<i32>} : memref<128x128xf32, #tpu.memory_space<vmem>>, vector<16xf32>,
          tpu.vector_store %arg12[%swap3A_657, %swap3A_658], %mul3A_656 {strides = array<i32>} : memref<128x128xf32, #tpu.memory_space<vmem>>, vector<16xf32>,
          %slice3A_660 = vector.extract_strided_slice %get3A_174 {offsets = [7], sizes = [1], strides = [1]} : vector<16xf32> to vector<1xf32>
          %squeeze3A_661 = vector.extract %slice3A_660[0] : f32 from vector<1xf32>
          %mul3A_662 = arith.constant 16 : i32
          %mul3A_663 = arith.muli %scan3A_169, %mul3A_662 : i32
          %add3A_664 = arith.constant 7 : i32
          %add3A_665 = arith.addi %mul3A_663, %add3A_664 : i32
          %get3A_666 = arith.index_cast %add3A_665 : i32 to index
          %get3A_667 = arith.constant 0 : index
          %get3A_668 = tpu.vector_load %arg11[%get3A_666, %get3A_667] {strides = array<i32>} : memref<128x64xi32, #tpu.memory_space<vmem>>, vector<16xi32>,
          %bitcast3A_669 = vector.bitcast %get3A_668 : vector<16xi32> to vector<32xbf16>
          %unpack3A_670 = tpu.unpack_subelements %bitcast3A_669, 0 {pack_format = #tpu.pack_format<interleaved>} : vector<32xbf16> -> vector<16xf32>
          %unpack3A_671 = tpu.unpack_subelements %bitcast3A_669, 1 {pack_format = #tpu.pack_format<interleaved>} : vector<32xbf16> -> vector<16xf32>
          %mul3A_672 = vector.broadcast %squeeze3A_661 : f32 to vector<16xf32>
          %mul3A_673 = arith.mulf %unpack3A_670, %mul3A_672 : vector<16xf32>
          %swap3A_674 = arith.index_cast %add3A_665 : i32 to index
          %swap3A_675 = arith.constant 0 : index
          %swap3A_676 = tpu.vector_load %arg12[%swap3A_674, %swap3A_675] {strides = array<i32>} : memref<128x128xf32, #tpu.memory_space<vmem>>, vector<16xf32>,
          tpu.vector_store %arg12[%swap3A_674, %swap3A_675], %mul3A_673 {strides = array<i32>} : memref<128x128xf32, #tpu.memory_space<vmem>>, vector<16xf32>,
          %mul3A_677 = vector.broadcast %squeeze3A_661 : f32 to vector<16xf32>
          %mul3A_678 = arith.mulf %unpack3A_671, %mul3A_677 : vector<16xf32>
          %swap3A_679 = arith.index_cast %add3A_665 : i32 to index
          %swap3A_680 = arith.constant 16 : index
          %swap3A_681 = tpu.vector_load %arg12[%swap3A_679, %swap3A_680] {strides = array<i32>} : memref<128x128xf32, #tpu.memory_space<vmem>>, vector<16xf32>,
          tpu.vector_store %arg12[%swap3A_679, %swap3A_680], %mul3A_678 {strides = array<i32>} : memref<128x128xf32, #tpu.memory_space<vmem>>, vector<16xf32>,
          %get3A_682 = arith.index_cast %add3A_665 : i32 to index
          %get3A_683 = arith.constant 16 : index
          %get3A_684 = tpu.vector_load %arg11[%get3A_682, %get3A_683] {strides = array<i32>} : memref<128x64xi32, #tpu.memory_space<vmem>>, vector<16xi32>,
          %bitcast3A_685 = vector.bitcast %get3A_684 : vector<16xi32> to vector<32xbf16>
          %unpack3A_686 = tpu.unpack_subelements %bitcast3A_685, 0 {pack_format = #tpu.pack_format<interleaved>} : vector<32xbf16> -> vector<16xf32>
          %unpack3A_687 = tpu.unpack_subelements %bitcast3A_685, 1 {pack_format = #tpu.pack_format<interleaved>} : vector<32xbf16> -> vector<16xf32>
          %mul3A_688 = vector.broadcast %squeeze3A_661 : f32 to vector<16xf32>
          %mul3A_689 = arith.mulf %unpack3A_686, %mul3A_688 : vector<16xf32>
          %swap3A_690 = arith.index_cast %add3A_665 : i32 to index
          %swap3A_691 = arith.constant 32 : index
          %swap3A_692 = tpu.vector_load %arg12[%swap3A_690, %swap3A_691] {strides = array<i32>} : memref<128x128xf32, #tpu.memory_space<vmem>>, vector<16xf32>,
          tpu.vector_store %arg12[%swap3A_690, %swap3A_691], %mul3A_689 {strides = array<i32>} : memref<128x128xf32, #tpu.memory_space<vmem>>, vector<16xf32>,
          %mul3A_693 = vector.broadcast %squeeze3A_661 : f32 to vector<16xf32>
          %mul3A_694 = arith.mulf %unpack3A_687, %mul3A_693 : vector<16xf32>
          %swap3A_695 = arith.index_cast %add3A_665 : i32 to index
          %swap3A_696 = arith.constant 48 : index
          %swap3A_697 = tpu.vector_load %arg12[%swap3A_695, %swap3A_696] {strides = array<i32>} : memref<128x128xf32, #tpu.memory_space<vmem>>, vector<16xf32>,
          tpu.vector_store %arg12[%swap3A_695, %swap3A_696], %mul3A_694 {strides = array<i32>} : memref<128x128xf32, #tpu.memory_space<vmem>>, vector<16xf32>,
          %get3A_698 = arith.index_cast %add3A_665 : i32 to index
          %get3A_699 = arith.constant 32 : index
          %get3A_700 = tpu.vector_load %arg11[%get3A_698, %get3A_699] {strides = array<i32>} : memref<128x64xi32, #tpu.memory_space<vmem>>, vector<16xi32>,
          %bitcast3A_701 = vector.bitcast %get3A_700 : vector<16xi32> to vector<32xbf16>
          %unpack3A_702 = tpu.unpack_subelements %bitcast3A_701, 0 {pack_format = #tpu.pack_format<interleaved>} : vector<32xbf16> -> vector<16xf32>
          %unpack3A_703 = tpu.unpack_subelements %bitcast3A_701, 1 {pack_format = #tpu.pack_format<interleaved>} : vector<32xbf16> -> vector<16xf32>
          %mul3A_704 = vector.broadcast %squeeze3A_661 : f32 to vector<16xf32>
          %mul3A_705 = arith.mulf %unpack3A_702, %mul3A_704 : vector<16xf32>
          %swap3A_706 = arith.index_cast %add3A_665 : i32 to index
          %swap3A_707 = arith.constant 64 : index
          %swap3A_708 = tpu.vector_load %arg12[%swap3A_706, %swap3A_707] {strides = array<i32>} : memref<128x128xf32, #tpu.memory_space<vmem>>, vector<16xf32>,
          tpu.vector_store %arg12[%swap3A_706, %swap3A_707], %mul3A_705 {strides = array<i32>} : memref<128x128xf32, #tpu.memory_space<vmem>>, vector<16xf32>,
          %mul3A_709 = vector.broadcast %squeeze3A_661 : f32 to vector<16xf32>
          %mul3A_710 = arith.mulf %unpack3A_703, %mul3A_709 : vector<16xf32>
          %swap3A_711 = arith.index_cast %add3A_665 : i32 to index
          %swap3A_712 = arith.constant 80 : index
          %swap3A_713 = tpu.vector_load %arg12[%swap3A_711, %swap3A_712] {strides = array<i32>} : memref<128x128xf32, #tpu.memory_space<vmem>>, vector<16xf32>,
          tpu.vector_store %arg12[%swap3A_711, %swap3A_712], %mul3A_710 {strides = array<i32>} : memref<128x128xf32, #tpu.memory_space<vmem>>, vector<16xf32>,
          %get3A_714 = arith.index_cast %add3A_665 : i32 to index
          %get3A_715 = arith.constant 48 : index
          %get3A_716 = tpu.vector_load %arg11[%get3A_714, %get3A_715] {strides = array<i32>} : memref<128x64xi32, #tpu.memory_space<vmem>>, vector<16xi32>,
          %bitcast3A_717 = vector.bitcast %get3A_716 : vector<16xi32> to vector<32xbf16>
          %unpack3A_718 = tpu.unpack_subelements %bitcast3A_717, 0 {pack_format = #tpu.pack_format<interleaved>} : vector<32xbf16> -> vector<16xf32>
          %unpack3A_719 = tpu.unpack_subelements %bitcast3A_717, 1 {pack_format = #tpu.pack_format<interleaved>} : vector<32xbf16> -> vector<16xf32>
          %mul3A_720 = vector.broadcast %squeeze3A_661 : f32 to vector<16xf32>
          %mul3A_721 = arith.mulf %unpack3A_718, %mul3A_720 : vector<16xf32>
          %swap3A_722 = arith.index_cast %add3A_665 : i32 to index
          %swap3A_723 = arith.constant 96 : index
          %swap3A_724 = tpu.vector_load %arg12[%swap3A_722, %swap3A_723] {strides = array<i32>} : memref<128x128xf32, #tpu.memory_space<vmem>>, vector<16xf32>,
          tpu.vector_store %arg12[%swap3A_722, %swap3A_723], %mul3A_721 {strides = array<i32>} : memref<128x128xf32, #tpu.memory_space<vmem>>, vector<16xf32>,
          %mul3A_725 = vector.broadcast %squeeze3A_661 : f32 to vector<16xf32>
          %mul3A_726 = arith.mulf %unpack3A_719, %mul3A_725 : vector<16xf32>
          %swap3A_727 = arith.index_cast %add3A_665 : i32 to index
          %swap3A_728 = arith.constant 112 : index
          %swap3A_729 = tpu.vector_load %arg12[%swap3A_727, %swap3A_728] {strides = array<i32>} : memref<128x128xf32, #tpu.memory_space<vmem>>, vector<16xf32>,
          tpu.vector_store %arg12[%swap3A_727, %swap3A_728], %mul3A_726 {strides = array<i32>} : memref<128x128xf32, #tpu.memory_space<vmem>>, vector<16xf32>,
          %slice3A_730 = vector.extract_strided_slice %get3A_174 {offsets = [8], sizes = [1], strides = [1]} : vector<16xf32> to vector<1xf32>
          %squeeze3A_731 = vector.extract %slice3A_730[0] : f32 from vector<1xf32>
          %mul3A_732 = arith.constant 16 : i32
          %mul3A_733 = arith.muli %scan3A_169, %mul3A_732 : i32
          %add3A_734 = arith.constant 8 : i32
          %add3A_735 = arith.addi %mul3A_733, %add3A_734 : i32
          %get3A_736 = arith.index_cast %add3A_735 : i32 to index
          %get3A_737 = arith.constant 0 : index
          %get3A_738 = tpu.vector_load %arg11[%get3A_736, %get3A_737] {strides = array<i32>} : memref<128x64xi32, #tpu.memory_space<vmem>>, vector<16xi32>,
          %bitcast3A_739 = vector.bitcast %get3A_738 : vector<16xi32> to vector<32xbf16>
          %unpack3A_740 = tpu.unpack_subelements %bitcast3A_739, 0 {pack_format = #tpu.pack_format<interleaved>} : vector<32xbf16> -> vector<16xf32>
          %unpack3A_741 = tpu.unpack_subelements %bitcast3A_739, 1 {pack_format = #tpu.pack_format<interleaved>} : vector<32xbf16> -> vector<16xf32>
          %mul3A_742 = vector.broadcast %squeeze3A_731 : f32 to vector<16xf32>
          %mul3A_743 = arith.mulf %unpack3A_740, %mul3A_742 : vector<16xf32>
          %swap3A_744 = arith.index_cast %add3A_735 : i32 to index
          %swap3A_745 = arith.constant 0 : index
          %swap3A_746 = tpu.vector_load %arg12[%swap3A_744, %swap3A_745] {strides = array<i32>} : memref<128x128xf32, #tpu.memory_space<vmem>>, vector<16xf32>,
          tpu.vector_store %arg12[%swap3A_744, %swap3A_745], %mul3A_743 {strides = array<i32>} : memref<128x128xf32, #tpu.memory_space<vmem>>, vector<16xf32>,
          %mul3A_747 = vector.broadcast %squeeze3A_731 : f32 to vector<16xf32>
          %mul3A_748 = arith.mulf %unpack3A_741, %mul3A_747 : vector<16xf32>
          %swap3A_749 = arith.index_cast %add3A_735 : i32 to index
          %swap3A_750 = arith.constant 16 : index
          %swap3A_751 = tpu.vector_load %arg12[%swap3A_749, %swap3A_750] {strides = array<i32>} : memref<128x128xf32, #tpu.memory_space<vmem>>, vector<16xf32>,
          tpu.vector_store %arg12[%swap3A_749, %swap3A_750], %mul3A_748 {strides = array<i32>} : memref<128x128xf32, #tpu.memory_space<vmem>>, vector<16xf32>,
          %get3A_752 = arith.index_cast %add3A_735 : i32 to index
          %get3A_753 = arith.constant 16 : index
          %get3A_754 = tpu.vector_load %arg11[%get3A_752, %get3A_753] {strides = array<i32>} : memref<128x64xi32, #tpu.memory_space<vmem>>, vector<16xi32>,
          %bitcast3A_755 = vector.bitcast %get3A_754 : vector<16xi32> to vector<32xbf16>
          %unpack3A_756 = tpu.unpack_subelements %bitcast3A_755, 0 {pack_format = #tpu.pack_format<interleaved>} : vector<32xbf16> -> vector<16xf32>
          %unpack3A_757 = tpu.unpack_subelements %bitcast3A_755, 1 {pack_format = #tpu.pack_format<interleaved>} : vector<32xbf16> -> vector<16xf32>
          %mul3A_758 = vector.broadcast %squeeze3A_731 : f32 to vector<16xf32>
          %mul3A_759 = arith.mulf %unpack3A_756, %mul3A_758 : vector<16xf32>
          %swap3A_760 = arith.index_cast %add3A_735 : i32 to index
          %swap3A_761 = arith.constant 32 : index
          %swap3A_762 = tpu.vector_load %arg12[%swap3A_760, %swap3A_761] {strides = array<i32>} : memref<128x128xf32, #tpu.memory_space<vmem>>, vector<16xf32>,
          tpu.vector_store %arg12[%swap3A_760, %swap3A_761], %mul3A_759 {strides = array<i32>} : memref<128x128xf32, #tpu.memory_space<vmem>>, vector<16xf32>,
          %mul3A_763 = vector.broadcast %squeeze3A_731 : f32 to vector<16xf32>
          %mul3A_764 = arith.mulf %unpack3A_757, %mul3A_763 : vector<16xf32>
          %swap3A_765 = arith.index_cast %add3A_735 : i32 to index
          %swap3A_766 = arith.constant 48 : index
          %swap3A_767 = tpu.vector_load %arg12[%swap3A_765, %swap3A_766] {strides = array<i32>} : memref<128x128xf32, #tpu.memory_space<vmem>>, vector<16xf32>,
          tpu.vector_store %arg12[%swap3A_765, %swap3A_766], %mul3A_764 {strides = array<i32>} : memref<128x128xf32, #tpu.memory_space<vmem>>, vector<16xf32>,
          %get3A_768 = arith.index_cast %add3A_735 : i32 to index
          %get3A_769 = arith.constant 32 : index
          %get3A_770 = tpu.vector_load %arg11[%get3A_768, %get3A_769] {strides = array<i32>} : memref<128x64xi32, #tpu.memory_space<vmem>>, vector<16xi32>,
          %bitcast3A_771 = vector.bitcast %get3A_770 : vector<16xi32> to vector<32xbf16>
          %unpack3A_772 = tpu.unpack_subelements %bitcast3A_771, 0 {pack_format = #tpu.pack_format<interleaved>} : vector<32xbf16> -> vector<16xf32>
          %unpack3A_773 = tpu.unpack_subelements %bitcast3A_771, 1 {pack_format = #tpu.pack_format<interleaved>} : vector<32xbf16> -> vector<16xf32>
          %mul3A_774 = vector.broadcast %squeeze3A_731 : f32 to vector<16xf32>
          %mul3A_775 = arith.mulf %unpack3A_772, %mul3A_774 : vector<16xf32>
          %swap3A_776 = arith.index_cast %add3A_735 : i32 to index
          %swap3A_777 = arith.constant 64 : index
          %swap3A_778 = tpu.vector_load %arg12[%swap3A_776, %swap3A_777] {strides = array<i32>} : memref<128x128xf32, #tpu.memory_space<vmem>>, vector<16xf32>,
          tpu.vector_store %arg12[%swap3A_776, %swap3A_777], %mul3A_775 {strides = array<i32>} : memref<128x128xf32, #tpu.memory_space<vmem>>, vector<16xf32>,
          %mul3A_779 = vector.broadcast %squeeze3A_731 : f32 to vector<16xf32>
          %mul3A_780 = arith.mulf %unpack3A_773, %mul3A_779 : vector<16xf32>
          %swap3A_781 = arith.index_cast %add3A_735 : i32 to index
          %swap3A_782 = arith.constant 80 : index
          %swap3A_783 = tpu.vector_load %arg12[%swap3A_781, %swap3A_782] {strides = array<i32>} : memref<128x128xf32, #tpu.memory_space<vmem>>, vector<16xf32>,
          tpu.vector_store %arg12[%swap3A_781, %swap3A_782], %mul3A_780 {strides = array<i32>} : memref<128x128xf32, #tpu.memory_space<vmem>>, vector<16xf32>,
          %get3A_784 = arith.index_cast %add3A_735 : i32 to index
          %get3A_785 = arith.constant 48 : index
          %get3A_786 = tpu.vector_load %arg11[%get3A_784, %get3A_785] {strides = array<i32>} : memref<128x64xi32, #tpu.memory_space<vmem>>, vector<16xi32>,
          %bitcast3A_787 = vector.bitcast %get3A_786 : vector<16xi32> to vector<32xbf16>
          %unpack3A_788 = tpu.unpack_subelements %bitcast3A_787, 0 {pack_format = #tpu.pack_format<interleaved>} : vector<32xbf16> -> vector<16xf32>
          %unpack3A_789 = tpu.unpack_subelements %bitcast3A_787, 1 {pack_format = #tpu.pack_format<interleaved>} : vector<32xbf16> -> vector<16xf32>
          %mul3A_790 = vector.broadcast %squeeze3A_731 : f32 to vector<16xf32>
          %mul3A_791 = arith.mulf %unpack3A_788, %mul3A_790 : vector<16xf32>
          %swap3A_792 = arith.index_cast %add3A_735 : i32 to index
          %swap3A_793 = arith.constant 96 : index
          %swap3A_794 = tpu.vector_load %arg12[%swap3A_792, %swap3A_793] {strides = array<i32>} : memref<128x128xf32, #tpu.memory_space<vmem>>, vector<16xf32>,
          tpu.vector_store %arg12[%swap3A_792, %swap3A_793], %mul3A_791 {strides = array<i32>} : memref<128x128xf32, #tpu.memory_space<vmem>>, vector<16xf32>,
          %mul3A_795 = vector.broadcast %squeeze3A_731 : f32 to vector<16xf32>
          %mul3A_796 = arith.mulf %unpack3A_789, %mul3A_795 : vector<16xf32>
          %swap3A_797 = arith.index_cast %add3A_735 : i32 to index
          %swap3A_798 = arith.constant 112 : index
          %swap3A_799 = tpu.vector_load %arg12[%swap3A_797, %swap3A_798] {strides = array<i32>} : memref<128x128xf32, #tpu.memory_space<vmem>>, vector<16xf32>,
          tpu.vector_store %arg12[%swap3A_797, %swap3A_798], %mul3A_796 {strides = array<i32>} : memref<128x128xf32, #tpu.memory_space<vmem>>, vector<16xf32>,
          %slice3A_800 = vector.extract_strided_slice %get3A_174 {offsets = [9], sizes = [1], strides = [1]} : vector<16xf32> to vector<1xf32>
          %squeeze3A_801 = vector.extract %slice3A_800[0] : f32 from vector<1xf32>
          %mul3A_802 = arith.constant 16 : i32
          %mul3A_803 = arith.muli %scan3A_169, %mul3A_802 : i32
          %add3A_804 = arith.constant 9 : i32
          %add3A_805 = arith.addi %mul3A_803, %add3A_804 : i32
          %get3A_806 = arith.index_cast %add3A_805 : i32 to index
          %get3A_807 = arith.constant 0 : index
          %get3A_808 = tpu.vector_load %arg11[%get3A_806, %get3A_807] {strides = array<i32>} : memref<128x64xi32, #tpu.memory_space<vmem>>, vector<16xi32>,
          %bitcast3A_809 = vector.bitcast %get3A_808 : vector<16xi32> to vector<32xbf16>
          %unpack3A_810 = tpu.unpack_subelements %bitcast3A_809, 0 {pack_format = #tpu.pack_format<interleaved>} : vector<32xbf16> -> vector<16xf32>
          %unpack3A_811 = tpu.unpack_subelements %bitcast3A_809, 1 {pack_format = #tpu.pack_format<interleaved>} : vector<32xbf16> -> vector<16xf32>
          %mul3A_812 = vector.broadcast %squeeze3A_801 : f32 to vector<16xf32>
          %mul3A_813 = arith.mulf %unpack3A_810, %mul3A_812 : vector<16xf32>
          %swap3A_814 = arith.index_cast %add3A_805 : i32 to index
          %swap3A_815 = arith.constant 0 : index
          %swap3A_816 = tpu.vector_load %arg12[%swap3A_814, %swap3A_815] {strides = array<i32>} : memref<128x128xf32, #tpu.memory_space<vmem>>, vector<16xf32>,
          tpu.vector_store %arg12[%swap3A_814, %swap3A_815], %mul3A_813 {strides = array<i32>} : memref<128x128xf32, #tpu.memory_space<vmem>>, vector<16xf32>,
          %mul3A_817 = vector.broadcast %squeeze3A_801 : f32 to vector<16xf32>
          %mul3A_818 = arith.mulf %unpack3A_811, %mul3A_817 : vector<16xf32>
          %swap3A_819 = arith.index_cast %add3A_805 : i32 to index
          %swap3A_820 = arith.constant 16 : index
          %swap3A_821 = tpu.vector_load %arg12[%swap3A_819, %swap3A_820] {strides = array<i32>} : memref<128x128xf32, #tpu.memory_space<vmem>>, vector<16xf32>,
          tpu.vector_store %arg12[%swap3A_819, %swap3A_820], %mul3A_818 {strides = array<i32>} : memref<128x128xf32, #tpu.memory_space<vmem>>, vector<16xf32>,
          %get3A_822 = arith.index_cast %add3A_805 : i32 to index
          %get3A_823 = arith.constant 16 : index
          %get3A_824 = tpu.vector_load %arg11[%get3A_822, %get3A_823] {strides = array<i32>} : memref<128x64xi32, #tpu.memory_space<vmem>>, vector<16xi32>,
          %bitcast3A_825 = vector.bitcast %get3A_824 : vector<16xi32> to vector<32xbf16>
          %unpack3A_826 = tpu.unpack_subelements %bitcast3A_825, 0 {pack_format = #tpu.pack_format<interleaved>} : vector<32xbf16> -> vector<16xf32>
          %unpack3A_827 = tpu.unpack_subelements %bitcast3A_825, 1 {pack_format = #tpu.pack_format<interleaved>} : vector<32xbf16> -> vector<16xf32>
          %mul3A_828 = vector.broadcast %squeeze3A_801 : f32 to vector<16xf32>
          %mul3A_829 = arith.mulf %unpack3A_826, %mul3A_828 : vector<16xf32>
          %swap3A_830 = arith.index_cast %add3A_805 : i32 to index
          %swap3A_831 = arith.constant 32 : index
          %swap3A_832 = tpu.vector_load %arg12[%swap3A_830, %swap3A_831] {strides = array<i32>} : memref<128x128xf32, #tpu.memory_space<vmem>>, vector<16xf32>,
          tpu.vector_store %arg12[%swap3A_830, %swap3A_831], %mul3A_829 {strides = array<i32>} : memref<128x128xf32, #tpu.memory_space<vmem>>, vector<16xf32>,
          %mul3A_833 = vector.broadcast %squeeze3A_801 : f32 to vector<16xf32>
          %mul3A_834 = arith.mulf %unpack3A_827, %mul3A_833 : vector<16xf32>
          %swap3A_835 = arith.index_cast %add3A_805 : i32 to index
          %swap3A_836 = arith.constant 48 : index
          %swap3A_837 = tpu.vector_load %arg12[%swap3A_835, %swap3A_836] {strides = array<i32>} : memref<128x128xf32, #tpu.memory_space<vmem>>, vector<16xf32>,
          tpu.vector_store %arg12[%swap3A_835, %swap3A_836], %mul3A_834 {strides = array<i32>} : memref<128x128xf32, #tpu.memory_space<vmem>>, vector<16xf32>,
          %get3A_838 = arith.index_cast %add3A_805 : i32 to index
          %get3A_839 = arith.constant 32 : index
          %get3A_840 = tpu.vector_load %arg11[%get3A_838, %get3A_839] {strides = array<i32>} : memref<128x64xi32, #tpu.memory_space<vmem>>, vector<16xi32>,
          %bitcast3A_841 = vector.bitcast %get3A_840 : vector<16xi32> to vector<32xbf16>
          %unpack3A_842 = tpu.unpack_subelements %bitcast3A_841, 0 {pack_format = #tpu.pack_format<interleaved>} : vector<32xbf16> -> vector<16xf32>
          %unpack3A_843 = tpu.unpack_subelements %bitcast3A_841, 1 {pack_format = #tpu.pack_format<interleaved>} : vector<32xbf16> -> vector<16xf32>
          %mul3A_844 = vector.broadcast %squeeze3A_801 : f32 to vector<16xf32>
          %mul3A_845 = arith.mulf %unpack3A_842, %mul3A_844 : vector<16xf32>
          %swap3A_846 = arith.index_cast %add3A_805 : i32 to index
          %swap3A_847 = arith.constant 64 : index
          %swap3A_848 = tpu.vector_load %arg12[%swap3A_846, %swap3A_847] {strides = array<i32>} : memref<128x128xf32, #tpu.memory_space<vmem>>, vector<16xf32>,
          tpu.vector_store %arg12[%swap3A_846, %swap3A_847], %mul3A_845 {strides = array<i32>} : memref<128x128xf32, #tpu.memory_space<vmem>>, vector<16xf32>,
          %mul3A_849 = vector.broadcast %squeeze3A_801 : f32 to vector<16xf32>
          %mul3A_850 = arith.mulf %unpack3A_843, %mul3A_849 : vector<16xf32>
          %swap3A_851 = arith.index_cast %add3A_805 : i32 to index
          %swap3A_852 = arith.constant 80 : index
          %swap3A_853 = tpu.vector_load %arg12[%swap3A_851, %swap3A_852] {strides = array<i32>} : memref<128x128xf32, #tpu.memory_space<vmem>>, vector<16xf32>,
          tpu.vector_store %arg12[%swap3A_851, %swap3A_852], %mul3A_850 {strides = array<i32>} : memref<128x128xf32, #tpu.memory_space<vmem>>, vector<16xf32>,
          %get3A_854 = arith.index_cast %add3A_805 : i32 to index
          %get3A_855 = arith.constant 48 : index
          %get3A_856 = tpu.vector_load %arg11[%get3A_854, %get3A_855] {strides = array<i32>} : memref<128x64xi32, #tpu.memory_space<vmem>>, vector<16xi32>,
          %bitcast3A_857 = vector.bitcast %get3A_856 : vector<16xi32> to vector<32xbf16>
          %unpack3A_858 = tpu.unpack_subelements %bitcast3A_857, 0 {pack_format = #tpu.pack_format<interleaved>} : vector<32xbf16> -> vector<16xf32>
          %unpack3A_859 = tpu.unpack_subelements %bitcast3A_857, 1 {pack_format = #tpu.pack_format<interleaved>} : vector<32xbf16> -> vector<16xf32>
          %mul3A_860 = vector.broadcast %squeeze3A_801 : f32 to vector<16xf32>
          %mul3A_861 = arith.mulf %unpack3A_858, %mul3A_860 : vector<16xf32>
          %swap3A_862 = arith.index_cast %add3A_805 : i32 to index
          %swap3A_863 = arith.constant 96 : index
          %swap3A_864 = tpu.vector_load %arg12[%swap3A_862, %swap3A_863] {strides = array<i32>} : memref<128x128xf32, #tpu.memory_space<vmem>>, vector<16xf32>,
          tpu.vector_store %arg12[%swap3A_862, %swap3A_863], %mul3A_861 {strides = array<i32>} : memref<128x128xf32, #tpu.memory_space<vmem>>, vector<16xf32>,
          %mul3A_865 = vector.broadcast %squeeze3A_801 : f32 to vector<16xf32>
          %mul3A_866 = arith.mulf %unpack3A_859, %mul3A_865 : vector<16xf32>
          %swap3A_867 = arith.index_cast %add3A_805 : i32 to index
          %swap3A_868 = arith.constant 112 : index
          %swap3A_869 = tpu.vector_load %arg12[%swap3A_867, %swap3A_868] {strides = array<i32>} : memref<128x128xf32, #tpu.memory_space<vmem>>, vector<16xf32>,
          tpu.vector_store %arg12[%swap3A_867, %swap3A_868], %mul3A_866 {strides = array<i32>} : memref<128x128xf32, #tpu.memory_space<vmem>>, vector<16xf32>,
          %slice3A_870 = vector.extract_strided_slice %get3A_174 {offsets = [10], sizes = [1], strides = [1]} : vector<16xf32> to vector<1xf32>
          %squeeze3A_871 = vector.extract %slice3A_870[0] : f32 from vector<1xf32>
          %mul3A_872 = arith.constant 16 : i32
          %mul3A_873 = arith.muli %scan3A_169, %mul3A_872 : i32
          %add3A_874 = arith.constant 10 : i32
          %add3A_875 = arith.addi %mul3A_873, %add3A_874 : i32
          %get3A_876 = arith.index_cast %add3A_875 : i32 to index
          %get3A_877 = arith.constant 0 : index
          %get3A_878 = tpu.vector_load %arg11[%get3A_876, %get3A_877] {strides = array<i32>} : memref<128x64xi32, #tpu.memory_space<vmem>>, vector<16xi32>,
          %bitcast3A_879 = vector.bitcast %get3A_878 : vector<16xi32> to vector<32xbf16>
          %unpack3A_880 = tpu.unpack_subelements %bitcast3A_879, 0 {pack_format = #tpu.pack_format<interleaved>} : vector<32xbf16> -> vector<16xf32>
          %unpack3A_881 = tpu.unpack_subelements %bitcast3A_879, 1 {pack_format = #tpu.pack_format<interleaved>} : vector<32xbf16> -> vector<16xf32>
          %mul3A_882 = vector.broadcast %squeeze3A_871 : f32 to vector<16xf32>
          %mul3A_883 = arith.mulf %unpack3A_880, %mul3A_882 : vector<16xf32>
          %swap3A_884 = arith.index_cast %add3A_875 : i32 to index
          %swap3A_885 = arith.constant 0 : index
          %swap3A_886 = tpu.vector_load %arg12[%swap3A_884, %swap3A_885] {strides = array<i32>} : memref<128x128xf32, #tpu.memory_space<vmem>>, vector<16xf32>,
          tpu.vector_store %arg12[%swap3A_884, %swap3A_885], %mul3A_883 {strides = array<i32>} : memref<128x128xf32, #tpu.memory_space<vmem>>, vector<16xf32>,
          %mul3A_887 = vector.broadcast %squeeze3A_871 : f32 to vector<16xf32>
          %mul3A_888 = arith.mulf %unpack3A_881, %mul3A_887 : vector<16xf32>
          %swap3A_889 = arith.index_cast %add3A_875 : i32 to index
          %swap3A_890 = arith.constant 16 : index
          %swap3A_891 = tpu.vector_load %arg12[%swap3A_889, %swap3A_890] {strides = array<i32>} : memref<128x128xf32, #tpu.memory_space<vmem>>, vector<16xf32>,
          tpu.vector_store %arg12[%swap3A_889, %swap3A_890], %mul3A_888 {strides = array<i32>} : memref<128x128xf32, #tpu.memory_space<vmem>>, vector<16xf32>,
          %get3A_892 = arith.index_cast %add3A_875 : i32 to index
          %get3A_893 = arith.constant 16 : index
          %get3A_894 = tpu.vector_load %arg11[%get3A_892, %get3A_893] {strides = array<i32>} : memref<128x64xi32, #tpu.memory_space<vmem>>, vector<16xi32>,
          %bitcast3A_895 = vector.bitcast %get3A_894 : vector<16xi32> to vector<32xbf16>
          %unpack3A_896 = tpu.unpack_subelements %bitcast3A_895, 0 {pack_format = #tpu.pack_format<interleaved>} : vector<32xbf16> -> vector<16xf32>
          %unpack3A_897 = tpu.unpack_subelements %bitcast3A_895, 1 {pack_format = #tpu.pack_format<interleaved>} : vector<32xbf16> -> vector<16xf32>
          %mul3A_898 = vector.broadcast %squeeze3A_871 : f32 to vector<16xf32>
          %mul3A_899 = arith.mulf %unpack3A_896, %mul3A_898 : vector<16xf32>
          %swap3A_900 = arith.index_cast %add3A_875 : i32 to index
          %swap3A_901 = arith.constant 32 : index
          %swap3A_902 = tpu.vector_load %arg12[%swap3A_900, %swap3A_901] {strides = array<i32>} : memref<128x128xf32, #tpu.memory_space<vmem>>, vector<16xf32>,
          tpu.vector_store %arg12[%swap3A_900, %swap3A_901], %mul3A_899 {strides = array<i32>} : memref<128x128xf32, #tpu.memory_space<vmem>>, vector<16xf32>,
          %mul3A_903 = vector.broadcast %squeeze3A_871 : f32 to vector<16xf32>
          %mul3A_904 = arith.mulf %unpack3A_897, %mul3A_903 : vector<16xf32>
          %swap3A_905 = arith.index_cast %add3A_875 : i32 to index
          %swap3A_906 = arith.constant 48 : index
          %swap3A_907 = tpu.vector_load %arg12[%swap3A_905, %swap3A_906] {strides = array<i32>} : memref<128x128xf32, #tpu.memory_space<vmem>>, vector<16xf32>,
          tpu.vector_store %arg12[%swap3A_905, %swap3A_906], %mul3A_904 {strides = array<i32>} : memref<128x128xf32, #tpu.memory_space<vmem>>, vector<16xf32>,
          %get3A_908 = arith.index_cast %add3A_875 : i32 to index
          %get3A_909 = arith.constant 32 : index
          %get3A_910 = tpu.vector_load %arg11[%get3A_908, %get3A_909] {strides = array<i32>} : memref<128x64xi32, #tpu.memory_space<vmem>>, vector<16xi32>,
          %bitcast3A_911 = vector.bitcast %get3A_910 : vector<16xi32> to vector<32xbf16>
          %unpack3A_912 = tpu.unpack_subelements %bitcast3A_911, 0 {pack_format = #tpu.pack_format<interleaved>} : vector<32xbf16> -> vector<16xf32>
          %unpack3A_913 = tpu.unpack_subelements %bitcast3A_911, 1 {pack_format = #tpu.pack_format<interleaved>} : vector<32xbf16> -> vector<16xf32>
          %mul3A_914 = vector.broadcast %squeeze3A_871 : f32 to vector<16xf32>
          %mul3A_915 = arith.mulf %unpack3A_912, %mul3A_914 : vector<16xf32>
          %swap3A_916 = arith.index_cast %add3A_875 : i32 to index
          %swap3A_917 = arith.constant 64 : index
          %swap3A_918 = tpu.vector_load %arg12[%swap3A_916, %swap3A_917] {strides = array<i32>} : memref<128x128xf32, #tpu.memory_space<vmem>>, vector<16xf32>,
          tpu.vector_store %arg12[%swap3A_916, %swap3A_917], %mul3A_915 {strides = array<i32>} : memref<128x128xf32, #tpu.memory_space<vmem>>, vector<16xf32>,
          %mul3A_919 = vector.broadcast %squeeze3A_871 : f32 to vector<16xf32>
          %mul3A_920 = arith.mulf %unpack3A_913, %mul3A_919 : vector<16xf32>
          %swap3A_921 = arith.index_cast %add3A_875 : i32 to index
          %swap3A_922 = arith.constant 80 : index
          %swap3A_923 = tpu.vector_load %arg12[%swap3A_921, %swap3A_922] {strides = array<i32>} : memref<128x128xf32, #tpu.memory_space<vmem>>, vector<16xf32>,
          tpu.vector_store %arg12[%swap3A_921, %swap3A_922], %mul3A_920 {strides = array<i32>} : memref<128x128xf32, #tpu.memory_space<vmem>>, vector<16xf32>,
          %get3A_924 = arith.index_cast %add3A_875 : i32 to index
          %get3A_925 = arith.constant 48 : index
          %get3A_926 = tpu.vector_load %arg11[%get3A_924, %get3A_925] {strides = array<i32>} : memref<128x64xi32, #tpu.memory_space<vmem>>, vector<16xi32>,
          %bitcast3A_927 = vector.bitcast %get3A_926 : vector<16xi32> to vector<32xbf16>
          %unpack3A_928 = tpu.unpack_subelements %bitcast3A_927, 0 {pack_format = #tpu.pack_format<interleaved>} : vector<32xbf16> -> vector<16xf32>
          %unpack3A_929 = tpu.unpack_subelements %bitcast3A_927, 1 {pack_format = #tpu.pack_format<interleaved>} : vector<32xbf16> -> vector<16xf32>
          %mul3A_930 = vector.broadcast %squeeze3A_871 : f32 to vector<16xf32>
          %mul3A_931 = arith.mulf %unpack3A_928, %mul3A_930 : vector<16xf32>
          %swap3A_932 = arith.index_cast %add3A_875 : i32 to index
          %swap3A_933 = arith.constant 96 : index
          %swap3A_934 = tpu.vector_load %arg12[%swap3A_932, %swap3A_933] {strides = array<i32>} : memref<128x128xf32, #tpu.memory_space<vmem>>, vector<16xf32>,
          tpu.vector_store %arg12[%swap3A_932, %swap3A_933], %mul3A_931 {strides = array<i32>} : memref<128x128xf32, #tpu.memory_space<vmem>>, vector<16xf32>,
          %mul3A_935 = vector.broadcast %squeeze3A_871 : f32 to vector<16xf32>
          %mul3A_936 = arith.mulf %unpack3A_929, %mul3A_935 : vector<16xf32>
          %swap3A_937 = arith.index_cast %add3A_875 : i32 to index
          %swap3A_938 = arith.constant 112 : index
          %swap3A_939 = tpu.vector_load %arg12[%swap3A_937, %swap3A_938] {strides = array<i32>} : memref<128x128xf32, #tpu.memory_space<vmem>>, vector<16xf32>,
          tpu.vector_store %arg12[%swap3A_937, %swap3A_938], %mul3A_936 {strides = array<i32>} : memref<128x128xf32, #tpu.memory_space<vmem>>, vector<16xf32>,
          %slice3A_940 = vector.extract_strided_slice %get3A_174 {offsets = [11], sizes = [1], strides = [1]} : vector<16xf32> to vector<1xf32>
          %squeeze3A_941 = vector.extract %slice3A_940[0] : f32 from vector<1xf32>
          %mul3A_942 = arith.constant 16 : i32
          %mul3A_943 = arith.muli %scan3A_169, %mul3A_942 : i32
          %add3A_944 = arith.constant 11 : i32
          %add3A_945 = arith.addi %mul3A_943, %add3A_944 : i32
          %get3A_946 = arith.index_cast %add3A_945 : i32 to index
          %get3A_947 = arith.constant 0 : index
          %get3A_948 = tpu.vector_load %arg11[%get3A_946, %get3A_947] {strides = array<i32>} : memref<128x64xi32, #tpu.memory_space<vmem>>, vector<16xi32>,
          %bitcast3A_949 = vector.bitcast %get3A_948 : vector<16xi32> to vector<32xbf16>
          %unpack3A_950 = tpu.unpack_subelements %bitcast3A_949, 0 {pack_format = #tpu.pack_format<interleaved>} : vector<32xbf16> -> vector<16xf32>
          %unpack3A_951 = tpu.unpack_subelements %bitcast3A_949, 1 {pack_format = #tpu.pack_format<interleaved>} : vector<32xbf16> -> vector<16xf32>
          %mul3A_952 = vector.broadcast %squeeze3A_941 : f32 to vector<16xf32>
          %mul3A_953 = arith.mulf %unpack3A_950, %mul3A_952 : vector<16xf32>
          %swap3A_954 = arith.index_cast %add3A_945 : i32 to index
          %swap3A_955 = arith.constant 0 : index
          %swap3A_956 = tpu.vector_load %arg12[%swap3A_954, %swap3A_955] {strides = array<i32>} : memref<128x128xf32, #tpu.memory_space<vmem>>, vector<16xf32>,
          tpu.vector_store %arg12[%swap3A_954, %swap3A_955], %mul3A_953 {strides = array<i32>} : memref<128x128xf32, #tpu.memory_space<vmem>>, vector<16xf32>,
          %mul3A_957 = vector.broadcast %squeeze3A_941 : f32 to vector<16xf32>
          %mul3A_958 = arith.mulf %unpack3A_951, %mul3A_957 : vector<16xf32>
          %swap3A_959 = arith.index_cast %add3A_945 : i32 to index
          %swap3A_960 = arith.constant 16 : index
          %swap3A_961 = tpu.vector_load %arg12[%swap3A_959, %swap3A_960] {strides = array<i32>} : memref<128x128xf32, #tpu.memory_space<vmem>>, vector<16xf32>,
          tpu.vector_store %arg12[%swap3A_959, %swap3A_960], %mul3A_958 {strides = array<i32>} : memref<128x128xf32, #tpu.memory_space<vmem>>, vector<16xf32>,
          %get3A_962 = arith.index_cast %add3A_945 : i32 to index
          %get3A_963 = arith.constant 16 : index
          %get3A_964 = tpu.vector_load %arg11[%get3A_962, %get3A_963] {strides = array<i32>} : memref<128x64xi32, #tpu.memory_space<vmem>>, vector<16xi32>,
          %bitcast3A_965 = vector.bitcast %get3A_964 : vector<16xi32> to vector<32xbf16>
          %unpack3A_966 = tpu.unpack_subelements %bitcast3A_965, 0 {pack_format = #tpu.pack_format<interleaved>} : vector<32xbf16> -> vector<16xf32>
          %unpack3A_967 = tpu.unpack_subelements %bitcast3A_965, 1 {pack_format = #tpu.pack_format<interleaved>} : vector<32xbf16> -> vector<16xf32>
          %mul3A_968 = vector.broadcast %squeeze3A_941 : f32 to vector<16xf32>
          %mul3A_969 = arith.mulf %unpack3A_966, %mul3A_968 : vector<16xf32>
          %swap3A_970 = arith.index_cast %add3A_945 : i32 to index
          %swap3A_971 = arith.constant 32 : index
          %swap3A_972 = tpu.vector_load %arg12[%swap3A_970, %swap3A_971] {strides = array<i32>} : memref<128x128xf32, #tpu.memory_space<vmem>>, vector<16xf32>,
          tpu.vector_store %arg12[%swap3A_970, %swap3A_971], %mul3A_969 {strides = array<i32>} : memref<128x128xf32, #tpu.memory_space<vmem>>, vector<16xf32>,
          %mul3A_973 = vector.broadcast %squeeze3A_941 : f32 to vector<16xf32>
          %mul3A_974 = arith.mulf %unpack3A_967, %mul3A_973 : vector<16xf32>
          %swap3A_975 = arith.index_cast %add3A_945 : i32 to index
          %swap3A_976 = arith.constant 48 : index
          %swap3A_977 = tpu.vector_load %arg12[%swap3A_975, %swap3A_976] {strides = array<i32>} : memref<128x128xf32, #tpu.memory_space<vmem>>, vector<16xf32>,
          tpu.vector_store %arg12[%swap3A_975, %swap3A_976], %mul3A_974 {strides = array<i32>} : memref<128x128xf32, #tpu.memory_space<vmem>>, vector<16xf32>,
          %get3A_978 = arith.index_cast %add3A_945 : i32 to index
          %get3A_979 = arith.constant 32 : index
          %get3A_980 = tpu.vector_load %arg11[%get3A_978, %get3A_979] {strides = array<i32>} : memref<128x64xi32, #tpu.memory_space<vmem>>, vector<16xi32>,
          %bitcast3A_981 = vector.bitcast %get3A_980 : vector<16xi32> to vector<32xbf16>
          %unpack3A_982 = tpu.unpack_subelements %bitcast3A_981, 0 {pack_format = #tpu.pack_format<interleaved>} : vector<32xbf16> -> vector<16xf32>
          %unpack3A_983 = tpu.unpack_subelements %bitcast3A_981, 1 {pack_format = #tpu.pack_format<interleaved>} : vector<32xbf16> -> vector<16xf32>
          %mul3A_984 = vector.broadcast %squeeze3A_941 : f32 to vector<16xf32>
          %mul3A_985 = arith.mulf %unpack3A_982, %mul3A_984 : vector<16xf32>
          %swap3A_986 = arith.index_cast %add3A_945 : i32 to index
          %swap3A_987 = arith.constant 64 : index
          %swap3A_988 = tpu.vector_load %arg12[%swap3A_986, %swap3A_987] {strides = array<i32>} : memref<128x128xf32, #tpu.memory_space<vmem>>, vector<16xf32>,
          tpu.vector_store %arg12[%swap3A_986, %swap3A_987], %mul3A_985 {strides = array<i32>} : memref<128x128xf32, #tpu.memory_space<vmem>>, vector<16xf32>,
          %mul3A_989 = vector.broadcast %squeeze3A_941 : f32 to vector<16xf32>
          %mul3A_990 = arith.mulf %unpack3A_983, %mul3A_989 : vector<16xf32>
          %swap3A_991 = arith.index_cast %add3A_945 : i32 to index
          %swap3A_992 = arith.constant 80 : index
          %swap3A_993 = tpu.vector_load %arg12[%swap3A_991, %swap3A_992] {strides = array<i32>} : memref<128x128xf32, #tpu.memory_space<vmem>>, vector<16xf32>,
          tpu.vector_store %arg12[%swap3A_991, %swap3A_992], %mul3A_990 {strides = array<i32>} : memref<128x128xf32, #tpu.memory_space<vmem>>, vector<16xf32>,
          %get3A_994 = arith.index_cast %add3A_945 : i32 to index
          %get3A_995 = arith.constant 48 : index
          %get3A_996 = tpu.vector_load %arg11[%get3A_994, %get3A_995] {strides = array<i32>} : memref<128x64xi32, #tpu.memory_space<vmem>>, vector<16xi32>,
          %bitcast3A_997 = vector.bitcast %get3A_996 : vector<16xi32> to vector<32xbf16>
          %unpack3A_998 = tpu.unpack_subelements %bitcast3A_997, 0 {pack_format = #tpu.pack_format<interleaved>} : vector<32xbf16> -> vector<16xf32>
          %unpack3A_999 = tpu.unpack_subelements %bitcast3A_997, 1 {pack_format = #tpu.pack_format<interleaved>} : vector<32xbf16> -> vector<16xf32>
          %mul3A_1000 = vector.broadcast %squeeze3A_941 : f32 to vector<16xf32>
          %mul3A_1001 = arith.mulf %unpack3A_998, %mul3A_1000 : vector<16xf32>
          %swap3A_1002 = arith.index_cast %add3A_945 : i32 to index
          %swap3A_1003 = arith.constant 96 : index
          %swap3A_1004 = tpu.vector_load %arg12[%swap3A_1002, %swap3A_1003] {strides = array<i32>} : memref<128x128xf32, #tpu.memory_space<vmem>>, vector<16xf32>,
          tpu.vector_store %arg12[%swap3A_1002, %swap3A_1003], %mul3A_1001 {strides = array<i32>} : memref<128x128xf32, #tpu.memory_space<vmem>>, vector<16xf32>,
          %mul3A_1005 = vector.broadcast %squeeze3A_941 : f32 to vector<16xf32>
          %mul3A_1006 = arith.mulf %unpack3A_999, %mul3A_1005 : vector<16xf32>
          %swap3A_1007 = arith.index_cast %add3A_945 : i32 to index
          %swap3A_1008 = arith.constant 112 : index
          %swap3A_1009 = tpu.vector_load %arg12[%swap3A_1007, %swap3A_1008] {strides = array<i32>} : memref<128x128xf32, #tpu.memory_space<vmem>>, vector<16xf32>,
          tpu.vector_store %arg12[%swap3A_1007, %swap3A_1008], %mul3A_1006 {strides = array<i32>} : memref<128x128xf32, #tpu.memory_space<vmem>>, vector<16xf32>,
          %slice3A_1010 = vector.extract_strided_slice %get3A_174 {offsets = [12], sizes = [1], strides = [1]} : vector<16xf32> to vector<1xf32>
          %squeeze3A_1011 = vector.extract %slice3A_1010[0] : f32 from vector<1xf32>
          %mul3A_1012 = arith.constant 16 : i32
          %mul3A_1013 = arith.muli %scan3A_169, %mul3A_1012 : i32
          %add3A_1014 = arith.constant 12 : i32
          %add3A_1015 = arith.addi %mul3A_1013, %add3A_1014 : i32
          %get3A_1016 = arith.index_cast %add3A_1015 : i32 to index
          %get3A_1017 = arith.constant 0 : index
          %get3A_1018 = tpu.vector_load %arg11[%get3A_1016, %get3A_1017] {strides = array<i32>} : memref<128x64xi32, #tpu.memory_space<vmem>>, vector<16xi32>,
          %bitcast3A_1019 = vector.bitcast %get3A_1018 : vector<16xi32> to vector<32xbf16>
          %unpack3A_1020 = tpu.unpack_subelements %bitcast3A_1019, 0 {pack_format = #tpu.pack_format<interleaved>} : vector<32xbf16> -> vector<16xf32>
          %unpack3A_1021 = tpu.unpack_subelements %bitcast3A_1019, 1 {pack_format = #tpu.pack_format<interleaved>} : vector<32xbf16> -> vector<16xf32>
          %mul3A_1022 = vector.broadcast %squeeze3A_1011 : f32 to vector<16xf32>
          %mul3A_1023 = arith.mulf %unpack3A_1020, %mul3A_1022 : vector<16xf32>
          %swap3A_1024 = arith.index_cast %add3A_1015 : i32 to index
          %swap3A_1025 = arith.constant 0 : index
          %swap3A_1026 = tpu.vector_load %arg12[%swap3A_1024, %swap3A_1025] {strides = array<i32>} : memref<128x128xf32, #tpu.memory_space<vmem>>, vector<16xf32>,
          tpu.vector_store %arg12[%swap3A_1024, %swap3A_1025], %mul3A_1023 {strides = array<i32>} : memref<128x128xf32, #tpu.memory_space<vmem>>, vector<16xf32>,
          %mul3A_1027 = vector.broadcast %squeeze3A_1011 : f32 to vector<16xf32>
          %mul3A_1028 = arith.mulf %unpack3A_1021, %mul3A_1027 : vector<16xf32>
          %swap3A_1029 = arith.index_cast %add3A_1015 : i32 to index
          %swap3A_1030 = arith.constant 16 : index
          %swap3A_1031 = tpu.vector_load %arg12[%swap3A_1029, %swap3A_1030] {strides = array<i32>} : memref<128x128xf32, #tpu.memory_space<vmem>>, vector<16xf32>,
          tpu.vector_store %arg12[%swap3A_1029, %swap3A_1030], %mul3A_1028 {strides = array<i32>} : memref<128x128xf32, #tpu.memory_space<vmem>>, vector<16xf32>,
          %get3A_1032 = arith.index_cast %add3A_1015 : i32 to index
          %get3A_1033 = arith.constant 16 : index
          %get3A_1034 = tpu.vector_load %arg11[%get3A_1032, %get3A_1033] {strides = array<i32>} : memref<128x64xi32, #tpu.memory_space<vmem>>, vector<16xi32>,
          %bitcast3A_1035 = vector.bitcast %get3A_1034 : vector<16xi32> to vector<32xbf16>
          %unpack3A_1036 = tpu.unpack_subelements %bitcast3A_1035, 0 {pack_format = #tpu.pack_format<interleaved>} : vector<32xbf16> -> vector<16xf32>
          %unpack3A_1037 = tpu.unpack_subelements %bitcast3A_1035, 1 {pack_format = #tpu.pack_format<interleaved>} : vector<32xbf16> -> vector<16xf32>
          %mul3A_1038 = vector.broadcast %squeeze3A_1011 : f32 to vector<16xf32>
          %mul3A_1039 = arith.mulf %unpack3A_1036, %mul3A_1038 : vector<16xf32>
          %swap3A_1040 = arith.index_cast %add3A_1015 : i32 to index
          %swap3A_1041 = arith.constant 32 : index
          %swap3A_1042 = tpu.vector_load %arg12[%swap3A_1040, %swap3A_1041] {strides = array<i32>} : memref<128x128xf32, #tpu.memory_space<vmem>>, vector<16xf32>,
          tpu.vector_store %arg12[%swap3A_1040, %swap3A_1041], %mul3A_1039 {strides = array<i32>} : memref<128x128xf32, #tpu.memory_space<vmem>>, vector<16xf32>,
          %mul3A_1043 = vector.broadcast %squeeze3A_1011 : f32 to vector<16xf32>
          %mul3A_1044 = arith.mulf %unpack3A_1037, %mul3A_1043 : vector<16xf32>
          %swap3A_1045 = arith.index_cast %add3A_1015 : i32 to index
          %swap3A_1046 = arith.constant 48 : index
          %swap3A_1047 = tpu.vector_load %arg12[%swap3A_1045, %swap3A_1046] {strides = array<i32>} : memref<128x128xf32, #tpu.memory_space<vmem>>, vector<16xf32>,
          tpu.vector_store %arg12[%swap3A_1045, %swap3A_1046], %mul3A_1044 {strides = array<i32>} : memref<128x128xf32, #tpu.memory_space<vmem>>, vector<16xf32>,
          %get3A_1048 = arith.index_cast %add3A_1015 : i32 to index
          %get3A_1049 = arith.constant 32 : index
          %get3A_1050 = tpu.vector_load %arg11[%get3A_1048, %get3A_1049] {strides = array<i32>} : memref<128x64xi32, #tpu.memory_space<vmem>>, vector<16xi32>,
          %bitcast3A_1051 = vector.bitcast %get3A_1050 : vector<16xi32> to vector<32xbf16>
          %unpack3A_1052 = tpu.unpack_subelements %bitcast3A_1051, 0 {pack_format = #tpu.pack_format<interleaved>} : vector<32xbf16> -> vector<16xf32>
          %unpack3A_1053 = tpu.unpack_subelements %bitcast3A_1051, 1 {pack_format = #tpu.pack_format<interleaved>} : vector<32xbf16> -> vector<16xf32>
          %mul3A_1054 = vector.broadcast %squeeze3A_1011 : f32 to vector<16xf32>
          %mul3A_1055 = arith.mulf %unpack3A_1052, %mul3A_1054 : vector<16xf32>
          %swap3A_1056 = arith.index_cast %add3A_1015 : i32 to index
          %swap3A_1057 = arith.constant 64 : index
          %swap3A_1058 = tpu.vector_load %arg12[%swap3A_1056, %swap3A_1057] {strides = array<i32>} : memref<128x128xf32, #tpu.memory_space<vmem>>, vector<16xf32>,
          tpu.vector_store %arg12[%swap3A_1056, %swap3A_1057], %mul3A_1055 {strides = array<i32>} : memref<128x128xf32, #tpu.memory_space<vmem>>, vector<16xf32>,
          %mul3A_1059 = vector.broadcast %squeeze3A_1011 : f32 to vector<16xf32>
          %mul3A_1060 = arith.mulf %unpack3A_1053, %mul3A_1059 : vector<16xf32>
          %swap3A_1061 = arith.index_cast %add3A_1015 : i32 to index
          %swap3A_1062 = arith.constant 80 : index
          %swap3A_1063 = tpu.vector_load %arg12[%swap3A_1061, %swap3A_1062] {strides = array<i32>} : memref<128x128xf32, #tpu.memory_space<vmem>>, vector<16xf32>,
          tpu.vector_store %arg12[%swap3A_1061, %swap3A_1062], %mul3A_1060 {strides = array<i32>} : memref<128x128xf32, #tpu.memory_space<vmem>>, vector<16xf32>,
          %get3A_1064 = arith.index_cast %add3A_1015 : i32 to index
          %get3A_1065 = arith.constant 48 : index
          %get3A_1066 = tpu.vector_load %arg11[%get3A_1064, %get3A_1065] {strides = array<i32>} : memref<128x64xi32, #tpu.memory_space<vmem>>, vector<16xi32>,
          %bitcast3A_1067 = vector.bitcast %get3A_1066 : vector<16xi32> to vector<32xbf16>
          %unpack3A_1068 = tpu.unpack_subelements %bitcast3A_1067, 0 {pack_format = #tpu.pack_format<interleaved>} : vector<32xbf16> -> vector<16xf32>
          %unpack3A_1069 = tpu.unpack_subelements %bitcast3A_1067, 1 {pack_format = #tpu.pack_format<interleaved>} : vector<32xbf16> -> vector<16xf32>
          %mul3A_1070 = vector.broadcast %squeeze3A_1011 : f32 to vector<16xf32>
          %mul3A_1071 = arith.mulf %unpack3A_1068, %mul3A_1070 : vector<16xf32>
          %swap3A_1072 = arith.index_cast %add3A_1015 : i32 to index
          %swap3A_1073 = arith.constant 96 : index
          %swap3A_1074 = tpu.vector_load %arg12[%swap3A_1072, %swap3A_1073] {strides = array<i32>} : memref<128x128xf32, #tpu.memory_space<vmem>>, vector<16xf32>,
          tpu.vector_store %arg12[%swap3A_1072, %swap3A_1073], %mul3A_1071 {strides = array<i32>} : memref<128x128xf32, #tpu.memory_space<vmem>>, vector<16xf32>,
          %mul3A_1075 = vector.broadcast %squeeze3A_1011 : f32 to vector<16xf32>
          %mul3A_1076 = arith.mulf %unpack3A_1069, %mul3A_1075 : vector<16xf32>
          %swap3A_1077 = arith.index_cast %add3A_1015 : i32 to index
          %swap3A_1078 = arith.constant 112 : index
          %swap3A_1079 = tpu.vector_load %arg12[%swap3A_1077, %swap3A_1078] {strides = array<i32>} : memref<128x128xf32, #tpu.memory_space<vmem>>, vector<16xf32>,
          tpu.vector_store %arg12[%swap3A_1077, %swap3A_1078], %mul3A_1076 {strides = array<i32>} : memref<128x128xf32, #tpu.memory_space<vmem>>, vector<16xf32>,
          %slice3A_1080 = vector.extract_strided_slice %get3A_174 {offsets = [13], sizes = [1], strides = [1]} : vector<16xf32> to vector<1xf32>
          %squeeze3A_1081 = vector.extract %slice3A_1080[0] : f32 from vector<1xf32>
          %mul3A_1082 = arith.constant 16 : i32
          %mul3A_1083 = arith.muli %scan3A_169, %mul3A_1082 : i32
          %add3A_1084 = arith.constant 13 : i32
          %add3A_1085 = arith.addi %mul3A_1083, %add3A_1084 : i32
          %get3A_1086 = arith.index_cast %add3A_1085 : i32 to index
          %get3A_1087 = arith.constant 0 : index
          %get3A_1088 = tpu.vector_load %arg11[%get3A_1086, %get3A_1087] {strides = array<i32>} : memref<128x64xi32, #tpu.memory_space<vmem>>, vector<16xi32>,
          %bitcast3A_1089 = vector.bitcast %get3A_1088 : vector<16xi32> to vector<32xbf16>
          %unpack3A_1090 = tpu.unpack_subelements %bitcast3A_1089, 0 {pack_format = #tpu.pack_format<interleaved>} : vector<32xbf16> -> vector<16xf32>
          %unpack3A_1091 = tpu.unpack_subelements %bitcast3A_1089, 1 {pack_format = #tpu.pack_format<interleaved>} : vector<32xbf16> -> vector<16xf32>
          %mul3A_1092 = vector.broadcast %squeeze3A_1081 : f32 to vector<16xf32>
          %mul3A_1093 = arith.mulf %unpack3A_1090, %mul3A_1092 : vector<16xf32>
          %swap3A_1094 = arith.index_cast %add3A_1085 : i32 to index
          %swap3A_1095 = arith.constant 0 : index
          %swap3A_1096 = tpu.vector_load %arg12[%swap3A_1094, %swap3A_1095] {strides = array<i32>} : memref<128x128xf32, #tpu.memory_space<vmem>>, vector<16xf32>,
          tpu.vector_store %arg12[%swap3A_1094, %swap3A_1095], %mul3A_1093 {strides = array<i32>} : memref<128x128xf32, #tpu.memory_space<vmem>>, vector<16xf32>,
          %mul3A_1097 = vector.broadcast %squeeze3A_1081 : f32 to vector<16xf32>
          %mul3A_1098 = arith.mulf %unpack3A_1091, %mul3A_1097 : vector<16xf32>
          %swap3A_1099 = arith.index_cast %add3A_1085 : i32 to index
          %swap3A_1100 = arith.constant 16 : index
          %swap3A_1101 = tpu.vector_load %arg12[%swap3A_1099, %swap3A_1100] {strides = array<i32>} : memref<128x128xf32, #tpu.memory_space<vmem>>, vector<16xf32>,
          tpu.vector_store %arg12[%swap3A_1099, %swap3A_1100], %mul3A_1098 {strides = array<i32>} : memref<128x128xf32, #tpu.memory_space<vmem>>, vector<16xf32>,
          %get3A_1102 = arith.index_cast %add3A_1085 : i32 to index
          %get3A_1103 = arith.constant 16 : index
          %get3A_1104 = tpu.vector_load %arg11[%get3A_1102, %get3A_1103] {strides = array<i32>} : memref<128x64xi32, #tpu.memory_space<vmem>>, vector<16xi32>,
          %bitcast3A_1105 = vector.bitcast %get3A_1104 : vector<16xi32> to vector<32xbf16>
          %unpack3A_1106 = tpu.unpack_subelements %bitcast3A_1105, 0 {pack_format = #tpu.pack_format<interleaved>} : vector<32xbf16> -> vector<16xf32>
          %unpack3A_1107 = tpu.unpack_subelements %bitcast3A_1105, 1 {pack_format = #tpu.pack_format<interleaved>} : vector<32xbf16> -> vector<16xf32>
          %mul3A_1108 = vector.broadcast %squeeze3A_1081 : f32 to vector<16xf32>
          %mul3A_1109 = arith.mulf %unpack3A_1106, %mul3A_1108 : vector<16xf32>
          %swap3A_1110 = arith.index_cast %add3A_1085 : i32 to index
          %swap3A_1111 = arith.constant 32 : index
          %swap3A_1112 = tpu.vector_load %arg12[%swap3A_1110, %swap3A_1111] {strides = array<i32>} : memref<128x128xf32, #tpu.memory_space<vmem>>, vector<16xf32>,
          tpu.vector_store %arg12[%swap3A_1110, %swap3A_1111], %mul3A_1109 {strides = array<i32>} : memref<128x128xf32, #tpu.memory_space<vmem>>, vector<16xf32>,
          %mul3A_1113 = vector.broadcast %squeeze3A_1081 : f32 to vector<16xf32>
          %mul3A_1114 = arith.mulf %unpack3A_1107, %mul3A_1113 : vector<16xf32>
          %swap3A_1115 = arith.index_cast %add3A_1085 : i32 to index
          %swap3A_1116 = arith.constant 48 : index
          %swap3A_1117 = tpu.vector_load %arg12[%swap3A_1115, %swap3A_1116] {strides = array<i32>} : memref<128x128xf32, #tpu.memory_space<vmem>>, vector<16xf32>,
          tpu.vector_store %arg12[%swap3A_1115, %swap3A_1116], %mul3A_1114 {strides = array<i32>} : memref<128x128xf32, #tpu.memory_space<vmem>>, vector<16xf32>,
          %get3A_1118 = arith.index_cast %add3A_1085 : i32 to index
          %get3A_1119 = arith.constant 32 : index
          %get3A_1120 = tpu.vector_load %arg11[%get3A_1118, %get3A_1119] {strides = array<i32>} : memref<128x64xi32, #tpu.memory_space<vmem>>, vector<16xi32>,
          %bitcast3A_1121 = vector.bitcast %get3A_1120 : vector<16xi32> to vector<32xbf16>
          %unpack3A_1122 = tpu.unpack_subelements %bitcast3A_1121, 0 {pack_format = #tpu.pack_format<interleaved>} : vector<32xbf16> -> vector<16xf32>
          %unpack3A_1123 = tpu.unpack_subelements %bitcast3A_1121, 1 {pack_format = #tpu.pack_format<interleaved>} : vector<32xbf16> -> vector<16xf32>
          %mul3A_1124 = vector.broadcast %squeeze3A_1081 : f32 to vector<16xf32>
          %mul3A_1125 = arith.mulf %unpack3A_1122, %mul3A_1124 : vector<16xf32>
          %swap3A_1126 = arith.index_cast %add3A_1085 : i32 to index
          %swap3A_1127 = arith.constant 64 : index
          %swap3A_1128 = tpu.vector_load %arg12[%swap3A_1126, %swap3A_1127] {strides = array<i32>} : memref<128x128xf32, #tpu.memory_space<vmem>>, vector<16xf32>,
          tpu.vector_store %arg12[%swap3A_1126, %swap3A_1127], %mul3A_1125 {strides = array<i32>} : memref<128x128xf32, #tpu.memory_space<vmem>>, vector<16xf32>,
          %mul3A_1129 = vector.broadcast %squeeze3A_1081 : f32 to vector<16xf32>
          %mul3A_1130 = arith.mulf %unpack3A_1123, %mul3A_1129 : vector<16xf32>
          %swap3A_1131 = arith.index_cast %add3A_1085 : i32 to index
          %swap3A_1132 = arith.constant 80 : index
          %swap3A_1133 = tpu.vector_load %arg12[%swap3A_1131, %swap3A_1132] {strides = array<i32>} : memref<128x128xf32, #tpu.memory_space<vmem>>, vector<16xf32>,
          tpu.vector_store %arg12[%swap3A_1131, %swap3A_1132], %mul3A_1130 {strides = array<i32>} : memref<128x128xf32, #tpu.memory_space<vmem>>, vector<16xf32>,
          %get3A_1134 = arith.index_cast %add3A_1085 : i32 to index
          %get3A_1135 = arith.constant 48 : index
          %get3A_1136 = tpu.vector_load %arg11[%get3A_1134, %get3A_1135] {strides = array<i32>} : memref<128x64xi32, #tpu.memory_space<vmem>>, vector<16xi32>,
          %bitcast3A_1137 = vector.bitcast %get3A_1136 : vector<16xi32> to vector<32xbf16>
          %unpack3A_1138 = tpu.unpack_subelements %bitcast3A_1137, 0 {pack_format = #tpu.pack_format<interleaved>} : vector<32xbf16> -> vector<16xf32>
          %unpack3A_1139 = tpu.unpack_subelements %bitcast3A_1137, 1 {pack_format = #tpu.pack_format<interleaved>} : vector<32xbf16> -> vector<16xf32>
          %mul3A_1140 = vector.broadcast %squeeze3A_1081 : f32 to vector<16xf32>
          %mul3A_1141 = arith.mulf %unpack3A_1138, %mul3A_1140 : vector<16xf32>
          %swap3A_1142 = arith.index_cast %add3A_1085 : i32 to index
          %swap3A_1143 = arith.constant 96 : index
          %swap3A_1144 = tpu.vector_load %arg12[%swap3A_1142, %swap3A_1143] {strides = array<i32>} : memref<128x128xf32, #tpu.memory_space<vmem>>, vector<16xf32>,
          tpu.vector_store %arg12[%swap3A_1142, %swap3A_1143], %mul3A_1141 {strides = array<i32>} : memref<128x128xf32, #tpu.memory_space<vmem>>, vector<16xf32>,
          %mul3A_1145 = vector.broadcast %squeeze3A_1081 : f32 to vector<16xf32>
          %mul3A_1146 = arith.mulf %unpack3A_1139, %mul3A_1145 : vector<16xf32>
          %swap3A_1147 = arith.index_cast %add3A_1085 : i32 to index
          %swap3A_1148 = arith.constant 112 : index
          %swap3A_1149 = tpu.vector_load %arg12[%swap3A_1147, %swap3A_1148] {strides = array<i32>} : memref<128x128xf32, #tpu.memory_space<vmem>>, vector<16xf32>,
          tpu.vector_store %arg12[%swap3A_1147, %swap3A_1148], %mul3A_1146 {strides = array<i32>} : memref<128x128xf32, #tpu.memory_space<vmem>>, vector<16xf32>,
          %slice3A_1150 = vector.extract_strided_slice %get3A_174 {offsets = [14], sizes = [1], strides = [1]} : vector<16xf32> to vector<1xf32>
          %squeeze3A_1151 = vector.extract %slice3A_1150[0] : f32 from vector<1xf32>
          %mul3A_1152 = arith.constant 16 : i32
          %mul3A_1153 = arith.muli %scan3A_169, %mul3A_1152 : i32
          %add3A_1154 = arith.constant 14 : i32
          %add3A_1155 = arith.addi %mul3A_1153, %add3A_1154 : i32
          %get3A_1156 = arith.index_cast %add3A_1155 : i32 to index
          %get3A_1157 = arith.constant 0 : index
          %get3A_1158 = tpu.vector_load %arg11[%get3A_1156, %get3A_1157] {strides = array<i32>} : memref<128x64xi32, #tpu.memory_space<vmem>>, vector<16xi32>,
          %bitcast3A_1159 = vector.bitcast %get3A_1158 : vector<16xi32> to vector<32xbf16>
          %unpack3A_1160 = tpu.unpack_subelements %bitcast3A_1159, 0 {pack_format = #tpu.pack_format<interleaved>} : vector<32xbf16> -> vector<16xf32>
          %unpack3A_1161 = tpu.unpack_subelements %bitcast3A_1159, 1 {pack_format = #tpu.pack_format<interleaved>} : vector<32xbf16> -> vector<16xf32>
          %mul3A_1162 = vector.broadcast %squeeze3A_1151 : f32 to vector<16xf32>
          %mul3A_1163 = arith.mulf %unpack3A_1160, %mul3A_1162 : vector<16xf32>
          %swap3A_1164 = arith.index_cast %add3A_1155 : i32 to index
          %swap3A_1165 = arith.constant 0 : index
          %swap3A_1166 = tpu.vector_load %arg12[%swap3A_1164, %swap3A_1165] {strides = array<i32>} : memref<128x128xf32, #tpu.memory_space<vmem>>, vector<16xf32>,
          tpu.vector_store %arg12[%swap3A_1164, %swap3A_1165], %mul3A_1163 {strides = array<i32>} : memref<128x128xf32, #tpu.memory_space<vmem>>, vector<16xf32>,
          %mul3A_1167 = vector.broadcast %squeeze3A_1151 : f32 to vector<16xf32>
          %mul3A_1168 = arith.mulf %unpack3A_1161, %mul3A_1167 : vector<16xf32>
          %swap3A_1169 = arith.index_cast %add3A_1155 : i32 to index
          %swap3A_1170 = arith.constant 16 : index
          %swap3A_1171 = tpu.vector_load %arg12[%swap3A_1169, %swap3A_1170] {strides = array<i32>} : memref<128x128xf32, #tpu.memory_space<vmem>>, vector<16xf32>,
          tpu.vector_store %arg12[%swap3A_1169, %swap3A_1170], %mul3A_1168 {strides = array<i32>} : memref<128x128xf32, #tpu.memory_space<vmem>>, vector<16xf32>,
          %get3A_1172 = arith.index_cast %add3A_1155 : i32 to index
          %get3A_1173 = arith.constant 16 : index
          %get3A_1174 = tpu.vector_load %arg11[%get3A_1172, %get3A_1173] {strides = array<i32>} : memref<128x64xi32, #tpu.memory_space<vmem>>, vector<16xi32>,
          %bitcast3A_1175 = vector.bitcast %get3A_1174 : vector<16xi32> to vector<32xbf16>
          %unpack3A_1176 = tpu.unpack_subelements %bitcast3A_1175, 0 {pack_format = #tpu.pack_format<interleaved>} : vector<32xbf16> -> vector<16xf32>
          %unpack3A_1177 = tpu.unpack_subelements %bitcast3A_1175, 1 {pack_format = #tpu.pack_format<interleaved>} : vector<32xbf16> -> vector<16xf32>
          %mul3A_1178 = vector.broadcast %squeeze3A_1151 : f32 to vector<16xf32>
          %mul3A_1179 = arith.mulf %unpack3A_1176, %mul3A_1178 : vector<16xf32>
          %swap3A_1180 = arith.index_cast %add3A_1155 : i32 to index
          %swap3A_1181 = arith.constant 32 : index
          %swap3A_1182 = tpu.vector_load %arg12[%swap3A_1180, %swap3A_1181] {strides = array<i32>} : memref<128x128xf32, #tpu.memory_space<vmem>>, vector<16xf32>,
          tpu.vector_store %arg12[%swap3A_1180, %swap3A_1181], %mul3A_1179 {strides = array<i32>} : memref<128x128xf32, #tpu.memory_space<vmem>>, vector<16xf32>,
          %mul3A_1183 = vector.broadcast %squeeze3A_1151 : f32 to vector<16xf32>
          %mul3A_1184 = arith.mulf %unpack3A_1177, %mul3A_1183 : vector<16xf32>
          %swap3A_1185 = arith.index_cast %add3A_1155 : i32 to index
          %swap3A_1186 = arith.constant 48 : index
          %swap3A_1187 = tpu.vector_load %arg12[%swap3A_1185, %swap3A_1186] {strides = array<i32>} : memref<128x128xf32, #tpu.memory_space<vmem>>, vector<16xf32>,
          tpu.vector_store %arg12[%swap3A_1185, %swap3A_1186], %mul3A_1184 {strides = array<i32>} : memref<128x128xf32, #tpu.memory_space<vmem>>, vector<16xf32>,
          %get3A_1188 = arith.index_cast %add3A_1155 : i32 to index
          %get3A_1189 = arith.constant 32 : index
          %get3A_1190 = tpu.vector_load %arg11[%get3A_1188, %get3A_1189] {strides = array<i32>} : memref<128x64xi32, #tpu.memory_space<vmem>>, vector<16xi32>,
          %bitcast3A_1191 = vector.bitcast %get3A_1190 : vector<16xi32> to vector<32xbf16>
          %unpack3A_1192 = tpu.unpack_subelements %bitcast3A_1191, 0 {pack_format = #tpu.pack_format<interleaved>} : vector<32xbf16> -> vector<16xf32>
          %unpack3A_1193 = tpu.unpack_subelements %bitcast3A_1191, 1 {pack_format = #tpu.pack_format<interleaved>} : vector<32xbf16> -> vector<16xf32>
          %mul3A_1194 = vector.broadcast %squeeze3A_1151 : f32 to vector<16xf32>
          %mul3A_1195 = arith.mulf %unpack3A_1192, %mul3A_1194 : vector<16xf32>
          %swap3A_1196 = arith.index_cast %add3A_1155 : i32 to index
          %swap3A_1197 = arith.constant 64 : index
          %swap3A_1198 = tpu.vector_load %arg12[%swap3A_1196, %swap3A_1197] {strides = array<i32>} : memref<128x128xf32, #tpu.memory_space<vmem>>, vector<16xf32>,
          tpu.vector_store %arg12[%swap3A_1196, %swap3A_1197], %mul3A_1195 {strides = array<i32>} : memref<128x128xf32, #tpu.memory_space<vmem>>, vector<16xf32>,
          %mul3A_1199 = vector.broadcast %squeeze3A_1151 : f32 to vector<16xf32>
          %mul3A_1200 = arith.mulf %unpack3A_1193, %mul3A_1199 : vector<16xf32>
          %swap3A_1201 = arith.index_cast %add3A_1155 : i32 to index
          %swap3A_1202 = arith.constant 80 : index
          %swap3A_1203 = tpu.vector_load %arg12[%swap3A_1201, %swap3A_1202] {strides = array<i32>} : memref<128x128xf32, #tpu.memory_space<vmem>>, vector<16xf32>,
          tpu.vector_store %arg12[%swap3A_1201, %swap3A_1202], %mul3A_1200 {strides = array<i32>} : memref<128x128xf32, #tpu.memory_space<vmem>>, vector<16xf32>,
          %get3A_1204 = arith.index_cast %add3A_1155 : i32 to index
          %get3A_1205 = arith.constant 48 : index
          %get3A_1206 = tpu.vector_load %arg11[%get3A_1204, %get3A_1205] {strides = array<i32>} : memref<128x64xi32, #tpu.memory_space<vmem>>, vector<16xi32>,
          %bitcast3A_1207 = vector.bitcast %get3A_1206 : vector<16xi32> to vector<32xbf16>
          %unpack3A_1208 = tpu.unpack_subelements %bitcast3A_1207, 0 {pack_format = #tpu.pack_format<interleaved>} : vector<32xbf16> -> vector<16xf32>
          %unpack3A_1209 = tpu.unpack_subelements %bitcast3A_1207, 1 {pack_format = #tpu.pack_format<interleaved>} : vector<32xbf16> -> vector<16xf32>
          %mul3A_1210 = vector.broadcast %squeeze3A_1151 : f32 to vector<16xf32>
          %mul3A_1211 = arith.mulf %unpack3A_1208, %mul3A_1210 : vector<16xf32>
          %swap3A_1212 = arith.index_cast %add3A_1155 : i32 to index
          %swap3A_1213 = arith.constant 96 : index
          %swap3A_1214 = tpu.vector_load %arg12[%swap3A_1212, %swap3A_1213] {strides = array<i32>} : memref<128x128xf32, #tpu.memory_space<vmem>>, vector<16xf32>,
          tpu.vector_store %arg12[%swap3A_1212, %swap3A_1213], %mul3A_1211 {strides = array<i32>} : memref<128x128xf32, #tpu.memory_space<vmem>>, vector<16xf32>,
          %mul3A_1215 = vector.broadcast %squeeze3A_1151 : f32 to vector<16xf32>
          %mul3A_1216 = arith.mulf %unpack3A_1209, %mul3A_1215 : vector<16xf32>
          %swap3A_1217 = arith.index_cast %add3A_1155 : i32 to index
          %swap3A_1218 = arith.constant 112 : index
          %swap3A_1219 = tpu.vector_load %arg12[%swap3A_1217, %swap3A_1218] {strides = array<i32>} : memref<128x128xf32, #tpu.memory_space<vmem>>, vector<16xf32>,
          tpu.vector_store %arg12[%swap3A_1217, %swap3A_1218], %mul3A_1216 {strides = array<i32>} : memref<128x128xf32, #tpu.memory_space<vmem>>, vector<16xf32>,
          %slice3A_1220 = vector.extract_strided_slice %get3A_174 {offsets = [15], sizes = [1], strides = [1]} : vector<16xf32> to vector<1xf32>
          %squeeze3A_1221 = vector.extract %slice3A_1220[0] : f32 from vector<1xf32>
          %mul3A_1222 = arith.constant 16 : i32
          %mul3A_1223 = arith.muli %scan3A_169, %mul3A_1222 : i32
          %add3A_1224 = arith.constant 15 : i32
          %add3A_1225 = arith.addi %mul3A_1223, %add3A_1224 : i32
          %get3A_1226 = arith.index_cast %add3A_1225 : i32 to index
          %get3A_1227 = arith.constant 0 : index
          %get3A_1228 = tpu.vector_load %arg11[%get3A_1226, %get3A_1227] {strides = array<i32>} : memref<128x64xi32, #tpu.memory_space<vmem>>, vector<16xi32>,
          %bitcast3A_1229 = vector.bitcast %get3A_1228 : vector<16xi32> to vector<32xbf16>
          %unpack3A_1230 = tpu.unpack_subelements %bitcast3A_1229, 0 {pack_format = #tpu.pack_format<interleaved>} : vector<32xbf16> -> vector<16xf32>
          %unpack3A_1231 = tpu.unpack_subelements %bitcast3A_1229, 1 {pack_format = #tpu.pack_format<interleaved>} : vector<32xbf16> -> vector<16xf32>
          %mul3A_1232 = vector.broadcast %squeeze3A_1221 : f32 to vector<16xf32>
          %mul3A_1233 = arith.mulf %unpack3A_1230, %mul3A_1232 : vector<16xf32>
          %swap3A_1234 = arith.index_cast %add3A_1225 : i32 to index
          %swap3A_1235 = arith.constant 0 : index
          %swap3A_1236 = tpu.vector_load %arg12[%swap3A_1234, %swap3A_1235] {strides = array<i32>} : memref<128x128xf32, #tpu.memory_space<vmem>>, vector<16xf32>,
          tpu.vector_store %arg12[%swap3A_1234, %swap3A_1235], %mul3A_1233 {strides = array<i32>} : memref<128x128xf32, #tpu.memory_space<vmem>>, vector<16xf32>,
          %mul3A_1237 = vector.broadcast %squeeze3A_1221 : f32 to vector<16xf32>
          %mul3A_1238 = arith.mulf %unpack3A_1231, %mul3A_1237 : vector<16xf32>
          %swap3A_1239 = arith.index_cast %add3A_1225 : i32 to index
          %swap3A_1240 = arith.constant 16 : index
          %swap3A_1241 = tpu.vector_load %arg12[%swap3A_1239, %swap3A_1240] {strides = array<i32>} : memref<128x128xf32, #tpu.memory_space<vmem>>, vector<16xf32>,
          tpu.vector_store %arg12[%swap3A_1239, %swap3A_1240], %mul3A_1238 {strides = array<i32>} : memref<128x128xf32, #tpu.memory_space<vmem>>, vector<16xf32>,
          %get3A_1242 = arith.index_cast %add3A_1225 : i32 to index
          %get3A_1243 = arith.constant 16 : index
          %get3A_1244 = tpu.vector_load %arg11[%get3A_1242, %get3A_1243] {strides = array<i32>} : memref<128x64xi32, #tpu.memory_space<vmem>>, vector<16xi32>,
          %bitcast3A_1245 = vector.bitcast %get3A_1244 : vector<16xi32> to vector<32xbf16>
          %unpack3A_1246 = tpu.unpack_subelements %bitcast3A_1245, 0 {pack_format = #tpu.pack_format<interleaved>} : vector<32xbf16> -> vector<16xf32>
          %unpack3A_1247 = tpu.unpack_subelements %bitcast3A_1245, 1 {pack_format = #tpu.pack_format<interleaved>} : vector<32xbf16> -> vector<16xf32>
          %mul3A_1248 = vector.broadcast %squeeze3A_1221 : f32 to vector<16xf32>
          %mul3A_1249 = arith.mulf %unpack3A_1246, %mul3A_1248 : vector<16xf32>
          %swap3A_1250 = arith.index_cast %add3A_1225 : i32 to index
          %swap3A_1251 = arith.constant 32 : index
          %swap3A_1252 = tpu.vector_load %arg12[%swap3A_1250, %swap3A_1251] {strides = array<i32>} : memref<128x128xf32, #tpu.memory_space<vmem>>, vector<16xf32>,
          tpu.vector_store %arg12[%swap3A_1250, %swap3A_1251], %mul3A_1249 {strides = array<i32>} : memref<128x128xf32, #tpu.memory_space<vmem>>, vector<16xf32>,
          %mul3A_1253 = vector.broadcast %squeeze3A_1221 : f32 to vector<16xf32>
          %mul3A_1254 = arith.mulf %unpack3A_1247, %mul3A_1253 : vector<16xf32>
          %swap3A_1255 = arith.index_cast %add3A_1225 : i32 to index
          %swap3A_1256 = arith.constant 48 : index
          %swap3A_1257 = tpu.vector_load %arg12[%swap3A_1255, %swap3A_1256] {strides = array<i32>} : memref<128x128xf32, #tpu.memory_space<vmem>>, vector<16xf32>,
          tpu.vector_store %arg12[%swap3A_1255, %swap3A_1256], %mul3A_1254 {strides = array<i32>} : memref<128x128xf32, #tpu.memory_space<vmem>>, vector<16xf32>,
          %get3A_1258 = arith.index_cast %add3A_1225 : i32 to index
          %get3A_1259 = arith.constant 32 : index
          %get3A_1260 = tpu.vector_load %arg11[%get3A_1258, %get3A_1259] {strides = array<i32>} : memref<128x64xi32, #tpu.memory_space<vmem>>, vector<16xi32>,
          %bitcast3A_1261 = vector.bitcast %get3A_1260 : vector<16xi32> to vector<32xbf16>
          %unpack3A_1262 = tpu.unpack_subelements %bitcast3A_1261, 0 {pack_format = #tpu.pack_format<interleaved>} : vector<32xbf16> -> vector<16xf32>
          %unpack3A_1263 = tpu.unpack_subelements %bitcast3A_1261, 1 {pack_format = #tpu.pack_format<interleaved>} : vector<32xbf16> -> vector<16xf32>
          %mul3A_1264 = vector.broadcast %squeeze3A_1221 : f32 to vector<16xf32>
          %mul3A_1265 = arith.mulf %unpack3A_1262, %mul3A_1264 : vector<16xf32>
          %swap3A_1266 = arith.index_cast %add3A_1225 : i32 to index
          %swap3A_1267 = arith.constant 64 : index
          %swap3A_1268 = tpu.vector_load %arg12[%swap3A_1266, %swap3A_1267] {strides = array<i32>} : memref<128x128xf32, #tpu.memory_space<vmem>>, vector<16xf32>,
          tpu.vector_store %arg12[%swap3A_1266, %swap3A_1267], %mul3A_1265 {strides = array<i32>} : memref<128x128xf32, #tpu.memory_space<vmem>>, vector<16xf32>,
          %mul3A_1269 = vector.broadcast %squeeze3A_1221 : f32 to vector<16xf32>
          %mul3A_1270 = arith.mulf %unpack3A_1263, %mul3A_1269 : vector<16xf32>
          %swap3A_1271 = arith.index_cast %add3A_1225 : i32 to index
          %swap3A_1272 = arith.constant 80 : index
          %swap3A_1273 = tpu.vector_load %arg12[%swap3A_1271, %swap3A_1272] {strides = array<i32>} : memref<128x128xf32, #tpu.memory_space<vmem>>, vector<16xf32>,
          tpu.vector_store %arg12[%swap3A_1271, %swap3A_1272], %mul3A_1270 {strides = array<i32>} : memref<128x128xf32, #tpu.memory_space<vmem>>, vector<16xf32>,
          %get3A_1274 = arith.index_cast %add3A_1225 : i32 to index
          %get3A_1275 = arith.constant 48 : index
          %get3A_1276 = tpu.vector_load %arg11[%get3A_1274, %get3A_1275] {strides = array<i32>} : memref<128x64xi32, #tpu.memory_space<vmem>>, vector<16xi32>,
          %bitcast3A_1277 = vector.bitcast %get3A_1276 : vector<16xi32> to vector<32xbf16>
          %unpack3A_1278 = tpu.unpack_subelements %bitcast3A_1277, 0 {pack_format = #tpu.pack_format<interleaved>} : vector<32xbf16> -> vector<16xf32>
          %unpack3A_1279 = tpu.unpack_subelements %bitcast3A_1277, 1 {pack_format = #tpu.pack_format<interleaved>} : vector<32xbf16> -> vector<16xf32>
          %mul3A_1280 = vector.broadcast %squeeze3A_1221 : f32 to vector<16xf32>
          %mul3A_1281 = arith.mulf %unpack3A_1278, %mul3A_1280 : vector<16xf32>
          %swap3A_1282 = arith.index_cast %add3A_1225 : i32 to index
          %swap3A_1283 = arith.constant 96 : index
          %swap3A_1284 = tpu.vector_load %arg12[%swap3A_1282, %swap3A_1283] {strides = array<i32>} : memref<128x128xf32, #tpu.memory_space<vmem>>, vector<16xf32>,
          tpu.vector_store %arg12[%swap3A_1282, %swap3A_1283], %mul3A_1281 {strides = array<i32>} : memref<128x128xf32, #tpu.memory_space<vmem>>, vector<16xf32>,
          %mul3A_1285 = vector.broadcast %squeeze3A_1221 : f32 to vector<16xf32>
          %mul3A_1286 = arith.mulf %unpack3A_1279, %mul3A_1285 : vector<16xf32>
          %swap3A_1287 = arith.index_cast %add3A_1225 : i32 to index
          %swap3A_1288 = arith.constant 112 : index
          %swap3A_1289 = tpu.vector_load %arg12[%swap3A_1287, %swap3A_1288] {strides = array<i32>} : memref<128x128xf32, #tpu.memory_space<vmem>>, vector<16xf32>,
          tpu.vector_store %arg12[%swap3A_1287, %swap3A_1288], %mul3A_1286 {strides = array<i32>} : memref<128x128xf32, #tpu.memory_space<vmem>>, vector<16xf32>,
          %scan3A_1290 = arith.constant 0 : i32
          scf.yield %scan3A_1290 : i32
        }
        %scan3A_163 = arith.constant 8 : i32
        %mul3A_164 = arith.constant 2 : i32
        %mul3A_165 = arith.muli %mul3A_164, %scan3A_115 : i32
        %add3A_166 = arith.constant 1 : i32
        %add3A_167 = arith.addi %mul3A_165, %add3A_166 : i32
        "tpu.region"() ({
          %run_scoped3A = tpu.sem_alloc : memref<!tpu.dma_semaphore, #tpu.memory_space<semaphore_mem>>
          %dma_start3A_169 = arith.constant 0 : i32
          %dma_start3A_170 = tpu.memref_slice %arg8[%add3A_167, %dma_start3A_169] : memref<16x128xi32, #tpu.memory_space<vmem>> -> memref<1x128xi32, #tpu.memory_space<vmem>>
          %dma_start3A_171 = tpu.memref_squeeze %dma_start3A_170 : memref<1x128xi32, #tpu.memory_space<vmem>> -> memref<128xi32, #tpu.memory_space<vmem>>
          %dma_start3A_172 = arith.constant 0 : i32
          %dma_start3A_173 = arith.constant 0 : i32
          %dma_start3A_174 = tpu.memref_slice %arg13[%dma_start3A_172, %dma_start3A_173] : memref<10240x128xf32, #tpu.memory_space<vmem_shared>> -> memref<10240x128xf32, #tpu.memory_space<vmem_shared>>
          tpu.enqueue_indirect_dma source(%arg12 : memref<128x128xf32, #tpu.memory_space<vmem>>) target(%dma_start3A_174 : memref<10240x128xf32, #tpu.memory_space<vmem_shared>>) offsets(%dma_start3A_171 : memref<128xi32, #tpu.memory_space<vmem>>) semaphore(%run_scoped3A : memref<!tpu.dma_semaphore, #tpu.memory_space<semaphore_mem>>) {add = true}
          %dma_wait3A_175 = arith.constant 0 : i32
          %dma_wait3A_176 = tpu.memref_slice %arg8[%add3A_167, %dma_wait3A_175] : memref<16x128xi32, #tpu.memory_space<vmem>> -> memref<1x128xi32, #tpu.memory_space<vmem>>
          %dma_wait3A_177 = tpu.memref_squeeze %dma_wait3A_176 : memref<1x128xi32, #tpu.memory_space<vmem>> -> memref<128xi32, #tpu.memory_space<vmem>>
          %dma_wait3A_178 = arith.constant 0 : i32
          %dma_wait3A_179 = arith.constant 0 : i32
          %dma_wait3A_180 = tpu.memref_slice %arg13[%dma_wait3A_178, %dma_wait3A_179] : memref<10240x128xf32, #tpu.memory_space<vmem_shared>> -> memref<10240x128xf32, #tpu.memory_space<vmem_shared>>
          tpu.wait_indirect_dma semaphore(%run_scoped3A : memref<!tpu.dma_semaphore, #tpu.memory_space<semaphore_mem>>) src(%arg12 : memref<128x128xf32, #tpu.memory_space<vmem>>) dst(%dma_wait3A_180 : memref<10240x128xf32, #tpu.memory_space<vmem_shared>>)
          tpu.yield
        }) : () -> ()
        %scan3A_168 = arith.constant 0 : i32
        scf.yield %scan3A_168 : i32
      }
      %scan3A_113 = arith.constant 8 : i32
      %scan3A_114 = arith.constant 0 : i32
      scf.yield %scan3A_114 : i32
    }
    %scan3A_41 = arith.constant 10 : i32
    %barrier3A_42 = arith.constant 0 : index
    tpu.barrier barrier_id(%barrier3A_42)
    %mul3A_43 = arith.constant 5 : i32
    %mul3A_44 = arith.muli %arg1, %mul3A_43 : i32
    %add3A_45 = arith.constant 0 : i32
    %add3A_46 = arith.addi %mul3A_44, %add3A_45 : i32
    %mul3A_47 = arith.constant 128 : i32
    %mul3A_48 = arith.muli %add3A_46, %mul3A_47 : i32
    %multiple_of3A = tpu.assume_multiple %mul3A_48, 8 : i32
    "tpu.region"() ({
      %run_scoped3A = tpu.sem_alloc : memref<!tpu.dma_semaphore, #tpu.memory_space<semaphore_mem>>
      %dma_start3A = arith.constant 0 : i32
      %dma_start3A_77 = tpu.memref_slice %arg6[%arg0, %multiple_of3A, %dma_start3A] : memref<2x10240x128xf32, #tpu.memory_space<hbm>> -> memref<1x128x128xf32, #tpu.memory_space<hbm>>
      %dma_start3A_78 = tpu.memref_squeeze %dma_start3A_77 : memref<1x128x128xf32, #tpu.memory_space<hbm>> -> memref<128x128xf32, #tpu.memory_space<hbm>>
      %dma_start3A_79 = arith.constant 0 : i32
      %dma_start3A_80 = tpu.memref_slice %arg13[%mul3A_48, %dma_start3A_79] : memref<10240x128xf32, #tpu.memory_space<vmem_shared>> -> memref<128x128xf32, #tpu.memory_space<vmem_shared>>
      tpu.enqueue_dma source(%dma_start3A_80 : memref<128x128xf32, #tpu.memory_space<vmem_shared>>) target(%dma_start3A_78 : memref<128x128xf32, #tpu.memory_space<hbm>>) target_semaphore(%run_scoped3A : memref<!tpu.dma_semaphore, #tpu.memory_space<semaphore_mem>>)
      %dma_wait3A = arith.constant 0 : i32
      %dma_wait3A_81 = tpu.memref_slice %arg6[%arg0, %multiple_of3A, %dma_wait3A] : memref<2x10240x128xf32, #tpu.memory_space<hbm>> -> memref<1x128x128xf32, #tpu.memory_space<hbm>>
      %dma_wait3A_82 = tpu.memref_squeeze %dma_wait3A_81 : memref<1x128x128xf32, #tpu.memory_space<hbm>> -> memref<128x128xf32, #tpu.memory_space<hbm>>
      %dma_wait3A_83 = arith.constant 0 : i32
      %dma_wait3A_84 = tpu.memref_slice %arg13[%mul3A_48, %dma_wait3A_83] : memref<10240x128xf32, #tpu.memory_space<vmem_shared>> -> memref<128x128xf32, #tpu.memory_space<vmem_shared>>
      tpu.wait_dma2 semaphore(%run_scoped3A : memref<!tpu.dma_semaphore, #tpu.memory_space<semaphore_mem>>) src(%dma_wait3A_84 : memref<128x128xf32, #tpu.memory_space<vmem_shared>>) dst(%dma_wait3A_82 : memref<128x128xf32, #tpu.memory_space<hbm>>)
      tpu.yield
    }) : () -> ()
    %mul3A_49 = arith.constant 5 : i32
    %mul3A_50 = arith.muli %arg1, %mul3A_49 : i32
    %add3A_51 = arith.constant 1 : i32
    %add3A_52 = arith.addi %mul3A_50, %add3A_51 : i32
    %mul3A_53 = arith.constant 128 : i32
    %mul3A_54 = arith.muli %add3A_52, %mul3A_53 : i32
    %multiple_of3A_55 = tpu.assume_multiple %mul3A_54, 8 : i32
    "tpu.region"() ({
      %run_scoped3A = tpu.sem_alloc : memref<!tpu.dma_semaphore, #tpu.memory_space<semaphore_mem>>
      %dma_start3A = arith.constant 0 : i32
      %dma_start3A_77 = tpu.memref_slice %arg6[%arg0, %multiple_of3A_55, %dma_start3A] : memref<2x10240x128xf32, #tpu.memory_space<hbm>> -> memref<1x128x128xf32, #tpu.memory_space<hbm>>
      %dma_start3A_78 = tpu.memref_squeeze %dma_start3A_77 : memref<1x128x128xf32, #tpu.memory_space<hbm>> -> memref<128x128xf32, #tpu.memory_space<hbm>>
      %dma_start3A_79 = arith.constant 0 : i32
      %dma_start3A_80 = tpu.memref_slice %arg13[%mul3A_54, %dma_start3A_79] : memref<10240x128xf32, #tpu.memory_space<vmem_shared>> -> memref<128x128xf32, #tpu.memory_space<vmem_shared>>
      tpu.enqueue_dma source(%dma_start3A_80 : memref<128x128xf32, #tpu.memory_space<vmem_shared>>) target(%dma_start3A_78 : memref<128x128xf32, #tpu.memory_space<hbm>>) target_semaphore(%run_scoped3A : memref<!tpu.dma_semaphore, #tpu.memory_space<semaphore_mem>>)
      %dma_wait3A = arith.constant 0 : i32
      %dma_wait3A_81 = tpu.memref_slice %arg6[%arg0, %multiple_of3A_55, %dma_wait3A] : memref<2x10240x128xf32, #tpu.memory_space<hbm>> -> memref<1x128x128xf32, #tpu.memory_space<hbm>>
      %dma_wait3A_82 = tpu.memref_squeeze %dma_wait3A_81 : memref<1x128x128xf32, #tpu.memory_space<hbm>> -> memref<128x128xf32, #tpu.memory_space<hbm>>
      %dma_wait3A_83 = arith.constant 0 : i32
      %dma_wait3A_84 = tpu.memref_slice %arg13[%mul3A_54, %dma_wait3A_83] : memref<10240x128xf32, #tpu.memory_space<vmem_shared>> -> memref<128x128xf32, #tpu.memory_space<vmem_shared>>
      tpu.wait_dma2 semaphore(%run_scoped3A : memref<!tpu.dma_semaphore, #tpu.memory_space<semaphore_mem>>) src(%dma_wait3A_84 : memref<128x128xf32, #tpu.memory_space<vmem_shared>>) dst(%dma_wait3A_82 : memref<128x128xf32, #tpu.memory_space<hbm>>)
      tpu.yield
    }) : () -> ()
    %mul3A_56 = arith.constant 5 : i32
    %mul3A_57 = arith.muli %arg1, %mul3A_56 : i32
    %add3A_58 = arith.constant 2 : i32
    %add3A_59 = arith.addi %mul3A_57, %add3A_58 : i32
    %mul3A_60 = arith.constant 128 : i32
    %mul3A_61 = arith.muli %add3A_59, %mul3A_60 : i32
    %multiple_of3A_62 = tpu.assume_multiple %mul3A_61, 8 : i32
    "tpu.region"() ({
      %run_scoped3A = tpu.sem_alloc : memref<!tpu.dma_semaphore, #tpu.memory_space<semaphore_mem>>
      %dma_start3A = arith.constant 0 : i32
      %dma_start3A_77 = tpu.memref_slice %arg6[%arg0, %multiple_of3A_62, %dma_start3A] : memref<2x10240x128xf32, #tpu.memory_space<hbm>> -> memref<1x128x128xf32, #tpu.memory_space<hbm>>
      %dma_start3A_78 = tpu.memref_squeeze %dma_start3A_77 : memref<1x128x128xf32, #tpu.memory_space<hbm>> -> memref<128x128xf32, #tpu.memory_space<hbm>>
      %dma_start3A_79 = arith.constant 0 : i32
      %dma_start3A_80 = tpu.memref_slice %arg13[%mul3A_61, %dma_start3A_79] : memref<10240x128xf32, #tpu.memory_space<vmem_shared>> -> memref<128x128xf32, #tpu.memory_space<vmem_shared>>
      tpu.enqueue_dma source(%dma_start3A_80 : memref<128x128xf32, #tpu.memory_space<vmem_shared>>) target(%dma_start3A_78 : memref<128x128xf32, #tpu.memory_space<hbm>>) target_semaphore(%run_scoped3A : memref<!tpu.dma_semaphore, #tpu.memory_space<semaphore_mem>>)
      %dma_wait3A = arith.constant 0 : i32
      %dma_wait3A_81 = tpu.memref_slice %arg6[%arg0, %multiple_of3A_62, %dma_wait3A] : memref<2x10240x128xf32, #tpu.memory_space<hbm>> -> memref<1x128x128xf32, #tpu.memory_space<hbm>>
      %dma_wait3A_82 = tpu.memref_squeeze %dma_wait3A_81 : memref<1x128x128xf32, #tpu.memory_space<hbm>> -> memref<128x128xf32, #tpu.memory_space<hbm>>
      %dma_wait3A_83 = arith.constant 0 : i32
      %dma_wait3A_84 = tpu.memref_slice %arg13[%mul3A_61, %dma_wait3A_83] : memref<10240x128xf32, #tpu.memory_space<vmem_shared>> -> memref<128x128xf32, #tpu.memory_space<vmem_shared>>
      tpu.wait_dma2 semaphore(%run_scoped3A : memref<!tpu.dma_semaphore, #tpu.memory_space<semaphore_mem>>) src(%dma_wait3A_84 : memref<128x128xf32, #tpu.memory_space<vmem_shared>>) dst(%dma_wait3A_82 : memref<128x128xf32, #tpu.memory_space<hbm>>)
      tpu.yield
    }) : () -> ()
    %mul3A_63 = arith.constant 5 : i32
    %mul3A_64 = arith.muli %arg1, %mul3A_63 : i32
    %add3A_65 = arith.constant 3 : i32
    %add3A_66 = arith.addi %mul3A_64, %add3A_65 : i32
    %mul3A_67 = arith.constant 128 : i32
    %mul3A_68 = arith.muli %add3A_66, %mul3A_67 : i32
    %multiple_of3A_69 = tpu.assume_multiple %mul3A_68, 8 : i32
    "tpu.region"() ({
      %run_scoped3A = tpu.sem_alloc : memref<!tpu.dma_semaphore, #tpu.memory_space<semaphore_mem>>
      %dma_start3A = arith.constant 0 : i32
      %dma_start3A_77 = tpu.memref_slice %arg6[%arg0, %multiple_of3A_69, %dma_start3A] : memref<2x10240x128xf32, #tpu.memory_space<hbm>> -> memref<1x128x128xf32, #tpu.memory_space<hbm>>
      %dma_start3A_78 = tpu.memref_squeeze %dma_start3A_77 : memref<1x128x128xf32, #tpu.memory_space<hbm>> -> memref<128x128xf32, #tpu.memory_space<hbm>>
      %dma_start3A_79 = arith.constant 0 : i32
      %dma_start3A_80 = tpu.memref_slice %arg13[%mul3A_68, %dma_start3A_79] : memref<10240x128xf32, #tpu.memory_space<vmem_shared>> -> memref<128x128xf32, #tpu.memory_space<vmem_shared>>
      tpu.enqueue_dma source(%dma_start3A_80 : memref<128x128xf32, #tpu.memory_space<vmem_shared>>) target(%dma_start3A_78 : memref<128x128xf32, #tpu.memory_space<hbm>>) target_semaphore(%run_scoped3A : memref<!tpu.dma_semaphore, #tpu.memory_space<semaphore_mem>>)
      %dma_wait3A = arith.constant 0 : i32
      %dma_wait3A_81 = tpu.memref_slice %arg6[%arg0, %multiple_of3A_69, %dma_wait3A] : memref<2x10240x128xf32, #tpu.memory_space<hbm>> -> memref<1x128x128xf32, #tpu.memory_space<hbm>>
      %dma_wait3A_82 = tpu.memref_squeeze %dma_wait3A_81 : memref<1x128x128xf32, #tpu.memory_space<hbm>> -> memref<128x128xf32, #tpu.memory_space<hbm>>
      %dma_wait3A_83 = arith.constant 0 : i32
      %dma_wait3A_84 = tpu.memref_slice %arg13[%mul3A_68, %dma_wait3A_83] : memref<10240x128xf32, #tpu.memory_space<vmem_shared>> -> memref<128x128xf32, #tpu.memory_space<vmem_shared>>
      tpu.wait_dma2 semaphore(%run_scoped3A : memref<!tpu.dma_semaphore, #tpu.memory_space<semaphore_mem>>) src(%dma_wait3A_84 : memref<128x128xf32, #tpu.memory_space<vmem_shared>>) dst(%dma_wait3A_82 : memref<128x128xf32, #tpu.memory_space<hbm>>)
      tpu.yield
    }) : () -> ()
    %mul3A_70 = arith.constant 5 : i32
    %mul3A_71 = arith.muli %arg1, %mul3A_70 : i32
    %add3A_72 = arith.constant 4 : i32
    %add3A_73 = arith.addi %mul3A_71, %add3A_72 : i32
    %mul3A_74 = arith.constant 128 : i32
    %mul3A_75 = arith.muli %add3A_73, %mul3A_74 : i32
    %multiple_of3A_76 = tpu.assume_multiple %mul3A_75, 8 : i32
    "tpu.region"() ({
      %run_scoped3A = tpu.sem_alloc : memref<!tpu.dma_semaphore, #tpu.memory_space<semaphore_mem>>
      %dma_start3A = arith.constant 0 : i32
      %dma_start3A_77 = tpu.memref_slice %arg6[%arg0, %multiple_of3A_76, %dma_start3A] : memref<2x10240x128xf32, #tpu.memory_space<hbm>> -> memref<1x128x128xf32, #tpu.memory_space<hbm>>
      %dma_start3A_78 = tpu.memref_squeeze %dma_start3A_77 : memref<1x128x128xf32, #tpu.memory_space<hbm>> -> memref<128x128xf32, #tpu.memory_space<hbm>>
      %dma_start3A_79 = arith.constant 0 : i32
      %dma_start3A_80 = tpu.memref_slice %arg13[%mul3A_75, %dma_start3A_79] : memref<10240x128xf32, #tpu.memory_space<vmem_shared>> -> memref<128x128xf32, #tpu.memory_space<vmem_shared>>
      tpu.enqueue_dma source(%dma_start3A_80 : memref<128x128xf32, #tpu.memory_space<vmem_shared>>) target(%dma_start3A_78 : memref<128x128xf32, #tpu.memory_space<hbm>>) target_semaphore(%run_scoped3A : memref<!tpu.dma_semaphore, #tpu.memory_space<semaphore_mem>>)
      %dma_wait3A = arith.constant 0 : i32
      %dma_wait3A_81 = tpu.memref_slice %arg6[%arg0, %multiple_of3A_76, %dma_wait3A] : memref<2x10240x128xf32, #tpu.memory_space<hbm>> -> memref<1x128x128xf32, #tpu.memory_space<hbm>>
      %dma_wait3A_82 = tpu.memref_squeeze %dma_wait3A_81 : memref<1x128x128xf32, #tpu.memory_space<hbm>> -> memref<128x128xf32, #tpu.memory_space<hbm>>
      %dma_wait3A_83 = arith.constant 0 : i32
      %dma_wait3A_84 = tpu.memref_slice %arg13[%mul3A_75, %dma_wait3A_83] : memref<10240x128xf32, #tpu.memory_space<vmem_shared>> -> memref<128x128xf32, #tpu.memory_space<vmem_shared>>
      tpu.wait_dma2 semaphore(%run_scoped3A : memref<!tpu.dma_semaphore, #tpu.memory_space<semaphore_mem>>) src(%dma_wait3A_84 : memref<128x128xf32, #tpu.memory_space<vmem_shared>>) dst(%dma_wait3A_82 : memref<128x128xf32, #tpu.memory_space<hbm>>)
      tpu.yield
    }) : () -> ()
    return
  }
}

#map = affine_map<(d0, d1) -> (0, 0, 0)>
module attributes {stable_mosaic.version = 14 : i64} {
  func.func @ka(%arg0: i32, %arg1: i32, %arg2: memref<2x2560x128xi32, #tpu.memory_space<hbm>>, %arg3: memref<2x2560x128xf32, #tpu.memory_space<hbm>>, %arg4: memref<2x2560x128xf32, #tpu.memory_space<hbm>>, %arg5: memref<160x128xi32, #tpu.memory_space<vmem>>, %arg6: memref<160x128xf32, #tpu.memory_space<vmem>>, %arg7: memref<160x128xf32, #tpu.memory_space<vmem>>, %arg8: memref<80x128xf32, #tpu.memory_space<vmem>>, %arg9: memref<80xi32, #tpu.memory_space<vmem>>, %arg10: memref<8x128xf32, #tpu.memory_space<vmem>>, %arg11: memref<80x128xf32, #tpu.memory_space<vmem_shared>>) attributes {dimension_semantics = [#tpu.dimension_semantics<core_parallel>, #tpu.dimension_semantics<subcore_parallel>], iteration_bounds = array<i64: 2, 16>, scalar_prefetch = 0 : i64, scratch_operands = 7 : i64, tpu.core_type = #tpu.core_type<sc_vector_subcore>, window_params = [{transform_indices = #map}, {transform_indices = #map}, {transform_indices = #map}]} {
    %iota3A = tpu.iota {dimensions = array<i32: 0>} : vector<16xi32>
    %broadcast_in_dim3A = arith.constant 0.000000e+00 : f32
    %broadcast_in_dim3A_0 = vector.broadcast %broadcast_in_dim3A : f32 to vector<16xf32>
    %mul3A = arith.constant 20480 : i32
    %mul3A_1 = arith.muli %arg1, %mul3A : i32
    %jit3A = arith.constant 128 : i32
    %div3A = arith.divsi %mul3A_1, %jit3A : i32
    %sign3A = arith.constant 0 : i32
    %sign3A_2 = arith.cmpi sgt, %mul3A_1, %sign3A : i32
    %sign3A_3 = arith.extui %sign3A_2 : i1 to i32
    %sign3A_4 = arith.constant 0 : i32
    %sign3A_5 = arith.cmpi slt, %mul3A_1, %sign3A_4 : i32
    %sign3A_6 = arith.extui %sign3A_5 : i1 to i32
    %sign3A_7 = arith.subi %sign3A_3, %sign3A_6 : i32
    %sign3A_8 = arith.constant 0 : i32
    %sign3A_9 = arith.cmpi sgt, %jit3A, %sign3A_8 : i32
    %sign3A_10 = arith.extui %sign3A_9 : i1 to i32
    %sign3A_11 = arith.constant 0 : i32
    %sign3A_12 = arith.cmpi slt, %jit3A, %sign3A_11 : i32
    %sign3A_13 = arith.extui %sign3A_12 : i1 to i32
    %sign3A_14 = arith.subi %sign3A_10, %sign3A_13 : i32
    %ne3A = arith.cmpi ne, %sign3A_7, %sign3A_14 : i32
    %rem3A = arith.remsi %mul3A_1, %jit3A : i32
    %ne3A_15 = arith.constant 0 : i32
    %ne3A_16 = arith.cmpi ne, %rem3A, %ne3A_15 : i32
    %and3A = arith.andi %ne3A, %ne3A_16 : i1
    %sub3A = arith.constant 1 : i32
    %sub3A_17 = arith.subi %div3A, %sub3A : i32
    %select_n3A = arith.select %and3A, %sub3A_17, %div3A : i32
    %multiple_of3A = tpu.assume_multiple %select_n3A, 8 : i32
    "tpu.region"() ({
      %run_scoped3A = tpu.sem_alloc : memref<!tpu.dma_semaphore, #tpu.memory_space<semaphore_mem>>
      %dma_start3A = arith.constant 0 : i32
      %dma_start3A_236 = tpu.memref_slice %arg2[%arg0, %multiple_of3A, %dma_start3A] : memref<2x2560x128xi32, #tpu.memory_space<hbm>> -> memref<1x160x128xi32, #tpu.memory_space<hbm>>
      %dma_start3A_237 = tpu.memref_squeeze %dma_start3A_236 : memref<1x160x128xi32, #tpu.memory_space<hbm>> -> memref<160x128xi32, #tpu.memory_space<hbm>>
      %dma_start3A_238 = arith.constant 0 : i32
      %dma_start3A_239 = tpu.memref_slice %arg2[%arg0, %multiple_of3A, %dma_start3A_238] : memref<2x2560x128xi32, #tpu.memory_space<hbm>> -> memref<1x160x128xi32, #tpu.memory_space<hbm>>
      %dma_start3A_240 = tpu.memref_squeeze %dma_start3A_239 : memref<1x160x128xi32, #tpu.memory_space<hbm>> -> memref<160x128xi32, #tpu.memory_space<hbm>>
      tpu.enqueue_dma source(%dma_start3A_240 : memref<160x128xi32, #tpu.memory_space<hbm>>) target(%arg5 : memref<160x128xi32, #tpu.memory_space<vmem>>) target_semaphore(%run_scoped3A : memref<!tpu.dma_semaphore, #tpu.memory_space<semaphore_mem>>)
      %dma_wait3A = arith.constant 0 : i32
      %dma_wait3A_241 = tpu.memref_slice %arg2[%arg0, %multiple_of3A, %dma_wait3A] : memref<2x2560x128xi32, #tpu.memory_space<hbm>> -> memref<1x160x128xi32, #tpu.memory_space<hbm>>
      %dma_wait3A_242 = tpu.memref_squeeze %dma_wait3A_241 : memref<1x160x128xi32, #tpu.memory_space<hbm>> -> memref<160x128xi32, #tpu.memory_space<hbm>>
      %dma_wait3A_243 = arith.constant 0 : i32
      %dma_wait3A_244 = tpu.memref_slice %arg2[%arg0, %multiple_of3A, %dma_wait3A_243] : memref<2x2560x128xi32, #tpu.memory_space<hbm>> -> memref<1x160x128xi32, #tpu.memory_space<hbm>>
      %dma_wait3A_245 = tpu.memref_squeeze %dma_wait3A_244 : memref<1x160x128xi32, #tpu.memory_space<hbm>> -> memref<160x128xi32, #tpu.memory_space<hbm>>
      tpu.wait_dma2 semaphore(%run_scoped3A : memref<!tpu.dma_semaphore, #tpu.memory_space<semaphore_mem>>) src(%dma_wait3A_245 : memref<160x128xi32, #tpu.memory_space<hbm>>) dst(%arg5 : memref<160x128xi32, #tpu.memory_space<vmem>>)
      tpu.yield
    }) : () -> ()
    "tpu.region"() ({
      %run_scoped3A = tpu.sem_alloc : memref<!tpu.dma_semaphore, #tpu.memory_space<semaphore_mem>>
      %dma_start3A = arith.constant 0 : i32
      %dma_start3A_236 = tpu.memref_slice %arg3[%arg0, %multiple_of3A, %dma_start3A] : memref<2x2560x128xf32, #tpu.memory_space<hbm>> -> memref<1x160x128xf32, #tpu.memory_space<hbm>>
      %dma_start3A_237 = tpu.memref_squeeze %dma_start3A_236 : memref<1x160x128xf32, #tpu.memory_space<hbm>> -> memref<160x128xf32, #tpu.memory_space<hbm>>
      %dma_start3A_238 = arith.constant 0 : i32
      %dma_start3A_239 = tpu.memref_slice %arg3[%arg0, %multiple_of3A, %dma_start3A_238] : memref<2x2560x128xf32, #tpu.memory_space<hbm>> -> memref<1x160x128xf32, #tpu.memory_space<hbm>>
      %dma_start3A_240 = tpu.memref_squeeze %dma_start3A_239 : memref<1x160x128xf32, #tpu.memory_space<hbm>> -> memref<160x128xf32, #tpu.memory_space<hbm>>
      tpu.enqueue_dma source(%dma_start3A_240 : memref<160x128xf32, #tpu.memory_space<hbm>>) target(%arg6 : memref<160x128xf32, #tpu.memory_space<vmem>>) target_semaphore(%run_scoped3A : memref<!tpu.dma_semaphore, #tpu.memory_space<semaphore_mem>>)
      %dma_wait3A = arith.constant 0 : i32
      %dma_wait3A_241 = tpu.memref_slice %arg3[%arg0, %multiple_of3A, %dma_wait3A] : memref<2x2560x128xf32, #tpu.memory_space<hbm>> -> memref<1x160x128xf32, #tpu.memory_space<hbm>>
      %dma_wait3A_242 = tpu.memref_squeeze %dma_wait3A_241 : memref<1x160x128xf32, #tpu.memory_space<hbm>> -> memref<160x128xf32, #tpu.memory_space<hbm>>
      %dma_wait3A_243 = arith.constant 0 : i32
      %dma_wait3A_244 = tpu.memref_slice %arg3[%arg0, %multiple_of3A, %dma_wait3A_243] : memref<2x2560x128xf32, #tpu.memory_space<hbm>> -> memref<1x160x128xf32, #tpu.memory_space<hbm>>
      %dma_wait3A_245 = tpu.memref_squeeze %dma_wait3A_244 : memref<1x160x128xf32, #tpu.memory_space<hbm>> -> memref<160x128xf32, #tpu.memory_space<hbm>>
      tpu.wait_dma2 semaphore(%run_scoped3A : memref<!tpu.dma_semaphore, #tpu.memory_space<semaphore_mem>>) src(%dma_wait3A_245 : memref<160x128xf32, #tpu.memory_space<hbm>>) dst(%arg6 : memref<160x128xf32, #tpu.memory_space<vmem>>)
      tpu.yield
    }) : () -> ()
    %scan3A = arith.constant 0 : i32
    %scan3A_18 = arith.constant 0 : i32
    %scan3A_19 = arith.constant 80 : i32
    %scan3A_20 = arith.addi %scan3A_18, %scan3A_19 : i32
    %scan3A_21 = arith.constant 1 : i32
    %scan3A_22 = scf.for %scan3A_236 = %scan3A_18 to %scan3A_20 step %scan3A_21 iter_args(%scan3A_237 = %scan3A) -> (i32)  : i32 {
      %swap3A_238 = arith.index_cast %scan3A_236 : i32 to index
      %swap3A_239 = arith.constant 0 : index
      %swap3A_240 = tpu.vector_load %arg8[%swap3A_238, %swap3A_239] {strides = array<i32>} : memref<80x128xf32, #tpu.memory_space<vmem>>, vector<16xf32>,
      tpu.vector_store %arg8[%swap3A_238, %swap3A_239], %broadcast_in_dim3A_0 {strides = array<i32>} : memref<80x128xf32, #tpu.memory_space<vmem>>, vector<16xf32>,
      %swap3A_241 = arith.index_cast %scan3A_236 : i32 to index
      %swap3A_242 = arith.constant 16 : index
      %swap3A_243 = tpu.vector_load %arg8[%swap3A_241, %swap3A_242] {strides = array<i32>} : memref<80x128xf32, #tpu.memory_space<vmem>>, vector<16xf32>,
      tpu.vector_store %arg8[%swap3A_241, %swap3A_242], %broadcast_in_dim3A_0 {strides = array<i32>} : memref<80x128xf32, #tpu.memory_space<vmem>>, vector<16xf32>,
      %swap3A_244 = arith.index_cast %scan3A_236 : i32 to index
      %swap3A_245 = arith.constant 32 : index
      %swap3A_246 = tpu.vector_load %arg8[%swap3A_244, %swap3A_245] {strides = array<i32>} : memref<80x128xf32, #tpu.memory_space<vmem>>, vector<16xf32>,
      tpu.vector_store %arg8[%swap3A_244, %swap3A_245], %broadcast_in_dim3A_0 {strides = array<i32>} : memref<80x128xf32, #tpu.memory_space<vmem>>, vector<16xf32>,
      %swap3A_247 = arith.index_cast %scan3A_236 : i32 to index
      %swap3A_248 = arith.constant 48 : index
      %swap3A_249 = tpu.vector_load %arg8[%swap3A_247, %swap3A_248] {strides = array<i32>} : memref<80x128xf32, #tpu.memory_space<vmem>>, vector<16xf32>,
      tpu.vector_store %arg8[%swap3A_247, %swap3A_248], %broadcast_in_dim3A_0 {strides = array<i32>} : memref<80x128xf32, #tpu.memory_space<vmem>>, vector<16xf32>,
      %swap3A_250 = arith.index_cast %scan3A_236 : i32 to index
      %swap3A_251 = arith.constant 64 : index
      %swap3A_252 = tpu.vector_load %arg8[%swap3A_250, %swap3A_251] {strides = array<i32>} : memref<80x128xf32, #tpu.memory_space<vmem>>, vector<16xf32>,
      tpu.vector_store %arg8[%swap3A_250, %swap3A_251], %broadcast_in_dim3A_0 {strides = array<i32>} : memref<80x128xf32, #tpu.memory_space<vmem>>, vector<16xf32>,
      %swap3A_253 = arith.index_cast %scan3A_236 : i32 to index
      %swap3A_254 = arith.constant 80 : index
      %swap3A_255 = tpu.vector_load %arg8[%swap3A_253, %swap3A_254] {strides = array<i32>} : memref<80x128xf32, #tpu.memory_space<vmem>>, vector<16xf32>,
      tpu.vector_store %arg8[%swap3A_253, %swap3A_254], %broadcast_in_dim3A_0 {strides = array<i32>} : memref<80x128xf32, #tpu.memory_space<vmem>>, vector<16xf32>,
      %swap3A_256 = arith.index_cast %scan3A_236 : i32 to index
      %swap3A_257 = arith.constant 96 : index
      %swap3A_258 = tpu.vector_load %arg8[%swap3A_256, %swap3A_257] {strides = array<i32>} : memref<80x128xf32, #tpu.memory_space<vmem>>, vector<16xf32>,
      tpu.vector_store %arg8[%swap3A_256, %swap3A_257], %broadcast_in_dim3A_0 {strides = array<i32>} : memref<80x128xf32, #tpu.memory_space<vmem>>, vector<16xf32>,
      %swap3A_259 = arith.index_cast %scan3A_236 : i32 to index
      %swap3A_260 = arith.constant 112 : index
      %swap3A_261 = tpu.vector_load %arg8[%swap3A_259, %swap3A_260] {strides = array<i32>} : memref<80x128xf32, #tpu.memory_space<vmem>>, vector<16xf32>,
      tpu.vector_store %arg8[%swap3A_259, %swap3A_260], %broadcast_in_dim3A_0 {strides = array<i32>} : memref<80x128xf32, #tpu.memory_space<vmem>>, vector<16xf32>,
      %scan3A_262 = arith.constant 0 : i32
      scf.yield %scan3A_262 : i32
    }
    %scan3A_23 = arith.constant 80 : i32
    %add3A = arith.constant 0 : i32
    %add3A_24 = vector.broadcast %add3A : i32 to vector<16xi32>
    %add3A_25 = arith.addi %iota3A, %add3A_24 : vector<16xi32>
    %swap3A = arith.constant 0 : index
    %swap3A_26 = tpu.vector_load %arg9[%swap3A] {strides = array<i32>} : memref<80xi32, #tpu.memory_space<vmem>>, vector<16xi32>,
    tpu.vector_store %arg9[%swap3A], %add3A_25 {strides = array<i32>} : memref<80xi32, #tpu.memory_space<vmem>>, vector<16xi32>,
    %add3A_27 = arith.constant 16 : i32
    %add3A_28 = vector.broadcast %add3A_27 : i32 to vector<16xi32>
    %add3A_29 = arith.addi %iota3A, %add3A_28 : vector<16xi32>
    %swap3A_30 = arith.constant 16 : index
    %swap3A_31 = tpu.vector_load %arg9[%swap3A_30] {strides = array<i32>} : memref<80xi32, #tpu.memory_space<vmem>>, vector<16xi32>,
    tpu.vector_store %arg9[%swap3A_30], %add3A_29 {strides = array<i32>} : memref<80xi32, #tpu.memory_space<vmem>>, vector<16xi32>,
    %add3A_32 = arith.constant 32 : i32
    %add3A_33 = vector.broadcast %add3A_32 : i32 to vector<16xi32>
    %add3A_34 = arith.addi %iota3A, %add3A_33 : vector<16xi32>
    %swap3A_35 = arith.constant 32 : index
    %swap3A_36 = tpu.vector_load %arg9[%swap3A_35] {strides = array<i32>} : memref<80xi32, #tpu.memory_space<vmem>>, vector<16xi32>,
    tpu.vector_store %arg9[%swap3A_35], %add3A_34 {strides = array<i32>} : memref<80xi32, #tpu.memory_space<vmem>>, vector<16xi32>,
    %add3A_37 = arith.constant 48 : i32
    %add3A_38 = vector.broadcast %add3A_37 : i32 to vector<16xi32>
    %add3A_39 = arith.addi %iota3A, %add3A_38 : vector<16xi32>
    %swap3A_40 = arith.constant 48 : index
    %swap3A_41 = tpu.vector_load %arg9[%swap3A_40] {strides = array<i32>} : memref<80xi32, #tpu.memory_space<vmem>>, vector<16xi32>,
    tpu.vector_store %arg9[%swap3A_40], %add3A_39 {strides = array<i32>} : memref<80xi32, #tpu.memory_space<vmem>>, vector<16xi32>,
    %add3A_42 = arith.constant 64 : i32
    %add3A_43 = vector.broadcast %add3A_42 : i32 to vector<16xi32>
    %add3A_44 = arith.addi %iota3A, %add3A_43 : vector<16xi32>
    %swap3A_45 = arith.constant 64 : index
    %swap3A_46 = tpu.vector_load %arg9[%swap3A_45] {strides = array<i32>} : memref<80xi32, #tpu.memory_space<vmem>>, vector<16xi32>,
    tpu.vector_store %arg9[%swap3A_45], %add3A_44 {strides = array<i32>} : memref<80xi32, #tpu.memory_space<vmem>>, vector<16xi32>,
    %swap3A_47 = arith.constant 0 : i32
    %swap3A_48 = arith.index_cast %swap3A_47 : i32 to index
    %swap3A_49 = arith.constant 0 : index
    %swap3A_50 = tpu.vector_load %arg10[%swap3A_48, %swap3A_49] {strides = array<i32>} : memref<8x128xf32, #tpu.memory_space<vmem>>, vector<16xf32>,
    tpu.vector_store %arg10[%swap3A_48, %swap3A_49], %broadcast_in_dim3A_0 {strides = array<i32>} : memref<8x128xf32, #tpu.memory_space<vmem>>, vector<16xf32>,
    %swap3A_51 = arith.constant 1 : i32
    %swap3A_52 = arith.index_cast %swap3A_51 : i32 to index
    %swap3A_53 = arith.constant 0 : index
    %swap3A_54 = tpu.vector_load %arg10[%swap3A_52, %swap3A_53] {strides = array<i32>} : memref<8x128xf32, #tpu.memory_space<vmem>>, vector<16xf32>,
    tpu.vector_store %arg10[%swap3A_52, %swap3A_53], %broadcast_in_dim3A_0 {strides = array<i32>} : memref<8x128xf32, #tpu.memory_space<vmem>>, vector<16xf32>,
    %swap3A_55 = arith.constant 2 : i32
    %swap3A_56 = arith.index_cast %swap3A_55 : i32 to index
    %swap3A_57 = arith.constant 0 : index
    %swap3A_58 = tpu.vector_load %arg10[%swap3A_56, %swap3A_57] {strides = array<i32>} : memref<8x128xf32, #tpu.memory_space<vmem>>, vector<16xf32>,
    tpu.vector_store %arg10[%swap3A_56, %swap3A_57], %broadcast_in_dim3A_0 {strides = array<i32>} : memref<8x128xf32, #tpu.memory_space<vmem>>, vector<16xf32>,
    %swap3A_59 = arith.constant 3 : i32
    %swap3A_60 = arith.index_cast %swap3A_59 : i32 to index
    %swap3A_61 = arith.constant 0 : index
    %swap3A_62 = tpu.vector_load %arg10[%swap3A_60, %swap3A_61] {strides = array<i32>} : memref<8x128xf32, #tpu.memory_space<vmem>>, vector<16xf32>,
    tpu.vector_store %arg10[%swap3A_60, %swap3A_61], %broadcast_in_dim3A_0 {strides = array<i32>} : memref<8x128xf32, #tpu.memory_space<vmem>>, vector<16xf32>,
    %swap3A_63 = arith.constant 4 : i32
    %swap3A_64 = arith.index_cast %swap3A_63 : i32 to index
    %swap3A_65 = arith.constant 0 : index
    %swap3A_66 = tpu.vector_load %arg10[%swap3A_64, %swap3A_65] {strides = array<i32>} : memref<8x128xf32, #tpu.memory_space<vmem>>, vector<16xf32>,
    tpu.vector_store %arg10[%swap3A_64, %swap3A_65], %broadcast_in_dim3A_0 {strides = array<i32>} : memref<8x128xf32, #tpu.memory_space<vmem>>, vector<16xf32>,
    %swap3A_67 = arith.constant 0 : i32
    %swap3A_68 = arith.index_cast %swap3A_67 : i32 to index
    %swap3A_69 = arith.constant 16 : index
    %swap3A_70 = tpu.vector_load %arg10[%swap3A_68, %swap3A_69] {strides = array<i32>} : memref<8x128xf32, #tpu.memory_space<vmem>>, vector<16xf32>,
    tpu.vector_store %arg10[%swap3A_68, %swap3A_69], %broadcast_in_dim3A_0 {strides = array<i32>} : memref<8x128xf32, #tpu.memory_space<vmem>>, vector<16xf32>,
    %swap3A_71 = arith.constant 1 : i32
    %swap3A_72 = arith.index_cast %swap3A_71 : i32 to index
    %swap3A_73 = arith.constant 16 : index
    %swap3A_74 = tpu.vector_load %arg10[%swap3A_72, %swap3A_73] {strides = array<i32>} : memref<8x128xf32, #tpu.memory_space<vmem>>, vector<16xf32>,
    tpu.vector_store %arg10[%swap3A_72, %swap3A_73], %broadcast_in_dim3A_0 {strides = array<i32>} : memref<8x128xf32, #tpu.memory_space<vmem>>, vector<16xf32>,
    %swap3A_75 = arith.constant 2 : i32
    %swap3A_76 = arith.index_cast %swap3A_75 : i32 to index
    %swap3A_77 = arith.constant 16 : index
    %swap3A_78 = tpu.vector_load %arg10[%swap3A_76, %swap3A_77] {strides = array<i32>} : memref<8x128xf32, #tpu.memory_space<vmem>>, vector<16xf32>,
    tpu.vector_store %arg10[%swap3A_76, %swap3A_77], %broadcast_in_dim3A_0 {strides = array<i32>} : memref<8x128xf32, #tpu.memory_space<vmem>>, vector<16xf32>,
    %swap3A_79 = arith.constant 3 : i32
    %swap3A_80 = arith.index_cast %swap3A_79 : i32 to index
    %swap3A_81 = arith.constant 16 : index
    %swap3A_82 = tpu.vector_load %arg10[%swap3A_80, %swap3A_81] {strides = array<i32>} : memref<8x128xf32, #tpu.memory_space<vmem>>, vector<16xf32>,
    tpu.vector_store %arg10[%swap3A_80, %swap3A_81], %broadcast_in_dim3A_0 {strides = array<i32>} : memref<8x128xf32, #tpu.memory_space<vmem>>, vector<16xf32>,
    %swap3A_83 = arith.constant 4 : i32
    %swap3A_84 = arith.index_cast %swap3A_83 : i32 to index
    %swap3A_85 = arith.constant 16 : index
    %swap3A_86 = tpu.vector_load %arg10[%swap3A_84, %swap3A_85] {strides = array<i32>} : memref<8x128xf32, #tpu.memory_space<vmem>>, vector<16xf32>,
    tpu.vector_store %arg10[%swap3A_84, %swap3A_85], %broadcast_in_dim3A_0 {strides = array<i32>} : memref<8x128xf32, #tpu.memory_space<vmem>>, vector<16xf32>,
    %swap3A_87 = arith.constant 0 : i32
    %swap3A_88 = arith.index_cast %swap3A_87 : i32 to index
    %swap3A_89 = arith.constant 32 : index
    %swap3A_90 = tpu.vector_load %arg10[%swap3A_88, %swap3A_89] {strides = array<i32>} : memref<8x128xf32, #tpu.memory_space<vmem>>, vector<16xf32>,
    tpu.vector_store %arg10[%swap3A_88, %swap3A_89], %broadcast_in_dim3A_0 {strides = array<i32>} : memref<8x128xf32, #tpu.memory_space<vmem>>, vector<16xf32>,
    %swap3A_91 = arith.constant 1 : i32
    %swap3A_92 = arith.index_cast %swap3A_91 : i32 to index
    %swap3A_93 = arith.constant 32 : index
    %swap3A_94 = tpu.vector_load %arg10[%swap3A_92, %swap3A_93] {strides = array<i32>} : memref<8x128xf32, #tpu.memory_space<vmem>>, vector<16xf32>,
    tpu.vector_store %arg10[%swap3A_92, %swap3A_93], %broadcast_in_dim3A_0 {strides = array<i32>} : memref<8x128xf32, #tpu.memory_space<vmem>>, vector<16xf32>,
    %swap3A_95 = arith.constant 2 : i32
    %swap3A_96 = arith.index_cast %swap3A_95 : i32 to index
    %swap3A_97 = arith.constant 32 : index
    %swap3A_98 = tpu.vector_load %arg10[%swap3A_96, %swap3A_97] {strides = array<i32>} : memref<8x128xf32, #tpu.memory_space<vmem>>, vector<16xf32>,
    tpu.vector_store %arg10[%swap3A_96, %swap3A_97], %broadcast_in_dim3A_0 {strides = array<i32>} : memref<8x128xf32, #tpu.memory_space<vmem>>, vector<16xf32>,
    %swap3A_99 = arith.constant 3 : i32
    %swap3A_100 = arith.index_cast %swap3A_99 : i32 to index
    %swap3A_101 = arith.constant 32 : index
    %swap3A_102 = tpu.vector_load %arg10[%swap3A_100, %swap3A_101] {strides = array<i32>} : memref<8x128xf32, #tpu.memory_space<vmem>>, vector<16xf32>,
    tpu.vector_store %arg10[%swap3A_100, %swap3A_101], %broadcast_in_dim3A_0 {strides = array<i32>} : memref<8x128xf32, #tpu.memory_space<vmem>>, vector<16xf32>,
    %swap3A_103 = arith.constant 4 : i32
    %swap3A_104 = arith.index_cast %swap3A_103 : i32 to index
    %swap3A_105 = arith.constant 32 : index
    %swap3A_106 = tpu.vector_load %arg10[%swap3A_104, %swap3A_105] {strides = array<i32>} : memref<8x128xf32, #tpu.memory_space<vmem>>, vector<16xf32>,
    tpu.vector_store %arg10[%swap3A_104, %swap3A_105], %broadcast_in_dim3A_0 {strides = array<i32>} : memref<8x128xf32, #tpu.memory_space<vmem>>, vector<16xf32>,
    %swap3A_107 = arith.constant 0 : i32
    %swap3A_108 = arith.index_cast %swap3A_107 : i32 to index
    %swap3A_109 = arith.constant 48 : index
    %swap3A_110 = tpu.vector_load %arg10[%swap3A_108, %swap3A_109] {strides = array<i32>} : memref<8x128xf32, #tpu.memory_space<vmem>>, vector<16xf32>,
    tpu.vector_store %arg10[%swap3A_108, %swap3A_109], %broadcast_in_dim3A_0 {strides = array<i32>} : memref<8x128xf32, #tpu.memory_space<vmem>>, vector<16xf32>,
    %swap3A_111 = arith.constant 1 : i32
    %swap3A_112 = arith.index_cast %swap3A_111 : i32 to index
    %swap3A_113 = arith.constant 48 : index
    %swap3A_114 = tpu.vector_load %arg10[%swap3A_112, %swap3A_113] {strides = array<i32>} : memref<8x128xf32, #tpu.memory_space<vmem>>, vector<16xf32>,
    tpu.vector_store %arg10[%swap3A_112, %swap3A_113], %broadcast_in_dim3A_0 {strides = array<i32>} : memref<8x128xf32, #tpu.memory_space<vmem>>, vector<16xf32>,
    %swap3A_115 = arith.constant 2 : i32
    %swap3A_116 = arith.index_cast %swap3A_115 : i32 to index
    %swap3A_117 = arith.constant 48 : index
    %swap3A_118 = tpu.vector_load %arg10[%swap3A_116, %swap3A_117] {strides = array<i32>} : memref<8x128xf32, #tpu.memory_space<vmem>>, vector<16xf32>,
    tpu.vector_store %arg10[%swap3A_116, %swap3A_117], %broadcast_in_dim3A_0 {strides = array<i32>} : memref<8x128xf32, #tpu.memory_space<vmem>>, vector<16xf32>,
    %swap3A_119 = arith.constant 3 : i32
    %swap3A_120 = arith.index_cast %swap3A_119 : i32 to index
    %swap3A_121 = arith.constant 48 : index
    %swap3A_122 = tpu.vector_load %arg10[%swap3A_120, %swap3A_121] {strides = array<i32>} : memref<8x128xf32, #tpu.memory_space<vmem>>, vector<16xf32>,
    tpu.vector_store %arg10[%swap3A_120, %swap3A_121], %broadcast_in_dim3A_0 {strides = array<i32>} : memref<8x128xf32, #tpu.memory_space<vmem>>, vector<16xf32>,
    %swap3A_123 = arith.constant 4 : i32
    %swap3A_124 = arith.index_cast %swap3A_123 : i32 to index
    %swap3A_125 = arith.constant 48 : index
    %swap3A_126 = tpu.vector_load %arg10[%swap3A_124, %swap3A_125] {strides = array<i32>} : memref<8x128xf32, #tpu.memory_space<vmem>>, vector<16xf32>,
    tpu.vector_store %arg10[%swap3A_124, %swap3A_125], %broadcast_in_dim3A_0 {strides = array<i32>} : memref<8x128xf32, #tpu.memory_space<vmem>>, vector<16xf32>,
    %swap3A_127 = arith.constant 0 : i32
    %swap3A_128 = arith.index_cast %swap3A_127 : i32 to index
    %swap3A_129 = arith.constant 64 : index
    %swap3A_130 = tpu.vector_load %arg10[%swap3A_128, %swap3A_129] {strides = array<i32>} : memref<8x128xf32, #tpu.memory_space<vmem>>, vector<16xf32>,
    tpu.vector_store %arg10[%swap3A_128, %swap3A_129], %broadcast_in_dim3A_0 {strides = array<i32>} : memref<8x128xf32, #tpu.memory_space<vmem>>, vector<16xf32>,
    %swap3A_131 = arith.constant 1 : i32
    %swap3A_132 = arith.index_cast %swap3A_131 : i32 to index
    %swap3A_133 = arith.constant 64 : index
    %swap3A_134 = tpu.vector_load %arg10[%swap3A_132, %swap3A_133] {strides = array<i32>} : memref<8x128xf32, #tpu.memory_space<vmem>>, vector<16xf32>,
    tpu.vector_store %arg10[%swap3A_132, %swap3A_133], %broadcast_in_dim3A_0 {strides = array<i32>} : memref<8x128xf32, #tpu.memory_space<vmem>>, vector<16xf32>,
    %swap3A_135 = arith.constant 2 : i32
    %swap3A_136 = arith.index_cast %swap3A_135 : i32 to index
    %swap3A_137 = arith.constant 64 : index
    %swap3A_138 = tpu.vector_load %arg10[%swap3A_136, %swap3A_137] {strides = array<i32>} : memref<8x128xf32, #tpu.memory_space<vmem>>, vector<16xf32>,
    tpu.vector_store %arg10[%swap3A_136, %swap3A_137], %broadcast_in_dim3A_0 {strides = array<i32>} : memref<8x128xf32, #tpu.memory_space<vmem>>, vector<16xf32>,
    %swap3A_139 = arith.constant 3 : i32
    %swap3A_140 = arith.index_cast %swap3A_139 : i32 to index
    %swap3A_141 = arith.constant 64 : index
    %swap3A_142 = tpu.vector_load %arg10[%swap3A_140, %swap3A_141] {strides = array<i32>} : memref<8x128xf32, #tpu.memory_space<vmem>>, vector<16xf32>,
    tpu.vector_store %arg10[%swap3A_140, %swap3A_141], %broadcast_in_dim3A_0 {strides = array<i32>} : memref<8x128xf32, #tpu.memory_space<vmem>>, vector<16xf32>,
    %swap3A_143 = arith.constant 4 : i32
    %swap3A_144 = arith.index_cast %swap3A_143 : i32 to index
    %swap3A_145 = arith.constant 64 : index
    %swap3A_146 = tpu.vector_load %arg10[%swap3A_144, %swap3A_145] {strides = array<i32>} : memref<8x128xf32, #tpu.memory_space<vmem>>, vector<16xf32>,
    tpu.vector_store %arg10[%swap3A_144, %swap3A_145], %broadcast_in_dim3A_0 {strides = array<i32>} : memref<8x128xf32, #tpu.memory_space<vmem>>, vector<16xf32>,
    %swap3A_147 = arith.constant 0 : i32
    %swap3A_148 = arith.index_cast %swap3A_147 : i32 to index
    %swap3A_149 = arith.constant 80 : index
    %swap3A_150 = tpu.vector_load %arg10[%swap3A_148, %swap3A_149] {strides = array<i32>} : memref<8x128xf32, #tpu.memory_space<vmem>>, vector<16xf32>,
    tpu.vector_store %arg10[%swap3A_148, %swap3A_149], %broadcast_in_dim3A_0 {strides = array<i32>} : memref<8x128xf32, #tpu.memory_space<vmem>>, vector<16xf32>,
    %swap3A_151 = arith.constant 1 : i32
    %swap3A_152 = arith.index_cast %swap3A_151 : i32 to index
    %swap3A_153 = arith.constant 80 : index
    %swap3A_154 = tpu.vector_load %arg10[%swap3A_152, %swap3A_153] {strides = array<i32>} : memref<8x128xf32, #tpu.memory_space<vmem>>, vector<16xf32>,
    tpu.vector_store %arg10[%swap3A_152, %swap3A_153], %broadcast_in_dim3A_0 {strides = array<i32>} : memref<8x128xf32, #tpu.memory_space<vmem>>, vector<16xf32>,
    %swap3A_155 = arith.constant 2 : i32
    %swap3A_156 = arith.index_cast %swap3A_155 : i32 to index
    %swap3A_157 = arith.constant 80 : index
    %swap3A_158 = tpu.vector_load %arg10[%swap3A_156, %swap3A_157] {strides = array<i32>} : memref<8x128xf32, #tpu.memory_space<vmem>>, vector<16xf32>,
    tpu.vector_store %arg10[%swap3A_156, %swap3A_157], %broadcast_in_dim3A_0 {strides = array<i32>} : memref<8x128xf32, #tpu.memory_space<vmem>>, vector<16xf32>,
    %swap3A_159 = arith.constant 3 : i32
    %swap3A_160 = arith.index_cast %swap3A_159 : i32 to index
    %swap3A_161 = arith.constant 80 : index
    %swap3A_162 = tpu.vector_load %arg10[%swap3A_160, %swap3A_161] {strides = array<i32>} : memref<8x128xf32, #tpu.memory_space<vmem>>, vector<16xf32>,
    tpu.vector_store %arg10[%swap3A_160, %swap3A_161], %broadcast_in_dim3A_0 {strides = array<i32>} : memref<8x128xf32, #tpu.memory_space<vmem>>, vector<16xf32>,
    %swap3A_163 = arith.constant 4 : i32
    %swap3A_164 = arith.index_cast %swap3A_163 : i32 to index
    %swap3A_165 = arith.constant 80 : index
    %swap3A_166 = tpu.vector_load %arg10[%swap3A_164, %swap3A_165] {strides = array<i32>} : memref<8x128xf32, #tpu.memory_space<vmem>>, vector<16xf32>,
    tpu.vector_store %arg10[%swap3A_164, %swap3A_165], %broadcast_in_dim3A_0 {strides = array<i32>} : memref<8x128xf32, #tpu.memory_space<vmem>>, vector<16xf32>,
    %swap3A_167 = arith.constant 0 : i32
    %swap3A_168 = arith.index_cast %swap3A_167 : i32 to index
    %swap3A_169 = arith.constant 96 : index
    %swap3A_170 = tpu.vector_load %arg10[%swap3A_168, %swap3A_169] {strides = array<i32>} : memref<8x128xf32, #tpu.memory_space<vmem>>, vector<16xf32>,
    tpu.vector_store %arg10[%swap3A_168, %swap3A_169], %broadcast_in_dim3A_0 {strides = array<i32>} : memref<8x128xf32, #tpu.memory_space<vmem>>, vector<16xf32>,
    %swap3A_171 = arith.constant 1 : i32
    %swap3A_172 = arith.index_cast %swap3A_171 : i32 to index
    %swap3A_173 = arith.constant 96 : index
    %swap3A_174 = tpu.vector_load %arg10[%swap3A_172, %swap3A_173] {strides = array<i32>} : memref<8x128xf32, #tpu.memory_space<vmem>>, vector<16xf32>,
    tpu.vector_store %arg10[%swap3A_172, %swap3A_173], %broadcast_in_dim3A_0 {strides = array<i32>} : memref<8x128xf32, #tpu.memory_space<vmem>>, vector<16xf32>,
    %swap3A_175 = arith.constant 2 : i32
    %swap3A_176 = arith.index_cast %swap3A_175 : i32 to index
    %swap3A_177 = arith.constant 96 : index
    %swap3A_178 = tpu.vector_load %arg10[%swap3A_176, %swap3A_177] {strides = array<i32>} : memref<8x128xf32, #tpu.memory_space<vmem>>, vector<16xf32>,
    tpu.vector_store %arg10[%swap3A_176, %swap3A_177], %broadcast_in_dim3A_0 {strides = array<i32>} : memref<8x128xf32, #tpu.memory_space<vmem>>, vector<16xf32>,
    %swap3A_179 = arith.constant 3 : i32
    %swap3A_180 = arith.index_cast %swap3A_179 : i32 to index
    %swap3A_181 = arith.constant 96 : index
    %swap3A_182 = tpu.vector_load %arg10[%swap3A_180, %swap3A_181] {strides = array<i32>} : memref<8x128xf32, #tpu.memory_space<vmem>>, vector<16xf32>,
    tpu.vector_store %arg10[%swap3A_180, %swap3A_181], %broadcast_in_dim3A_0 {strides = array<i32>} : memref<8x128xf32, #tpu.memory_space<vmem>>, vector<16xf32>,
    %swap3A_183 = arith.constant 4 : i32
    %swap3A_184 = arith.index_cast %swap3A_183 : i32 to index
    %swap3A_185 = arith.constant 96 : index
    %swap3A_186 = tpu.vector_load %arg10[%swap3A_184, %swap3A_185] {strides = array<i32>} : memref<8x128xf32, #tpu.memory_space<vmem>>, vector<16xf32>,
    tpu.vector_store %arg10[%swap3A_184, %swap3A_185], %broadcast_in_dim3A_0 {strides = array<i32>} : memref<8x128xf32, #tpu.memory_space<vmem>>, vector<16xf32>,
    %swap3A_187 = arith.constant 0 : i32
    %swap3A_188 = arith.index_cast %swap3A_187 : i32 to index
    %swap3A_189 = arith.constant 112 : index
    %swap3A_190 = tpu.vector_load %arg10[%swap3A_188, %swap3A_189] {strides = array<i32>} : memref<8x128xf32, #tpu.memory_space<vmem>>, vector<16xf32>,
    tpu.vector_store %arg10[%swap3A_188, %swap3A_189], %broadcast_in_dim3A_0 {strides = array<i32>} : memref<8x128xf32, #tpu.memory_space<vmem>>, vector<16xf32>,
    %swap3A_191 = arith.constant 1 : i32
    %swap3A_192 = arith.index_cast %swap3A_191 : i32 to index
    %swap3A_193 = arith.constant 112 : index
    %swap3A_194 = tpu.vector_load %arg10[%swap3A_192, %swap3A_193] {strides = array<i32>} : memref<8x128xf32, #tpu.memory_space<vmem>>, vector<16xf32>,
    tpu.vector_store %arg10[%swap3A_192, %swap3A_193], %broadcast_in_dim3A_0 {strides = array<i32>} : memref<8x128xf32, #tpu.memory_space<vmem>>, vector<16xf32>,
    %swap3A_195 = arith.constant 2 : i32
    %swap3A_196 = arith.index_cast %swap3A_195 : i32 to index
    %swap3A_197 = arith.constant 112 : index
    %swap3A_198 = tpu.vector_load %arg10[%swap3A_196, %swap3A_197] {strides = array<i32>} : memref<8x128xf32, #tpu.memory_space<vmem>>, vector<16xf32>,
    tpu.vector_store %arg10[%swap3A_196, %swap3A_197], %broadcast_in_dim3A_0 {strides = array<i32>} : memref<8x128xf32, #tpu.memory_space<vmem>>, vector<16xf32>,
    %swap3A_199 = arith.constant 3 : i32
    %swap3A_200 = arith.index_cast %swap3A_199 : i32 to index
    %swap3A_201 = arith.constant 112 : index
    %swap3A_202 = tpu.vector_load %arg10[%swap3A_200, %swap3A_201] {strides = array<i32>} : memref<8x128xf32, #tpu.memory_space<vmem>>, vector<16xf32>,
    tpu.vector_store %arg10[%swap3A_200, %swap3A_201], %broadcast_in_dim3A_0 {strides = array<i32>} : memref<8x128xf32, #tpu.memory_space<vmem>>, vector<16xf32>,
    %swap3A_203 = arith.constant 4 : i32
    %swap3A_204 = arith.index_cast %swap3A_203 : i32 to index
    %swap3A_205 = arith.constant 112 : index
    %swap3A_206 = tpu.vector_load %arg10[%swap3A_204, %swap3A_205] {strides = array<i32>} : memref<8x128xf32, #tpu.memory_space<vmem>>, vector<16xf32>,
    tpu.vector_store %arg10[%swap3A_204, %swap3A_205], %broadcast_in_dim3A_0 {strides = array<i32>} : memref<8x128xf32, #tpu.memory_space<vmem>>, vector<16xf32>,
    %mul3A_207 = arith.constant 5 : i32
    %mul3A_208 = arith.muli %arg1, %mul3A_207 : i32
    "tpu.region"() ({
      %run_scoped3A = tpu.sem_alloc : memref<!tpu.dma_semaphore, #tpu.memory_space<semaphore_mem>>
      %dma_start3A = arith.constant 0 : i32
      %dma_start3A_236 = arith.constant 0 : i32
      %dma_start3A_237 = tpu.memref_slice %arg10[%dma_start3A, %dma_start3A_236] : memref<8x128xf32, #tpu.memory_space<vmem>> -> memref<5x128xf32, #tpu.memory_space<vmem>>
      %dma_start3A_238 = arith.constant 0 : i32
      %dma_start3A_239 = tpu.memref_slice %arg11[%mul3A_208, %dma_start3A_238] : memref<80x128xf32, #tpu.memory_space<vmem_shared>> -> memref<5x128xf32, #tpu.memory_space<vmem_shared>>
      %dma_start3A_240 = arith.constant 0 : i32
      %dma_start3A_241 = tpu.memref_slice %arg11[%mul3A_208, %dma_start3A_240] : memref<80x128xf32, #tpu.memory_space<vmem_shared>> -> memref<5x128xf32, #tpu.memory_space<vmem_shared>>
      %dma_start3A_242 = arith.constant 0 : i32
      %dma_start3A_243 = arith.constant 0 : i32
      %dma_start3A_244 = tpu.memref_slice %arg10[%dma_start3A_242, %dma_start3A_243] : memref<8x128xf32, #tpu.memory_space<vmem>> -> memref<5x128xf32, #tpu.memory_space<vmem>>
      tpu.enqueue_dma source(%dma_start3A_244 : memref<5x128xf32, #tpu.memory_space<vmem>>) target(%dma_start3A_241 : memref<5x128xf32, #tpu.memory_space<vmem_shared>>) target_semaphore(%run_scoped3A : memref<!tpu.dma_semaphore, #tpu.memory_space<semaphore_mem>>)
      %dma_wait3A = arith.constant 0 : i32
      %dma_wait3A_245 = arith.constant 0 : i32
      %dma_wait3A_246 = tpu.memref_slice %arg10[%dma_wait3A, %dma_wait3A_245] : memref<8x128xf32, #tpu.memory_space<vmem>> -> memref<5x128xf32, #tpu.memory_space<vmem>>
      %dma_wait3A_247 = arith.constant 0 : i32
      %dma_wait3A_248 = tpu.memref_slice %arg11[%mul3A_208, %dma_wait3A_247] : memref<80x128xf32, #tpu.memory_space<vmem_shared>> -> memref<5x128xf32, #tpu.memory_space<vmem_shared>>
      %dma_wait3A_249 = arith.constant 0 : i32
      %dma_wait3A_250 = tpu.memref_slice %arg11[%mul3A_208, %dma_wait3A_249] : memref<80x128xf32, #tpu.memory_space<vmem_shared>> -> memref<5x128xf32, #tpu.memory_space<vmem_shared>>
      %dma_wait3A_251 = arith.constant 0 : i32
      %dma_wait3A_252 = arith.constant 0 : i32
      %dma_wait3A_253 = tpu.memref_slice %arg10[%dma_wait3A_251, %dma_wait3A_252] : memref<8x128xf32, #tpu.memory_space<vmem>> -> memref<5x128xf32, #tpu.memory_space<vmem>>
      tpu.wait_dma2 semaphore(%run_scoped3A : memref<!tpu.dma_semaphore, #tpu.memory_space<semaphore_mem>>) src(%dma_wait3A_253 : memref<5x128xf32, #tpu.memory_space<vmem>>) dst(%dma_wait3A_250 : memref<5x128xf32, #tpu.memory_space<vmem_shared>>)
      tpu.yield
    }) : () -> ()
    %barrier3A = arith.constant 0 : index
    tpu.barrier barrier_id(%barrier3A)
    %scan3A_209 = arith.constant 0 : i32
    %scan3A_210 = arith.constant 0 : i32
    %scan3A_211 = arith.constant 160 : i32
    %scan3A_212 = arith.addi %scan3A_210, %scan3A_211 : i32
    %scan3A_213 = arith.constant 1 : i32
    %scan3A_214 = scf.for %scan3A_236 = %scan3A_210 to %scan3A_212 step %scan3A_213 iter_args(%scan3A_237 = %scan3A_209) -> (i32)  : i32 {
      %get3A = arith.index_cast %scan3A_236 : i32 to index
      %get3A_238 = arith.constant 0 : index
      %get3A_239 = tpu.vector_load %arg5[%get3A, %get3A_238] {strides = array<i32>} : memref<160x128xi32, #tpu.memory_space<vmem>>, vector<16xi32>,
      %broadcast_in_dim3A_240 = arith.constant true
      %broadcast_in_dim3A_241 = vector.broadcast %broadcast_in_dim3A_240 : i1 to vector<16xi1>
      %unique3A, %unique3A_242 = tpu.scan_count mask(%broadcast_in_dim3A_241 : vector<16xi1>) value(%get3A_239 : vector<16xi32>) : vector<16xi1>, vector<16xi32>
      %shift_right_logical3A = arith.constant 7 : i32
      %shift_right_logical3A_243 = vector.broadcast %shift_right_logical3A : i32 to vector<16xi32>
      %shift_right_logical3A_244 = arith.shrui %get3A_239, %shift_right_logical3A_243 : vector<16xi32>
      %and3A_245 = arith.constant 127 : i32
      %and3A_246 = vector.broadcast %and3A_245 : i32 to vector<16xi32>
      %and3A_247 = arith.andi %get3A_239, %and3A_246 : vector<16xi32>
      %convert_element_type3A = arith.sitofp %unique3A_242 : vector<16xi32> to vector<16xf32>
      tpu.vector_store_idx %arg8[%shift_right_logical3A_244, %and3A_247], %convert_element_type3A masked %unique3A {add = true} : memref<80x128xf32, #tpu.memory_space<vmem>>[vector<16xi32>, vector<16xi32>], vector<16xf32>, vector<16xi1>
      %get3A_248 = arith.index_cast %scan3A_236 : i32 to index
      %get3A_249 = arith.constant 16 : index
      %get3A_250 = tpu.vector_load %arg5[%get3A_248, %get3A_249] {strides = array<i32>} : memref<160x128xi32, #tpu.memory_space<vmem>>, vector<16xi32>,
      %broadcast_in_dim3A_251 = arith.constant true
      %broadcast_in_dim3A_252 = vector.broadcast %broadcast_in_dim3A_251 : i1 to vector<16xi1>
      %unique3A_253, %unique3A_254 = tpu.scan_count mask(%broadcast_in_dim3A_252 : vector<16xi1>) value(%get3A_250 : vector<16xi32>) : vector<16xi1>, vector<16xi32>
      %shift_right_logical3A_255 = arith.constant 7 : i32
      %shift_right_logical3A_256 = vector.broadcast %shift_right_logical3A_255 : i32 to vector<16xi32>
      %shift_right_logical3A_257 = arith.shrui %get3A_250, %shift_right_logical3A_256 : vector<16xi32>
      %and3A_258 = arith.constant 127 : i32
      %and3A_259 = vector.broadcast %and3A_258 : i32 to vector<16xi32>
      %and3A_260 = arith.andi %get3A_250, %and3A_259 : vector<16xi32>
      %convert_element_type3A_261 = arith.sitofp %unique3A_254 : vector<16xi32> to vector<16xf32>
      tpu.vector_store_idx %arg8[%shift_right_logical3A_257, %and3A_260], %convert_element_type3A_261 masked %unique3A_253 {add = true} : memref<80x128xf32, #tpu.memory_space<vmem>>[vector<16xi32>, vector<16xi32>], vector<16xf32>, vector<16xi1>
      %get3A_262 = arith.index_cast %scan3A_236 : i32 to index
      %get3A_263 = arith.constant 32 : index
      %get3A_264 = tpu.vector_load %arg5[%get3A_262, %get3A_263] {strides = array<i32>} : memref<160x128xi32, #tpu.memory_space<vmem>>, vector<16xi32>,
      %broadcast_in_dim3A_265 = arith.constant true
      %broadcast_in_dim3A_266 = vector.broadcast %broadcast_in_dim3A_265 : i1 to vector<16xi1>
      %unique3A_267, %unique3A_268 = tpu.scan_count mask(%broadcast_in_dim3A_266 : vector<16xi1>) value(%get3A_264 : vector<16xi32>) : vector<16xi1>, vector<16xi32>
      %shift_right_logical3A_269 = arith.constant 7 : i32
      %shift_right_logical3A_270 = vector.broadcast %shift_right_logical3A_269 : i32 to vector<16xi32>
      %shift_right_logical3A_271 = arith.shrui %get3A_264, %shift_right_logical3A_270 : vector<16xi32>
      %and3A_272 = arith.constant 127 : i32
      %and3A_273 = vector.broadcast %and3A_272 : i32 to vector<16xi32>
      %and3A_274 = arith.andi %get3A_264, %and3A_273 : vector<16xi32>
      %convert_element_type3A_275 = arith.sitofp %unique3A_268 : vector<16xi32> to vector<16xf32>
      tpu.vector_store_idx %arg8[%shift_right_logical3A_271, %and3A_274], %convert_element_type3A_275 masked %unique3A_267 {add = true} : memref<80x128xf32, #tpu.memory_space<vmem>>[vector<16xi32>, vector<16xi32>], vector<16xf32>, vector<16xi1>
      %get3A_276 = arith.index_cast %scan3A_236 : i32 to index
      %get3A_277 = arith.constant 48 : index
      %get3A_278 = tpu.vector_load %arg5[%get3A_276, %get3A_277] {strides = array<i32>} : memref<160x128xi32, #tpu.memory_space<vmem>>, vector<16xi32>,
      %broadcast_in_dim3A_279 = arith.constant true
      %broadcast_in_dim3A_280 = vector.broadcast %broadcast_in_dim3A_279 : i1 to vector<16xi1>
      %unique3A_281, %unique3A_282 = tpu.scan_count mask(%broadcast_in_dim3A_280 : vector<16xi1>) value(%get3A_278 : vector<16xi32>) : vector<16xi1>, vector<16xi32>
      %shift_right_logical3A_283 = arith.constant 7 : i32
      %shift_right_logical3A_284 = vector.broadcast %shift_right_logical3A_283 : i32 to vector<16xi32>
      %shift_right_logical3A_285 = arith.shrui %get3A_278, %shift_right_logical3A_284 : vector<16xi32>
      %and3A_286 = arith.constant 127 : i32
      %and3A_287 = vector.broadcast %and3A_286 : i32 to vector<16xi32>
      %and3A_288 = arith.andi %get3A_278, %and3A_287 : vector<16xi32>
      %convert_element_type3A_289 = arith.sitofp %unique3A_282 : vector<16xi32> to vector<16xf32>
      tpu.vector_store_idx %arg8[%shift_right_logical3A_285, %and3A_288], %convert_element_type3A_289 masked %unique3A_281 {add = true} : memref<80x128xf32, #tpu.memory_space<vmem>>[vector<16xi32>, vector<16xi32>], vector<16xf32>, vector<16xi1>
      %get3A_290 = arith.index_cast %scan3A_236 : i32 to index
      %get3A_291 = arith.constant 64 : index
      %get3A_292 = tpu.vector_load %arg5[%get3A_290, %get3A_291] {strides = array<i32>} : memref<160x128xi32, #tpu.memory_space<vmem>>, vector<16xi32>,
      %broadcast_in_dim3A_293 = arith.constant true
      %broadcast_in_dim3A_294 = vector.broadcast %broadcast_in_dim3A_293 : i1 to vector<16xi1>
      %unique3A_295, %unique3A_296 = tpu.scan_count mask(%broadcast_in_dim3A_294 : vector<16xi1>) value(%get3A_292 : vector<16xi32>) : vector<16xi1>, vector<16xi32>
      %shift_right_logical3A_297 = arith.constant 7 : i32
      %shift_right_logical3A_298 = vector.broadcast %shift_right_logical3A_297 : i32 to vector<16xi32>
      %shift_right_logical3A_299 = arith.shrui %get3A_292, %shift_right_logical3A_298 : vector<16xi32>
      %and3A_300 = arith.constant 127 : i32
      %and3A_301 = vector.broadcast %and3A_300 : i32 to vector<16xi32>
      %and3A_302 = arith.andi %get3A_292, %and3A_301 : vector<16xi32>
      %convert_element_type3A_303 = arith.sitofp %unique3A_296 : vector<16xi32> to vector<16xf32>
      tpu.vector_store_idx %arg8[%shift_right_logical3A_299, %and3A_302], %convert_element_type3A_303 masked %unique3A_295 {add = true} : memref<80x128xf32, #tpu.memory_space<vmem>>[vector<16xi32>, vector<16xi32>], vector<16xf32>, vector<16xi1>
      %get3A_304 = arith.index_cast %scan3A_236 : i32 to index
      %get3A_305 = arith.constant 80 : index
      %get3A_306 = tpu.vector_load %arg5[%get3A_304, %get3A_305] {strides = array<i32>} : memref<160x128xi32, #tpu.memory_space<vmem>>, vector<16xi32>,
      %broadcast_in_dim3A_307 = arith.constant true
      %broadcast_in_dim3A_308 = vector.broadcast %broadcast_in_dim3A_307 : i1 to vector<16xi1>
      %unique3A_309, %unique3A_310 = tpu.scan_count mask(%broadcast_in_dim3A_308 : vector<16xi1>) value(%get3A_306 : vector<16xi32>) : vector<16xi1>, vector<16xi32>
      %shift_right_logical3A_311 = arith.constant 7 : i32
      %shift_right_logical3A_312 = vector.broadcast %shift_right_logical3A_311 : i32 to vector<16xi32>
      %shift_right_logical3A_313 = arith.shrui %get3A_306, %shift_right_logical3A_312 : vector<16xi32>
      %and3A_314 = arith.constant 127 : i32
      %and3A_315 = vector.broadcast %and3A_314 : i32 to vector<16xi32>
      %and3A_316 = arith.andi %get3A_306, %and3A_315 : vector<16xi32>
      %convert_element_type3A_317 = arith.sitofp %unique3A_310 : vector<16xi32> to vector<16xf32>
      tpu.vector_store_idx %arg8[%shift_right_logical3A_313, %and3A_316], %convert_element_type3A_317 masked %unique3A_309 {add = true} : memref<80x128xf32, #tpu.memory_space<vmem>>[vector<16xi32>, vector<16xi32>], vector<16xf32>, vector<16xi1>
      %get3A_318 = arith.index_cast %scan3A_236 : i32 to index
      %get3A_319 = arith.constant 96 : index
      %get3A_320 = tpu.vector_load %arg5[%get3A_318, %get3A_319] {strides = array<i32>} : memref<160x128xi32, #tpu.memory_space<vmem>>, vector<16xi32>,
      %broadcast_in_dim3A_321 = arith.constant true
      %broadcast_in_dim3A_322 = vector.broadcast %broadcast_in_dim3A_321 : i1 to vector<16xi1>
      %unique3A_323, %unique3A_324 = tpu.scan_count mask(%broadcast_in_dim3A_322 : vector<16xi1>) value(%get3A_320 : vector<16xi32>) : vector<16xi1>, vector<16xi32>
      %shift_right_logical3A_325 = arith.constant 7 : i32
      %shift_right_logical3A_326 = vector.broadcast %shift_right_logical3A_325 : i32 to vector<16xi32>
      %shift_right_logical3A_327 = arith.shrui %get3A_320, %shift_right_logical3A_326 : vector<16xi32>
      %and3A_328 = arith.constant 127 : i32
      %and3A_329 = vector.broadcast %and3A_328 : i32 to vector<16xi32>
      %and3A_330 = arith.andi %get3A_320, %and3A_329 : vector<16xi32>
      %convert_element_type3A_331 = arith.sitofp %unique3A_324 : vector<16xi32> to vector<16xf32>
      tpu.vector_store_idx %arg8[%shift_right_logical3A_327, %and3A_330], %convert_element_type3A_331 masked %unique3A_323 {add = true} : memref<80x128xf32, #tpu.memory_space<vmem>>[vector<16xi32>, vector<16xi32>], vector<16xf32>, vector<16xi1>
      %get3A_332 = arith.index_cast %scan3A_236 : i32 to index
      %get3A_333 = arith.constant 112 : index
      %get3A_334 = tpu.vector_load %arg5[%get3A_332, %get3A_333] {strides = array<i32>} : memref<160x128xi32, #tpu.memory_space<vmem>>, vector<16xi32>,
      %broadcast_in_dim3A_335 = arith.constant true
      %broadcast_in_dim3A_336 = vector.broadcast %broadcast_in_dim3A_335 : i1 to vector<16xi1>
      %unique3A_337, %unique3A_338 = tpu.scan_count mask(%broadcast_in_dim3A_336 : vector<16xi1>) value(%get3A_334 : vector<16xi32>) : vector<16xi1>, vector<16xi32>
      %shift_right_logical3A_339 = arith.constant 7 : i32
      %shift_right_logical3A_340 = vector.broadcast %shift_right_logical3A_339 : i32 to vector<16xi32>
      %shift_right_logical3A_341 = arith.shrui %get3A_334, %shift_right_logical3A_340 : vector<16xi32>
      %and3A_342 = arith.constant 127 : i32
      %and3A_343 = vector.broadcast %and3A_342 : i32 to vector<16xi32>
      %and3A_344 = arith.andi %get3A_334, %and3A_343 : vector<16xi32>
      %convert_element_type3A_345 = arith.sitofp %unique3A_338 : vector<16xi32> to vector<16xf32>
      tpu.vector_store_idx %arg8[%shift_right_logical3A_341, %and3A_344], %convert_element_type3A_345 masked %unique3A_337 {add = true} : memref<80x128xf32, #tpu.memory_space<vmem>>[vector<16xi32>, vector<16xi32>], vector<16xf32>, vector<16xi1>
      %scan3A_346 = arith.constant 0 : i32
      scf.yield %scan3A_346 : i32
    }
    %scan3A_215 = arith.constant 160 : i32
    "tpu.region"() ({
      %run_scoped3A = tpu.sem_alloc : memref<!tpu.dma_semaphore, #tpu.memory_space<semaphore_mem>>
      %dma_start3A = arith.constant 0 : i32
      %dma_start3A_236 = arith.constant 0 : i32
      %dma_start3A_237 = tpu.memref_slice %arg11[%dma_start3A, %dma_start3A_236] : memref<80x128xf32, #tpu.memory_space<vmem_shared>> -> memref<80x128xf32, #tpu.memory_space<vmem_shared>>
      tpu.enqueue_indirect_dma source(%arg8 : memref<80x128xf32, #tpu.memory_space<vmem>>) target(%dma_start3A_237 : memref<80x128xf32, #tpu.memory_space<vmem_shared>>) offsets(%arg9 : memref<80xi32, #tpu.memory_space<vmem>>) semaphore(%run_scoped3A : memref<!tpu.dma_semaphore, #tpu.memory_space<semaphore_mem>>) {add = true}
      %dma_wait3A = arith.constant 0 : i32
      %dma_wait3A_238 = arith.constant 0 : i32
      %dma_wait3A_239 = tpu.memref_slice %arg11[%dma_wait3A, %dma_wait3A_238] : memref<80x128xf32, #tpu.memory_space<vmem_shared>> -> memref<80x128xf32, #tpu.memory_space<vmem_shared>>
      tpu.wait_indirect_dma semaphore(%run_scoped3A : memref<!tpu.dma_semaphore, #tpu.memory_space<semaphore_mem>>) src(%arg8 : memref<80x128xf32, #tpu.memory_space<vmem>>) dst(%dma_wait3A_239 : memref<80x128xf32, #tpu.memory_space<vmem_shared>>)
      tpu.yield
    }) : () -> ()
    %barrier3A_216 = arith.constant 0 : index
    tpu.barrier barrier_id(%barrier3A_216)
    %mul3A_217 = arith.constant 5 : i32
    %mul3A_218 = arith.muli %arg1, %mul3A_217 : i32
    "tpu.region"() ({
      %run_scoped3A = tpu.sem_alloc : memref<!tpu.dma_semaphore, #tpu.memory_space<semaphore_mem>>
      %dma_start3A = arith.constant 0 : i32
      %dma_start3A_236 = arith.constant 0 : i32
      %dma_start3A_237 = tpu.memref_slice %arg10[%dma_start3A, %dma_start3A_236] : memref<8x128xf32, #tpu.memory_space<vmem>> -> memref<5x128xf32, #tpu.memory_space<vmem>>
      %dma_start3A_238 = arith.constant 0 : i32
      %dma_start3A_239 = tpu.memref_slice %arg11[%mul3A_218, %dma_start3A_238] : memref<80x128xf32, #tpu.memory_space<vmem_shared>> -> memref<5x128xf32, #tpu.memory_space<vmem_shared>>
      %dma_start3A_240 = arith.constant 0 : i32
      %dma_start3A_241 = arith.constant 0 : i32
      %dma_start3A_242 = tpu.memref_slice %arg10[%dma_start3A_240, %dma_start3A_241] : memref<8x128xf32, #tpu.memory_space<vmem>> -> memref<5x128xf32, #tpu.memory_space<vmem>>
      %dma_start3A_243 = arith.constant 0 : i32
      %dma_start3A_244 = tpu.memref_slice %arg11[%mul3A_218, %dma_start3A_243] : memref<80x128xf32, #tpu.memory_space<vmem_shared>> -> memref<5x128xf32, #tpu.memory_space<vmem_shared>>
      tpu.enqueue_dma source(%dma_start3A_244 : memref<5x128xf32, #tpu.memory_space<vmem_shared>>) target(%dma_start3A_242 : memref<5x128xf32, #tpu.memory_space<vmem>>) target_semaphore(%run_scoped3A : memref<!tpu.dma_semaphore, #tpu.memory_space<semaphore_mem>>)
      %dma_wait3A = arith.constant 0 : i32
      %dma_wait3A_245 = arith.constant 0 : i32
      %dma_wait3A_246 = tpu.memref_slice %arg10[%dma_wait3A, %dma_wait3A_245] : memref<8x128xf32, #tpu.memory_space<vmem>> -> memref<5x128xf32, #tpu.memory_space<vmem>>
      %dma_wait3A_247 = arith.constant 0 : i32
      %dma_wait3A_248 = tpu.memref_slice %arg11[%mul3A_218, %dma_wait3A_247] : memref<80x128xf32, #tpu.memory_space<vmem_shared>> -> memref<5x128xf32, #tpu.memory_space<vmem_shared>>
      %dma_wait3A_249 = arith.constant 0 : i32
      %dma_wait3A_250 = arith.constant 0 : i32
      %dma_wait3A_251 = tpu.memref_slice %arg10[%dma_wait3A_249, %dma_wait3A_250] : memref<8x128xf32, #tpu.memory_space<vmem>> -> memref<5x128xf32, #tpu.memory_space<vmem>>
      %dma_wait3A_252 = arith.constant 0 : i32
      %dma_wait3A_253 = tpu.memref_slice %arg11[%mul3A_218, %dma_wait3A_252] : memref<80x128xf32, #tpu.memory_space<vmem_shared>> -> memref<5x128xf32, #tpu.memory_space<vmem_shared>>
      tpu.wait_dma2 semaphore(%run_scoped3A : memref<!tpu.dma_semaphore, #tpu.memory_space<semaphore_mem>>) src(%dma_wait3A_253 : memref<5x128xf32, #tpu.memory_space<vmem_shared>>) dst(%dma_wait3A_251 : memref<5x128xf32, #tpu.memory_space<vmem>>)
      tpu.yield
    }) : () -> ()
    %scan3A_219 = arith.constant 0 : i32
    %scan3A_220 = arith.constant 0 : i32
    %scan3A_221 = arith.constant 5 : i32
    %scan3A_222 = arith.addi %scan3A_220, %scan3A_221 : i32
    %scan3A_223 = arith.constant 1 : i32
    %scan3A_224 = scf.for %scan3A_236 = %scan3A_220 to %scan3A_222 step %scan3A_223 iter_args(%scan3A_237 = %scan3A_219) -> (i32)  : i32 {
      %get3A = arith.index_cast %scan3A_236 : i32 to index
      %get3A_238 = arith.constant 0 : index
      %get3A_239 = tpu.vector_load %arg10[%get3A, %get3A_238] {strides = array<i32>} : memref<8x128xf32, #tpu.memory_space<vmem>>, vector<16xf32>,
      %max3A = arith.constant 1.000000e+00 : f32
      %max3A_240 = vector.broadcast %max3A : f32 to vector<16xf32>
      %max3A_241 = arith.maximumf %get3A_239, %max3A_240 : vector<16xf32>
      %bitcast_convert_type3A = tpu.bitcast %max3A_241 : vector<16xf32> -> vector<16xi32>
      %shift_right_logical3A = arith.constant 1 : i32
      %shift_right_logical3A_242 = vector.broadcast %shift_right_logical3A : i32 to vector<16xi32>
      %shift_right_logical3A_243 = arith.shrui %bitcast_convert_type3A, %shift_right_logical3A_242 : vector<16xi32>
      %sub3A_244 = arith.constant 1597463007 : i32
      %sub3A_245 = vector.broadcast %sub3A_244 : i32 to vector<16xi32>
      %sub3A_246 = arith.subi %sub3A_245, %shift_right_logical3A_243 : vector<16xi32>
      %bitcast_convert_type3A_247 = tpu.bitcast %sub3A_246 : vector<16xi32> -> vector<16xf32>
      %mul3A_248 = arith.constant 5.000000e-01 : f32
      %mul3A_249 = vector.broadcast %mul3A_248 : f32 to vector<16xf32>
      %mul3A_250 = arith.mulf %mul3A_249, %max3A_241 : vector<16xf32>
      %mul3A_251 = arith.mulf %mul3A_250, %bitcast_convert_type3A_247 : vector<16xf32>
      %mul3A_252 = arith.mulf %mul3A_251, %bitcast_convert_type3A_247 : vector<16xf32>
      %sub3A_253 = arith.constant 1.500000e+00 : f32
      %sub3A_254 = vector.broadcast %sub3A_253 : f32 to vector<16xf32>
      %sub3A_255 = arith.subf %sub3A_254, %mul3A_252 : vector<16xf32>
      %mul3A_256 = arith.mulf %bitcast_convert_type3A_247, %sub3A_255 : vector<16xf32>
      %mul3A_257 = arith.constant 5.000000e-01 : f32
      %mul3A_258 = vector.broadcast %mul3A_257 : f32 to vector<16xf32>
      %mul3A_259 = arith.mulf %mul3A_258, %max3A_241 : vector<16xf32>
      %mul3A_260 = arith.mulf %mul3A_259, %mul3A_256 : vector<16xf32>
      %mul3A_261 = arith.mulf %mul3A_260, %mul3A_256 : vector<16xf32>
      %sub3A_262 = arith.constant 1.500000e+00 : f32
      %sub3A_263 = vector.broadcast %sub3A_262 : f32 to vector<16xf32>
      %sub3A_264 = arith.subf %sub3A_263, %mul3A_261 : vector<16xf32>
      %mul3A_265 = arith.mulf %mul3A_256, %sub3A_264 : vector<16xf32>
      %mul3A_266 = arith.constant 5.000000e-01 : f32
      %mul3A_267 = vector.broadcast %mul3A_266 : f32 to vector<16xf32>
      %mul3A_268 = arith.mulf %mul3A_267, %max3A_241 : vector<16xf32>
      %mul3A_269 = arith.mulf %mul3A_268, %mul3A_265 : vector<16xf32>
      %mul3A_270 = arith.mulf %mul3A_269, %mul3A_265 : vector<16xf32>
      %sub3A_271 = arith.constant 1.500000e+00 : f32
      %sub3A_272 = vector.broadcast %sub3A_271 : f32 to vector<16xf32>
      %sub3A_273 = arith.subf %sub3A_272, %mul3A_270 : vector<16xf32>
      %mul3A_274 = arith.mulf %mul3A_265, %sub3A_273 : vector<16xf32>
      %swap3A_275 = arith.index_cast %scan3A_236 : i32 to index
      %swap3A_276 = arith.constant 0 : index
      %swap3A_277 = tpu.vector_load %arg10[%swap3A_275, %swap3A_276] {strides = array<i32>} : memref<8x128xf32, #tpu.memory_space<vmem>>, vector<16xf32>,
      tpu.vector_store %arg10[%swap3A_275, %swap3A_276], %mul3A_274 {strides = array<i32>} : memref<8x128xf32, #tpu.memory_space<vmem>>, vector<16xf32>,
      %get3A_278 = arith.index_cast %scan3A_236 : i32 to index
      %get3A_279 = arith.constant 16 : index
      %get3A_280 = tpu.vector_load %arg10[%get3A_278, %get3A_279] {strides = array<i32>} : memref<8x128xf32, #tpu.memory_space<vmem>>, vector<16xf32>,
      %max3A_281 = arith.constant 1.000000e+00 : f32
      %max3A_282 = vector.broadcast %max3A_281 : f32 to vector<16xf32>
      %max3A_283 = arith.maximumf %get3A_280, %max3A_282 : vector<16xf32>
      %bitcast_convert_type3A_284 = tpu.bitcast %max3A_283 : vector<16xf32> -> vector<16xi32>
      %shift_right_logical3A_285 = arith.constant 1 : i32
      %shift_right_logical3A_286 = vector.broadcast %shift_right_logical3A_285 : i32 to vector<16xi32>
      %shift_right_logical3A_287 = arith.shrui %bitcast_convert_type3A_284, %shift_right_logical3A_286 : vector<16xi32>
      %sub3A_288 = arith.constant 1597463007 : i32
      %sub3A_289 = vector.broadcast %sub3A_288 : i32 to vector<16xi32>
      %sub3A_290 = arith.subi %sub3A_289, %shift_right_logical3A_287 : vector<16xi32>
      %bitcast_convert_type3A_291 = tpu.bitcast %sub3A_290 : vector<16xi32> -> vector<16xf32>
      %mul3A_292 = arith.constant 5.000000e-01 : f32
      %mul3A_293 = vector.broadcast %mul3A_292 : f32 to vector<16xf32>
      %mul3A_294 = arith.mulf %mul3A_293, %max3A_283 : vector<16xf32>
      %mul3A_295 = arith.mulf %mul3A_294, %bitcast_convert_type3A_291 : vector<16xf32>
      %mul3A_296 = arith.mulf %mul3A_295, %bitcast_convert_type3A_291 : vector<16xf32>
      %sub3A_297 = arith.constant 1.500000e+00 : f32
      %sub3A_298 = vector.broadcast %sub3A_297 : f32 to vector<16xf32>
      %sub3A_299 = arith.subf %sub3A_298, %mul3A_296 : vector<16xf32>
      %mul3A_300 = arith.mulf %bitcast_convert_type3A_291, %sub3A_299 : vector<16xf32>
      %mul3A_301 = arith.constant 5.000000e-01 : f32
      %mul3A_302 = vector.broadcast %mul3A_301 : f32 to vector<16xf32>
      %mul3A_303 = arith.mulf %mul3A_302, %max3A_283 : vector<16xf32>
      %mul3A_304 = arith.mulf %mul3A_303, %mul3A_300 : vector<16xf32>
      %mul3A_305 = arith.mulf %mul3A_304, %mul3A_300 : vector<16xf32>
      %sub3A_306 = arith.constant 1.500000e+00 : f32
      %sub3A_307 = vector.broadcast %sub3A_306 : f32 to vector<16xf32>
      %sub3A_308 = arith.subf %sub3A_307, %mul3A_305 : vector<16xf32>
      %mul3A_309 = arith.mulf %mul3A_300, %sub3A_308 : vector<16xf32>
      %mul3A_310 = arith.constant 5.000000e-01 : f32
      %mul3A_311 = vector.broadcast %mul3A_310 : f32 to vector<16xf32>
      %mul3A_312 = arith.mulf %mul3A_311, %max3A_283 : vector<16xf32>
      %mul3A_313 = arith.mulf %mul3A_312, %mul3A_309 : vector<16xf32>
      %mul3A_314 = arith.mulf %mul3A_313, %mul3A_309 : vector<16xf32>
      %sub3A_315 = arith.constant 1.500000e+00 : f32
      %sub3A_316 = vector.broadcast %sub3A_315 : f32 to vector<16xf32>
      %sub3A_317 = arith.subf %sub3A_316, %mul3A_314 : vector<16xf32>
      %mul3A_318 = arith.mulf %mul3A_309, %sub3A_317 : vector<16xf32>
      %swap3A_319 = arith.index_cast %scan3A_236 : i32 to index
      %swap3A_320 = arith.constant 16 : index
      %swap3A_321 = tpu.vector_load %arg10[%swap3A_319, %swap3A_320] {strides = array<i32>} : memref<8x128xf32, #tpu.memory_space<vmem>>, vector<16xf32>,
      tpu.vector_store %arg10[%swap3A_319, %swap3A_320], %mul3A_318 {strides = array<i32>} : memref<8x128xf32, #tpu.memory_space<vmem>>, vector<16xf32>,
      %get3A_322 = arith.index_cast %scan3A_236 : i32 to index
      %get3A_323 = arith.constant 32 : index
      %get3A_324 = tpu.vector_load %arg10[%get3A_322, %get3A_323] {strides = array<i32>} : memref<8x128xf32, #tpu.memory_space<vmem>>, vector<16xf32>,
      %max3A_325 = arith.constant 1.000000e+00 : f32
      %max3A_326 = vector.broadcast %max3A_325 : f32 to vector<16xf32>
      %max3A_327 = arith.maximumf %get3A_324, %max3A_326 : vector<16xf32>
      %bitcast_convert_type3A_328 = tpu.bitcast %max3A_327 : vector<16xf32> -> vector<16xi32>
      %shift_right_logical3A_329 = arith.constant 1 : i32
      %shift_right_logical3A_330 = vector.broadcast %shift_right_logical3A_329 : i32 to vector<16xi32>
      %shift_right_logical3A_331 = arith.shrui %bitcast_convert_type3A_328, %shift_right_logical3A_330 : vector<16xi32>
      %sub3A_332 = arith.constant 1597463007 : i32
      %sub3A_333 = vector.broadcast %sub3A_332 : i32 to vector<16xi32>
      %sub3A_334 = arith.subi %sub3A_333, %shift_right_logical3A_331 : vector<16xi32>
      %bitcast_convert_type3A_335 = tpu.bitcast %sub3A_334 : vector<16xi32> -> vector<16xf32>
      %mul3A_336 = arith.constant 5.000000e-01 : f32
      %mul3A_337 = vector.broadcast %mul3A_336 : f32 to vector<16xf32>
      %mul3A_338 = arith.mulf %mul3A_337, %max3A_327 : vector<16xf32>
      %mul3A_339 = arith.mulf %mul3A_338, %bitcast_convert_type3A_335 : vector<16xf32>
      %mul3A_340 = arith.mulf %mul3A_339, %bitcast_convert_type3A_335 : vector<16xf32>
      %sub3A_341 = arith.constant 1.500000e+00 : f32
      %sub3A_342 = vector.broadcast %sub3A_341 : f32 to vector<16xf32>
      %sub3A_343 = arith.subf %sub3A_342, %mul3A_340 : vector<16xf32>
      %mul3A_344 = arith.mulf %bitcast_convert_type3A_335, %sub3A_343 : vector<16xf32>
      %mul3A_345 = arith.constant 5.000000e-01 : f32
      %mul3A_346 = vector.broadcast %mul3A_345 : f32 to vector<16xf32>
      %mul3A_347 = arith.mulf %mul3A_346, %max3A_327 : vector<16xf32>
      %mul3A_348 = arith.mulf %mul3A_347, %mul3A_344 : vector<16xf32>
      %mul3A_349 = arith.mulf %mul3A_348, %mul3A_344 : vector<16xf32>
      %sub3A_350 = arith.constant 1.500000e+00 : f32
      %sub3A_351 = vector.broadcast %sub3A_350 : f32 to vector<16xf32>
      %sub3A_352 = arith.subf %sub3A_351, %mul3A_349 : vector<16xf32>
      %mul3A_353 = arith.mulf %mul3A_344, %sub3A_352 : vector<16xf32>
      %mul3A_354 = arith.constant 5.000000e-01 : f32
      %mul3A_355 = vector.broadcast %mul3A_354 : f32 to vector<16xf32>
      %mul3A_356 = arith.mulf %mul3A_355, %max3A_327 : vector<16xf32>
      %mul3A_357 = arith.mulf %mul3A_356, %mul3A_353 : vector<16xf32>
      %mul3A_358 = arith.mulf %mul3A_357, %mul3A_353 : vector<16xf32>
      %sub3A_359 = arith.constant 1.500000e+00 : f32
      %sub3A_360 = vector.broadcast %sub3A_359 : f32 to vector<16xf32>
      %sub3A_361 = arith.subf %sub3A_360, %mul3A_358 : vector<16xf32>
      %mul3A_362 = arith.mulf %mul3A_353, %sub3A_361 : vector<16xf32>
      %swap3A_363 = arith.index_cast %scan3A_236 : i32 to index
      %swap3A_364 = arith.constant 32 : index
      %swap3A_365 = tpu.vector_load %arg10[%swap3A_363, %swap3A_364] {strides = array<i32>} : memref<8x128xf32, #tpu.memory_space<vmem>>, vector<16xf32>,
      tpu.vector_store %arg10[%swap3A_363, %swap3A_364], %mul3A_362 {strides = array<i32>} : memref<8x128xf32, #tpu.memory_space<vmem>>, vector<16xf32>,
      %get3A_366 = arith.index_cast %scan3A_236 : i32 to index
      %get3A_367 = arith.constant 48 : index
      %get3A_368 = tpu.vector_load %arg10[%get3A_366, %get3A_367] {strides = array<i32>} : memref<8x128xf32, #tpu.memory_space<vmem>>, vector<16xf32>,
      %max3A_369 = arith.constant 1.000000e+00 : f32
      %max3A_370 = vector.broadcast %max3A_369 : f32 to vector<16xf32>
      %max3A_371 = arith.maximumf %get3A_368, %max3A_370 : vector<16xf32>
      %bitcast_convert_type3A_372 = tpu.bitcast %max3A_371 : vector<16xf32> -> vector<16xi32>
      %shift_right_logical3A_373 = arith.constant 1 : i32
      %shift_right_logical3A_374 = vector.broadcast %shift_right_logical3A_373 : i32 to vector<16xi32>
      %shift_right_logical3A_375 = arith.shrui %bitcast_convert_type3A_372, %shift_right_logical3A_374 : vector<16xi32>
      %sub3A_376 = arith.constant 1597463007 : i32
      %sub3A_377 = vector.broadcast %sub3A_376 : i32 to vector<16xi32>
      %sub3A_378 = arith.subi %sub3A_377, %shift_right_logical3A_375 : vector<16xi32>
      %bitcast_convert_type3A_379 = tpu.bitcast %sub3A_378 : vector<16xi32> -> vector<16xf32>
      %mul3A_380 = arith.constant 5.000000e-01 : f32
      %mul3A_381 = vector.broadcast %mul3A_380 : f32 to vector<16xf32>
      %mul3A_382 = arith.mulf %mul3A_381, %max3A_371 : vector<16xf32>
      %mul3A_383 = arith.mulf %mul3A_382, %bitcast_convert_type3A_379 : vector<16xf32>
      %mul3A_384 = arith.mulf %mul3A_383, %bitcast_convert_type3A_379 : vector<16xf32>
      %sub3A_385 = arith.constant 1.500000e+00 : f32
      %sub3A_386 = vector.broadcast %sub3A_385 : f32 to vector<16xf32>
      %sub3A_387 = arith.subf %sub3A_386, %mul3A_384 : vector<16xf32>
      %mul3A_388 = arith.mulf %bitcast_convert_type3A_379, %sub3A_387 : vector<16xf32>
      %mul3A_389 = arith.constant 5.000000e-01 : f32
      %mul3A_390 = vector.broadcast %mul3A_389 : f32 to vector<16xf32>
      %mul3A_391 = arith.mulf %mul3A_390, %max3A_371 : vector<16xf32>
      %mul3A_392 = arith.mulf %mul3A_391, %mul3A_388 : vector<16xf32>
      %mul3A_393 = arith.mulf %mul3A_392, %mul3A_388 : vector<16xf32>
      %sub3A_394 = arith.constant 1.500000e+00 : f32
      %sub3A_395 = vector.broadcast %sub3A_394 : f32 to vector<16xf32>
      %sub3A_396 = arith.subf %sub3A_395, %mul3A_393 : vector<16xf32>
      %mul3A_397 = arith.mulf %mul3A_388, %sub3A_396 : vector<16xf32>
      %mul3A_398 = arith.constant 5.000000e-01 : f32
      %mul3A_399 = vector.broadcast %mul3A_398 : f32 to vector<16xf32>
      %mul3A_400 = arith.mulf %mul3A_399, %max3A_371 : vector<16xf32>
      %mul3A_401 = arith.mulf %mul3A_400, %mul3A_397 : vector<16xf32>
      %mul3A_402 = arith.mulf %mul3A_401, %mul3A_397 : vector<16xf32>
      %sub3A_403 = arith.constant 1.500000e+00 : f32
      %sub3A_404 = vector.broadcast %sub3A_403 : f32 to vector<16xf32>
      %sub3A_405 = arith.subf %sub3A_404, %mul3A_402 : vector<16xf32>
      %mul3A_406 = arith.mulf %mul3A_397, %sub3A_405 : vector<16xf32>
      %swap3A_407 = arith.index_cast %scan3A_236 : i32 to index
      %swap3A_408 = arith.constant 48 : index
      %swap3A_409 = tpu.vector_load %arg10[%swap3A_407, %swap3A_408] {strides = array<i32>} : memref<8x128xf32, #tpu.memory_space<vmem>>, vector<16xf32>,
      tpu.vector_store %arg10[%swap3A_407, %swap3A_408], %mul3A_406 {strides = array<i32>} : memref<8x128xf32, #tpu.memory_space<vmem>>, vector<16xf32>,
      %get3A_410 = arith.index_cast %scan3A_236 : i32 to index
      %get3A_411 = arith.constant 64 : index
      %get3A_412 = tpu.vector_load %arg10[%get3A_410, %get3A_411] {strides = array<i32>} : memref<8x128xf32, #tpu.memory_space<vmem>>, vector<16xf32>,
      %max3A_413 = arith.constant 1.000000e+00 : f32
      %max3A_414 = vector.broadcast %max3A_413 : f32 to vector<16xf32>
      %max3A_415 = arith.maximumf %get3A_412, %max3A_414 : vector<16xf32>
      %bitcast_convert_type3A_416 = tpu.bitcast %max3A_415 : vector<16xf32> -> vector<16xi32>
      %shift_right_logical3A_417 = arith.constant 1 : i32
      %shift_right_logical3A_418 = vector.broadcast %shift_right_logical3A_417 : i32 to vector<16xi32>
      %shift_right_logical3A_419 = arith.shrui %bitcast_convert_type3A_416, %shift_right_logical3A_418 : vector<16xi32>
      %sub3A_420 = arith.constant 1597463007 : i32
      %sub3A_421 = vector.broadcast %sub3A_420 : i32 to vector<16xi32>
      %sub3A_422 = arith.subi %sub3A_421, %shift_right_logical3A_419 : vector<16xi32>
      %bitcast_convert_type3A_423 = tpu.bitcast %sub3A_422 : vector<16xi32> -> vector<16xf32>
      %mul3A_424 = arith.constant 5.000000e-01 : f32
      %mul3A_425 = vector.broadcast %mul3A_424 : f32 to vector<16xf32>
      %mul3A_426 = arith.mulf %mul3A_425, %max3A_415 : vector<16xf32>
      %mul3A_427 = arith.mulf %mul3A_426, %bitcast_convert_type3A_423 : vector<16xf32>
      %mul3A_428 = arith.mulf %mul3A_427, %bitcast_convert_type3A_423 : vector<16xf32>
      %sub3A_429 = arith.constant 1.500000e+00 : f32
      %sub3A_430 = vector.broadcast %sub3A_429 : f32 to vector<16xf32>
      %sub3A_431 = arith.subf %sub3A_430, %mul3A_428 : vector<16xf32>
      %mul3A_432 = arith.mulf %bitcast_convert_type3A_423, %sub3A_431 : vector<16xf32>
      %mul3A_433 = arith.constant 5.000000e-01 : f32
      %mul3A_434 = vector.broadcast %mul3A_433 : f32 to vector<16xf32>
      %mul3A_435 = arith.mulf %mul3A_434, %max3A_415 : vector<16xf32>
      %mul3A_436 = arith.mulf %mul3A_435, %mul3A_432 : vector<16xf32>
      %mul3A_437 = arith.mulf %mul3A_436, %mul3A_432 : vector<16xf32>
      %sub3A_438 = arith.constant 1.500000e+00 : f32
      %sub3A_439 = vector.broadcast %sub3A_438 : f32 to vector<16xf32>
      %sub3A_440 = arith.subf %sub3A_439, %mul3A_437 : vector<16xf32>
      %mul3A_441 = arith.mulf %mul3A_432, %sub3A_440 : vector<16xf32>
      %mul3A_442 = arith.constant 5.000000e-01 : f32
      %mul3A_443 = vector.broadcast %mul3A_442 : f32 to vector<16xf32>
      %mul3A_444 = arith.mulf %mul3A_443, %max3A_415 : vector<16xf32>
      %mul3A_445 = arith.mulf %mul3A_444, %mul3A_441 : vector<16xf32>
      %mul3A_446 = arith.mulf %mul3A_445, %mul3A_441 : vector<16xf32>
      %sub3A_447 = arith.constant 1.500000e+00 : f32
      %sub3A_448 = vector.broadcast %sub3A_447 : f32 to vector<16xf32>
      %sub3A_449 = arith.subf %sub3A_448, %mul3A_446 : vector<16xf32>
      %mul3A_450 = arith.mulf %mul3A_441, %sub3A_449 : vector<16xf32>
      %swap3A_451 = arith.index_cast %scan3A_236 : i32 to index
      %swap3A_452 = arith.constant 64 : index
      %swap3A_453 = tpu.vector_load %arg10[%swap3A_451, %swap3A_452] {strides = array<i32>} : memref<8x128xf32, #tpu.memory_space<vmem>>, vector<16xf32>,
      tpu.vector_store %arg10[%swap3A_451, %swap3A_452], %mul3A_450 {strides = array<i32>} : memref<8x128xf32, #tpu.memory_space<vmem>>, vector<16xf32>,
      %get3A_454 = arith.index_cast %scan3A_236 : i32 to index
      %get3A_455 = arith.constant 80 : index
      %get3A_456 = tpu.vector_load %arg10[%get3A_454, %get3A_455] {strides = array<i32>} : memref<8x128xf32, #tpu.memory_space<vmem>>, vector<16xf32>,
      %max3A_457 = arith.constant 1.000000e+00 : f32
      %max3A_458 = vector.broadcast %max3A_457 : f32 to vector<16xf32>
      %max3A_459 = arith.maximumf %get3A_456, %max3A_458 : vector<16xf32>
      %bitcast_convert_type3A_460 = tpu.bitcast %max3A_459 : vector<16xf32> -> vector<16xi32>
      %shift_right_logical3A_461 = arith.constant 1 : i32
      %shift_right_logical3A_462 = vector.broadcast %shift_right_logical3A_461 : i32 to vector<16xi32>
      %shift_right_logical3A_463 = arith.shrui %bitcast_convert_type3A_460, %shift_right_logical3A_462 : vector<16xi32>
      %sub3A_464 = arith.constant 1597463007 : i32
      %sub3A_465 = vector.broadcast %sub3A_464 : i32 to vector<16xi32>
      %sub3A_466 = arith.subi %sub3A_465, %shift_right_logical3A_463 : vector<16xi32>
      %bitcast_convert_type3A_467 = tpu.bitcast %sub3A_466 : vector<16xi32> -> vector<16xf32>
      %mul3A_468 = arith.constant 5.000000e-01 : f32
      %mul3A_469 = vector.broadcast %mul3A_468 : f32 to vector<16xf32>
      %mul3A_470 = arith.mulf %mul3A_469, %max3A_459 : vector<16xf32>
      %mul3A_471 = arith.mulf %mul3A_470, %bitcast_convert_type3A_467 : vector<16xf32>
      %mul3A_472 = arith.mulf %mul3A_471, %bitcast_convert_type3A_467 : vector<16xf32>
      %sub3A_473 = arith.constant 1.500000e+00 : f32
      %sub3A_474 = vector.broadcast %sub3A_473 : f32 to vector<16xf32>
      %sub3A_475 = arith.subf %sub3A_474, %mul3A_472 : vector<16xf32>
      %mul3A_476 = arith.mulf %bitcast_convert_type3A_467, %sub3A_475 : vector<16xf32>
      %mul3A_477 = arith.constant 5.000000e-01 : f32
      %mul3A_478 = vector.broadcast %mul3A_477 : f32 to vector<16xf32>
      %mul3A_479 = arith.mulf %mul3A_478, %max3A_459 : vector<16xf32>
      %mul3A_480 = arith.mulf %mul3A_479, %mul3A_476 : vector<16xf32>
      %mul3A_481 = arith.mulf %mul3A_480, %mul3A_476 : vector<16xf32>
      %sub3A_482 = arith.constant 1.500000e+00 : f32
      %sub3A_483 = vector.broadcast %sub3A_482 : f32 to vector<16xf32>
      %sub3A_484 = arith.subf %sub3A_483, %mul3A_481 : vector<16xf32>
      %mul3A_485 = arith.mulf %mul3A_476, %sub3A_484 : vector<16xf32>
      %mul3A_486 = arith.constant 5.000000e-01 : f32
      %mul3A_487 = vector.broadcast %mul3A_486 : f32 to vector<16xf32>
      %mul3A_488 = arith.mulf %mul3A_487, %max3A_459 : vector<16xf32>
      %mul3A_489 = arith.mulf %mul3A_488, %mul3A_485 : vector<16xf32>
      %mul3A_490 = arith.mulf %mul3A_489, %mul3A_485 : vector<16xf32>
      %sub3A_491 = arith.constant 1.500000e+00 : f32
      %sub3A_492 = vector.broadcast %sub3A_491 : f32 to vector<16xf32>
      %sub3A_493 = arith.subf %sub3A_492, %mul3A_490 : vector<16xf32>
      %mul3A_494 = arith.mulf %mul3A_485, %sub3A_493 : vector<16xf32>
      %swap3A_495 = arith.index_cast %scan3A_236 : i32 to index
      %swap3A_496 = arith.constant 80 : index
      %swap3A_497 = tpu.vector_load %arg10[%swap3A_495, %swap3A_496] {strides = array<i32>} : memref<8x128xf32, #tpu.memory_space<vmem>>, vector<16xf32>,
      tpu.vector_store %arg10[%swap3A_495, %swap3A_496], %mul3A_494 {strides = array<i32>} : memref<8x128xf32, #tpu.memory_space<vmem>>, vector<16xf32>,
      %get3A_498 = arith.index_cast %scan3A_236 : i32 to index
      %get3A_499 = arith.constant 96 : index
      %get3A_500 = tpu.vector_load %arg10[%get3A_498, %get3A_499] {strides = array<i32>} : memref<8x128xf32, #tpu.memory_space<vmem>>, vector<16xf32>,
      %max3A_501 = arith.constant 1.000000e+00 : f32
      %max3A_502 = vector.broadcast %max3A_501 : f32 to vector<16xf32>
      %max3A_503 = arith.maximumf %get3A_500, %max3A_502 : vector<16xf32>
      %bitcast_convert_type3A_504 = tpu.bitcast %max3A_503 : vector<16xf32> -> vector<16xi32>
      %shift_right_logical3A_505 = arith.constant 1 : i32
      %shift_right_logical3A_506 = vector.broadcast %shift_right_logical3A_505 : i32 to vector<16xi32>
      %shift_right_logical3A_507 = arith.shrui %bitcast_convert_type3A_504, %shift_right_logical3A_506 : vector<16xi32>
      %sub3A_508 = arith.constant 1597463007 : i32
      %sub3A_509 = vector.broadcast %sub3A_508 : i32 to vector<16xi32>
      %sub3A_510 = arith.subi %sub3A_509, %shift_right_logical3A_507 : vector<16xi32>
      %bitcast_convert_type3A_511 = tpu.bitcast %sub3A_510 : vector<16xi32> -> vector<16xf32>
      %mul3A_512 = arith.constant 5.000000e-01 : f32
      %mul3A_513 = vector.broadcast %mul3A_512 : f32 to vector<16xf32>
      %mul3A_514 = arith.mulf %mul3A_513, %max3A_503 : vector<16xf32>
      %mul3A_515 = arith.mulf %mul3A_514, %bitcast_convert_type3A_511 : vector<16xf32>
      %mul3A_516 = arith.mulf %mul3A_515, %bitcast_convert_type3A_511 : vector<16xf32>
      %sub3A_517 = arith.constant 1.500000e+00 : f32
      %sub3A_518 = vector.broadcast %sub3A_517 : f32 to vector<16xf32>
      %sub3A_519 = arith.subf %sub3A_518, %mul3A_516 : vector<16xf32>
      %mul3A_520 = arith.mulf %bitcast_convert_type3A_511, %sub3A_519 : vector<16xf32>
      %mul3A_521 = arith.constant 5.000000e-01 : f32
      %mul3A_522 = vector.broadcast %mul3A_521 : f32 to vector<16xf32>
      %mul3A_523 = arith.mulf %mul3A_522, %max3A_503 : vector<16xf32>
      %mul3A_524 = arith.mulf %mul3A_523, %mul3A_520 : vector<16xf32>
      %mul3A_525 = arith.mulf %mul3A_524, %mul3A_520 : vector<16xf32>
      %sub3A_526 = arith.constant 1.500000e+00 : f32
      %sub3A_527 = vector.broadcast %sub3A_526 : f32 to vector<16xf32>
      %sub3A_528 = arith.subf %sub3A_527, %mul3A_525 : vector<16xf32>
      %mul3A_529 = arith.mulf %mul3A_520, %sub3A_528 : vector<16xf32>
      %mul3A_530 = arith.constant 5.000000e-01 : f32
      %mul3A_531 = vector.broadcast %mul3A_530 : f32 to vector<16xf32>
      %mul3A_532 = arith.mulf %mul3A_531, %max3A_503 : vector<16xf32>
      %mul3A_533 = arith.mulf %mul3A_532, %mul3A_529 : vector<16xf32>
      %mul3A_534 = arith.mulf %mul3A_533, %mul3A_529 : vector<16xf32>
      %sub3A_535 = arith.constant 1.500000e+00 : f32
      %sub3A_536 = vector.broadcast %sub3A_535 : f32 to vector<16xf32>
      %sub3A_537 = arith.subf %sub3A_536, %mul3A_534 : vector<16xf32>
      %mul3A_538 = arith.mulf %mul3A_529, %sub3A_537 : vector<16xf32>
      %swap3A_539 = arith.index_cast %scan3A_236 : i32 to index
      %swap3A_540 = arith.constant 96 : index
      %swap3A_541 = tpu.vector_load %arg10[%swap3A_539, %swap3A_540] {strides = array<i32>} : memref<8x128xf32, #tpu.memory_space<vmem>>, vector<16xf32>,
      tpu.vector_store %arg10[%swap3A_539, %swap3A_540], %mul3A_538 {strides = array<i32>} : memref<8x128xf32, #tpu.memory_space<vmem>>, vector<16xf32>,
      %get3A_542 = arith.index_cast %scan3A_236 : i32 to index
      %get3A_543 = arith.constant 112 : index
      %get3A_544 = tpu.vector_load %arg10[%get3A_542, %get3A_543] {strides = array<i32>} : memref<8x128xf32, #tpu.memory_space<vmem>>, vector<16xf32>,
      %max3A_545 = arith.constant 1.000000e+00 : f32
      %max3A_546 = vector.broadcast %max3A_545 : f32 to vector<16xf32>
      %max3A_547 = arith.maximumf %get3A_544, %max3A_546 : vector<16xf32>
      %bitcast_convert_type3A_548 = tpu.bitcast %max3A_547 : vector<16xf32> -> vector<16xi32>
      %shift_right_logical3A_549 = arith.constant 1 : i32
      %shift_right_logical3A_550 = vector.broadcast %shift_right_logical3A_549 : i32 to vector<16xi32>
      %shift_right_logical3A_551 = arith.shrui %bitcast_convert_type3A_548, %shift_right_logical3A_550 : vector<16xi32>
      %sub3A_552 = arith.constant 1597463007 : i32
      %sub3A_553 = vector.broadcast %sub3A_552 : i32 to vector<16xi32>
      %sub3A_554 = arith.subi %sub3A_553, %shift_right_logical3A_551 : vector<16xi32>
      %bitcast_convert_type3A_555 = tpu.bitcast %sub3A_554 : vector<16xi32> -> vector<16xf32>
      %mul3A_556 = arith.constant 5.000000e-01 : f32
      %mul3A_557 = vector.broadcast %mul3A_556 : f32 to vector<16xf32>
      %mul3A_558 = arith.mulf %mul3A_557, %max3A_547 : vector<16xf32>
      %mul3A_559 = arith.mulf %mul3A_558, %bitcast_convert_type3A_555 : vector<16xf32>
      %mul3A_560 = arith.mulf %mul3A_559, %bitcast_convert_type3A_555 : vector<16xf32>
      %sub3A_561 = arith.constant 1.500000e+00 : f32
      %sub3A_562 = vector.broadcast %sub3A_561 : f32 to vector<16xf32>
      %sub3A_563 = arith.subf %sub3A_562, %mul3A_560 : vector<16xf32>
      %mul3A_564 = arith.mulf %bitcast_convert_type3A_555, %sub3A_563 : vector<16xf32>
      %mul3A_565 = arith.constant 5.000000e-01 : f32
      %mul3A_566 = vector.broadcast %mul3A_565 : f32 to vector<16xf32>
      %mul3A_567 = arith.mulf %mul3A_566, %max3A_547 : vector<16xf32>
      %mul3A_568 = arith.mulf %mul3A_567, %mul3A_564 : vector<16xf32>
      %mul3A_569 = arith.mulf %mul3A_568, %mul3A_564 : vector<16xf32>
      %sub3A_570 = arith.constant 1.500000e+00 : f32
      %sub3A_571 = vector.broadcast %sub3A_570 : f32 to vector<16xf32>
      %sub3A_572 = arith.subf %sub3A_571, %mul3A_569 : vector<16xf32>
      %mul3A_573 = arith.mulf %mul3A_564, %sub3A_572 : vector<16xf32>
      %mul3A_574 = arith.constant 5.000000e-01 : f32
      %mul3A_575 = vector.broadcast %mul3A_574 : f32 to vector<16xf32>
      %mul3A_576 = arith.mulf %mul3A_575, %max3A_547 : vector<16xf32>
      %mul3A_577 = arith.mulf %mul3A_576, %mul3A_573 : vector<16xf32>
      %mul3A_578 = arith.mulf %mul3A_577, %mul3A_573 : vector<16xf32>
      %sub3A_579 = arith.constant 1.500000e+00 : f32
      %sub3A_580 = vector.broadcast %sub3A_579 : f32 to vector<16xf32>
      %sub3A_581 = arith.subf %sub3A_580, %mul3A_578 : vector<16xf32>
      %mul3A_582 = arith.mulf %mul3A_573, %sub3A_581 : vector<16xf32>
      %swap3A_583 = arith.index_cast %scan3A_236 : i32 to index
      %swap3A_584 = arith.constant 112 : index
      %swap3A_585 = tpu.vector_load %arg10[%swap3A_583, %swap3A_584] {strides = array<i32>} : memref<8x128xf32, #tpu.memory_space<vmem>>, vector<16xf32>,
      tpu.vector_store %arg10[%swap3A_583, %swap3A_584], %mul3A_582 {strides = array<i32>} : memref<8x128xf32, #tpu.memory_space<vmem>>, vector<16xf32>,
      %scan3A_586 = arith.constant 0 : i32
      scf.yield %scan3A_586 : i32
    }
    %scan3A_225 = arith.constant 5 : i32
    %mul3A_226 = arith.constant 5 : i32
    %mul3A_227 = arith.muli %arg1, %mul3A_226 : i32
    "tpu.region"() ({
      %run_scoped3A = tpu.sem_alloc : memref<!tpu.dma_semaphore, #tpu.memory_space<semaphore_mem>>
      %dma_start3A = arith.constant 0 : i32
      %dma_start3A_236 = arith.constant 0 : i32
      %dma_start3A_237 = tpu.memref_slice %arg10[%dma_start3A, %dma_start3A_236] : memref<8x128xf32, #tpu.memory_space<vmem>> -> memref<5x128xf32, #tpu.memory_space<vmem>>
      %dma_start3A_238 = arith.constant 0 : i32
      %dma_start3A_239 = tpu.memref_slice %arg11[%mul3A_227, %dma_start3A_238] : memref<80x128xf32, #tpu.memory_space<vmem_shared>> -> memref<5x128xf32, #tpu.memory_space<vmem_shared>>
      %dma_start3A_240 = arith.constant 0 : i32
      %dma_start3A_241 = tpu.memref_slice %arg11[%mul3A_227, %dma_start3A_240] : memref<80x128xf32, #tpu.memory_space<vmem_shared>> -> memref<5x128xf32, #tpu.memory_space<vmem_shared>>
      %dma_start3A_242 = arith.constant 0 : i32
      %dma_start3A_243 = arith.constant 0 : i32
      %dma_start3A_244 = tpu.memref_slice %arg10[%dma_start3A_242, %dma_start3A_243] : memref<8x128xf32, #tpu.memory_space<vmem>> -> memref<5x128xf32, #tpu.memory_space<vmem>>
      tpu.enqueue_dma source(%dma_start3A_244 : memref<5x128xf32, #tpu.memory_space<vmem>>) target(%dma_start3A_241 : memref<5x128xf32, #tpu.memory_space<vmem_shared>>) target_semaphore(%run_scoped3A : memref<!tpu.dma_semaphore, #tpu.memory_space<semaphore_mem>>)
      %dma_wait3A = arith.constant 0 : i32
      %dma_wait3A_245 = arith.constant 0 : i32
      %dma_wait3A_246 = tpu.memref_slice %arg10[%dma_wait3A, %dma_wait3A_245] : memref<8x128xf32, #tpu.memory_space<vmem>> -> memref<5x128xf32, #tpu.memory_space<vmem>>
      %dma_wait3A_247 = arith.constant 0 : i32
      %dma_wait3A_248 = tpu.memref_slice %arg11[%mul3A_227, %dma_wait3A_247] : memref<80x128xf32, #tpu.memory_space<vmem_shared>> -> memref<5x128xf32, #tpu.memory_space<vmem_shared>>
      %dma_wait3A_249 = arith.constant 0 : i32
      %dma_wait3A_250 = tpu.memref_slice %arg11[%mul3A_227, %dma_wait3A_249] : memref<80x128xf32, #tpu.memory_space<vmem_shared>> -> memref<5x128xf32, #tpu.memory_space<vmem_shared>>
      %dma_wait3A_251 = arith.constant 0 : i32
      %dma_wait3A_252 = arith.constant 0 : i32
      %dma_wait3A_253 = tpu.memref_slice %arg10[%dma_wait3A_251, %dma_wait3A_252] : memref<8x128xf32, #tpu.memory_space<vmem>> -> memref<5x128xf32, #tpu.memory_space<vmem>>
      tpu.wait_dma2 semaphore(%run_scoped3A : memref<!tpu.dma_semaphore, #tpu.memory_space<semaphore_mem>>) src(%dma_wait3A_253 : memref<5x128xf32, #tpu.memory_space<vmem>>) dst(%dma_wait3A_250 : memref<5x128xf32, #tpu.memory_space<vmem_shared>>)
      tpu.yield
    }) : () -> ()
    %barrier3A_228 = arith.constant 0 : index
    tpu.barrier barrier_id(%barrier3A_228)
    "tpu.region"() ({
      %run_scoped3A = tpu.sem_alloc : memref<!tpu.dma_semaphore, #tpu.memory_space<semaphore_mem>>
      tpu.enqueue_dma source(%arg11 : memref<80x128xf32, #tpu.memory_space<vmem_shared>>) target(%arg8 : memref<80x128xf32, #tpu.memory_space<vmem>>) target_semaphore(%run_scoped3A : memref<!tpu.dma_semaphore, #tpu.memory_space<semaphore_mem>>)
      tpu.wait_dma2 semaphore(%run_scoped3A : memref<!tpu.dma_semaphore, #tpu.memory_space<semaphore_mem>>) src(%arg11 : memref<80x128xf32, #tpu.memory_space<vmem_shared>>) dst(%arg8 : memref<80x128xf32, #tpu.memory_space<vmem>>)
      tpu.yield
    }) : () -> ()
    %scan3A_229 = arith.constant 0 : i32
    %scan3A_230 = arith.constant 0 : i32
    %scan3A_231 = arith.constant 160 : i32
    %scan3A_232 = arith.addi %scan3A_230, %scan3A_231 : i32
    %scan3A_233 = arith.constant 1 : i32
    %scan3A_234 = scf.for %scan3A_236 = %scan3A_230 to %scan3A_232 step %scan3A_233 iter_args(%scan3A_237 = %scan3A_229) -> (i32)  : i32 {
      %get3A = arith.index_cast %scan3A_236 : i32 to index
      %get3A_238 = arith.constant 0 : index
      %get3A_239 = tpu.vector_load %arg5[%get3A, %get3A_238] {strides = array<i32>} : memref<160x128xi32, #tpu.memory_space<vmem>>, vector<16xi32>,
      %shift_right_logical3A = arith.constant 7 : i32
      %shift_right_logical3A_240 = vector.broadcast %shift_right_logical3A : i32 to vector<16xi32>
      %shift_right_logical3A_241 = arith.shrui %get3A_239, %shift_right_logical3A_240 : vector<16xi32>
      %and3A_242 = arith.constant 127 : i32
      %and3A_243 = vector.broadcast %and3A_242 : i32 to vector<16xi32>
      %and3A_244 = arith.andi %get3A_239, %and3A_243 : vector<16xi32>
      %gather3A = tpu.vector_load_idx %arg8[%shift_right_logical3A_241, %and3A_244] : memref<80x128xf32, #tpu.memory_space<vmem>>[vector<16xi32>, vector<16xi32>], vector<16xf32>,
      %get3A_245 = arith.index_cast %scan3A_236 : i32 to index
      %get3A_246 = arith.constant 0 : index
      %get3A_247 = tpu.vector_load %arg6[%get3A_245, %get3A_246] {strides = array<i32>} : memref<160x128xf32, #tpu.memory_space<vmem>>, vector<16xf32>,
      %mul3A_248 = arith.mulf %gather3A, %get3A_247 : vector<16xf32>
      %swap3A_249 = arith.index_cast %scan3A_236 : i32 to index
      %swap3A_250 = arith.constant 0 : index
      %swap3A_251 = tpu.vector_load %arg7[%swap3A_249, %swap3A_250] {strides = array<i32>} : memref<160x128xf32, #tpu.memory_space<vmem>>, vector<16xf32>,
      tpu.vector_store %arg7[%swap3A_249, %swap3A_250], %mul3A_248 {strides = array<i32>} : memref<160x128xf32, #tpu.memory_space<vmem>>, vector<16xf32>,
      %get3A_252 = arith.index_cast %scan3A_236 : i32 to index
      %get3A_253 = arith.constant 16 : index
      %get3A_254 = tpu.vector_load %arg5[%get3A_252, %get3A_253] {strides = array<i32>} : memref<160x128xi32, #tpu.memory_space<vmem>>, vector<16xi32>,
      %shift_right_logical3A_255 = arith.constant 7 : i32
      %shift_right_logical3A_256 = vector.broadcast %shift_right_logical3A_255 : i32 to vector<16xi32>
      %shift_right_logical3A_257 = arith.shrui %get3A_254, %shift_right_logical3A_256 : vector<16xi32>
      %and3A_258 = arith.constant 127 : i32
      %and3A_259 = vector.broadcast %and3A_258 : i32 to vector<16xi32>
      %and3A_260 = arith.andi %get3A_254, %and3A_259 : vector<16xi32>
      %gather3A_261 = tpu.vector_load_idx %arg8[%shift_right_logical3A_257, %and3A_260] : memref<80x128xf32, #tpu.memory_space<vmem>>[vector<16xi32>, vector<16xi32>], vector<16xf32>,
      %get3A_262 = arith.index_cast %scan3A_236 : i32 to index
      %get3A_263 = arith.constant 16 : index
      %get3A_264 = tpu.vector_load %arg6[%get3A_262, %get3A_263] {strides = array<i32>} : memref<160x128xf32, #tpu.memory_space<vmem>>, vector<16xf32>,
      %mul3A_265 = arith.mulf %gather3A_261, %get3A_264 : vector<16xf32>
      %swap3A_266 = arith.index_cast %scan3A_236 : i32 to index
      %swap3A_267 = arith.constant 16 : index
      %swap3A_268 = tpu.vector_load %arg7[%swap3A_266, %swap3A_267] {strides = array<i32>} : memref<160x128xf32, #tpu.memory_space<vmem>>, vector<16xf32>,
      tpu.vector_store %arg7[%swap3A_266, %swap3A_267], %mul3A_265 {strides = array<i32>} : memref<160x128xf32, #tpu.memory_space<vmem>>, vector<16xf32>,
      %get3A_269 = arith.index_cast %scan3A_236 : i32 to index
      %get3A_270 = arith.constant 32 : index
      %get3A_271 = tpu.vector_load %arg5[%get3A_269, %get3A_270] {strides = array<i32>} : memref<160x128xi32, #tpu.memory_space<vmem>>, vector<16xi32>,
      %shift_right_logical3A_272 = arith.constant 7 : i32
      %shift_right_logical3A_273 = vector.broadcast %shift_right_logical3A_272 : i32 to vector<16xi32>
      %shift_right_logical3A_274 = arith.shrui %get3A_271, %shift_right_logical3A_273 : vector<16xi32>
      %and3A_275 = arith.constant 127 : i32
      %and3A_276 = vector.broadcast %and3A_275 : i32 to vector<16xi32>
      %and3A_277 = arith.andi %get3A_271, %and3A_276 : vector<16xi32>
      %gather3A_278 = tpu.vector_load_idx %arg8[%shift_right_logical3A_274, %and3A_277] : memref<80x128xf32, #tpu.memory_space<vmem>>[vector<16xi32>, vector<16xi32>], vector<16xf32>,
      %get3A_279 = arith.index_cast %scan3A_236 : i32 to index
      %get3A_280 = arith.constant 32 : index
      %get3A_281 = tpu.vector_load %arg6[%get3A_279, %get3A_280] {strides = array<i32>} : memref<160x128xf32, #tpu.memory_space<vmem>>, vector<16xf32>,
      %mul3A_282 = arith.mulf %gather3A_278, %get3A_281 : vector<16xf32>
      %swap3A_283 = arith.index_cast %scan3A_236 : i32 to index
      %swap3A_284 = arith.constant 32 : index
      %swap3A_285 = tpu.vector_load %arg7[%swap3A_283, %swap3A_284] {strides = array<i32>} : memref<160x128xf32, #tpu.memory_space<vmem>>, vector<16xf32>,
      tpu.vector_store %arg7[%swap3A_283, %swap3A_284], %mul3A_282 {strides = array<i32>} : memref<160x128xf32, #tpu.memory_space<vmem>>, vector<16xf32>,
      %get3A_286 = arith.index_cast %scan3A_236 : i32 to index
      %get3A_287 = arith.constant 48 : index
      %get3A_288 = tpu.vector_load %arg5[%get3A_286, %get3A_287] {strides = array<i32>} : memref<160x128xi32, #tpu.memory_space<vmem>>, vector<16xi32>,
      %shift_right_logical3A_289 = arith.constant 7 : i32
      %shift_right_logical3A_290 = vector.broadcast %shift_right_logical3A_289 : i32 to vector<16xi32>
      %shift_right_logical3A_291 = arith.shrui %get3A_288, %shift_right_logical3A_290 : vector<16xi32>
      %and3A_292 = arith.constant 127 : i32
      %and3A_293 = vector.broadcast %and3A_292 : i32 to vector<16xi32>
      %and3A_294 = arith.andi %get3A_288, %and3A_293 : vector<16xi32>
      %gather3A_295 = tpu.vector_load_idx %arg8[%shift_right_logical3A_291, %and3A_294] : memref<80x128xf32, #tpu.memory_space<vmem>>[vector<16xi32>, vector<16xi32>], vector<16xf32>,
      %get3A_296 = arith.index_cast %scan3A_236 : i32 to index
      %get3A_297 = arith.constant 48 : index
      %get3A_298 = tpu.vector_load %arg6[%get3A_296, %get3A_297] {strides = array<i32>} : memref<160x128xf32, #tpu.memory_space<vmem>>, vector<16xf32>,
      %mul3A_299 = arith.mulf %gather3A_295, %get3A_298 : vector<16xf32>
      %swap3A_300 = arith.index_cast %scan3A_236 : i32 to index
      %swap3A_301 = arith.constant 48 : index
      %swap3A_302 = tpu.vector_load %arg7[%swap3A_300, %swap3A_301] {strides = array<i32>} : memref<160x128xf32, #tpu.memory_space<vmem>>, vector<16xf32>,
      tpu.vector_store %arg7[%swap3A_300, %swap3A_301], %mul3A_299 {strides = array<i32>} : memref<160x128xf32, #tpu.memory_space<vmem>>, vector<16xf32>,
      %get3A_303 = arith.index_cast %scan3A_236 : i32 to index
      %get3A_304 = arith.constant 64 : index
      %get3A_305 = tpu.vector_load %arg5[%get3A_303, %get3A_304] {strides = array<i32>} : memref<160x128xi32, #tpu.memory_space<vmem>>, vector<16xi32>,
      %shift_right_logical3A_306 = arith.constant 7 : i32
      %shift_right_logical3A_307 = vector.broadcast %shift_right_logical3A_306 : i32 to vector<16xi32>
      %shift_right_logical3A_308 = arith.shrui %get3A_305, %shift_right_logical3A_307 : vector<16xi32>
      %and3A_309 = arith.constant 127 : i32
      %and3A_310 = vector.broadcast %and3A_309 : i32 to vector<16xi32>
      %and3A_311 = arith.andi %get3A_305, %and3A_310 : vector<16xi32>
      %gather3A_312 = tpu.vector_load_idx %arg8[%shift_right_logical3A_308, %and3A_311] : memref<80x128xf32, #tpu.memory_space<vmem>>[vector<16xi32>, vector<16xi32>], vector<16xf32>,
      %get3A_313 = arith.index_cast %scan3A_236 : i32 to index
      %get3A_314 = arith.constant 64 : index
      %get3A_315 = tpu.vector_load %arg6[%get3A_313, %get3A_314] {strides = array<i32>} : memref<160x128xf32, #tpu.memory_space<vmem>>, vector<16xf32>,
      %mul3A_316 = arith.mulf %gather3A_312, %get3A_315 : vector<16xf32>
      %swap3A_317 = arith.index_cast %scan3A_236 : i32 to index
      %swap3A_318 = arith.constant 64 : index
      %swap3A_319 = tpu.vector_load %arg7[%swap3A_317, %swap3A_318] {strides = array<i32>} : memref<160x128xf32, #tpu.memory_space<vmem>>, vector<16xf32>,
      tpu.vector_store %arg7[%swap3A_317, %swap3A_318], %mul3A_316 {strides = array<i32>} : memref<160x128xf32, #tpu.memory_space<vmem>>, vector<16xf32>,
      %get3A_320 = arith.index_cast %scan3A_236 : i32 to index
      %get3A_321 = arith.constant 80 : index
      %get3A_322 = tpu.vector_load %arg5[%get3A_320, %get3A_321] {strides = array<i32>} : memref<160x128xi32, #tpu.memory_space<vmem>>, vector<16xi32>,
      %shift_right_logical3A_323 = arith.constant 7 : i32
      %shift_right_logical3A_324 = vector.broadcast %shift_right_logical3A_323 : i32 to vector<16xi32>
      %shift_right_logical3A_325 = arith.shrui %get3A_322, %shift_right_logical3A_324 : vector<16xi32>
      %and3A_326 = arith.constant 127 : i32
      %and3A_327 = vector.broadcast %and3A_326 : i32 to vector<16xi32>
      %and3A_328 = arith.andi %get3A_322, %and3A_327 : vector<16xi32>
      %gather3A_329 = tpu.vector_load_idx %arg8[%shift_right_logical3A_325, %and3A_328] : memref<80x128xf32, #tpu.memory_space<vmem>>[vector<16xi32>, vector<16xi32>], vector<16xf32>,
      %get3A_330 = arith.index_cast %scan3A_236 : i32 to index
      %get3A_331 = arith.constant 80 : index
      %get3A_332 = tpu.vector_load %arg6[%get3A_330, %get3A_331] {strides = array<i32>} : memref<160x128xf32, #tpu.memory_space<vmem>>, vector<16xf32>,
      %mul3A_333 = arith.mulf %gather3A_329, %get3A_332 : vector<16xf32>
      %swap3A_334 = arith.index_cast %scan3A_236 : i32 to index
      %swap3A_335 = arith.constant 80 : index
      %swap3A_336 = tpu.vector_load %arg7[%swap3A_334, %swap3A_335] {strides = array<i32>} : memref<160x128xf32, #tpu.memory_space<vmem>>, vector<16xf32>,
      tpu.vector_store %arg7[%swap3A_334, %swap3A_335], %mul3A_333 {strides = array<i32>} : memref<160x128xf32, #tpu.memory_space<vmem>>, vector<16xf32>,
      %get3A_337 = arith.index_cast %scan3A_236 : i32 to index
      %get3A_338 = arith.constant 96 : index
      %get3A_339 = tpu.vector_load %arg5[%get3A_337, %get3A_338] {strides = array<i32>} : memref<160x128xi32, #tpu.memory_space<vmem>>, vector<16xi32>,
      %shift_right_logical3A_340 = arith.constant 7 : i32
      %shift_right_logical3A_341 = vector.broadcast %shift_right_logical3A_340 : i32 to vector<16xi32>
      %shift_right_logical3A_342 = arith.shrui %get3A_339, %shift_right_logical3A_341 : vector<16xi32>
      %and3A_343 = arith.constant 127 : i32
      %and3A_344 = vector.broadcast %and3A_343 : i32 to vector<16xi32>
      %and3A_345 = arith.andi %get3A_339, %and3A_344 : vector<16xi32>
      %gather3A_346 = tpu.vector_load_idx %arg8[%shift_right_logical3A_342, %and3A_345] : memref<80x128xf32, #tpu.memory_space<vmem>>[vector<16xi32>, vector<16xi32>], vector<16xf32>,
      %get3A_347 = arith.index_cast %scan3A_236 : i32 to index
      %get3A_348 = arith.constant 96 : index
      %get3A_349 = tpu.vector_load %arg6[%get3A_347, %get3A_348] {strides = array<i32>} : memref<160x128xf32, #tpu.memory_space<vmem>>, vector<16xf32>,
      %mul3A_350 = arith.mulf %gather3A_346, %get3A_349 : vector<16xf32>
      %swap3A_351 = arith.index_cast %scan3A_236 : i32 to index
      %swap3A_352 = arith.constant 96 : index
      %swap3A_353 = tpu.vector_load %arg7[%swap3A_351, %swap3A_352] {strides = array<i32>} : memref<160x128xf32, #tpu.memory_space<vmem>>, vector<16xf32>,
      tpu.vector_store %arg7[%swap3A_351, %swap3A_352], %mul3A_350 {strides = array<i32>} : memref<160x128xf32, #tpu.memory_space<vmem>>, vector<16xf32>,
      %get3A_354 = arith.index_cast %scan3A_236 : i32 to index
      %get3A_355 = arith.constant 112 : index
      %get3A_356 = tpu.vector_load %arg5[%get3A_354, %get3A_355] {strides = array<i32>} : memref<160x128xi32, #tpu.memory_space<vmem>>, vector<16xi32>,
      %shift_right_logical3A_357 = arith.constant 7 : i32
      %shift_right_logical3A_358 = vector.broadcast %shift_right_logical3A_357 : i32 to vector<16xi32>
      %shift_right_logical3A_359 = arith.shrui %get3A_356, %shift_right_logical3A_358 : vector<16xi32>
      %and3A_360 = arith.constant 127 : i32
      %and3A_361 = vector.broadcast %and3A_360 : i32 to vector<16xi32>
      %and3A_362 = arith.andi %get3A_356, %and3A_361 : vector<16xi32>
      %gather3A_363 = tpu.vector_load_idx %arg8[%shift_right_logical3A_359, %and3A_362] : memref<80x128xf32, #tpu.memory_space<vmem>>[vector<16xi32>, vector<16xi32>], vector<16xf32>,
      %get3A_364 = arith.index_cast %scan3A_236 : i32 to index
      %get3A_365 = arith.constant 112 : index
      %get3A_366 = tpu.vector_load %arg6[%get3A_364, %get3A_365] {strides = array<i32>} : memref<160x128xf32, #tpu.memory_space<vmem>>, vector<16xf32>,
      %mul3A_367 = arith.mulf %gather3A_363, %get3A_366 : vector<16xf32>
      %swap3A_368 = arith.index_cast %scan3A_236 : i32 to index
      %swap3A_369 = arith.constant 112 : index
      %swap3A_370 = tpu.vector_load %arg7[%swap3A_368, %swap3A_369] {strides = array<i32>} : memref<160x128xf32, #tpu.memory_space<vmem>>, vector<16xf32>,
      tpu.vector_store %arg7[%swap3A_368, %swap3A_369], %mul3A_367 {strides = array<i32>} : memref<160x128xf32, #tpu.memory_space<vmem>>, vector<16xf32>,
      %scan3A_371 = arith.constant 0 : i32
      scf.yield %scan3A_371 : i32
    }
    %scan3A_235 = arith.constant 160 : i32
    "tpu.region"() ({
      %run_scoped3A = tpu.sem_alloc : memref<!tpu.dma_semaphore, #tpu.memory_space<semaphore_mem>>
      %dma_start3A = arith.constant 0 : i32
      %dma_start3A_236 = tpu.memref_slice %arg4[%arg0, %multiple_of3A, %dma_start3A] : memref<2x2560x128xf32, #tpu.memory_space<hbm>> -> memref<1x160x128xf32, #tpu.memory_space<hbm>>
      %dma_start3A_237 = tpu.memref_squeeze %dma_start3A_236 : memref<1x160x128xf32, #tpu.memory_space<hbm>> -> memref<160x128xf32, #tpu.memory_space<hbm>>
      %dma_start3A_238 = arith.constant 0 : i32
      %dma_start3A_239 = tpu.memref_slice %arg4[%arg0, %multiple_of3A, %dma_start3A_238] : memref<2x2560x128xf32, #tpu.memory_space<hbm>> -> memref<1x160x128xf32, #tpu.memory_space<hbm>>
      %dma_start3A_240 = tpu.memref_squeeze %dma_start3A_239 : memref<1x160x128xf32, #tpu.memory_space<hbm>> -> memref<160x128xf32, #tpu.memory_space<hbm>>
      tpu.enqueue_dma source(%arg7 : memref<160x128xf32, #tpu.memory_space<vmem>>) target(%dma_start3A_240 : memref<160x128xf32, #tpu.memory_space<hbm>>) target_semaphore(%run_scoped3A : memref<!tpu.dma_semaphore, #tpu.memory_space<semaphore_mem>>)
      %dma_wait3A = arith.constant 0 : i32
      %dma_wait3A_241 = tpu.memref_slice %arg4[%arg0, %multiple_of3A, %dma_wait3A] : memref<2x2560x128xf32, #tpu.memory_space<hbm>> -> memref<1x160x128xf32, #tpu.memory_space<hbm>>
      %dma_wait3A_242 = tpu.memref_squeeze %dma_wait3A_241 : memref<1x160x128xf32, #tpu.memory_space<hbm>> -> memref<160x128xf32, #tpu.memory_space<hbm>>
      %dma_wait3A_243 = arith.constant 0 : i32
      %dma_wait3A_244 = tpu.memref_slice %arg4[%arg0, %multiple_of3A, %dma_wait3A_243] : memref<2x2560x128xf32, #tpu.memory_space<hbm>> -> memref<1x160x128xf32, #tpu.memory_space<hbm>>
      %dma_wait3A_245 = tpu.memref_squeeze %dma_wait3A_244 : memref<1x160x128xf32, #tpu.memory_space<hbm>> -> memref<160x128xf32, #tpu.memory_space<hbm>>
      tpu.wait_dma2 semaphore(%run_scoped3A : memref<!tpu.dma_semaphore, #tpu.memory_space<semaphore_mem>>) src(%arg7 : memref<160x128xf32, #tpu.memory_space<vmem>>) dst(%dma_wait3A_245 : memref<160x128xf32, #tpu.memory_space<hbm>>)
      tpu.yield
    }) : () -> ()
    return
  }
}

module attributes {stable_mosaic.version = 14 : i64} {
  func.func @_mm_relu_body(%arg0: i32, %arg1: i32, %arg2: memref<1x2000x128xf32, #tpu.memory_space<vmem>>, %arg3: memref<1x2000x128xf32, #tpu.memory_space<vmem>>, %arg4: memref<1x128x128xf32, #tpu.memory_space<vmem>>, %arg5: memref<1x2000x128xf32, #tpu.memory_space<vmem>>) attributes {dimension_semantics = [#tpu.dimension_semantics<arbitrary>, #tpu.dimension_semantics<arbitrary>], iteration_bounds = array<i64: 2, 5>, scalar_prefetch = 0 : i64, scratch_operands = 0 : i64, tpu.core_type = #tpu.core_type<tc>, window_params = [{transform_indices = @transform_0, window_bounds = array<i64: 1, 2000, 128>}, {transform_indices = @transform_1, window_bounds = array<i64: 1, 2000, 128>}, {transform_indices = @transform_2, window_bounds = array<i64: 1, 128, 128>}, {transform_indices = @transform_3, window_bounds = array<i64: 1, 2000, 128>}]} {
    %get3A = arith.constant 0 : index
    %get3A_0 = arith.constant 0 : index
    %get3A_1 = arith.constant 0 : index
    %get3A_2 = vector.load %arg2[%get3A, %get3A_0, %get3A_1] : memref<1x2000x128xf32, #tpu.memory_space<vmem>>, vector<1x2000x128xf32>
    %get3A_3 = vector.shape_cast %get3A_2 : vector<1x2000x128xf32> to vector<2000x128xf32>
    %get3A_4 = arith.constant 0 : index
    %get3A_5 = arith.constant 0 : index
    %get3A_6 = arith.constant 0 : index
    %get3A_7 = vector.load %arg3[%get3A_4, %get3A_5, %get3A_6] : memref<1x2000x128xf32, #tpu.memory_space<vmem>>, vector<1x2000x128xf32>
    %get3A_8 = vector.shape_cast %get3A_7 : vector<1x2000x128xf32> to vector<2000x128xf32>
    %add3A = arith.addf %get3A_3, %get3A_8 : vector<2000x128xf32>
    %get3A_9 = arith.constant 0 : index
    %get3A_10 = arith.constant 0 : index
    %get3A_11 = arith.constant 0 : index
    %get3A_12 = vector.load %arg4[%get3A_9, %get3A_10, %get3A_11] : memref<1x128x128xf32, #tpu.memory_space<vmem>>, vector<1x128x128xf32>
    %get3A_13 = vector.shape_cast %get3A_12 : vector<1x128x128xf32> to vector<128x128xf32>
    %dot_general3A = arith.constant dense<0.000000e+00> : vector<2000x128xf32>
    %dot_general3A_14 = tpu.matmul %add3A, %get3A_13, %dot_general3A {dimension_numbers = #tpu.dot_dimension_numbers<[1], [1], [0], [0], [0, 0, 1, 0], [], []>, transpose_lhs_hint = false} : vector<2000x128xf32>, vector<128x128xf32>, vector<2000x128xf32> -> vector<2000x128xf32>
    %max3A = arith.constant 0.000000e+00 : f32
    %max3A_15 = vector.broadcast %max3A : f32 to vector<2000x128xf32>
    %max3A_16 = arith.maximumf %dot_general3A_14, %max3A_15 : vector<2000x128xf32>
    %swap3A = arith.constant 0 : index
    %swap3A_17 = arith.constant 0 : index
    %swap3A_18 = arith.constant 0 : index
    %swap3A_19 = vector.load %arg5[%swap3A, %swap3A_17, %swap3A_18] : memref<1x2000x128xf32, #tpu.memory_space<vmem>>, vector<1x2000x128xf32>
    %swap3A_20 = vector.shape_cast %swap3A_19 : vector<1x2000x128xf32> to vector<2000x128xf32>
    %swap3A_21 = vector.shape_cast %max3A_16 : vector<2000x128xf32> to vector<1x2000x128xf32>
    tpu.vector_store %arg5[%swap3A, %swap3A_17, %swap3A_18], %swap3A_21 {strides = array<i32>} : memref<1x2000x128xf32, #tpu.memory_space<vmem>>, vector<1x2000x128xf32>,
    return
  }
  func.func @transform_0(%arg0: i32, %arg1: i32) -> (i32, i32, i32) {
    %c0_i32 = arith.constant 0 : i32
    %c0_i32_0 = arith.constant 0 : i32
    return %arg0, %arg1, %c0_i32 : i32, i32, i32
  }
  func.func @transform_1(%arg0: i32, %arg1: i32) -> (i32, i32, i32) {
    %c0_i32 = arith.constant 0 : i32
    %c0_i32_0 = arith.constant 0 : i32
    return %arg0, %arg1, %c0_i32 : i32, i32, i32
  }
  func.func @transform_2(%arg0: i32, %arg1: i32) -> (i32, i32, i32) {
    %c0_i32 = arith.constant 0 : i32
    %c0_i32_0 = arith.constant 0 : i32
    %c0_i32_1 = arith.constant 0 : i32
    return %arg0, %c0_i32, %c0_i32_0 : i32, i32, i32
  }
  func.func @transform_3(%arg0: i32, %arg1: i32) -> (i32, i32, i32) {
    %c0_i32 = arith.constant 0 : i32
    %c0_i32_0 = arith.constant 0 : i32
    return %arg0, %arg1, %c0_i32 : i32, i32, i32
  }
}

</mosaic_0001>

<sc_bundles>
// kernel: kernel.5.cloned.1.call-start
scs
__scs_entry_jumppad:
0x0: {  	(pc) =	sbr.rel $0x88, $3  }
0x1: {  	(tag) =	ssettag $0x0;
	lr =	simm.s32 $0x1  }
0x2: {  	[smem:$0x3F9B] =	sst lr;
	_ =	strace $0xD0000000  }
0x3: {  	_ = 	snop  }
0x4: {  	_ = 	snop  }
0x5: {  	_ = 	snop  }
0x6: {  	_ = 	snop  }
0x7: {  	_ = 	snop  }
__scs_overlays_trampoline_lowered:
0x8: {  	[smem:$0x3FAA] =	sst s0  }
0x9: {  	[smem:$0x3FAB] =	sst s1  }
0xa: {  	[smem:$0x3FAC] =	sst s2  }
0xb: {  	[smem:$0x3FAD] =	sst s3  }
0xc: {  	[smem:$0x3FAE] =	sst s4  }
0xd: {  	[smem:$0x3FAF] =	sst s5  }
0xe: {  	[smem:$0x3FB0] =	sst s6  }
0xf: {  	[smem:$0x3FB1] =	sst s7  }
0x10: {  	[smem:$0x3FB2] =	sst s8  }
0x11: {  	[smem:$0x3FB3] =	sst s9;
	s0 =	simm.s32 @!p0 $0x0  }
0x12: {  	s1 =	sld [smem:$0x3F99];
	s0 =	simm.s32 @p0 $0x1  }
0x13: {  	[smem:$0x3FB4] =	sst s0;
	s0 =	simm.s32 @!p1 $0x0  }
0x14: {  	s2 =	sld [smem:$0x3F98];
	s0 =	simm.s32 @p1 $0x1  }
0x15: {  	[smem:$0x3FB5] =	sst s0;
	s0 =	simm.s32 @!p2 $0x0  }
0x16: {  	s3 =	sld [smem:$0x3FDB];
	s0 =	simm.s32 @p2 $0x1  }
0x17: {  	s4 =	simm.s32 $0x1BF5;
	[smem:$0x3FB7] =	sst s0  }
0x18: {  	s0 =	sld [smem:$0x3F9A];
	_ =	swait.ge [sflag:s4], $0x0  }
0x19: {  	s7 =	sld [smem:$0x3F9B]  }
0x1a: {  	s8 =	sadd.s32 $0xFFFFE003, lr  }
0x1b: {  	s9 =	sadd.s32 $0xFFFFFEF7, lr;
	s5 =	simm.s32 $0xFFFFFFFF;
	p2 =	slt.u32 s8, $0xFFFFF086  }
0x1c: {  	p1 =	slt.u32 s9, $0xF7A;
	s5 =	simm.s32 @!p2 $0x0  }
0x1d: {  	s5 =	simm.s32 @p1 $0x1;
	p0 =	seq.s32 s7, s2  }
0x1e: {  	s7 =	smul.u32 @!p0 $0xF7A, s2;
	p2 =	seq.s32 @!p0 s5, $0x0  }
0x1f: {  	s9 =	smul.u32 $0xF7A, s1;
	s8 =	simm.s32 @!p0 $0x1BF5;
	p2 =	por !p2, p0  }
0x20: {  	[sflag:s8] =	ssyncset.s32 @!p0 $0xFFFFF086;
	s6 =	sadd.s32 @!p0 s3, s7;
	s7 =	simm.s32 @!p0 $0x108  }
0x21: {  	s3 =	sadd.s32 s3, s9;
	s6 =	sadd.s32 @!p0 $0x88, s6;
	s7 =	simm.s32 @p2 $0x1082  }
0x22: {  	[simem:s7], [sflag:s8] =	dma.local @!p0 [hbm:s6], $0xF7A  }
0x23: {  	s9 =	sor.u32 $0xD0000000, s2;
	s6 =	simm.s32 $0x108;
	_ =	swait.ge @!p0 [sflag:s8], $0x0  }
0x24: {  	s3 =	sadd.s32 $0x88, s3;
	s6 =	simm.s32 @!p1 $0x1082;
	[sflag:s4] =	ssyncset.s32 $0xFFFFF086  }
0x25: {  	[simem:s6], [sflag:s4] =	dma.local [hbm:s3], $0xF7A  }
0x26: {  	[smem:$0x3F9B] =	sst s1;
	(tag) =	ssettag s2;
	_ =	strace s9  }
0x27: {  	s1 =	sld [smem:$0x3FAB]  }
0x28: {  	s2 =	sld [smem:$0x3FAC]  }
0x29: {  	s4 =	sld [smem:$0x3FAE]  }
0x2a: {  	p0 =	seq.s32 s5, $0x0;
	s5 =	sld [smem:$0x3FAF]  }
0x2b: {  	s6 =	sld [smem:$0x3FB0]  }
0x2c: {  	s7 =	sld [smem:$0x3FB1]  }
0x2d: {  	s3 =	simm.s32 $0x108;
	s8 =	sld [smem:$0x3FB2]  }
0x2e: {  	s3 =	simm.s32 @!p0 $0x1082;
	s9 =	sld [smem:$0x3FB3]  }
0x2f: {  	lr =	sadd.s32 s0, s3;
	s0 =	sld [smem:$0x3FAA]  }
0x30: {  	s3 =	sld [smem:$0x3FAD]  }
0x31: {  	[smem:$0x3FB6] =	sst s10  }
0x32: {  	s10 =	sld [smem:$0x3FB4];
	_ =	sdelay $0x3  }
0x33: {  	p0 =	seq.s32 s10, $0x1;
	s10 =	sld [smem:$0x3FB6];
	_ =	sdelay $0x3  }
0x34: {  	[smem:$0x3FB6] =	sst s10  }
0x35: {  	s10 =	sld [smem:$0x3FB5];
	_ =	sdelay $0x3  }
0x36: {  	p1 =	seq.s32 s10, $0x1;
	s10 =	sld [smem:$0x3FB6];
	_ =	sdelay $0x3  }
0x37: {  	[smem:$0x3FB6] =	sst s10  }
0x38: {  	s10 =	sld [smem:$0x3FB7]  }
0x39: {  	_ = 	snop;
	(pc) =	sbr.ind lr, $3  }
0x3a: {  	_ = 	snop  }
0x3b: {  	_ = 	snop  }
0x3c: {  	p2 =	seq.s32 s10, $0x1;
	s10 =	sld [smem:$0x3FB6]  }
0x3d: {  	_ =	shalt  }
0x3e: {  	_ =	shalt  }
0x3f: {  	_ =	shalt  }
0x40: {  	_ =	shalt  }
0x41: {  	_ =	shalt  }
0x42: {  	_ =	shalt  }
0x43: {  	_ =	shalt  }
0x44: {  	_ =	shalt  }
0x45: {  	_ =	shalt  }
0x46: {  	_ =	shalt  }
0x47: {  	_ =	shalt  }
0x48: {  	_ =	shalt  }
0x49: {  	_ =	shalt  }
0x4a: {  	_ =	shalt  }
0x4b: {  	_ =	shalt  }
0x4c: {  	_ =	shalt  }
0x4d: {  	_ =	shalt  }
0x4e: {  	_ =	shalt  }
0x4f: {  	_ =	shalt  }
0x50: {  	_ =	shalt  }
0x51: {  	_ =	shalt  }
0x52: {  	_ =	shalt  }
0x53: {  	_ =	shalt  }
0x54: {  	_ =	shalt  }
0x55: {  	_ =	shalt  }
0x56: {  	_ =	shalt  }
0x57: {  	_ =	shalt  }
0x58: {  	_ =	shalt  }
0x59: {  	_ =	shalt  }
0x5a: {  	_ =	shalt  }
0x5b: {  	_ =	shalt  }
0x5c: {  	_ =	shalt  }
0x5d: {  	_ =	shalt  }
0x5e: {  	_ =	shalt  }
0x5f: {  	_ =	shalt  }
0x60: {  	_ =	shalt  }
0x61: {  	_ =	shalt  }
0x62: {  	_ =	shalt  }
0x63: {  	_ =	shalt  }
0x64: {  	_ =	shalt  }
0x65: {  	_ =	shalt  }
0x66: {  	_ =	shalt  }
0x67: {  	_ =	shalt  }
0x68: {  	_ =	shalt  }
0x69: {  	_ =	shalt  }
0x6a: {  	_ =	shalt  }
0x6b: {  	_ =	shalt  }
0x6c: {  	_ =	shalt  }
0x6d: {  	_ =	shalt  }
0x6e: {  	_ =	shalt  }
0x6f: {  	_ =	shalt  }
0x70: {  	_ =	shalt  }
0x71: {  	_ =	shalt  }
0x72: {  	_ =	shalt  }
0x73: {  	_ =	shalt  }
0x74: {  	_ =	shalt  }
0x75: {  	_ =	shalt  }
0x76: {  	_ =	shalt  }
0x77: {  	_ =	shalt  }
0x78: {  	_ =	shalt  }
0x79: {  	_ =	shalt  }
0x7a: {  	_ =	shalt  }
0x7b: {  	_ =	shalt  }
0x7c: {  	_ =	shalt  }
0x7d: {  	_ =	shalt  }
0x7e: {  	_ =	shalt  }
0x7f: {  	_ =	shalt  }
0x80: {  	_ =	shalt  }
0x81: {  	_ =	shalt  }
0x82: {  	_ =	shalt  }
0x83: {  	_ =	shalt  }
0x84: {  	_ =	shalt  }
0x85: {  	_ =	shalt  }
0x86: {  	_ =	shalt  }
0x87: {  	_ =	shalt  }
.Lfunc_end0:
.L_simem_size_0:
called_computation_lowered:
.L_overlay_start_0:
0x88: {  	s2 =	sld [smem:$0x3FD9]  }
0x89: {  	s3 =	sld [smem:$0x3FFE];
	_ =	sdelay $0x1  }
0x8a: {  	s1 =	srdreg.scid  }
0x8b: {  	s0 =	sand.u32 $0x1, s1  }
0x8c: {  	s14 =	sshll.u32 s0, $0xA;
	s2 =	sadd.s32 s3, s2  }
0x8d: {  	s2 =	sadd.s32 s2, s14  }
0x8e: {  	[smem:$0x3FC2] =	sst s2  }
0x8f: {  	_ = 	snop  }
0x90: {  	s2 =	sld [smem:$0x3FD0];
	_ =	sdelay $0x2  }
0x91: {  	s15 =	simm.s32 $0xA;
	s4 =	simm.s32 $0x10  }
0x92: {  	[smem:s4], [sflag:s15] =	dma.local [hbm:s2], $0x1  }
0x93: {  	_ =	swait.eq [sflag:s15], $0x1  }
0x94: {  	[sflag:s15] =	ssyncset.done $0x0  }
0x95: {  	[sflag:s15] =	ssyncadd.s32 $0xFFFFFFFF  }
0x96: {  	s16 =	sld [smem:$0x10];
	(tm) =	ssettm $0x1  }
0x97: {  	s17 =	sld [smem:$0x3FFB];
	_ =	sdelay $0x3  }
0x98: {  	_ =	strace s17  }
0x99: {  	s3 =	sld [smem:$0x3FFC];
	_ =	sdelay $0x3  }
0x9a: {  	_ =	strace s3  }
0x9b: {  	s3 =	sld [smem:$0x3FFD];
	_ =	sdelay $0x3  }
0x9c: {  	_ =	strace s3  }
0x9d: {  	_ =	strace $0x8FFFFFFF  }
0x9e: {  	s18 =	sld [smem:$0x3FDB];
	_ =	sdelay $0x1  }
0x9f: {  	s19 =	simm.s32 $_scs_section_size  }
0xa0: {  	s5 =	simm.s32 $_size__tile_overlayer_lowered;
	s6 =	simm.s32 $_tile_overlayer_lowered  }
0xa1: {  	s22 =	simm.s32 $0x1BFF;
	s21 =	sshll.u32 s6, $0x1;
	s3 =	sadd.s32 s19, s18  }
0xa2: {  	s7 =	simm.s32 $0x0;
	s20 =	sshll.u32 s5, $0x1;
	s5 =	sadd.s32 s21, s3  }
0xa3: {  	[timem:s7], [sflag:s22] =	dma.local [hbm:s5], s20  }
0xa4: {  	_ =	swait.ge [sflag:s22], s20  }
0xa5: {  	s4 =	ssub.s32 $0x0, s20;
	[sflag:s22] =	ssyncset.done $0x0  }
0xa6: {  	[sflag:s22] =	ssyncadd.s32 s4;
	_ =	sdelay $0x1  }
0xa7: {  	s23 =	simm.s32 $0x1B8B  }
0xa8: {  	_ =	swait.ge [sflag:s23], $0x1  }
0xa9: {  	[sflag:s23] =	ssyncset.done $0x0  }
0xaa: {  	s25 =	simm.s32 $0x1B8E;
	s24 =	sld [smem:$0x3FFE];
	[sflag:s23] =	ssyncadd.s32 $0xFFFFFFFF  }
0xab: {  	s26 =	simm.s32 $execute0_lowered;
	[smem:$0x3FD2] =	sst s25  }
0xac: {  	s5 =	sshll.u32 s26, $0x1;
	_ =	strace $0x80000046;
	[dreg:$0x1] =	wrdreg $0xFFFFFFFF  }
0xad: {  	s28 =	simm.s32 $_size_execute0_lowered;
	s3 =	sadd.s32 s3, s5;
	[dreg:$0x0] =	wrdreg $0x0  }
0xae: {  	s5 =	sshll.u32 s28, $0x1;
	[dreg:$0x2] =	wrdreg s3  }
0xaf: {  	[dreg:$0x3] =	wrdreg s5  }
0xb0: {  	[dreg:$0x4] =	wrdreg $0xC0  }
0xb1: {  	_ =	task [dreg:s7], $0x5FFFF  }
0xb2: {  	[dreg:$0x1] =	wrdreg $0xFFFFFFFF  }
0xb3: {  	[dreg:$0x0] =	wrdreg $0x60  }
0xb4: {  	[dreg:$0x2] =	wrdreg s16  }
0xb5: {  	[dreg:$0x3] =	wrdreg s24  }
0xb6: {  	[dreg:$0x4] =	wrdreg $0x11C800  }
0xb7: {  	[dreg:$0x5] =	wrdreg $0x9  }
0xb8: {  	_ =	task.clear_ibuf [dreg:s7], $0x6FFFF;
	_ =	strace $0x90000046  }
0xb9: {  	s29 =	simm.s32 $0x9;
	_ =	strace $0x80000048  }
0xba: {  	_ =	swait.ge [sflag:s29], $0x1  }
0xbb: {  	[sflag:s29] =	ssyncadd.s32 $0xFFFFFFFF  }
0xbc: {  	_ =	strace $0x90000048  }
0xbd: {  	_ =	sfence  }
0xbe: {  	s30 =	sld [smem:$0x0];
	_ =	sdelay $0x2  }
0xbf: {  	s31 =	sshll.u32 s1, $0xD;
	s1 =	sshrl.u32 s1, $0x2  }
0xc0: {  	s3 =	sand.u32 $0x4000, s31;
	s1 =	sadd.s32 s1, s30  }
0xc1: {  	s0 =	sor.u32 s3, s0;
	s1 =	sshll.u32 s1, $0x11  }
0xc2: {  	s0 =	sor.u32 s1, s0  }
0xc3: {  	s0 =	sadd.s32 $0x8F2B, s0  }
0xc4: {  	[sflag:s0] =	ssyncadd.remote.s32 $0x1  }
0xc5: {  	_ =	sfence.sel $0xFFFF  }
0xc6: {  	[dreg:$0x0] =	wrdreg $0xFFFFFFFF;
	(pc) =	sbr.abs _section_cstart, $3  }
0xc7: {  	[dreg:$0x1] =	wrdreg $0xFFFFFFFF  }
0xc8: {  	_ =	task.clear_ibuf [dreg:s7], $0x2FFFF;
	_ =	strace $0x9FFFFFFF  }
0xc9: {  	(tm) =	ssettm $0x7FFFFFFF  }
tec
execute0_lowered:
.L_overlay_start_1:
0x0: {  	(tag) =	ssettag $0x1  }
0x1: {  	s4 =	rddreg [dreg:$0x0]  }
0x2: {  	s5 =	rddreg [dreg:$0x1]  }
0x3: {  	s2 =	rddreg [dreg:$0x2]  }
0x4: {  	s0 =	srdreg.scid;
	s1 =	rddreg [dreg:$0x3];
	s3 =	simm.s32 $0x0  }
0x5: {  	s11 =	simm.s32 $0x11880;
	s12 =	simm.s32 $0xF000;
	s6 =	sand.u32 $0x1, s0  }
0x6: {  	s13 =	simm.s32 $0x50;
	s0 =	stileid.u32;
	s7 =	smul.u32 $0x50000, s6  }
0x7: {  	s14 =	simm.s32 $0x11800;
	s15 =	simm.s32 $0xA000;
	s8 =	smul.u32 $0x5000, s0  }
0x8: {  	[smem:$0x7FF] =	sst s3;
	s6 =	ssub.s32 $0x2, s6;
	s29 =	smul.u32 $0xA00, s0  }
0x9: {  	s16 =	simm.s32 $0x0;
	_ =	strace $0x80000047;
	s30 =	sshrl.u32 s6, $0x1  }
0xa: {  	s7 =	sadd.s32 s8, s7;
	s10 =	ssub.s32 s6, s30;
	s31 =	sshrl.u32 s29, $0x2  }
0xb: {  	v0 =	vlaneseq.u32;
	s7 =	sshrl.u32 s7, $0x3;
	s6 =	sadd.s32 s31, s2;
	s8 =	smax.u32 s10, $0x1  }
0xc: {  	v1 =	vimm.f32 $0.0e+00;
	v2 =	vor.u32 $0x10, v0;
	s10 =	simm.s32 $0x5000;
	s9 =	sadd.s32 s7, s5;
	s4 =	sadd.s32 s4, s7  }
0xd: {  	v3 =	vor.u32 $0x20, v0;
	v4 =	vor.u32 $0x30, v0;
	v5 =	vor.u32 $0x40, v0;
	s5 =	sadd.s32 $0x1600, s9;
	s7 =	sadd.s32 $0x15600, s9;
	s9 =	simm.s32 $0x1  }
.LBB2_1:
0xe: {  	[tilespmem:s3], [sflag:$0x1] =	stream.linear.gather [hbm4b:s4+s3], $0x5000, $0x38;
	[tilespmem:$0x11F00] =	vst v63  }
0xf: {  	_ =	swait.ge [sflag:s9], $0x5000  }
0x10: {  	[sflag:s9] =	ssyncset.done $0x0  }
0x11: {  	[sflag:s9] =	ssyncadd.s32 $0xFFFFB000  }
0x12: {  	[tilespmem:s10], [sflag:$0x1] =	stream.linear.gather [hbm4b:s5+s3], $0x5000, $0x38;
	[tilespmem:$0x11F00] =	vst v63  }
0x13: {  	_ =	swait.ge [sflag:s9], $0x5000  }
0x14: {  	[sflag:s9] =	ssyncset.done $0x0  }
0x15: {  	s17 =	simm.s32 $0x0;
	s18 =	simm.s32 $0x200;
	[sflag:s9] =	ssyncadd.s32 $0xFFFFB000  }
.LBB2_2:
0x16: {  	p0 =	sne.s32 s18, $0x9E00;
	[tilespmem:s17+$0xF070] =	vst v1  }
0x17: {  	[tilespmem:s17+$0xF000] =	vst v1  }
0x18: {  	[tilespmem:s17+$0xF010] =	vst v1  }
.Ltmp0:
0x19: {  	[tilespmem:s17+$0xF020] =	vst v1;
	(pc) =	sbr.rel @p0 .LBB2_2-.Ltmp0, $4  }
0x1a: {  	[tilespmem:s17+$0xF030] =	vst v1  }
0x1b: {  	[tilespmem:s17+$0xF040] =	vst v1  }
0x1c: {  	[tilespmem:s17+$0xF050] =	vst v1  }
0x1d: {  	[tilespmem:s17+$0xF060] =	vst v1;
	s17 =	sshra.s32 s18, $0x2;
	s18 =	sadd.s32 $0x200, s18  }
0x1e: {  	[tilespmem:s17+$0xF070] =	vst v1  }
0x1f: {  	[tilespmem:s17+$0xF000] =	vst v1  }
0x20: {  	[tilespmem:s17+$0xF010] =	vst v1  }
0x21: {  	[tilespmem:s17+$0xF020] =	vst v1  }
0x22: {  	[tilespmem:s17+$0xF030] =	vst v1  }
0x23: {  	[tilespmem:s17+$0xF040] =	vst v1  }
0x24: {  	[tilespmem:s17+$0xF050] =	vst v1  }
0x25: {  	[tilespmem:s17+$0xF060] =	vst v1  }
0x26: {  	[tilespmem:$0x11800] =	vst v0  }
0x27: {  	[tilespmem:$0x11810] =	vst v2  }
0x28: {  	[tilespmem:$0x11820] =	vst v3  }
0x29: {  	[tilespmem:$0x11830] =	vst v4  }
0x2a: {  	[tilespmem:$0x11840] =	vst v5  }
0x2b: {  	[tilespmem:$0x11880] =	vst v1  }
0x2c: {  	[tilespmem:$0x11900] =	vst v1  }
0x2d: {  	[tilespmem:$0x11980] =	vst v1  }
0x2e: {  	[tilespmem:$0x11A00] =	vst v1  }
0x2f: {  	[tilespmem:$0x11A80] =	vst v1  }
0x30: {  	[tilespmem:$0x11890] =	vst v1  }
0x31: {  	[tilespmem:$0x11910] =	vst v1  }
0x32: {  	[tilespmem:$0x11990] =	vst v1  }
0x33: {  	[tilespmem:$0x11A10] =	vst v1  }
0x34: {  	[tilespmem:$0x11A90] =	vst v1  }
0x35: {  	[tilespmem:$0x118A0] =	vst v1  }
0x36: {  	[tilespmem:$0x11920] =	vst v1  }
0x37: {  	[tilespmem:$0x119A0] =	vst v1  }
0x38: {  	[tilespmem:$0x11A20] =	vst v1  }
0x39: {  	[tilespmem:$0x11AA0] =	vst v1  }
0x3a: {  	[tilespmem:$0x118B0] =	vst v1  }
0x3b: {  	[tilespmem:$0x11930] =	vst v1  }
0x3c: {  	[tilespmem:$0x119B0] =	vst v1  }
0x3d: {  	[tilespmem:$0x11A30] =	vst v1  }
0x3e: {  	[tilespmem:$0x11AB0] =	vst v1  }
0x3f: {  	[tilespmem:$0x118C0] =	vst v1  }
0x40: {  	[tilespmem:$0x11940] =	vst v1  }
0x41: {  	[tilespmem:$0x119C0] =	vst v1  }
0x42: {  	[tilespmem:$0x11A40] =	vst v1  }
0x43: {  	[tilespmem:$0x11AC0] =	vst v1  }
0x44: {  	[tilespmem:$0x118D0] =	vst v1  }
0x45: {  	[tilespmem:$0x11950] =	vst v1  }
0x46: {  	[tilespmem:$0x119D0] =	vst v1  }
0x47: {  	[tilespmem:$0x11A50] =	vst v1  }
0x48: {  	[tilespmem:$0x11AD0] =	vst v1  }
0x49: {  	[tilespmem:$0x118E0] =	vst v1  }
0x4a: {  	[tilespmem:$0x11960] =	vst v1  }
0x4b: {  	[tilespmem:$0x119E0] =	vst v1  }
0x4c: {  	[tilespmem:$0x11A60] =	vst v1  }
0x4d: {  	[tilespmem:$0x11AE0] =	vst v1  }
0x4e: {  	[tilespmem:$0x118F0] =	vst v1  }
0x4f: {  	[tilespmem:$0x11970] =	vst v1  }
0x50: {  	[tilespmem:$0x119F0] =	vst v1  }
0x51: {  	[tilespmem:$0x11A70] =	vst v1  }
0x52: {  	[tilespmem:$0x11AF0] =	vst v1  }
0x53: {  	[spmem:s6] =	stream.linear.scatter [tilespmem:s11], [sflag:$0x1], $0x280, $0x38;
	[tilespmem:$0x11F00] =	vst v63  }
0x54: {  	_ =	swait.ge [sflag:s9], $0x280  }
0x55: {  	[sflag:s9] =	ssyncset.done $0x0  }
0x56: {  	[sflag:s9] =	ssyncadd.s32 $0xFFFFFD80  }
0x57: {  	s17 =	simm.s32 $0x0;
	[bflag:$0x0] =	sbarrier.arrive $0xFFFF  }
.LBB2_4:
0x58: {  	s18 =	sshra.s32 s17, $0x2  }
0x59: {  	v6 =	vld [tilespmem:s18+$0x0];
	_ =	sdelay $0x4  }
0x5a: {  	(xrf1) =	vunique.msk.u32 $0xffff, v6;
	_ =	sdelay $0xd  }
0x5b: {  	_, v7, vm0 =	vpop (xrf1);
	_ =	sdelay $0x3  }
0x5c: {  	v7 =	vcvt.s32.f32 v7;
	_ =	sdelay $0x1  }
0x5d: {  	[tilespmem:v6+s12+$0x0] =	vst.idx.add.f32.msk vm0, v7  }
0x5e: {  	v6 =	vld [tilespmem:s18+$0x10];
	_ =	sdelay $0x4  }
0x5f: {  	(xrf1) =	vunique.msk.u32 $0xffff, v6;
	_ =	sdelay $0xd  }
0x60: {  	_, v7, vm0 =	vpop (xrf1);
	_ =	sdelay $0x3  }
0x61: {  	v7 =	vcvt.s32.f32 v7;
	_ =	sdelay $0x1  }
0x62: {  	[tilespmem:v6+s12+$0x0] =	vst.idx.add.f32.msk vm0, v7  }
0x63: {  	v6 =	vld [tilespmem:s18+$0x20];
	_ =	sdelay $0x4  }
0x64: {  	(xrf1) =	vunique.msk.u32 $0xffff, v6;
	_ =	sdelay $0xd  }
0x65: {  	_, v7, vm0 =	vpop (xrf1);
	_ =	sdelay $0x3  }
0x66: {  	v7 =	vcvt.s32.f32 v7;
	_ =	sdelay $0x1  }
0x67: {  	[tilespmem:v6+s12+$0x0] =	vst.idx.add.f32.msk vm0, v7  }
0x68: {  	v6 =	vld [tilespmem:s18+$0x30];
	_ =	sdelay $0x4  }
0x69: {  	(xrf1) =	vunique.msk.u32 $0xffff, v6;
	_ =	sdelay $0xd  }
0x6a: {  	_, v7, vm0 =	vpop (xrf1);
	_ =	sdelay $0x3  }
0x6b: {  	v7 =	vcvt.s32.f32 v7;
	_ =	sdelay $0x1  }
0x6c: {  	[tilespmem:v6+s12+$0x0] =	vst.idx.add.f32.msk vm0, v7  }
0x6d: {  	v6 =	vld [tilespmem:s18+$0x40];
	_ =	sdelay $0x4  }
0x6e: {  	(xrf1) =	vunique.msk.u32 $0xffff, v6;
	_ =	sdelay $0xd  }
0x6f: {  	_, v7, vm0 =	vpop (xrf1);
	_ =	sdelay $0x3  }
0x70: {  	v7 =	vcvt.s32.f32 v7;
	_ =	sdelay $0x1  }
0x71: {  	[tilespmem:v6+s12+$0x0] =	vst.idx.add.f32.msk vm0, v7  }
0x72: {  	v6 =	vld [tilespmem:s18+$0x50];
	_ =	sdelay $0x4  }
0x73: {  	(xrf1) =	vunique.msk.u32 $0xffff, v6;
	_ =	sdelay $0xd  }
0x74: {  	_, v7, vm0 =	vpop (xrf1);
	_ =	sdelay $0x3  }
0x75: {  	v7 =	vcvt.s32.f32 v7;
	_ =	sdelay $0x1  }
0x76: {  	[tilespmem:v6+s12+$0x0] =	vst.idx.add.f32.msk vm0, v7  }
0x77: {  	v6 =	vld [tilespmem:s18+$0x60];
	_ =	sdelay $0x4  }
0x78: {  	(xrf1) =	vunique.msk.u32 $0xffff, v6;
	_ =	sdelay $0xd  }
0x79: {  	_, v7, vm0 =	vpop (xrf1);
	_ =	sdelay $0x3  }
0x7a: {  	v7 =	vcvt.s32.f32 v7;
	_ =	sdelay $0x1  }
0x7b: {  	[tilespmem:v6+s12+$0x0] =	vst.idx.add.f32.msk vm0, v7  }
0x7c: {  	v6 =	vld [tilespmem:s18+$0x70];
	_ =	sdelay $0x4  }
0x7d: {  	(xrf1) =	vunique.msk.u32 $0xffff, v6;
	_ =	sdelay $0xd  }
0x7e: {  	_, v7, vm0 =	vpop (xrf1)  }
0x7f: {  	p0 =	sne.s32 s17, $0x13E00  }
.Ltmp1:
0x80: {  	_ = 	snop;
	(pc) =	sbr.rel @p0 .LBB2_4-.Ltmp1, $3  }
0x81: {  	_ = 	snop  }
0x82: {  	v7 =	vcvt.s32.f32 v7;
	_ =	sdelay $0x1  }
0x83: {  	s17 =	sadd.s32 $0x200, s17;
	[tilespmem:v6+s12+$0x0] =	vst.idx.add.f32.msk vm0, v7  }
0x84: {  	[spmem:s2] =	stream.indirect.scatter.add.f32 [tilespmem:s12], [sflag:$0x1], $0x80, s14, s13, $0xb8;
	[tilespmem:$0x11F00] =	vst v63  }
0x85: {  	_ =	swait.ge [sflag:s9], $0x2800  }
0x86: {  	[sflag:s9] =	ssyncset.done $0x0  }
0x87: {  	[sflag:s9] =	ssyncadd.s32 $0xFFFFD800  }
0x88: {  	[bflag:$0x0] =	sbarrier.arrive $0xFFFF  }
0x89: {  	[tilespmem:s11], [sflag:$0x1] =	stream.linear.gather [spmem:s6], $0x280, $0x38;
	[tilespmem:$0x11F00] =	vst v63  }
0x8a: {  	_ =	swait.ge [sflag:s9], $0x280  }
0x8b: {  	[sflag:s9] =	ssyncset.done $0x0  }
0x8c: {  	s17 =	simm.s32 $0x0;
	[sflag:s9] =	ssyncadd.s32 $0xFFFFFD80  }
0x8d: {  	v6 =	vld [tilespmem:s17+$0x118F0];
	_ =	sdelay $0x4  }
0x8e: {  	v6 =	vmax.f32 v6, $1.000000000e+00  }
0x8f: {  	v7 =	vshrl.u32 v6, $0x1;
	v6 =	vmul.f32 $5.000000000e-01, v6  }
0x90: {  	v7 =	vsub.s32 $0x5F3759DF, v7  }
0x91: {  	v8 =	vmul.f32 v7, v6;
	_ =	sdelay $0x1  }
0x92: {  	v9 =	vld [tilespmem:s17+$0x118E0];
	v8 =	vmul.f32 v7, v8  }
0x93: {  	v10 =	vld [tilespmem:s17+$0x118D0]  }
0x94: {  	v8 =	vsub.f32 $1.500000000e+00, v8;
	_ =	sdelay $0x1  }
0x95: {  	v7 =	vmul.f32 v7, v8  }
0x96: {  	v14 =	vld [tilespmem:s17+$0x118B0]  }
0x97: {  	v20 =	vld [tilespmem:s17+$0x11890];
	v10 =	vmax.f32 v10, $1.000000000e+00;
	v8 =	vmax.f32 v9, $1.000000000e+00;
	v12 =	vmul.f32 v7, v6  }
0x98: {  	v16 =	vshrl.u32 v10, $0x1;
	v9 =	vld [tilespmem:s17+$0x118A0];
	v11 =	vshrl.u32 v8, $0x1;
	v13 =	vmul.f32 $5.000000000e-01, v8  }
0x99: {  	v18 =	vmul.f32 $5.000000000e-01, v10;
	v8 =	vld [tilespmem:s17+$0x11880];
	v11 =	vsub.s32 $0x5F3759DF, v11;
	v12 =	vmul.f32 v12, v7  }
0x9a: {  	v16 =	vsub.s32 $0x5F3759DF, v16;
	v15 =	vmul.f32 v11, v13  }
0x9b: {  	v14 =	vmax.f32 v14, $1.000000000e+00;
	v22 =	vmul.f32 v16, v18;
	v12 =	vsub.f32 $1.500000000e+00, v12  }
0x9c: {  	v20 =	vmax.f32 v20, $1.000000000e+00;
	v19 =	vshrl.u32 v14, $0x1;
	v10 =	vmul.f32 v11, v15;
	v15 =	vld [tilespmem:s17+$0x118C0]  }
0x9d: {  	v22 =	vmul.f32 v16, v22;
	v9 =	vmax.f32 v9, $1.000000000e+00;
	v12 =	vmul.f32 v12, v7  }
0x9e: {  	v8 =	vmax.f32 v8, $1.000000000e+00;
	v17 =	vshrl.u32 v9, $0x1;
	v9 =	vmul.f32 $5.000000000e-01, v9  }
0x9f: {  	v17 =	vsub.s32 $0x5F3759DF, v17;
	v7 =	vshrl.u32 v8, $0x1;
	v6 =	vmul.f32 v12, v6  }
0xa0: {  	v10 =	vsub.f32 $1.500000000e+00, v10;
	v21 =	vmul.f32 v17, v9;
	v23 =	vsub.s32 $0x5F3759DF, v7  }
0xa1: {  	v7 =	vmul.f32 $5.000000000e-01, v14;
	v14 =	vmax.f32 v15, $1.000000000e+00;
	v15 =	vmul.f32 v6, v12  }
0xa2: {  	v19 =	vsub.s32 $0x5F3759DF, v19;
	v8 =	vmul.f32 $5.000000000e-01, v8;
	v11 =	vmul.f32 v11, v10  }
0xa3: {  	v10 =	vmul.f32 $5.000000000e-01, v20;
	v21 =	vmul.f32 v17, v21;
	v15 =	vsub.f32 $1.500000000e+00, v15  }
0xa4: {  	v22 =	vsub.f32 $1.500000000e+00, v22;
	v24 =	vmul.f32 v19, v7;
	v25 =	vmul.f32 v11, v13  }
0xa5: {  	v6 =	vmul.f32 $5.000000000e-01, v14;
	v26 =	vmul.f32 v15, v12  }
0xa6: {  	v12 =	vshrl.u32 v20, $0x1;
	v15 =	vmul.f32 v16, v22;
	v16 =	vmul.f32 v25, v11  }
0xa7: {  	v14 =	vshrl.u32 v14, $0x1;
	v20 =	vsub.s32 $0x5F3759DF, v12;
	v12 =	vmul.f32 v23, v8  }
0xa8: {  	v22 =	vmul.f32 v19, v24;
	v60 =	vmul.f32 v15, v18;
	v16 =	vsub.f32 $1.500000000e+00, v16  }
0xa9: {  	v61 =	vsub.s32 $0x5F3759DF, v14;
	v14 =	vmul.f32 v20, v10;
	v27 =	vmul.f32 v23, v12  }
0xaa: {  	v21 =	vsub.f32 $1.500000000e+00, v21;
	v24 =	vmul.f32 v60, v15;
	v12 =	vmul.f32 v16, v11  }
0xab: {  	v11 =	vmul.f32 v61, v6;
	v14 =	vmul.f32 v20, v14  }
0xac: {  	v17 =	vmul.f32 v17, v21;
	v16 =	vsub.f32 $1.500000000e+00, v27;
	v21 =	vsub.f32 $1.500000000e+00, v24  }
0xad: {  	v14 =	vsub.f32 $1.500000000e+00, v14;
	v62 =	vmul.f32 v61, v11;
	v63 =	vmul.f32 v12, v13  }
0xae: {  	v22 =	vsub.f32 $1.500000000e+00, v22;
	v13 =	vmul.f32 v23, v16;
	v16 =	vmul.f32 v17, v9  }
0xaf: {  	v11 =	vmul.f32 v20, v14;
	v14 =	vmul.f32 v21, v15  }
0xb0: {  	v23 =	vsub.f32 $1.500000000e+00, v62;
	v15 =	vmul.f32 v19, v22;
	v16 =	vmul.f32 v16, v17  }
0xb1: {  	v19 =	vmul.f32 v13, v8;
	v20 =	vmul.f32 v14, v18  }
0xb2: {  	s18 =	simm.s32 $0x200;
	[tilespmem:s17+$0x118F0] =	vst v26;
	v18 =	vmul.f32 v63, v12;
	v21 =	vsub.f32 $1.500000000e+00, v16;
	v16 =	vmul.f32 v61, v23  }
.LBB2_6:
0xb3: {  	s19 =	sshra.s32 s18, $0x2;
	p0 =	sne.s32 s18, $0x800;
	s18 =	sadd.s32 $0x200, s18;
	v19 =	vmul.f32 v19, v13;
	v20 =	vmul.f32 v20, v14  }
0xb4: {  	v22 =	vld [tilespmem:s19+$0x118F0];
	v17 =	vmul.f32 v21, v17;
	v21 =	vmul.f32 v15, v7;
	v18 =	vsub.f32 $1.500000000e+00, v18  }
0xb5: {  	v23 =	vmul.f32 v11, v10;
	v24 =	vmul.f32 v16, v6;
	v20 =	vsub.f32 $1.500000000e+00, v20  }
0xb6: {  	v19 =	vsub.f32 $1.500000000e+00, v19;
	v21 =	vmul.f32 v21, v15;
	v12 =	vmul.f32 v18, v12  }
0xb7: {  	v9 =	vmul.f32 v17, v9;
	v14 =	vmul.f32 v20, v14  }
0xb8: {  	v18 =	vmul.f32 v23, v11;
	v20 =	vsub.f32 $1.500000000e+00, v21;
	v21 =	vmul.f32 v24, v16;
	[tilespmem:s17+$0x118E0] =	vst v12  }
0xb9: {  	v13 =	vmul.f32 v19, v13;
	v9 =	vmul.f32 v9, v17;
	v12 =	vld [tilespmem:s19+$0x118E0];
	[tilespmem:s17+$0x118D0] =	vst v14  }
0xba: {  	v14 =	vsub.f32 $1.500000000e+00, v18;
	v15 =	vmul.f32 v20, v15;
	v18 =	vsub.f32 $1.500000000e+00, v21  }
0xbb: {  	v19 =	vmax.f32 v22, $1.000000000e+00;
	v8 =	vmul.f32 v13, v8;
	v9 =	vsub.f32 $1.500000000e+00, v9  }
0xbc: {  	v21 =	vshrl.u32 v19, $0x1;
	v19 =	vmul.f32 $5.000000000e-01, v19;
	v20 =	vld [tilespmem:s19+$0x118D0];
	v16 =	vmul.f32 v18, v16  }
0xbd: {  	v8 =	vmul.f32 v8, v13;
	v18 =	vsub.s32 $0x5F3759DF, v21;
	v7 =	vmul.f32 v15, v7  }
0xbe: {  	v9 =	vmul.f32 v9, v17;
	v21 =	vmul.f32 v18, v19;
	v12 =	vmax.f32 v12, $1.000000000e+00  }
0xbf: {  	v11 =	vmul.f32 v14, v11;
	v8 =	vsub.f32 $1.500000000e+00, v8;
	v7 =	vmul.f32 v7, v15  }
0xc0: {  	v6 =	vmul.f32 v16, v6;
	v14 =	vshrl.u32 v12, $0x1;
	v17 =	vmul.f32 v18, v21;
	[tilespmem:s17+$0x118A0] =	vst v9  }
0xc1: {  	v21 =	vmul.f32 $5.000000000e-01, v12;
	v9 =	vmul.f32 v11, v10;
	v7 =	vsub.f32 $1.500000000e+00, v7  }
0xc2: {  	v8 =	vmul.f32 v8, v13;
	v6 =	vmul.f32 v6, v16;
	v12 =	vsub.f32 $1.500000000e+00, v17;
	v10 =	vld [tilespmem:s19+$0x118A0]  }
0xc3: {  	v13 =	vmax.f32 v20, $1.000000000e+00;
	v9 =	vmul.f32 v9, v11;
	v7 =	vmul.f32 v7, v15  }
0xc4: {  	v6 =	vsub.f32 $1.500000000e+00, v6;
	v12 =	vmul.f32 v18, v12;
	[tilespmem:s17+$0x11880] =	vst v8  }
0xc5: {  	v14 =	vsub.s32 $0x5F3759DF, v14;
	v9 =	vsub.f32 $1.500000000e+00, v9;
	v8 =	vld [tilespmem:s19+$0x11880];
	[tilespmem:s17+$0x118B0] =	vst v7  }
0xc6: {  	v6 =	vmul.f32 v6, v16;
	v15 =	vmul.f32 v12, v19;
	v7 =	vld [tilespmem:s19+$0x118B0]  }
0xc7: {  	v16 =	vmul.f32 v14, v21;
	v9 =	vmul.f32 v9, v11  }
0xc8: {  	v18 =	vmul.f32 $5.000000000e-01, v13;
	v11 =	vshrl.u32 v13, $0x1;
	v13 =	vmul.f32 v15, v12;
	[tilespmem:s17+$0x118C0] =	vst v6  }
0xc9: {  	v15 =	vmul.f32 v14, v16;
	v6 =	vmax.f32 v10, $1.000000000e+00;
	v10 =	vld [tilespmem:s19+$0x118C0];
	[tilespmem:s17+$0x11890] =	vst v9;
	s17 =	smov.u32 s19  }
0xca: {  	v11 =	vsub.s32 $0x5F3759DF, v11;
	v13 =	vsub.f32 $1.500000000e+00, v13;
	v8 =	vmax.f32 v8, $1.000000000e+00  }
0xcb: {  	v16 =	vshrl.u32 v6, $0x1;
	v9 =	vmul.f32 $5.000000000e-01, v6;
	v6 =	vmax.f32 v7, $1.000000000e+00  }
0xcc: {  	v16 =	vsub.s32 $0x5F3759DF, v16;
	v12 =	vmul.f32 v13, v12;
	v17 =	vshrl.u32 v6, $0x1  }
0xcd: {  	v22 =	vmul.f32 v11, v18;
	v7 =	vshrl.u32 v8, $0x1;
	v20 =	vmul.f32 v16, v9;
	v13 =	vld [tilespmem:s17+$0x11890]  }
0xce: {  	v8 =	vmul.f32 $5.000000000e-01, v8;
	v23 =	vsub.s32 $0x5F3759DF, v7;
	v19 =	vmul.f32 v12, v19  }
0xcf: {  	v15 =	vsub.f32 $1.500000000e+00, v15;
	v7 =	vmul.f32 $5.000000000e-01, v6;
	v10 =	vmax.f32 v10, $1.000000000e+00  }
0xd0: {  	v24 =	vsub.s32 $0x5F3759DF, v17;
	v6 =	vmul.f32 $5.000000000e-01, v10;
	v17 =	vmul.f32 v19, v12  }
0xd1: {  	v14 =	vmul.f32 v14, v15;
	v10 =	vshrl.u32 v10, $0x1;
	v19 =	vmul.f32 v11, v22  }
0xd2: {  	v22 =	vsub.s32 $0x5F3759DF, v10;
	v15 =	vsub.f32 $1.500000000e+00, v17;
	v13 =	vmax.f32 v13, $1.000000000e+00  }
0xd3: {  	v25 =	vmul.f32 v14, v21;
	v17 =	vmul.f32 v24, v7;
	v19 =	vsub.f32 $1.500000000e+00, v19  }
0xd4: {  	v26 =	vshrl.u32 v13, $0x1;
	v10 =	vmul.f32 $5.000000000e-01, v13;
	v12 =	vmul.f32 v15, v12  }
0xd5: {  	v13 =	vmul.f32 v24, v17;
	v19 =	vmul.f32 v11, v19;
	v15 =	vsub.s32 $0x5F3759DF, v26  }
0xd6: {  	v11 =	vmul.f32 v16, v20;
	v17 =	vmul.f32 v25, v14;
	[tilespmem:s17+$0x118F0] =	vst v12  }
0xd7: {  	v20 =	vsub.f32 $1.500000000e+00, v13;
	v13 =	vmul.f32 v19, v18;
	v12 =	vmul.f32 v23, v8  }
0xd8: {  	v26 =	vmul.f32 v22, v6;
	v25 =	vmul.f32 v15, v10;
	v17 =	vsub.f32 $1.500000000e+00, v17  }
0xd9: {  	v11 =	vsub.f32 $1.500000000e+00, v11;
	v13 =	vmul.f32 v13, v19;
	v27 =	vmul.f32 v23, v12  }
0xda: {  	v25 =	vmul.f32 v15, v25;
	v12 =	vmul.f32 v17, v14  }
0xdb: {  	v17 =	vmul.f32 v16, v11;
	v16 =	vsub.f32 $1.500000000e+00, v13;
	v14 =	vsub.f32 $1.500000000e+00, v27  }
0xdc: {  	v11 =	vsub.f32 $1.500000000e+00, v25;
	v25 =	vmul.f32 v22, v26;
	v26 =	vmul.f32 v12, v21  }
.Ltmp2:
0xdd: {  	v21 =	vmul.f32 v17, v9;
	v13 =	vmul.f32 v23, v14;
	(pc) =	sbr.rel @p0 .LBB2_6-.Ltmp2, $4  }
0xde: {  	v11 =	vmul.f32 v15, v11;
	v23 =	vsub.f32 $1.500000000e+00, v25;
	v14 =	vmul.f32 v16, v19  }
0xdf: {  	v15 =	vmul.f32 v24, v20;
	v16 =	vmul.f32 v21, v17  }
0xe0: {  	v19 =	vmul.f32 v13, v8;
	v20 =	vmul.f32 v14, v18  }
0xe1: {  	v21 =	vsub.f32 $1.500000000e+00, v16;
	v16 =	vmul.f32 v22, v23;
	v18 =	vmul.f32 v26, v12  }
0xe2: {  	v19 =	vmul.f32 v19, v13  }
0xe3: {  	v20 =	vmul.f32 v20, v14;
	v22 =	vmul.f32 v15, v7  }
0xe4: {  	v23 =	vmul.f32 v11, v10;
	v53 =	vmul.f32 v16, v6  }
0xe5: {  	v17 =	vmul.f32 v21, v17;
	v22 =	vmul.f32 v22, v15  }
0xe6: {  	v18 =	vsub.f32 $1.500000000e+00, v18;
	v19 =	vsub.f32 $1.500000000e+00, v19;
	v21 =	vmul.f32 v53, v16  }
0xe7: {  	v23 =	vmul.f32 v23, v11;
	v9 =	vmul.f32 v17, v9;
	v22 =	vsub.f32 $1.500000000e+00, v22  }
0xe8: {  	v12 =	vmul.f32 v18, v12;
	v54 =	vmul.f32 v19, v13;
	v55 =	vsub.f32 $1.500000000e+00, v21  }
0xe9: {  	v56 =	vsub.f32 $1.500000000e+00, v23;
	v9 =	vmul.f32 v9, v17;
	v57 =	vmul.f32 v22, v15  }
0xea: {  	v8 =	vmul.f32 v54, v8;
	v58 =	vmul.f32 v55, v16  }
0xeb: {  	v59 =	vmul.f32 v56, v11;
	v7 =	vmul.f32 v57, v7  }
0xec: {  	v60 =	vsub.f32 $1.500000000e+00, v20;
	v8 =	vmul.f32 v8, v54;
	v6 =	vmul.f32 v58, v6  }
0xed: {  	v9 =	vsub.f32 $1.500000000e+00, v9;
	v61 =	vmul.f32 v59, v10;
	v7 =	vmul.f32 v7, v57  }
0xee: {  	v62 =	vmul.f32 v60, v14;
	v8 =	vsub.f32 $1.500000000e+00, v8;
	v6 =	vmul.f32 v6, v58  }
0xef: {  	[tilespmem:s17+$0x118E0] =	vst v12;
	v9 =	vmul.f32 v9, v17;
	v10 =	vmul.f32 v61, v59;
	v7 =	vsub.f32 $1.500000000e+00, v7  }
0xf0: {  	[tilespmem:s17+$0x118D0] =	vst v62;
	v8 =	vmul.f32 v8, v54;
	v6 =	vsub.f32 $1.500000000e+00, v6  }
0xf1: {  	[tilespmem:s17+$0x118A0] =	vst v9;
	v63 =	vsub.f32 $1.500000000e+00, v10;
	v7 =	vmul.f32 v7, v57  }
0xf2: {  	[tilespmem:s17+$0x11880] =	vst v8;
	v6 =	vmul.f32 v6, v58  }
0xf3: {  	[tilespmem:s17+$0x118B0] =	vst v7;
	v7 =	vmul.f32 v63, v59  }
0xf4: {  	[tilespmem:s17+$0x118C0] =	vst v6  }
0xf5: {  	[tilespmem:s17+$0x11890] =	vst v7  }
0xf6: {  	[spmem:s6] =	stream.linear.scatter [tilespmem:s11], [sflag:$0x1], $0x280, $0x38;
	[tilespmem:$0x11F00] =	vst v63  }
0xf7: {  	_ =	swait.ge [sflag:s9], $0x280  }
0xf8: {  	[sflag:s9] =	ssyncset.done $0x0  }
0xf9: {  	[sflag:s9] =	ssyncadd.s32 $0xFFFFFD80  }
0xfa: {  	[bflag:$0x0] =	sbarrier.arrive $0xFFFF  }
0xfb: {  	[tilespmem:s12], [sflag:$0x1] =	stream.linear.gather [spmem:s2], $0x2800, $0x38;
	[tilespmem:$0x11F00] =	vst v63  }
0xfc: {  	_ =	swait.ge [sflag:s9], $0x2800  }
0xfd: {  	[sflag:s9] =	ssyncset.done $0x0  }
0xfe: {  	s17 =	simm.s32 $0x0;
	[sflag:s9] =	ssyncadd.s32 $0xFFFFD800  }
0xff: {  	v6 =	vld [tilespmem:s17+$0x0];
	_ =	sdelay $0x5  }
0x100: {  	v7 =	vld [tilespmem:s17+$0x5000]  }
0x101: {  	v8 =	vld [tilespmem:s17+$0x10]  }
0x102: {  	v6 =	vld.idx.msk [tilespmem:v6+s12+$0x0], $0xffff;
	_ =	sdelay $0x4  }
0x103: {  	v6 =	vmul.f32 v7, v6;
	_ =	sdelay $0x1  }
0x104: {  	[tilespmem:s17+$0xA000] =	vst v6;
	v6 =	vld [tilespmem:s17+$0x5010]  }
0x105: {  	v7 =	vld.idx.msk [tilespmem:v8+s12+$0x0], $0xffff  }
0x106: {  	v8 =	vld [tilespmem:s17+$0x20];
	_ =	sdelay $0x4  }
0x107: {  	v6 =	vmul.f32 v6, v7;
	_ =	sdelay $0x1  }
0x108: {  	[tilespmem:s17+$0xA010] =	vst v6;
	v6 =	vld [tilespmem:s17+$0x5020]  }
0x109: {  	v7 =	vld.idx.msk [tilespmem:v8+s12+$0x0], $0xffff  }
0x10a: {  	v8 =	vld [tilespmem:s17+$0x30];
	_ =	sdelay $0x4  }
0x10b: {  	v6 =	vmul.f32 v6, v7;
	_ =	sdelay $0x1  }
0x10c: {  	[tilespmem:s17+$0xA020] =	vst v6;
	v6 =	vld [tilespmem:s17+$0x5030]  }
0x10d: {  	v7 =	vld.idx.msk [tilespmem:v8+s12+$0x0], $0xffff  }
0x10e: {  	v8 =	vld [tilespmem:s17+$0x40];
	_ =	sdelay $0x4  }
0x10f: {  	v6 =	vmul.f32 v6, v7;
	_ =	sdelay $0x1  }
0x110: {  	[tilespmem:s17+$0xA030] =	vst v6;
	v6 =	vld [tilespmem:s17+$0x5040]  }
0x111: {  	v7 =	vld.idx.msk [tilespmem:v8+s12+$0x0], $0xffff  }
0x112: {  	v8 =	vld [tilespmem:s17+$0x50];
	_ =	sdelay $0x4  }
0x113: {  	v6 =	vmul.f32 v6, v7;
	_ =	sdelay $0x1  }
0x114: {  	[tilespmem:s17+$0xA040] =	vst v6;
	v6 =	vld [tilespmem:s17+$0x5050]  }
0x115: {  	v7 =	vld.idx.msk [tilespmem:v8+s12+$0x0], $0xffff  }
0x116: {  	v8 =	vld [tilespmem:s17+$0x60];
	_ =	sdelay $0x4  }
0x117: {  	v6 =	vmul.f32 v6, v7;
	_ =	sdelay $0x1  }
0x118: {  	[tilespmem:s17+$0xA050] =	vst v6;
	v6 =	vld [tilespmem:s17+$0x5060]  }
0x119: {  	v7 =	vld.idx.msk [tilespmem:v8+s12+$0x0], $0xffff  }
0x11a: {  	v8 =	vld [tilespmem:s17+$0x70];
	_ =	sdelay $0x4  }
0x11b: {  	v6 =	vmul.f32 v6, v7;
	_ =	sdelay $0x1  }
0x11c: {  	[tilespmem:s17+$0xA060] =	vst v6;
	v6 =	vld [tilespmem:s17+$0x5070]  }
0x11d: {  	s19 =	simm.s32 $0x80;
	s18 =	simm.s32 $0x400;
	v7 =	vld.idx.msk [tilespmem:v8+s12+$0x0], $0xffff  }
.LBB2_8:
0x11e: {  	p0 =	sne.s32 s18, $0x13E00;
	v8 =	vld [tilespmem:s19+$0x0];
	_ =	sdelay $0x4  }
0x11f: {  	v6 =	vmul.f32 v6, v7;
	_ =	sdelay $0x1  }
0x120: {  	v7 =	vld [tilespmem:s19+$0x5000];
	[tilespmem:s17+$0xA070] =	vst v6;
	s17 =	smov.u32 s19  }
0x121: {  	v6 =	vld.idx.msk [tilespmem:v8+s12+$0x0], $0xffff  }
0x122: {  	v8 =	vld [tilespmem:s17+$0x10];
	_ =	sdelay $0x4  }
0x123: {  	v6 =	vmul.f32 v7, v6;
	_ =	sdelay $0x1  }
0x124: {  	[tilespmem:s17+$0xA000] =	vst v6;
	v6 =	vld [tilespmem:s17+$0x5010]  }
0x125: {  	v7 =	vld.idx.msk [tilespmem:v8+s12+$0x0], $0xffff  }
0x126: {  	v8 =	vld [tilespmem:s17+$0x20];
	_ =	sdelay $0x4  }
0x127: {  	v6 =	vmul.f32 v6, v7;
	_ =	sdelay $0x1  }
0x128: {  	[tilespmem:s17+$0xA010] =	vst v6;
	v6 =	vld [tilespmem:s17+$0x5020]  }
0x129: {  	v7 =	vld.idx.msk [tilespmem:v8+s12+$0x0], $0xffff  }
0x12a: {  	v8 =	vld [tilespmem:s17+$0x30];
	_ =	sdelay $0x4  }
0x12b: {  	v6 =	vmul.f32 v6, v7;
	_ =	sdelay $0x1  }
0x12c: {  	[tilespmem:s17+$0xA020] =	vst v6;
	v6 =	vld [tilespmem:s17+$0x5030]  }
0x12d: {  	v7 =	vld.idx.msk [tilespmem:v8+s12+$0x0], $0xffff  }
0x12e: {  	v8 =	vld [tilespmem:s17+$0x40];
	_ =	sdelay $0x4  }
0x12f: {  	v6 =	vmul.f32 v6, v7;
	_ =	sdelay $0x1  }
0x130: {  	[tilespmem:s17+$0xA030] =	vst v6;
	v6 =	vld [tilespmem:s17+$0x5040]  }
0x131: {  	v7 =	vld.idx.msk [tilespmem:v8+s12+$0x0], $0xffff  }
0x132: {  	v8 =	vld [tilespmem:s17+$0x50];
	_ =	sdelay $0x4  }
0x133: {  	v6 =	vmul.f32 v6, v7;
	_ =	sdelay $0x1  }
0x134: {  	[tilespmem:s17+$0xA040] =	vst v6;
	v6 =	vld [tilespmem:s17+$0x5050]  }
0x135: {  	v7 =	vld.idx.msk [tilespmem:v8+s12+$0x0], $0xffff  }
0x136: {  	v8 =	vld [tilespmem:s17+$0x60];
	_ =	sdelay $0x4  }
0x137: {  	v6 =	vmul.f32 v6, v7;
	_ =	sdelay $0x1  }
0x138: {  	[tilespmem:s17+$0xA050] =	vst v6;
	v6 =	vld [tilespmem:s17+$0x5060]  }
0x139: {  	v7 =	vld.idx.msk [tilespmem:v8+s12+$0x0], $0xffff  }
0x13a: {  	v8 =	vld [tilespmem:s17+$0x70];
	_ =	sdelay $0x3  }
.Ltmp3:
0x13b: {  	(pc) =	sbr.rel @p0 .LBB2_8-.Ltmp3, $3  }
0x13c: {  	v6 =	vmul.f32 v6, v7;
	_ =	sdelay $0x1  }
0x13d: {  	[tilespmem:s17+$0xA060] =	vst v6;
	v6 =	vld [tilespmem:s17+$0x5070]  }
0x13e: {  	s19 =	sshra.s32 s18, $0x2;
	s18 =	sadd.s32 $0x200, s18;
	v7 =	vld.idx.msk [tilespmem:v8+s12+$0x0], $0xffff  }
0x13f: {  	v8 =	vld [tilespmem:s19+$0x0];
	_ =	sdelay $0x3  }
0x140: {  	v6 =	vmul.f32 v6, v7;
	_ =	sdelay $0x1  }
0x141: {  	v7 =	vld [tilespmem:s19+$0x5000];
	[tilespmem:s17+$0xA070] =	vst v6  }
0x142: {  	v57 =	vld [tilespmem:s19+$0x10]  }
0x143: {  	v6 =	vld.idx.msk [tilespmem:v8+s12+$0x0], $0xffff;
	_ =	sdelay $0x4  }
0x144: {  	v6 =	vmul.f32 v7, v6  }
0x145: {  	v58 =	vld [tilespmem:s19+$0x20]  }
0x146: {  	[tilespmem:s19+$0xA000] =	vst v6;
	v6 =	vld [tilespmem:s19+$0x5010]  }
0x147: {  	v7 =	vld.idx.msk [tilespmem:v57+s12+$0x0], $0xffff;
	_ =	sdelay $0x4  }
0x148: {  	v6 =	vmul.f32 v6, v7  }
0x149: {  	v59 =	vld [tilespmem:s19+$0x30]  }
0x14a: {  	[tilespmem:s19+$0xA010] =	vst v6;
	v6 =	vld [tilespmem:s19+$0x5020]  }
0x14b: {  	v7 =	vld.idx.msk [tilespmem:v58+s12+$0x0], $0xffff;
	_ =	sdelay $0x4  }
0x14c: {  	v6 =	vmul.f32 v6, v7  }
0x14d: {  	v60 =	vld [tilespmem:s19+$0x40]  }
0x14e: {  	[tilespmem:s19+$0xA020] =	vst v6;
	v6 =	vld [tilespmem:s19+$0x5030]  }
0x14f: {  	v7 =	vld.idx.msk [tilespmem:v59+s12+$0x0], $0xffff;
	_ =	sdelay $0x4  }
0x150: {  	v6 =	vmul.f32 v6, v7  }
0x151: {  	v61 =	vld [tilespmem:s19+$0x50]  }
0x152: {  	[tilespmem:s19+$0xA030] =	vst v6;
	v6 =	vld [tilespmem:s19+$0x5040]  }
0x153: {  	v7 =	vld.idx.msk [tilespmem:v60+s12+$0x0], $0xffff;
	_ =	sdelay $0x4  }
0x154: {  	v6 =	vmul.f32 v6, v7  }
0x155: {  	v62 =	vld [tilespmem:s19+$0x60]  }
0x156: {  	[tilespmem:s19+$0xA040] =	vst v6;
	v6 =	vld [tilespmem:s19+$0x5050]  }
0x157: {  	v7 =	vld.idx.msk [tilespmem:v61+s12+$0x0], $0xffff;
	_ =	sdelay $0x4  }
0x158: {  	v6 =	vmul.f32 v6, v7  }
0x159: {  	v63 =	vld [tilespmem:s19+$0x70]  }
0x15a: {  	[tilespmem:s19+$0xA050] =	vst v6;
	v6 =	vld [tilespmem:s19+$0x5060]  }
0x15b: {  	v7 =	vld.idx.msk [tilespmem:v62+s12+$0x0], $0xffff;
	_ =	sdelay $0x4  }
0x15c: {  	v6 =	vmul.f32 v6, v7;
	_ =	sdelay $0x1  }
0x15d: {  	[tilespmem:s19+$0xA060] =	vst v6;
	v6 =	vld [tilespmem:s19+$0x5070]  }
0x15e: {  	v7 =	vld.idx.msk [tilespmem:v63+s12+$0x0], $0xffff;
	_ =	sdelay $0x4  }
0x15f: {  	s16 =	sadd.s32 $0x1, s16;
	v6 =	vmul.f32 v6, v7  }
0x160: {  	p0 =	sne.s32 s16, s8  }
.Ltmp4:
0x161: {  	[tilespmem:s19+$0xA070] =	vst v6;
	(pc) =	sbr.rel @p0 .LBB2_1-.Ltmp4, $4  }
0x162: {  	[hbm4b:s7+s3] =	stream.linear.scatter [tilespmem:s15], [sflag:$0x1], $0x5000, $0x38;
	[tilespmem:$0x11F00] =	vst v63  }
0x163: {  	_ =	swait.ge [sflag:s9], $0x5000  }
0x164: {  	[sflag:s9] =	ssyncset.done $0x0  }
0x165: {  	[sflag:s9] =	ssyncadd.s32 $0xFFFFB000  }
0x166: {  	_ =	sfence.sel $0x180000  }
0x167: {  	[bflag:$0x0] =	sbarrier.arrive $0xFFFF  }
0x168: {  	p0 =	sne.s32 s0, $0x0;
	_ =	strace $0x90000047  }
0x169: {  	s0 =	sadd.s32 @!p0 $0x100000, s1;
	[bflag:$0x2] =	sbarrier.arrive $0xFFFF  }
0x16a: {  	[sflag:s0] =	ssyncadd.tile.s32 @!p0 $0x1;
	_ =	shalt  }
.Lfunc_end2:
_tile_overlayer_lowered:
.L_overlay_start_2:
0x16b: {  	(tag) =	ssettag $0x2  }
0x16c: {  	s0 =	rddreg [dreg:$0x0];
	s2 =	stileid.u32  }
0x16d: {  	s1 =	rddreg [dreg:$0x1];
	p0 =	sne.s32 s2, $0x0  }
0x16e: {  	s3 =	rddreg [dreg:$0x2];
	[bflag:$0x3] =	sbarrier.arrive $0xFFFF;
	s2 =	simm.s32 @!p0 $0x1C01  }
0x16f: {  	[timem:s3], [sflag:s2] =	dma.local @!p0 [hbm:s0], s1  }
0x170: {  	s0 =	simm.s32 @!p0 $0x1  }
0x171: {  	_ =	swait.ge @!p0 [sflag:s0], s1  }
0x172: {  	s1 =	ssub.s32 @!p0 $0x0, s1;
	[sflag:s0] =	ssyncset.done @!p0 $0x0  }
0x173: {  	[sflag:s0] =	ssyncadd.s32 @!p0 s1  }
0x174: {  	[bflag:$0x3] =	sbarrier.arrive $0xFFFF  }
0x175: {  	_ =	shalt  }

// kernel: kernel.8.cloned.1.call-start
scs
__scs_entry_jumppad:
0x0: {  	(pc) =	sbr.rel $0x88, $3  }
0x1: {  	(tag) =	ssettag $0x0;
	lr =	simm.s32 $0x1  }
0x2: {  	[smem:$0x3F9B] =	sst lr;
	_ =	strace $0xD0000000  }
0x3: {  	_ = 	snop  }
0x4: {  	_ = 	snop  }
0x5: {  	_ = 	snop  }
0x6: {  	_ = 	snop  }
0x7: {  	_ = 	snop  }
__scs_overlays_trampoline_lowered:
0x8: {  	[smem:$0x3FAA] =	sst s0  }
0x9: {  	[smem:$0x3FAB] =	sst s1  }
0xa: {  	[smem:$0x3FAC] =	sst s2  }
0xb: {  	[smem:$0x3FAD] =	sst s3  }
0xc: {  	[smem:$0x3FAE] =	sst s4  }
0xd: {  	[smem:$0x3FAF] =	sst s5  }
0xe: {  	[smem:$0x3FB0] =	sst s6  }
0xf: {  	[smem:$0x3FB1] =	sst s7  }
0x10: {  	[smem:$0x3FB2] =	sst s8  }
0x11: {  	[smem:$0x3FB3] =	sst s9;
	s0 =	simm.s32 @!p0 $0x0  }
0x12: {  	s1 =	sld [smem:$0x3F99];
	s0 =	simm.s32 @p0 $0x1  }
0x13: {  	[smem:$0x3FB4] =	sst s0;
	s0 =	simm.s32 @!p1 $0x0  }
0x14: {  	s2 =	sld [smem:$0x3F98];
	s0 =	simm.s32 @p1 $0x1  }
0x15: {  	[smem:$0x3FB5] =	sst s0;
	s0 =	simm.s32 @!p2 $0x0  }
0x16: {  	s3 =	sld [smem:$0x3FDB];
	s0 =	simm.s32 @p2 $0x1  }
0x17: {  	s4 =	simm.s32 $0x1BF5;
	[smem:$0x3FB7] =	sst s0  }
0x18: {  	s0 =	sld [smem:$0x3F9A];
	_ =	swait.ge [sflag:s4], $0x0  }
0x19: {  	s7 =	sld [smem:$0x3F9B]  }
0x1a: {  	s8 =	sadd.s32 $0xFFFFE003, lr  }
0x1b: {  	s9 =	sadd.s32 $0xFFFFFEF7, lr;
	s5 =	simm.s32 $0xFFFFFFFF;
	p2 =	slt.u32 s8, $0xFFFFF086  }
0x1c: {  	p1 =	slt.u32 s9, $0xF7A;
	s5 =	simm.s32 @!p2 $0x0  }
0x1d: {  	s5 =	simm.s32 @p1 $0x1;
	p0 =	seq.s32 s7, s2  }
0x1e: {  	s7 =	smul.u32 @!p0 $0xF7A, s2;
	p2 =	seq.s32 @!p0 s5, $0x0  }
0x1f: {  	s9 =	smul.u32 $0xF7A, s1;
	s8 =	simm.s32 @!p0 $0x1BF5;
	p2 =	por !p2, p0  }
0x20: {  	[sflag:s8] =	ssyncset.s32 @!p0 $0xFFFFF086;
	s6 =	sadd.s32 @!p0 s3, s7;
	s7 =	simm.s32 @!p0 $0x108  }
0x21: {  	s3 =	sadd.s32 s3, s9;
	s6 =	sadd.s32 @!p0 $0x88, s6;
	s7 =	simm.s32 @p2 $0x1082  }
0x22: {  	[simem:s7], [sflag:s8] =	dma.local @!p0 [hbm:s6], $0xF7A  }
0x23: {  	s9 =	sor.u32 $0xD0000000, s2;
	s6 =	simm.s32 $0x108;
	_ =	swait.ge @!p0 [sflag:s8], $0x0  }
0x24: {  	s3 =	sadd.s32 $0x88, s3;
	s6 =	simm.s32 @!p1 $0x1082;
	[sflag:s4] =	ssyncset.s32 $0xFFFFF086  }
0x25: {  	[simem:s6], [sflag:s4] =	dma.local [hbm:s3], $0xF7A  }
0x26: {  	[smem:$0x3F9B] =	sst s1;
	(tag) =	ssettag s2;
	_ =	strace s9  }
0x27: {  	s1 =	sld [smem:$0x3FAB]  }
0x28: {  	s2 =	sld [smem:$0x3FAC]  }
0x29: {  	s4 =	sld [smem:$0x3FAE]  }
0x2a: {  	p0 =	seq.s32 s5, $0x0;
	s5 =	sld [smem:$0x3FAF]  }
0x2b: {  	s6 =	sld [smem:$0x3FB0]  }
0x2c: {  	s7 =	sld [smem:$0x3FB1]  }
0x2d: {  	s3 =	simm.s32 $0x108;
	s8 =	sld [smem:$0x3FB2]  }
0x2e: {  	s3 =	simm.s32 @!p0 $0x1082;
	s9 =	sld [smem:$0x3FB3]  }
0x2f: {  	lr =	sadd.s32 s0, s3;
	s0 =	sld [smem:$0x3FAA]  }
0x30: {  	s3 =	sld [smem:$0x3FAD]  }
0x31: {  	[smem:$0x3FB6] =	sst s10  }
0x32: {  	s10 =	sld [smem:$0x3FB4];
	_ =	sdelay $0x3  }
0x33: {  	p0 =	seq.s32 s10, $0x1;
	s10 =	sld [smem:$0x3FB6];
	_ =	sdelay $0x3  }
0x34: {  	[smem:$0x3FB6] =	sst s10  }
0x35: {  	s10 =	sld [smem:$0x3FB5];
	_ =	sdelay $0x3  }
0x36: {  	p1 =	seq.s32 s10, $0x1;
	s10 =	sld [smem:$0x3FB6];
	_ =	sdelay $0x3  }
0x37: {  	[smem:$0x3FB6] =	sst s10  }
0x38: {  	s10 =	sld [smem:$0x3FB7]  }
0x39: {  	_ = 	snop;
	(pc) =	sbr.ind lr, $3  }
0x3a: {  	_ = 	snop  }
0x3b: {  	_ = 	snop  }
0x3c: {  	p2 =	seq.s32 s10, $0x1;
	s10 =	sld [smem:$0x3FB6]  }
0x3d: {  	_ =	shalt  }
0x3e: {  	_ =	shalt  }
0x3f: {  	_ =	shalt  }
0x40: {  	_ =	shalt  }
0x41: {  	_ =	shalt  }
0x42: {  	_ =	shalt  }
0x43: {  	_ =	shalt  }
0x44: {  	_ =	shalt  }
0x45: {  	_ =	shalt  }
0x46: {  	_ =	shalt  }
0x47: {  	_ =	shalt  }
0x48: {  	_ =	shalt  }
0x49: {  	_ =	shalt  }
0x4a: {  	_ =	shalt  }
0x4b: {  	_ =	shalt  }
0x4c: {  	_ =	shalt  }
0x4d: {  	_ =	shalt  }
0x4e: {  	_ =	shalt  }
0x4f: {  	_ =	shalt  }
0x50: {  	_ =	shalt  }
0x51: {  	_ =	shalt  }
0x52: {  	_ =	shalt  }
0x53: {  	_ =	shalt  }
0x54: {  	_ =	shalt  }
0x55: {  	_ =	shalt  }
0x56: {  	_ =	shalt  }
0x57: {  	_ =	shalt  }
0x58: {  	_ =	shalt  }
0x59: {  	_ =	shalt  }
0x5a: {  	_ =	shalt  }
0x5b: {  	_ =	shalt  }
0x5c: {  	_ =	shalt  }
0x5d: {  	_ =	shalt  }
0x5e: {  	_ =	shalt  }
0x5f: {  	_ =	shalt  }
0x60: {  	_ =	shalt  }
0x61: {  	_ =	shalt  }
0x62: {  	_ =	shalt  }
0x63: {  	_ =	shalt  }
0x64: {  	_ =	shalt  }
0x65: {  	_ =	shalt  }
0x66: {  	_ =	shalt  }
0x67: {  	_ =	shalt  }
0x68: {  	_ =	shalt  }
0x69: {  	_ =	shalt  }
0x6a: {  	_ =	shalt  }
0x6b: {  	_ =	shalt  }
0x6c: {  	_ =	shalt  }
0x6d: {  	_ =	shalt  }
0x6e: {  	_ =	shalt  }
0x6f: {  	_ =	shalt  }
0x70: {  	_ =	shalt  }
0x71: {  	_ =	shalt  }
0x72: {  	_ =	shalt  }
0x73: {  	_ =	shalt  }
0x74: {  	_ =	shalt  }
0x75: {  	_ =	shalt  }
0x76: {  	_ =	shalt  }
0x77: {  	_ =	shalt  }
0x78: {  	_ =	shalt  }
0x79: {  	_ =	shalt  }
0x7a: {  	_ =	shalt  }
0x7b: {  	_ =	shalt  }
0x7c: {  	_ =	shalt  }
0x7d: {  	_ =	shalt  }
0x7e: {  	_ =	shalt  }
0x7f: {  	_ =	shalt  }
0x80: {  	_ =	shalt  }
0x81: {  	_ =	shalt  }
0x82: {  	_ =	shalt  }
0x83: {  	_ =	shalt  }
0x84: {  	_ =	shalt  }
0x85: {  	_ =	shalt  }
0x86: {  	_ =	shalt  }
0x87: {  	_ =	shalt  }
.Lfunc_end0:
.L_simem_size_0:
called_computation.1_lowered:
.L_overlay_start_0:
0x88: {  	s2 =	sld [smem:$0x3FD9]  }
0x89: {  	s3 =	sld [smem:$0x3FFE];
	_ =	sdelay $0x1  }
0x8a: {  	s1 =	srdreg.scid  }
0x8b: {  	s0 =	sand.u32 $0x1, s1  }
0x8c: {  	s14 =	sshll.u32 s0, $0xA;
	s2 =	sadd.s32 s3, s2  }
0x8d: {  	s2 =	sadd.s32 s2, s14  }
0x8e: {  	[smem:$0x3FC2] =	sst s2  }
0x8f: {  	_ = 	snop  }
0x90: {  	s2 =	sld [smem:$0x3FD0];
	_ =	sdelay $0x2  }
0x91: {  	s15 =	simm.s32 $0xA;
	s4 =	simm.s32 $0x10  }
0x92: {  	[smem:s4], [sflag:s15] =	dma.local [hbm:s2], $0x1  }
0x93: {  	_ =	swait.eq [sflag:s15], $0x1  }
0x94: {  	[sflag:s15] =	ssyncset.done $0x0  }
0x95: {  	s16 =	sld [smem:$0x10];
	[sflag:s15] =	ssyncadd.s32 $0xFFFFFFFF  }
0x96: {  	s17 =	sld [smem:$0x11];
	(tm) =	ssettm $0x1  }
0x97: {  	s18 =	sld [smem:$0x3FFB];
	_ =	sdelay $0x3  }
0x98: {  	_ =	strace s18  }
0x99: {  	s4 =	sld [smem:$0x3FFC];
	_ =	sdelay $0x3  }
0x9a: {  	_ =	strace s4  }
0x9b: {  	s4 =	sld [smem:$0x3FFD];
	_ =	sdelay $0x3  }
0x9c: {  	_ =	strace s4  }
0x9d: {  	_ =	strace $0x8FFFFFFF  }
0x9e: {  	s19 =	sld [smem:$0x3FDB];
	_ =	sdelay $0x1  }
0x9f: {  	s5 =	simm.s32 $_scs_section_size  }
0xa0: {  	s6 =	simm.s32 $_size__tile_overlayer_lowered;
	s7 =	simm.s32 $_tile_overlayer_lowered  }
0xa1: {  	s22 =	simm.s32 $0x1BFF;
	s21 =	sshll.u32 s7, $0x1;
	s4 =	sadd.s32 s5, s19  }
0xa2: {  	s8 =	simm.s32 $0x0;
	s20 =	sshll.u32 s6, $0x1;
	s6 =	sadd.s32 s21, s4  }
0xa3: {  	[timem:s8], [sflag:s22] =	dma.local [hbm:s6], s20  }
0xa4: {  	_ =	swait.ge [sflag:s22], s20  }
0xa5: {  	s5 =	ssub.s32 $0x0, s20;
	[sflag:s22] =	ssyncset.done $0x0  }
0xa6: {  	[sflag:s22] =	ssyncadd.s32 s5;
	_ =	sdelay $0x1  }
0xa7: {  	s23 =	simm.s32 $0x1B8B  }
0xa8: {  	_ =	swait.ge [sflag:s23], $0x1  }
0xa9: {  	[sflag:s23] =	ssyncset.done $0x0  }
0xaa: {  	s25 =	simm.s32 $0x1B8E;
	s24 =	sld [smem:$0x3FFE];
	[sflag:s23] =	ssyncadd.s32 $0xFFFFFFFF  }
0xab: {  	s26 =	simm.s32 $execute0_lowered;
	[smem:$0x3FD2] =	sst s25  }
0xac: {  	s6 =	sshll.u32 s26, $0x1;
	_ =	strace $0x80000049;
	[dreg:$0x1] =	wrdreg $0xFFFFFFFF  }
0xad: {  	s28 =	simm.s32 $_size_execute0_lowered;
	s4 =	sadd.s32 s4, s6;
	[dreg:$0x0] =	wrdreg $0x0  }
0xae: {  	s6 =	sshll.u32 s28, $0x1;
	[dreg:$0x2] =	wrdreg s4  }
0xaf: {  	[dreg:$0x3] =	wrdreg s6  }
0xb0: {  	[dreg:$0x4] =	wrdreg $0xC0  }
0xb1: {  	_ =	task [dreg:s8], $0x5FFFF  }
0xb2: {  	[dreg:$0x1] =	wrdreg $0xFFFFFFFF  }
0xb3: {  	[dreg:$0x0] =	wrdreg $0x60  }
0xb4: {  	[dreg:$0x2] =	wrdreg s17  }
0xb5: {  	[dreg:$0x3] =	wrdreg s16  }
0xb6: {  	[dreg:$0x4] =	wrdreg s24  }
0xb7: {  	[dreg:$0x5] =	wrdreg $0x98000  }
0xb8: {  	[dreg:$0x6] =	wrdreg $0x9  }
0xb9: {  	_ =	task.clear_ibuf [dreg:s8], $0x7FFFF;
	_ =	strace $0x90000049  }
0xba: {  	s29 =	simm.s32 $0x9;
	_ =	strace $0x8000004B  }
0xbb: {  	_ =	swait.ge [sflag:s29], $0x1  }
0xbc: {  	[sflag:s29] =	ssyncadd.s32 $0xFFFFFFFF  }
0xbd: {  	_ =	strace $0x9000004B  }
0xbe: {  	_ =	sfence  }
0xbf: {  	s30 =	sld [smem:$0x0];
	_ =	sdelay $0x2  }
0xc0: {  	s31 =	sshll.u32 s1, $0xD;
	s1 =	sshrl.u32 s1, $0x2  }
0xc1: {  	s3 =	sand.u32 $0x4000, s31;
	s1 =	sadd.s32 s1, s30  }
0xc2: {  	s0 =	sor.u32 s3, s0;
	s1 =	sshll.u32 s1, $0x11  }
0xc3: {  	s0 =	sor.u32 s1, s0  }
0xc4: {  	s0 =	sadd.s32 $0x8F2B, s0  }
0xc5: {  	[sflag:s0] =	ssyncadd.remote.s32 $0x1  }
0xc6: {  	_ =	sfence.sel $0xFFFF  }
0xc7: {  	[dreg:$0x0] =	wrdreg $0xFFFFFFFF;
	(pc) =	sbr.abs _section_cstart, $3  }
0xc8: {  	[dreg:$0x1] =	wrdreg $0xFFFFFFFF  }
0xc9: {  	_ =	task.clear_ibuf [dreg:s8], $0x2FFFF;
	_ =	strace $0x9FFFFFFF  }
0xca: {  	(tm) =	ssettm $0x7FFFFFFF  }
0xcb: {  	_ =	shalt  }
tec
execute0_lowered:
.L_overlay_start_1:
0x0: {  	(tag) =	ssettag $0x1  }
0x1: {  	s1 =	rddreg [dreg:$0x0]  }
0x2: {  	s2 =	rddreg [dreg:$0x1]  }
0x3: {  	s0 =	rddreg [dreg:$0x2]  }
0x4: {  	s3 =	rddreg [dreg:$0x3];
	s5 =	simm.s32 $0x0;
	s4 =	srdreg.scid  }
0x5: {  	s21 =	stileid.u32;
	s28 =	simm.s32 $0x3800;
	s29 =	simm.s32 $0x2  }
0x6: {  	[smem:$0x7FF] =	sst s5;
	s4 =	sand.u32 $0x1, s4;
	s13 =	smul.u32 $0x14000, s21  }
0x7: {  	s6 =	sadd.s32 $0x1600, s0;
	s7 =	sadd.s32 $0x29600, s0;
	s0 =	sadd.s32 $0x51600, s0  }
0x8: {  	_ =	strace $0x8000004A;
	s8 =	ssub.s32 $0x2, s4;
	s18 =	smul.u32 $0x140000, s4  }
0x9: {  	s9 =	sshrl.u32 s8, $0x1;
	s14 =	sadd.s32 $0x4000, s13;
	s16 =	sadd.s32 $0x8000, s13  }
0xa: {  	s17 =	sadd.s32 $0xC000, s13;
	s19 =	sadd.s32 $0x10000, s13;
	s15 =	ssub.s32 s8, s9  }
0xb: {  	s8 =	sadd.s32 s13, s3;
	s30 =	sadd.s32 s14, s3;
	s31 =	sadd.s32 s16, s3  }
0xc: {  	s10 =	sadd.s32 s17, s3;
	s12 =	sadd.s32 s19, s3;
	s20 =	sadd.s32 s13, s18  }
0xd: {  	s14 =	sadd.s32 s18, s14;
	s13 =	smul.u32 $0x5000, s21;
	s22 =	sadd.s32 s18, s16  }
0xe: {  	s23 =	sadd.s32 s18, s17;
	s24 =	sadd.s32 s18, s19;
	[dreg:$0x5] =	wrdreg s10  }
0xf: {  	s20 =	sshrl.u32 s20, $0x3;
	s11 =	sshrl.u32 s14, $0x3;
	s14 =	smul.u32 $0x50000, s4  }
0x10: {  	s4 =	sshrl.u32 s22, $0x3;
	s16 =	sshrl.u32 s23, $0x3;
	s26 =	smax.u32 s15, $0x1  }
0x11: {  	s17 =	sshrl.u32 s24, $0x3;
	s20 =	sadd.s32 s0, s20;
	[dreg:$0xb] =	wrdreg s26  }
0x12: {  	s22 =	simm.s32 $0x3;
	s21 =	sadd.s32 s0, s11;
	[dreg:$0x6] =	wrdreg s20  }
0x13: {  	s23 =	simm.s32 $0x800;
	s4 =	sadd.s32 s0, s4;
	[dreg:$0x7] =	wrdreg s21  }
0x14: {  	s24 =	simm.s32 $0x80;
	s25 =	sadd.s32 s0, s16;
	[dreg:$0x8] =	wrdreg s4  }
0x15: {  	s0 =	sadd.s32 s0, s17;
	s26 =	simm.s32 $0x1;
	[dreg:$0x9] =	wrdreg s25  }
0x16: {  	v0 =	vimm.f32 $0.0e+00;
	[dreg:$0xa] =	wrdreg s0;
	s21 =	simm.s32 $0x5800;
	s25 =	simm.s32 $0x1800  }
.LBB2_1:
0x17: {  	s0 =	simm.s32 $0x0;
	s4 =	simm.s32 $0x200  }
.LBB2_2:
0x18: {  	p0 =	sne.s32 s4, $0xFE00;
	[tilespmem:s0+$0x5870] =	vst v0  }
0x19: {  	[tilespmem:s0+$0x5800] =	vst v0  }
0x1a: {  	[tilespmem:s0+$0x5810] =	vst v0  }
.Ltmp0:
0x1b: {  	[tilespmem:s0+$0x5820] =	vst v0;
	(pc) =	sbr.rel @p0 .LBB2_2-.Ltmp0, $4  }
0x1c: {  	[tilespmem:s0+$0x5830] =	vst v0  }
0x1d: {  	[tilespmem:s0+$0x5840] =	vst v0  }
0x1e: {  	[tilespmem:s0+$0x5850] =	vst v0  }
0x1f: {  	[tilespmem:s0+$0x5860] =	vst v0;
	s0 =	sshra.s32 s4, $0x2;
	s4 =	sadd.s32 $0x200, s4  }
0x20: {  	[tilespmem:s0+$0x5870] =	vst v0  }
0x21: {  	[tilespmem:s0+$0x5800] =	vst v0  }
0x22: {  	[tilespmem:s0+$0x5810] =	vst v0  }
0x23: {  	[tilespmem:s0+$0x5820] =	vst v0  }
0x24: {  	[tilespmem:s0+$0x5830] =	vst v0  }
0x25: {  	[tilespmem:s0+$0x5840] =	vst v0  }
0x26: {  	[tilespmem:s0+$0x5850] =	vst v0  }
0x27: {  	[tilespmem:s0+$0x5860] =	vst v0  }
0x28: {  	[spmem:s8] =	stream.linear.scatter [tilespmem:s21], [sflag:$0x3], $0x4000, $0x38;
	[tilespmem:$0x1D800] =	vst v63  }
0x29: {  	_ =	swait.ge [sflag:s22], $0x4000  }
0x2a: {  	[sflag:s22] =	ssyncset.done $0x0  }
0x2b: {  	[sflag:s22] =	ssyncadd.s32 $0xFFFFC000  }
0x2c: {  	[spmem:s30] =	stream.linear.scatter [tilespmem:s21], [sflag:$0x3], $0x4000, $0x38;
	[tilespmem:$0x1D800] =	vst v63  }
0x2d: {  	_ =	swait.ge [sflag:s22], $0x4000  }
0x2e: {  	[sflag:s22] =	ssyncset.done $0x0  }
0x2f: {  	[sflag:s22] =	ssyncadd.s32 $0xFFFFC000  }
0x30: {  	[spmem:s31] =	stream.linear.scatter [tilespmem:s21], [sflag:$0x3], $0x4000, $0x38;
	[tilespmem:$0x1D800] =	vst v63  }
0x31: {  	_ =	swait.ge [sflag:s22], $0x4000  }
0x32: {  	[sflag:s22] =	ssyncset.done $0x0  }
0x33: {  	s20 =	rddreg [dreg:$0x5];
	[sflag:s22] =	ssyncadd.s32 $0xFFFFC000  }
0x34: {  	[spmem:s20] =	stream.linear.scatter [tilespmem:s21], [sflag:$0x3], $0x4000, $0x38;
	[tilespmem:$0x1D800] =	vst v63  }
0x35: {  	_ =	swait.ge [sflag:s22], $0x4000  }
0x36: {  	[sflag:s22] =	ssyncset.done $0x0  }
0x37: {  	[sflag:s22] =	ssyncadd.s32 $0xFFFFC000  }
0x38: {  	[spmem:s12] =	stream.linear.scatter [tilespmem:s21], [sflag:$0x3], $0x4000, $0x38;
	[tilespmem:$0x1D800] =	vst v63  }
0x39: {  	_ =	swait.ge [sflag:s22], $0x4000  }
0x3a: {  	s9 =	smov.u32 s8;
	[sflag:s22] =	ssyncset.done $0x0  }
0x3b: {  	s10 =	smov.u32 s30;
	s11 =	smov.u32 s31;
	[sflag:s22] =	ssyncadd.s32 $0xFFFFC000  }
0x3c: {  	s30 =	simm.s32 $0x0;
	s31 =	simm.s32 $0x0;
	[bflag:$0x0] =	sbarrier.arrive $0xFFFF  }
.LBB2_4:
0x3d: {  	s0 =	sshll.u32 s31, $0xB  }
0x3e: {  	s0 =	sadd.s32 s13, s0  }
0x3f: {  	s4 =	sadd.s32 s14, s0  }
0x40: {  	s4 =	sshrl.u32 s4, $0x3  }
0x41: {  	s15 =	sadd.s32 s1, s4  }
0x42: {  	[tilespmem:s30], [sflag:$0x3] =	stream.linear.gather [hbm4b:s15+s30], $0x800, $0x38;
	[tilespmem:$0x1D800] =	vst v63  }
0x43: {  	_ =	swait.ge [sflag:s22], $0x800  }
0x44: {  	[sflag:s22] =	ssyncset.done $0x0  }
0x45: {  	s4 =	sadd.s32 s2, s4;
	[sflag:s22] =	ssyncadd.s32 $0xFFFFF800  }
0x46: {  	[tilespmem:s23], [sflag:$0x3] =	stream.linear.gather [hbm4b:s4+s30], $0x800, $0x38;
	[tilespmem:$0x1D800] =	vst v63  }
0x47: {  	_ =	swait.ge [sflag:s22], $0x800  }
0x48: {  	s0 =	sshrl.u32 s0, $0x3;
	[sflag:s22] =	ssyncset.done $0x0  }
0x49: {  	s20 =	sadd.s32 s6, s0;
	s0 =	simm.s32 $0x1000;
	[sflag:s22] =	ssyncadd.s32 $0xFFFFF800  }
0x4a: {  	[tilespmem:s0], [sflag:$0x3] =	stream.linear.gather [hbm4b:s20+s30], $0x800, $0x38;
	[tilespmem:$0x1D800] =	vst v63  }
0x4b: {  	_ =	swait.ge [sflag:s22], $0x800  }
0x4c: {  	[sflag:s22] =	ssyncset.done $0x0  }
0x4d: {  	s15 =	simm.s32 $0x0;
	s4 =	simm.s32 $0x1080;
	[sflag:s22] =	ssyncadd.s32 $0xFFFFF800  }
0x4e: {  	[tilespmem:s25], [sflag:$0x1] =	stream.indirect.gather [hbm4b:s7+s24], $0x40, s30, s24, $0xb8;
	[tilespmem:$0x1D800] =	vst v63  }
.LBB2_5:
0x4f: {  	_ =	swait.ge [sflag:s26], $0x2000;
	s16 =	sshll.u32 s15, $0x8;
	s17 =	sshll.u32 s15, $0xA;
	v1 =	vmov s0  }
0x50: {  	s18 =	simm.s32 $0x0;
	s19 =	simm.s32 $0x1A00;
	[sflag:s26] =	ssyncset.done $0x0  }
0x51: {  	s20 =	simm.s32 $0x5C00;
	s16 =	sor.u32 $0x80, s16;
	[sflag:s26] =	ssyncadd.s32 $0xFFFFE000  }
0x52: {  	[tilespmem:s28], [sflag:$0x2] =	stream.indirect.gather [hbm4b:s7+s24], $0x40, s16, s24, $0xb8;
	[tilespmem:$0x1D800] =	vst v63  }
.LBB2_6:
0x53: {  	s8 =	sshra.s32 s18, $0x2  }
0x54: {  	v2 =	vld.idx.msk [tilespmem:v1+s8+$0x0 ss:$0x1], $0xffff  }
0x55: {  	v3 =	vld [tilespmem:s19+$0xFFFFFE00];
	_ =	sdelay $0x3  }
0x56: {  	v4 =	vbroadcast v2, $0x0  }
0x57: {  	v5 =	vunpack.i.l.bf16.f32 v3  }
0x58: {  	v3 =	vunpack.i.u.bf16.f32 v3;
	v5 =	vmul.f32 v5, v4  }
0x59: {  	v3 =	vmul.f32 v3, v4  }
0x5a: {  	[tilespmem:s20+$0xFFFFFC00] =	vst v5  }
0x5b: {  	[tilespmem:s20+$0xFFFFFC10] =	vst v3  }
0x5c: {  	v3 =	vld [tilespmem:s19+$0xFFFFFE10];
	_ =	sdelay $0x4  }
0x5d: {  	v43 =	vunpack.i.l.bf16.f32 v3  }
0x5e: {  	v3 =	vunpack.i.u.bf16.f32 v3;
	v5 =	vmul.f32 v43, v4  }
0x5f: {  	v3 =	vmul.f32 v3, v4  }
0x60: {  	[tilespmem:s20+$0xFFFFFC20] =	vst v5  }
0x61: {  	[tilespmem:s20+$0xFFFFFC30] =	vst v3  }
0x62: {  	v3 =	vld [tilespmem:s19+$0xFFFFFE20];
	_ =	sdelay $0x4  }
0x63: {  	v44 =	vunpack.i.l.bf16.f32 v3  }
0x64: {  	v3 =	vunpack.i.u.bf16.f32 v3;
	v5 =	vmul.f32 v44, v4  }
0x65: {  	v3 =	vmul.f32 v3, v4  }
0x66: {  	[tilespmem:s20+$0xFFFFFC40] =	vst v5  }
0x67: {  	[tilespmem:s20+$0xFFFFFC50] =	vst v3  }
0x68: {  	v3 =	vld [tilespmem:s19+$0xFFFFFE30];
	_ =	sdelay $0x4  }
0x69: {  	v45 =	vunpack.i.l.bf16.f32 v3  }
0x6a: {  	v3 =	vunpack.i.u.bf16.f32 v3;
	v5 =	vmul.f32 v45, v4  }
0x6b: {  	v3 =	vmul.f32 v3, v4  }
0x6c: {  	[tilespmem:s20+$0xFFFFFC60] =	vst v5  }
0x6d: {  	[tilespmem:s20+$0xFFFFFC70] =	vst v3  }
0x6e: {  	v3 =	vld [tilespmem:s19+$0xFFFFFE40];
	_ =	sdelay $0x3  }
0x6f: {  	v46 =	vbroadcast v2, $0x1  }
0x70: {  	v47 =	vunpack.i.l.bf16.f32 v3  }
0x71: {  	v3 =	vunpack.i.u.bf16.f32 v3;
	v5 =	vmul.f32 v47, v46  }
0x72: {  	v3 =	vmul.f32 v3, v46  }
0x73: {  	[tilespmem:s20+$0xFFFFFC80] =	vst v5  }
0x74: {  	[tilespmem:s20+$0xFFFFFC90] =	vst v3  }
0x75: {  	v3 =	vld [tilespmem:s19+$0xFFFFFE50];
	_ =	sdelay $0x4  }
0x76: {  	v48 =	vunpack.i.l.bf16.f32 v3  }
0x77: {  	v3 =	vunpack.i.u.bf16.f32 v3;
	v5 =	vmul.f32 v48, v46  }
0x78: {  	v3 =	vmul.f32 v3, v46  }
0x79: {  	[tilespmem:s20+$0xFFFFFCA0] =	vst v5  }
0x7a: {  	[tilespmem:s20+$0xFFFFFCB0] =	vst v3  }
0x7b: {  	v3 =	vld [tilespmem:s19+$0xFFFFFE60];
	_ =	sdelay $0x4  }
0x7c: {  	v49 =	vunpack.i.l.bf16.f32 v3  }
0x7d: {  	v3 =	vunpack.i.u.bf16.f32 v3;
	v5 =	vmul.f32 v49, v46  }
0x7e: {  	v3 =	vmul.f32 v3, v46  }
0x7f: {  	[tilespmem:s20+$0xFFFFFCC0] =	vst v5  }
0x80: {  	[tilespmem:s20+$0xFFFFFCD0] =	vst v3  }
0x81: {  	v3 =	vld [tilespmem:s19+$0xFFFFFE70];
	_ =	sdelay $0x4  }
0x82: {  	v50 =	vunpack.i.l.bf16.f32 v3  }
0x83: {  	v3 =	vunpack.i.u.bf16.f32 v3;
	v5 =	vmul.f32 v50, v46  }
0x84: {  	v3 =	vmul.f32 v3, v46  }
0x85: {  	[tilespmem:s20+$0xFFFFFCE0] =	vst v5  }
0x86: {  	[tilespmem:s20+$0xFFFFFCF0] =	vst v3  }
0x87: {  	v3 =	vld [tilespmem:s19+$0xFFFFFE80];
	_ =	sdelay $0x3  }
0x88: {  	v51 =	vbroadcast v2, $0x2  }
0x89: {  	v52 =	vunpack.i.l.bf16.f32 v3  }
0x8a: {  	v3 =	vunpack.i.u.bf16.f32 v3;
	v5 =	vmul.f32 v52, v51  }
0x8b: {  	v3 =	vmul.f32 v3, v51  }
0x8c: {  	[tilespmem:s20+$0xFFFFFD00] =	vst v5  }
0x8d: {  	[tilespmem:s20+$0xFFFFFD10] =	vst v3  }
0x8e: {  	v3 =	vld [tilespmem:s19+$0xFFFFFE90];
	_ =	sdelay $0x4  }
0x8f: {  	v53 =	vunpack.i.l.bf16.f32 v3  }
0x90: {  	v3 =	vunpack.i.u.bf16.f32 v3;
	v5 =	vmul.f32 v53, v51  }
0x91: {  	v3 =	vmul.f32 v3, v51  }
0x92: {  	[tilespmem:s20+$0xFFFFFD20] =	vst v5  }
0x93: {  	[tilespmem:s20+$0xFFFFFD30] =	vst v3  }
0x94: {  	v3 =	vld [tilespmem:s19+$0xFFFFFEA0];
	_ =	sdelay $0x4  }
0x95: {  	v54 =	vunpack.i.l.bf16.f32 v3  }
0x96: {  	v3 =	vunpack.i.u.bf16.f32 v3;
	v5 =	vmul.f32 v54, v51  }
0x97: {  	v3 =	vmul.f32 v3, v51  }
0x98: {  	[tilespmem:s20+$0xFFFFFD40] =	vst v5  }
0x99: {  	[tilespmem:s20+$0xFFFFFD50] =	vst v3  }
0x9a: {  	v3 =	vld [tilespmem:s19+$0xFFFFFEB0];
	_ =	sdelay $0x4  }
0x9b: {  	v55 =	vunpack.i.l.bf16.f32 v3  }
0x9c: {  	v3 =	vunpack.i.u.bf16.f32 v3;
	v5 =	vmul.f32 v55, v51  }
0x9d: {  	v3 =	vmul.f32 v3, v51  }
0x9e: {  	[tilespmem:s20+$0xFFFFFD60] =	vst v5  }
0x9f: {  	[tilespmem:s20+$0xFFFFFD70] =	vst v3  }
0xa0: {  	v3 =	vld [tilespmem:s19+$0xFFFFFEC0];
	_ =	sdelay $0x3  }
0xa1: {  	v56 =	vbroadcast v2, $0x3  }
0xa2: {  	v57 =	vunpack.i.l.bf16.f32 v3  }
0xa3: {  	v3 =	vunpack.i.u.bf16.f32 v3;
	v5 =	vmul.f32 v57, v56  }
0xa4: {  	v3 =	vmul.f32 v3, v56  }
0xa5: {  	[tilespmem:s20+$0xFFFFFD80] =	vst v5  }
0xa6: {  	[tilespmem:s20+$0xFFFFFD90] =	vst v3  }
0xa7: {  	v3 =	vld [tilespmem:s19+$0xFFFFFED0];
	_ =	sdelay $0x4  }
0xa8: {  	v58 =	vunpack.i.l.bf16.f32 v3  }
0xa9: {  	v3 =	vunpack.i.u.bf16.f32 v3;
	v5 =	vmul.f32 v58, v56  }
0xaa: {  	v3 =	vmul.f32 v3, v56  }
0xab: {  	[tilespmem:s20+$0xFFFFFDA0] =	vst v5  }
0xac: {  	[tilespmem:s20+$0xFFFFFDB0] =	vst v3  }
0xad: {  	v3 =	vld [tilespmem:s19+$0xFFFFFEE0];
	_ =	sdelay $0x4  }
0xae: {  	v59 =	vunpack.i.l.bf16.f32 v3  }
0xaf: {  	v3 =	vunpack.i.u.bf16.f32 v3;
	v5 =	vmul.f32 v59, v56  }
0xb0: {  	v3 =	vmul.f32 v3, v56  }
0xb1: {  	[tilespmem:s20+$0xFFFFFDC0] =	vst v5  }
0xb2: {  	[tilespmem:s20+$0xFFFFFDD0] =	vst v3  }
0xb3: {  	v3 =	vld [tilespmem:s19+$0xFFFFFEF0];
	_ =	sdelay $0x4  }
0xb4: {  	v60 =	vunpack.i.l.bf16.f32 v3  }
0xb5: {  	v3 =	vunpack.i.u.bf16.f32 v3;
	v5 =	vmul.f32 v60, v56  }
0xb6: {  	v3 =	vmul.f32 v3, v56  }
0xb7: {  	[tilespmem:s20+$0xFFFFFDE0] =	vst v5  }
0xb8: {  	[tilespmem:s20+$0xFFFFFDF0] =	vst v3  }
0xb9: {  	v3 =	vld [tilespmem:s19+$0xFFFFFF00];
	_ =	sdelay $0x3  }
0xba: {  	v61 =	vbroadcast v2, $0x4  }
0xbb: {  	v62 =	vunpack.i.l.bf16.f32 v3  }
0xbc: {  	v3 =	vunpack.i.u.bf16.f32 v3;
	v5 =	vmul.f32 v62, v61  }
0xbd: {  	v3 =	vmul.f32 v3, v61  }
0xbe: {  	[tilespmem:s20+$0xFFFFFE00] =	vst v5  }
0xbf: {  	[tilespmem:s20+$0xFFFFFE10] =	vst v3  }
0xc0: {  	v3 =	vld [tilespmem:s19+$0xFFFFFF10];
	_ =	sdelay $0x4  }
0xc1: {  	v63 =	vunpack.i.l.bf16.f32 v3  }
0xc2: {  	v3 =	vunpack.i.u.bf16.f32 v3;
	v5 =	vmul.f32 v63, v61  }
0xc3: {  	v3 =	vmul.f32 v3, v61  }
0xc4: {  	[tilespmem:s20+$0xFFFFFE20] =	vst v5  }
0xc5: {  	[tilespmem:s20+$0xFFFFFE30] =	vst v3  }
0xc6: {  	v3 =	vld [tilespmem:s19+$0xFFFFFF20];
	_ =	sdelay $0x4  }
0xc7: {  	v8 =	vunpack.i.l.bf16.f32 v3  }
0xc8: {  	v3 =	vunpack.i.u.bf16.f32 v3;
	v5 =	vmul.f32 v8, v61  }
0xc9: {  	v3 =	vmul.f32 v3, v61  }
0xca: {  	[tilespmem:s20+$0xFFFFFE40] =	vst v5  }
0xcb: {  	[tilespmem:s20+$0xFFFFFE50] =	vst v3  }
0xcc: {  	v3 =	vld [tilespmem:s19+$0xFFFFFF30];
	_ =	sdelay $0x4  }
0xcd: {  	v9 =	vunpack.i.l.bf16.f32 v3  }
0xce: {  	v3 =	vunpack.i.u.bf16.f32 v3;
	v5 =	vmul.f32 v9, v61  }
0xcf: {  	v3 =	vmul.f32 v3, v61  }
0xd0: {  	[tilespmem:s20+$0xFFFFFE60] =	vst v5  }
0xd1: {  	[tilespmem:s20+$0xFFFFFE70] =	vst v3  }
0xd2: {  	v3 =	vld [tilespmem:s19+$0xFFFFFF40];
	_ =	sdelay $0x3  }
0xd3: {  	v10 =	vbroadcast v2, $0x5  }
0xd4: {  	v11 =	vunpack.i.l.bf16.f32 v3  }
0xd5: {  	v3 =	vunpack.i.u.bf16.f32 v3;
	v5 =	vmul.f32 v11, v10  }
0xd6: {  	v3 =	vmul.f32 v3, v10  }
0xd7: {  	[tilespmem:s20+$0xFFFFFE80] =	vst v5  }
0xd8: {  	[tilespmem:s20+$0xFFFFFE90] =	vst v3  }
0xd9: {  	v3 =	vld [tilespmem:s19+$0xFFFFFF50];
	_ =	sdelay $0x4  }
0xda: {  	v12 =	vunpack.i.l.bf16.f32 v3  }
0xdb: {  	v3 =	vunpack.i.u.bf16.f32 v3;
	v5 =	vmul.f32 v12, v10  }
0xdc: {  	v3 =	vmul.f32 v3, v10  }
0xdd: {  	[tilespmem:s20+$0xFFFFFEA0] =	vst v5  }
0xde: {  	[tilespmem:s20+$0xFFFFFEB0] =	vst v3  }
0xdf: {  	v3 =	vld [tilespmem:s19+$0xFFFFFF60];
	_ =	sdelay $0x4  }
0xe0: {  	v13 =	vunpack.i.l.bf16.f32 v3  }
0xe1: {  	v3 =	vunpack.i.u.bf16.f32 v3;
	v5 =	vmul.f32 v13, v10  }
0xe2: {  	v3 =	vmul.f32 v3, v10  }
0xe3: {  	[tilespmem:s20+$0xFFFFFEC0] =	vst v5  }
0xe4: {  	[tilespmem:s20+$0xFFFFFED0] =	vst v3  }
0xe5: {  	v3 =	vld [tilespmem:s19+$0xFFFFFF70];
	_ =	sdelay $0x4  }
0xe6: {  	v14 =	vunpack.i.l.bf16.f32 v3  }
0xe7: {  	v3 =	vunpack.i.u.bf16.f32 v3;
	v5 =	vmul.f32 v14, v10  }
0xe8: {  	v3 =	vmul.f32 v3, v10  }
0xe9: {  	[tilespmem:s20+$0xFFFFFEE0] =	vst v5  }
0xea: {  	[tilespmem:s20+$0xFFFFFEF0] =	vst v3  }
0xeb: {  	v3 =	vld [tilespmem:s19+$0xFFFFFF80];
	_ =	sdelay $0x3  }
0xec: {  	v15 =	vbroadcast v2, $0x6  }
0xed: {  	v16 =	vunpack.i.l.bf16.f32 v3  }
0xee: {  	v3 =	vunpack.i.u.bf16.f32 v3;
	v5 =	vmul.f32 v16, v15  }
0xef: {  	v3 =	vmul.f32 v3, v15  }
0xf0: {  	[tilespmem:s20+$0xFFFFFF00] =	vst v5  }
0xf1: {  	[tilespmem:s20+$0xFFFFFF10] =	vst v3  }
0xf2: {  	v3 =	vld [tilespmem:s19+$0xFFFFFF90];
	_ =	sdelay $0x4  }
0xf3: {  	v17 =	vunpack.i.l.bf16.f32 v3  }
0xf4: {  	v3 =	vunpack.i.u.bf16.f32 v3;
	v5 =	vmul.f32 v17, v15  }
0xf5: {  	v3 =	vmul.f32 v3, v15  }
0xf6: {  	[tilespmem:s20+$0xFFFFFF20] =	vst v5  }
0xf7: {  	[tilespmem:s20+$0xFFFFFF30] =	vst v3  }
0xf8: {  	v3 =	vld [tilespmem:s19+$0xFFFFFFA0];
	_ =	sdelay $0x4  }
0xf9: {  	v18 =	vunpack.i.l.bf16.f32 v3  }
0xfa: {  	v3 =	vunpack.i.u.bf16.f32 v3;
	v5 =	vmul.f32 v18, v15  }
0xfb: {  	v3 =	vmul.f32 v3, v15  }
0xfc: {  	[tilespmem:s20+$0xFFFFFF40] =	vst v5  }
0xfd: {  	[tilespmem:s20+$0xFFFFFF50] =	vst v3  }
0xfe: {  	v3 =	vld [tilespmem:s19+$0xFFFFFFB0];
	_ =	sdelay $0x4  }
0xff: {  	v19 =	vunpack.i.l.bf16.f32 v3  }
0x100: {  	v3 =	vunpack.i.u.bf16.f32 v3;
	v5 =	vmul.f32 v19, v15  }
0x101: {  	v3 =	vmul.f32 v3, v15  }
0x102: {  	[tilespmem:s20+$0xFFFFFF60] =	vst v5  }
0x103: {  	[tilespmem:s20+$0xFFFFFF70] =	vst v3  }
0x104: {  	v3 =	vld [tilespmem:s19+$0xFFFFFFC0];
	_ =	sdelay $0x3  }
0x105: {  	v20 =	vbroadcast v2, $0x7  }
0x106: {  	v21 =	vunpack.i.l.bf16.f32 v3  }
0x107: {  	v3 =	vunpack.i.u.bf16.f32 v3;
	v5 =	vmul.f32 v21, v20  }
0x108: {  	v3 =	vmul.f32 v3, v20  }
0x109: {  	[tilespmem:s20+$0xFFFFFF80] =	vst v5  }
0x10a: {  	[tilespmem:s20+$0xFFFFFF90] =	vst v3  }
0x10b: {  	v3 =	vld [tilespmem:s19+$0xFFFFFFD0];
	_ =	sdelay $0x4  }
0x10c: {  	v22 =	vunpack.i.l.bf16.f32 v3  }
0x10d: {  	v3 =	vunpack.i.u.bf16.f32 v3;
	v5 =	vmul.f32 v22, v20  }
0x10e: {  	v3 =	vmul.f32 v3, v20  }
0x10f: {  	[tilespmem:s20+$0xFFFFFFA0] =	vst v5  }
0x110: {  	[tilespmem:s20+$0xFFFFFFB0] =	vst v3  }
0x111: {  	v3 =	vld [tilespmem:s19+$0xFFFFFFE0];
	_ =	sdelay $0x4  }
0x112: {  	v23 =	vunpack.i.l.bf16.f32 v3  }
0x113: {  	v3 =	vunpack.i.u.bf16.f32 v3;
	v5 =	vmul.f32 v23, v20  }
0x114: {  	v3 =	vmul.f32 v3, v20  }
0x115: {  	[tilespmem:s20+$0xFFFFFFC0] =	vst v5  }
0x116: {  	[tilespmem:s20+$0xFFFFFFD0] =	vst v3  }
0x117: {  	v3 =	vld [tilespmem:s19+$0xFFFFFFF0];
	_ =	sdelay $0x4  }
0x118: {  	v24 =	vunpack.i.l.bf16.f32 v3  }
0x119: {  	v3 =	vunpack.i.u.bf16.f32 v3;
	v5 =	vmul.f32 v24, v20  }
0x11a: {  	v3 =	vmul.f32 v3, v20  }
0x11b: {  	[tilespmem:s20+$0xFFFFFFE0] =	vst v5  }
0x11c: {  	[tilespmem:s20+$0xFFFFFFF0] =	vst v3  }
0x11d: {  	v3 =	vld [tilespmem:s19+$0x0];
	_ =	sdelay $0x3  }
0x11e: {  	v25 =	vbroadcast v2, $0x8  }
0x11f: {  	v26 =	vunpack.i.l.bf16.f32 v3  }
0x120: {  	v3 =	vunpack.i.u.bf16.f32 v3;
	v5 =	vmul.f32 v26, v25  }
0x121: {  	v3 =	vmul.f32 v3, v25  }
0x122: {  	[tilespmem:s20+$0x0] =	vst v5  }
0x123: {  	[tilespmem:s20+$0x10] =	vst v3  }
0x124: {  	v3 =	vld [tilespmem:s19+$0x10];
	_ =	sdelay $0x4  }
0x125: {  	v27 =	vunpack.i.l.bf16.f32 v3  }
0x126: {  	v3 =	vunpack.i.u.bf16.f32 v3;
	v5 =	vmul.f32 v27, v25  }
0x127: {  	v3 =	vmul.f32 v3, v25  }
0x128: {  	[tilespmem:s20+$0x20] =	vst v5  }
0x129: {  	[tilespmem:s20+$0x30] =	vst v3  }
0x12a: {  	v3 =	vld [tilespmem:s19+$0x20];
	_ =	sdelay $0x4  }
0x12b: {  	v28 =	vunpack.i.l.bf16.f32 v3  }
0x12c: {  	v3 =	vunpack.i.u.bf16.f32 v3;
	v5 =	vmul.f32 v28, v25  }
0x12d: {  	v3 =	vmul.f32 v3, v25  }
0x12e: {  	[tilespmem:s20+$0x40] =	vst v5  }
0x12f: {  	[tilespmem:s20+$0x50] =	vst v3  }
0x130: {  	v3 =	vld [tilespmem:s19+$0x30];
	_ =	sdelay $0x4  }
0x131: {  	v29 =	vunpack.i.l.bf16.f32 v3  }
0x132: {  	v3 =	vunpack.i.u.bf16.f32 v3;
	v5 =	vmul.f32 v29, v25  }
0x133: {  	v3 =	vmul.f32 v3, v25  }
0x134: {  	[tilespmem:s20+$0x60] =	vst v5  }
0x135: {  	[tilespmem:s20+$0x70] =	vst v3  }
0x136: {  	v3 =	vld [tilespmem:s19+$0x40];
	_ =	sdelay $0x3  }
0x137: {  	v30 =	vbroadcast v2, $0x9  }
0x138: {  	v31 =	vunpack.i.l.bf16.f32 v3  }
0x139: {  	v3 =	vunpack.i.u.bf16.f32 v3;
	v5 =	vmul.f32 v31, v30  }
0x13a: {  	v3 =	vmul.f32 v3, v30  }
0x13b: {  	[tilespmem:s20+$0x80] =	vst v5  }
0x13c: {  	[tilespmem:s20+$0x90] =	vst v3  }
0x13d: {  	v3 =	vld [tilespmem:s19+$0x50];
	_ =	sdelay $0x4  }
0x13e: {  	v32 =	vunpack.i.l.bf16.f32 v3  }
0x13f: {  	v3 =	vunpack.i.u.bf16.f32 v3;
	v5 =	vmul.f32 v32, v30  }
0x140: {  	v3 =	vmul.f32 v3, v30  }
0x141: {  	[tilespmem:s20+$0xA0] =	vst v5  }
0x142: {  	[tilespmem:s20+$0xB0] =	vst v3  }
0x143: {  	v3 =	vld [tilespmem:s19+$0x60];
	_ =	sdelay $0x4  }
0x144: {  	v33 =	vunpack.i.l.bf16.f32 v3  }
0x145: {  	v3 =	vunpack.i.u.bf16.f32 v3;
	v5 =	vmul.f32 v33, v30  }
0x146: {  	v3 =	vmul.f32 v3, v30  }
0x147: {  	[tilespmem:s20+$0xC0] =	vst v5  }
0x148: {  	[tilespmem:s20+$0xD0] =	vst v3  }
0x149: {  	v3 =	vld [tilespmem:s19+$0x70];
	_ =	sdelay $0x4  }
0x14a: {  	v34 =	vunpack.i.l.bf16.f32 v3  }
0x14b: {  	v3 =	vunpack.i.u.bf16.f32 v3;
	v5 =	vmul.f32 v34, v30  }
0x14c: {  	v3 =	vmul.f32 v3, v30  }
0x14d: {  	[tilespmem:s20+$0xE0] =	vst v5  }
0x14e: {  	[tilespmem:s20+$0xF0] =	vst v3  }
0x14f: {  	v3 =	vld [tilespmem:s19+$0x80];
	_ =	sdelay $0x3  }
0x150: {  	v35 =	vbroadcast v2, $0xA  }
0x151: {  	v36 =	vunpack.i.l.bf16.f32 v3  }
0x152: {  	v3 =	vunpack.i.u.bf16.f32 v3;
	v5 =	vmul.f32 v36, v35  }
0x153: {  	v3 =	vmul.f32 v3, v35  }
0x154: {  	[tilespmem:s20+$0x100] =	vst v5  }
0x155: {  	[tilespmem:s20+$0x110] =	vst v3  }
0x156: {  	v3 =	vld [tilespmem:s19+$0x90];
	_ =	sdelay $0x4  }
0x157: {  	v37 =	vunpack.i.l.bf16.f32 v3  }
0x158: {  	v3 =	vunpack.i.u.bf16.f32 v3;
	v5 =	vmul.f32 v37, v35  }
0x159: {  	v3 =	vmul.f32 v3, v35  }
0x15a: {  	[tilespmem:s20+$0x120] =	vst v5  }
0x15b: {  	[tilespmem:s20+$0x130] =	vst v3  }
0x15c: {  	v3 =	vld [tilespmem:s19+$0xA0];
	_ =	sdelay $0x4  }
0x15d: {  	v38 =	vunpack.i.l.bf16.f32 v3  }
0x15e: {  	v3 =	vunpack.i.u.bf16.f32 v3;
	v5 =	vmul.f32 v38, v35  }
0x15f: {  	v3 =	vmul.f32 v3, v35  }
0x160: {  	[tilespmem:s20+$0x140] =	vst v5  }
0x161: {  	[tilespmem:s20+$0x150] =	vst v3  }
0x162: {  	v3 =	vld [tilespmem:s19+$0xB0];
	_ =	sdelay $0x4  }
0x163: {  	v39 =	vunpack.i.l.bf16.f32 v3  }
0x164: {  	v3 =	vunpack.i.u.bf16.f32 v3;
	v5 =	vmul.f32 v39, v35  }
0x165: {  	v3 =	vmul.f32 v3, v35  }
0x166: {  	[tilespmem:s20+$0x160] =	vst v5  }
0x167: {  	[tilespmem:s20+$0x170] =	vst v3  }
0x168: {  	v3 =	vld [tilespmem:s19+$0xC0];
	_ =	sdelay $0x3  }
0x169: {  	v40 =	vbroadcast v2, $0xB  }
0x16a: {  	v41 =	vunpack.i.l.bf16.f32 v3  }
0x16b: {  	v3 =	vunpack.i.u.bf16.f32 v3;
	v5 =	vmul.f32 v41, v40  }
0x16c: {  	v3 =	vmul.f32 v3, v40  }
0x16d: {  	[tilespmem:s20+$0x180] =	vst v5  }
0x16e: {  	[tilespmem:s20+$0x190] =	vst v3  }
0x16f: {  	v3 =	vld [tilespmem:s19+$0xD0];
	_ =	sdelay $0x4  }
0x170: {  	v42 =	vunpack.i.l.bf16.f32 v3  }
0x171: {  	v3 =	vunpack.i.u.bf16.f32 v3;
	v5 =	vmul.f32 v42, v40  }
0x172: {  	v3 =	vmul.f32 v3, v40  }
0x173: {  	[tilespmem:s20+$0x1A0] =	vst v5  }
0x174: {  	[tilespmem:s20+$0x1B0] =	vst v3  }
0x175: {  	v3 =	vld [tilespmem:s19+$0xE0];
	_ =	sdelay $0x4  }
0x176: {  	v43 =	vunpack.i.l.bf16.f32 v3  }
0x177: {  	v3 =	vunpack.i.u.bf16.f32 v3;
	v5 =	vmul.f32 v43, v40  }
0x178: {  	v3 =	vmul.f32 v3, v40  }
0x179: {  	[tilespmem:s20+$0x1C0] =	vst v5  }
0x17a: {  	[tilespmem:s20+$0x1D0] =	vst v3  }
0x17b: {  	v3 =	vld [tilespmem:s19+$0xF0];
	_ =	sdelay $0x4  }
0x17c: {  	v44 =	vunpack.i.l.bf16.f32 v3  }
0x17d: {  	v3 =	vunpack.i.u.bf16.f32 v3;
	v5 =	vmul.f32 v44, v40  }
0x17e: {  	v3 =	vmul.f32 v3, v40  }
0x17f: {  	[tilespmem:s20+$0x1E0] =	vst v5  }
0x180: {  	[tilespmem:s20+$0x1F0] =	vst v3  }
0x181: {  	v3 =	vld [tilespmem:s19+$0x100];
	_ =	sdelay $0x3  }
0x182: {  	v45 =	vbroadcast v2, $0xC  }
0x183: {  	v46 =	vunpack.i.l.bf16.f32 v3  }
0x184: {  	v3 =	vunpack.i.u.bf16.f32 v3;
	v5 =	vmul.f32 v46, v45  }
0x185: {  	v3 =	vmul.f32 v3, v45  }
0x186: {  	[tilespmem:s20+$0x200] =	vst v5  }
0x187: {  	[tilespmem:s20+$0x210] =	vst v3  }
0x188: {  	v3 =	vld [tilespmem:s19+$0x110];
	_ =	sdelay $0x4  }
0x189: {  	v47 =	vunpack.i.l.bf16.f32 v3  }
0x18a: {  	v3 =	vunpack.i.u.bf16.f32 v3;
	v5 =	vmul.f32 v47, v45  }
0x18b: {  	v3 =	vmul.f32 v3, v45  }
0x18c: {  	[tilespmem:s20+$0x220] =	vst v5  }
0x18d: {  	[tilespmem:s20+$0x230] =	vst v3  }
0x18e: {  	v3 =	vld [tilespmem:s19+$0x120];
	_ =	sdelay $0x4  }
0x18f: {  	v48 =	vunpack.i.l.bf16.f32 v3  }
0x190: {  	v3 =	vunpack.i.u.bf16.f32 v3;
	v5 =	vmul.f32 v48, v45  }
0x191: {  	v3 =	vmul.f32 v3, v45  }
0x192: {  	[tilespmem:s20+$0x240] =	vst v5  }
0x193: {  	[tilespmem:s20+$0x250] =	vst v3  }
0x194: {  	v3 =	vld [tilespmem:s19+$0x130];
	_ =	sdelay $0x4  }
0x195: {  	v49 =	vunpack.i.l.bf16.f32 v3  }
0x196: {  	v3 =	vunpack.i.u.bf16.f32 v3;
	v5 =	vmul.f32 v49, v45  }
0x197: {  	v3 =	vmul.f32 v3, v45  }
0x198: {  	[tilespmem:s20+$0x260] =	vst v5  }
0x199: {  	[tilespmem:s20+$0x270] =	vst v3  }
0x19a: {  	v3 =	vld [tilespmem:s19+$0x140];
	_ =	sdelay $0x3  }
0x19b: {  	v50 =	vbroadcast v2, $0xD  }
0x19c: {  	v51 =	vunpack.i.l.bf16.f32 v3  }
0x19d: {  	v3 =	vunpack.i.u.bf16.f32 v3;
	v5 =	vmul.f32 v51, v50  }
0x19e: {  	v3 =	vmul.f32 v3, v50  }
0x19f: {  	[tilespmem:s20+$0x280] =	vst v5  }
0x1a0: {  	[tilespmem:s20+$0x290] =	vst v3  }
0x1a1: {  	v3 =	vld [tilespmem:s19+$0x150];
	_ =	sdelay $0x4  }
0x1a2: {  	v52 =	vunpack.i.l.bf16.f32 v3  }
0x1a3: {  	v3 =	vunpack.i.u.bf16.f32 v3;
	v5 =	vmul.f32 v52, v50  }
0x1a4: {  	v3 =	vmul.f32 v3, v50  }
0x1a5: {  	[tilespmem:s20+$0x2A0] =	vst v5  }
0x1a6: {  	[tilespmem:s20+$0x2B0] =	vst v3  }
0x1a7: {  	v3 =	vld [tilespmem:s19+$0x160];
	_ =	sdelay $0x4  }
0x1a8: {  	v53 =	vunpack.i.l.bf16.f32 v3  }
0x1a9: {  	v3 =	vunpack.i.u.bf16.f32 v3;
	v5 =	vmul.f32 v53, v50  }
0x1aa: {  	v3 =	vmul.f32 v3, v50  }
0x1ab: {  	[tilespmem:s20+$0x2C0] =	vst v5  }
0x1ac: {  	[tilespmem:s20+$0x2D0] =	vst v3  }
0x1ad: {  	v3 =	vld [tilespmem:s19+$0x170];
	_ =	sdelay $0x4  }
0x1ae: {  	v54 =	vunpack.i.l.bf16.f32 v3  }
0x1af: {  	v3 =	vunpack.i.u.bf16.f32 v3;
	v5 =	vmul.f32 v54, v50  }
0x1b0: {  	v3 =	vmul.f32 v3, v50  }
0x1b1: {  	[tilespmem:s20+$0x2E0] =	vst v5  }
0x1b2: {  	[tilespmem:s20+$0x2F0] =	vst v3  }
0x1b3: {  	v3 =	vld [tilespmem:s19+$0x180];
	_ =	sdelay $0x3  }
0x1b4: {  	v55 =	vbroadcast v2, $0xE  }
0x1b5: {  	v56 =	vunpack.i.l.bf16.f32 v3  }
0x1b6: {  	v3 =	vunpack.i.u.bf16.f32 v3;
	v5 =	vmul.f32 v56, v55  }
0x1b7: {  	v3 =	vmul.f32 v3, v55  }
0x1b8: {  	[tilespmem:s20+$0x300] =	vst v5  }
0x1b9: {  	[tilespmem:s20+$0x310] =	vst v3  }
0x1ba: {  	v3 =	vld [tilespmem:s19+$0x190];
	_ =	sdelay $0x4  }
0x1bb: {  	v57 =	vunpack.i.l.bf16.f32 v3  }
0x1bc: {  	v3 =	vunpack.i.u.bf16.f32 v3;
	v5 =	vmul.f32 v57, v55  }
0x1bd: {  	v3 =	vmul.f32 v3, v55  }
0x1be: {  	[tilespmem:s20+$0x320] =	vst v5  }
0x1bf: {  	[tilespmem:s20+$0x330] =	vst v3  }
0x1c0: {  	v3 =	vld [tilespmem:s19+$0x1A0];
	_ =	sdelay $0x4  }
0x1c1: {  	v58 =	vunpack.i.l.bf16.f32 v3  }
0x1c2: {  	v3 =	vunpack.i.u.bf16.f32 v3;
	v5 =	vmul.f32 v58, v55  }
0x1c3: {  	v3 =	vmul.f32 v3, v55  }
0x1c4: {  	[tilespmem:s20+$0x340] =	vst v5  }
0x1c5: {  	[tilespmem:s20+$0x350] =	vst v3  }
0x1c6: {  	v3 =	vld [tilespmem:s19+$0x1B0];
	_ =	sdelay $0x4  }
0x1c7: {  	v59 =	vunpack.i.l.bf16.f32 v3  }
0x1c8: {  	v3 =	vunpack.i.u.bf16.f32 v3;
	v5 =	vmul.f32 v59, v55  }
0x1c9: {  	v3 =	vmul.f32 v3, v55  }
0x1ca: {  	[tilespmem:s20+$0x360] =	vst v5  }
0x1cb: {  	[tilespmem:s20+$0x370] =	vst v3  }
0x1cc: {  	v3 =	vld [tilespmem:s19+$0x1C0];
	_ =	sdelay $0x3  }
0x1cd: {  	v2 =	vbroadcast v2, $0xF  }
0x1ce: {  	v60 =	vunpack.i.l.bf16.f32 v3  }
0x1cf: {  	v3 =	vunpack.i.u.bf16.f32 v3;
	v4 =	vmul.f32 v60, v2  }
0x1d0: {  	v3 =	vmul.f32 v3, v2  }
0x1d1: {  	[tilespmem:s20+$0x380] =	vst v4  }
0x1d2: {  	[tilespmem:s20+$0x390] =	vst v3  }
0x1d3: {  	v3 =	vld [tilespmem:s19+$0x1D0];
	_ =	sdelay $0x4  }
0x1d4: {  	v61 =	vunpack.i.l.bf16.f32 v3  }
0x1d5: {  	v3 =	vunpack.i.u.bf16.f32 v3;
	v4 =	vmul.f32 v61, v2  }
0x1d6: {  	v3 =	vmul.f32 v3, v2  }
0x1d7: {  	[tilespmem:s20+$0x3A0] =	vst v4  }
0x1d8: {  	[tilespmem:s20+$0x3B0] =	vst v3  }
0x1d9: {  	v3 =	vld [tilespmem:s19+$0x1E0];
	_ =	sdelay $0x4  }
0x1da: {  	v62 =	vunpack.i.l.bf16.f32 v3  }
0x1db: {  	v3 =	vunpack.i.u.bf16.f32 v3;
	v4 =	vmul.f32 v62, v2  }
0x1dc: {  	v3 =	vmul.f32 v3, v2  }
0x1dd: {  	[tilespmem:s20+$0x3C0] =	vst v4  }
0x1de: {  	[tilespmem:s20+$0x3D0] =	vst v3  }
0x1df: {  	v3 =	vld [tilespmem:s19+$0x1F0];
	_ =	sdelay $0x3  }
0x1e0: {  	p0 =	sne.s32 s18, $0x1C0  }
.Ltmp1:
0x1e1: {  	v63 =	vunpack.i.l.bf16.f32 v3;
	(pc) =	sbr.rel @p0 .LBB2_6-.Ltmp1, $4  }
0x1e2: {  	v3 =	vunpack.i.u.bf16.f32 v3;
	v4 =	vmul.f32 v63, v2  }
0x1e3: {  	v2 =	vmul.f32 v3, v2  }
0x1e4: {  	[tilespmem:s20+$0x3E0] =	vst v4  }
0x1e5: {  	s18 =	sadd.s32 $0x40, s18;
	s19 =	sadd.s32 $0x400, s19;
	[tilespmem:s20+$0x3F0] =	vst v2;
	s20 =	sadd.s32 $0x800, s20  }
0x1e6: {  	s8 =	sshrl.u32 s17, $0x2  }
0x1e7: {  	s8 =	sadd.s32 $0x800, s8  }
0x1e8: {  	[spmem:s3] =	stream.indirect.scatter.add.f32 [tilespmem:s21], [sflag:$0x3], $0x80, s8, s24, $0xb8;
	[tilespmem:$0x1D800] =	vst v63  }
0x1e9: {  	_ =	swait.ge [sflag:s22], $0x4000  }
0x1ea: {  	[sflag:s22] =	ssyncset.done $0x0  }
0x1eb: {  	[sflag:s22] =	ssyncadd.s32 $0xFFFFC000  }
0x1ec: {  	p0 =	seq.s32 s15, $0x7;
	_ =	swait.ge [sflag:s29], $0x2000  }
0x1ed: {  	v1 =	vmov s4;
	s18 =	simm.s32 @!p0 $0x1800;
	s8 =	sshrl.u32 @!p0 s17, $0x2;
	[sflag:s29] =	ssyncset.done $0x0  }
0x1ee: {  	s17 =	simm.s32 @!p0 $0x80;
	s8 =	sadd.s32 @!p0 $0x100, s8;
	[sflag:s29] =	ssyncadd.s32 $0xFFFFE000  }
0x1ef: {  	[tilespmem:s18], [sflag:$0x1] =	stream.indirect.gather @!p0 [hbm4b:s7+s17], $0x40, s8, s17, $0xb8;
	[tilespmem:$0x1D800] =	vst v63  }
0x1f0: {  	s19 =	simm.s32 $0x5C00;
	s17 =	simm.s32 $0x0;
	s18 =	simm.s32 $0x3A00  }
.LBB2_8:
0x1f1: {  	s8 =	sshra.s32 s17, $0x2  }
0x1f2: {  	v2 =	vld.idx.msk [tilespmem:v1+s8+$0x0 ss:$0x1], $0xffff  }
0x1f3: {  	v3 =	vld [tilespmem:s18+$0xFFFFFE00];
	_ =	sdelay $0x3  }
0x1f4: {  	v4 =	vbroadcast v2, $0x0  }
0x1f5: {  	v5 =	vunpack.i.l.bf16.f32 v3  }
0x1f6: {  	v3 =	vunpack.i.u.bf16.f32 v3;
	v5 =	vmul.f32 v5, v4  }
0x1f7: {  	v3 =	vmul.f32 v3, v4  }
0x1f8: {  	[tilespmem:s19+$0xFFFFFC00] =	vst v5  }
0x1f9: {  	[tilespmem:s19+$0xFFFFFC10] =	vst v3  }
0x1fa: {  	v3 =	vld [tilespmem:s18+$0xFFFFFE10];
	_ =	sdelay $0x4  }
0x1fb: {  	v43 =	vunpack.i.l.bf16.f32 v3  }
0x1fc: {  	v3 =	vunpack.i.u.bf16.f32 v3;
	v5 =	vmul.f32 v43, v4  }
0x1fd: {  	v3 =	vmul.f32 v3, v4  }
0x1fe: {  	[tilespmem:s19+$0xFFFFFC20] =	vst v5  }
0x1ff: {  	[tilespmem:s19+$0xFFFFFC30] =	vst v3  }
0x200: {  	v3 =	vld [tilespmem:s18+$0xFFFFFE20];
	_ =	sdelay $0x4  }
0x201: {  	v44 =	vunpack.i.l.bf16.f32 v3  }
0x202: {  	v3 =	vunpack.i.u.bf16.f32 v3;
	v5 =	vmul.f32 v44, v4  }
0x203: {  	v3 =	vmul.f32 v3, v4  }
0x204: {  	[tilespmem:s19+$0xFFFFFC40] =	vst v5  }
0x205: {  	[tilespmem:s19+$0xFFFFFC50] =	vst v3  }
0x206: {  	v3 =	vld [tilespmem:s18+$0xFFFFFE30];
	_ =	sdelay $0x4  }
0x207: {  	v45 =	vunpack.i.l.bf16.f32 v3  }
0x208: {  	v3 =	vunpack.i.u.bf16.f32 v3;
	v5 =	vmul.f32 v45, v4  }
0x209: {  	v3 =	vmul.f32 v3, v4  }
0x20a: {  	[tilespmem:s19+$0xFFFFFC60] =	vst v5  }
0x20b: {  	[tilespmem:s19+$0xFFFFFC70] =	vst v3  }
0x20c: {  	v3 =	vld [tilespmem:s18+$0xFFFFFE40];
	_ =	sdelay $0x3  }
0x20d: {  	v46 =	vbroadcast v2, $0x1  }
0x20e: {  	v47 =	vunpack.i.l.bf16.f32 v3  }
0x20f: {  	v3 =	vunpack.i.u.bf16.f32 v3;
	v5 =	vmul.f32 v47, v46  }
0x210: {  	v3 =	vmul.f32 v3, v46  }
0x211: {  	[tilespmem:s19+$0xFFFFFC80] =	vst v5  }
0x212: {  	[tilespmem:s19+$0xFFFFFC90] =	vst v3  }
0x213: {  	v3 =	vld [tilespmem:s18+$0xFFFFFE50];
	_ =	sdelay $0x4  }
0x214: {  	v48 =	vunpack.i.l.bf16.f32 v3  }
0x215: {  	v3 =	vunpack.i.u.bf16.f32 v3;
	v5 =	vmul.f32 v48, v46  }
0x216: {  	v3 =	vmul.f32 v3, v46  }
0x217: {  	[tilespmem:s19+$0xFFFFFCA0] =	vst v5  }
0x218: {  	[tilespmem:s19+$0xFFFFFCB0] =	vst v3  }
0x219: {  	v3 =	vld [tilespmem:s18+$0xFFFFFE60];
	_ =	sdelay $0x4  }
0x21a: {  	v49 =	vunpack.i.l.bf16.f32 v3  }
0x21b: {  	v3 =	vunpack.i.u.bf16.f32 v3;
	v5 =	vmul.f32 v49, v46  }
0x21c: {  	v3 =	vmul.f32 v3, v46  }
0x21d: {  	[tilespmem:s19+$0xFFFFFCC0] =	vst v5  }
0x21e: {  	[tilespmem:s19+$0xFFFFFCD0] =	vst v3  }
0x21f: {  	v3 =	vld [tilespmem:s18+$0xFFFFFE70];
	_ =	sdelay $0x4  }
0x220: {  	v50 =	vunpack.i.l.bf16.f32 v3  }
0x221: {  	v3 =	vunpack.i.u.bf16.f32 v3;
	v5 =	vmul.f32 v50, v46  }
0x222: {  	v3 =	vmul.f32 v3, v46  }
0x223: {  	[tilespmem:s19+$0xFFFFFCE0] =	vst v5  }
0x224: {  	[tilespmem:s19+$0xFFFFFCF0] =	vst v3  }
0x225: {  	v3 =	vld [tilespmem:s18+$0xFFFFFE80];
	_ =	sdelay $0x3  }
0x226: {  	v51 =	vbroadcast v2, $0x2  }
0x227: {  	v52 =	vunpack.i.l.bf16.f32 v3  }
0x228: {  	v3 =	vunpack.i.u.bf16.f32 v3;
	v5 =	vmul.f32 v52, v51  }
0x229: {  	v3 =	vmul.f32 v3, v51  }
0x22a: {  	[tilespmem:s19+$0xFFFFFD00] =	vst v5  }
0x22b: {  	[tilespmem:s19+$0xFFFFFD10] =	vst v3  }
0x22c: {  	v3 =	vld [tilespmem:s18+$0xFFFFFE90];
	_ =	sdelay $0x4  }
0x22d: {  	v53 =	vunpack.i.l.bf16.f32 v3  }
0x22e: {  	v3 =	vunpack.i.u.bf16.f32 v3;
	v5 =	vmul.f32 v53, v51  }
0x22f: {  	v3 =	vmul.f32 v3, v51  }
0x230: {  	[tilespmem:s19+$0xFFFFFD20] =	vst v5  }
0x231: {  	[tilespmem:s19+$0xFFFFFD30] =	vst v3  }
0x232: {  	v3 =	vld [tilespmem:s18+$0xFFFFFEA0];
	_ =	sdelay $0x4  }
0x233: {  	v54 =	vunpack.i.l.bf16.f32 v3  }
0x234: {  	v3 =	vunpack.i.u.bf16.f32 v3;
	v5 =	vmul.f32 v54, v51  }
0x235: {  	v3 =	vmul.f32 v3, v51  }
0x236: {  	[tilespmem:s19+$0xFFFFFD40] =	vst v5  }
0x237: {  	[tilespmem:s19+$0xFFFFFD50] =	vst v3  }
0x238: {  	v3 =	vld [tilespmem:s18+$0xFFFFFEB0];
	_ =	sdelay $0x4  }
0x239: {  	v55 =	vunpack.i.l.bf16.f32 v3  }
0x23a: {  	v3 =	vunpack.i.u.bf16.f32 v3;
	v5 =	vmul.f32 v55, v51  }
0x23b: {  	v3 =	vmul.f32 v3, v51  }
0x23c: {  	[tilespmem:s19+$0xFFFFFD60] =	vst v5  }
0x23d: {  	[tilespmem:s19+$0xFFFFFD70] =	vst v3  }
0x23e: {  	v3 =	vld [tilespmem:s18+$0xFFFFFEC0];
	_ =	sdelay $0x3  }
0x23f: {  	v56 =	vbroadcast v2, $0x3  }
0x240: {  	v57 =	vunpack.i.l.bf16.f32 v3  }
0x241: {  	v3 =	vunpack.i.u.bf16.f32 v3;
	v5 =	vmul.f32 v57, v56  }
0x242: {  	v3 =	vmul.f32 v3, v56  }
0x243: {  	[tilespmem:s19+$0xFFFFFD80] =	vst v5  }
0x244: {  	[tilespmem:s19+$0xFFFFFD90] =	vst v3  }
0x245: {  	v3 =	vld [tilespmem:s18+$0xFFFFFED0];
	_ =	sdelay $0x4  }
0x246: {  	v58 =	vunpack.i.l.bf16.f32 v3  }
0x247: {  	v3 =	vunpack.i.u.bf16.f32 v3;
	v5 =	vmul.f32 v58, v56  }
0x248: {  	v3 =	vmul.f32 v3, v56  }
0x249: {  	[tilespmem:s19+$0xFFFFFDA0] =	vst v5  }
0x24a: {  	[tilespmem:s19+$0xFFFFFDB0] =	vst v3  }
0x24b: {  	v3 =	vld [tilespmem:s18+$0xFFFFFEE0];
	_ =	sdelay $0x4  }
0x24c: {  	v59 =	vunpack.i.l.bf16.f32 v3  }
0x24d: {  	v3 =	vunpack.i.u.bf16.f32 v3;
	v5 =	vmul.f32 v59, v56  }
0x24e: {  	v3 =	vmul.f32 v3, v56  }
0x24f: {  	[tilespmem:s19+$0xFFFFFDC0] =	vst v5  }
0x250: {  	[tilespmem:s19+$0xFFFFFDD0] =	vst v3  }
0x251: {  	v3 =	vld [tilespmem:s18+$0xFFFFFEF0];
	_ =	sdelay $0x4  }
0x252: {  	v60 =	vunpack.i.l.bf16.f32 v3  }
0x253: {  	v3 =	vunpack.i.u.bf16.f32 v3;
	v5 =	vmul.f32 v60, v56  }
0x254: {  	v3 =	vmul.f32 v3, v56  }
0x255: {  	[tilespmem:s19+$0xFFFFFDE0] =	vst v5  }
0x256: {  	[tilespmem:s19+$0xFFFFFDF0] =	vst v3  }
0x257: {  	v3 =	vld [tilespmem:s18+$0xFFFFFF00];
	_ =	sdelay $0x3  }
0x258: {  	v61 =	vbroadcast v2, $0x4  }
0x259: {  	v62 =	vunpack.i.l.bf16.f32 v3  }
0x25a: {  	v3 =	vunpack.i.u.bf16.f32 v3;
	v5 =	vmul.f32 v62, v61  }
0x25b: {  	v3 =	vmul.f32 v3, v61  }
0x25c: {  	[tilespmem:s19+$0xFFFFFE00] =	vst v5  }
0x25d: {  	[tilespmem:s19+$0xFFFFFE10] =	vst v3  }
0x25e: {  	v3 =	vld [tilespmem:s18+$0xFFFFFF10];
	_ =	sdelay $0x4  }
0x25f: {  	v63 =	vunpack.i.l.bf16.f32 v3  }
0x260: {  	v3 =	vunpack.i.u.bf16.f32 v3;
	v5 =	vmul.f32 v63, v61  }
0x261: {  	v3 =	vmul.f32 v3, v61  }
0x262: {  	[tilespmem:s19+$0xFFFFFE20] =	vst v5  }
0x263: {  	[tilespmem:s19+$0xFFFFFE30] =	vst v3  }
0x264: {  	v3 =	vld [tilespmem:s18+$0xFFFFFF20];
	_ =	sdelay $0x4  }
0x265: {  	v8 =	vunpack.i.l.bf16.f32 v3  }
0x266: {  	v3 =	vunpack.i.u.bf16.f32 v3;
	v5 =	vmul.f32 v8, v61  }
0x267: {  	v3 =	vmul.f32 v3, v61  }
0x268: {  	[tilespmem:s19+$0xFFFFFE40] =	vst v5  }
0x269: {  	[tilespmem:s19+$0xFFFFFE50] =	vst v3  }
0x26a: {  	v3 =	vld [tilespmem:s18+$0xFFFFFF30];
	_ =	sdelay $0x4  }
0x26b: {  	v9 =	vunpack.i.l.bf16.f32 v3  }
0x26c: {  	v3 =	vunpack.i.u.bf16.f32 v3;
	v5 =	vmul.f32 v9, v61  }
0x26d: {  	v3 =	vmul.f32 v3, v61  }
0x26e: {  	[tilespmem:s19+$0xFFFFFE60] =	vst v5  }
0x26f: {  	[tilespmem:s19+$0xFFFFFE70] =	vst v3  }
0x270: {  	v3 =	vld [tilespmem:s18+$0xFFFFFF40];
	_ =	sdelay $0x3  }
0x271: {  	v10 =	vbroadcast v2, $0x5  }
0x272: {  	v11 =	vunpack.i.l.bf16.f32 v3  }
0x273: {  	v3 =	vunpack.i.u.bf16.f32 v3;
	v5 =	vmul.f32 v11, v10  }
0x274: {  	v3 =	vmul.f32 v3, v10  }
0x275: {  	[tilespmem:s19+$0xFFFFFE80] =	vst v5  }
0x276: {  	[tilespmem:s19+$0xFFFFFE90] =	vst v3  }
0x277: {  	v3 =	vld [tilespmem:s18+$0xFFFFFF50];
	_ =	sdelay $0x4  }
0x278: {  	v12 =	vunpack.i.l.bf16.f32 v3  }
0x279: {  	v3 =	vunpack.i.u.bf16.f32 v3;
	v5 =	vmul.f32 v12, v10  }
0x27a: {  	v3 =	vmul.f32 v3, v10  }
0x27b: {  	[tilespmem:s19+$0xFFFFFEA0] =	vst v5  }
0x27c: {  	[tilespmem:s19+$0xFFFFFEB0] =	vst v3  }
0x27d: {  	v3 =	vld [tilespmem:s18+$0xFFFFFF60];
	_ =	sdelay $0x4  }
0x27e: {  	v13 =	vunpack.i.l.bf16.f32 v3  }
0x27f: {  	v3 =	vunpack.i.u.bf16.f32 v3;
	v5 =	vmul.f32 v13, v10  }
0x280: {  	v3 =	vmul.f32 v3, v10  }
0x281: {  	[tilespmem:s19+$0xFFFFFEC0] =	vst v5  }
0x282: {  	[tilespmem:s19+$0xFFFFFED0] =	vst v3  }
0x283: {  	v3 =	vld [tilespmem:s18+$0xFFFFFF70];
	_ =	sdelay $0x4  }
0x284: {  	v14 =	vunpack.i.l.bf16.f32 v3  }
0x285: {  	v3 =	vunpack.i.u.bf16.f32 v3;
	v5 =	vmul.f32 v14, v10  }
0x286: {  	v3 =	vmul.f32 v3, v10  }
0x287: {  	[tilespmem:s19+$0xFFFFFEE0] =	vst v5  }
0x288: {  	[tilespmem:s19+$0xFFFFFEF0] =	vst v3  }
0x289: {  	v3 =	vld [tilespmem:s18+$0xFFFFFF80];
	_ =	sdelay $0x3  }
0x28a: {  	v15 =	vbroadcast v2, $0x6  }
0x28b: {  	v16 =	vunpack.i.l.bf16.f32 v3  }
0x28c: {  	v3 =	vunpack.i.u.bf16.f32 v3;
	v5 =	vmul.f32 v16, v15  }
0x28d: {  	v3 =	vmul.f32 v3, v15  }
0x28e: {  	[tilespmem:s19+$0xFFFFFF00] =	vst v5  }
0x28f: {  	[tilespmem:s19+$0xFFFFFF10] =	vst v3  }
0x290: {  	v3 =	vld [tilespmem:s18+$0xFFFFFF90];
	_ =	sdelay $0x4  }
0x291: {  	v17 =	vunpack.i.l.bf16.f32 v3  }
0x292: {  	v3 =	vunpack.i.u.bf16.f32 v3;
	v5 =	vmul.f32 v17, v15  }
0x293: {  	v3 =	vmul.f32 v3, v15  }
0x294: {  	[tilespmem:s19+$0xFFFFFF20] =	vst v5  }
0x295: {  	[tilespmem:s19+$0xFFFFFF30] =	vst v3  }
0x296: {  	v3 =	vld [tilespmem:s18+$0xFFFFFFA0];
	_ =	sdelay $0x4  }
0x297: {  	v18 =	vunpack.i.l.bf16.f32 v3  }
0x298: {  	v3 =	vunpack.i.u.bf16.f32 v3;
	v5 =	vmul.f32 v18, v15  }
0x299: {  	v3 =	vmul.f32 v3, v15  }
0x29a: {  	[tilespmem:s19+$0xFFFFFF40] =	vst v5  }
0x29b: {  	[tilespmem:s19+$0xFFFFFF50] =	vst v3  }
0x29c: {  	v3 =	vld [tilespmem:s18+$0xFFFFFFB0];
	_ =	sdelay $0x4  }
0x29d: {  	v19 =	vunpack.i.l.bf16.f32 v3  }
0x29e: {  	v3 =	vunpack.i.u.bf16.f32 v3;
	v5 =	vmul.f32 v19, v15  }
0x29f: {  	v3 =	vmul.f32 v3, v15  }
0x2a0: {  	[tilespmem:s19+$0xFFFFFF60] =	vst v5  }
0x2a1: {  	[tilespmem:s19+$0xFFFFFF70] =	vst v3  }
0x2a2: {  	v3 =	vld [tilespmem:s18+$0xFFFFFFC0];
	_ =	sdelay $0x3  }
0x2a3: {  	v20 =	vbroadcast v2, $0x7  }
0x2a4: {  	v21 =	vunpack.i.l.bf16.f32 v3  }
0x2a5: {  	v3 =	vunpack.i.u.bf16.f32 v3;
	v5 =	vmul.f32 v21, v20  }
0x2a6: {  	v3 =	vmul.f32 v3, v20  }
0x2a7: {  	[tilespmem:s19+$0xFFFFFF80] =	vst v5  }
0x2a8: {  	[tilespmem:s19+$0xFFFFFF90] =	vst v3  }
0x2a9: {  	v3 =	vld [tilespmem:s18+$0xFFFFFFD0];
	_ =	sdelay $0x4  }
0x2aa: {  	v22 =	vunpack.i.l.bf16.f32 v3  }
0x2ab: {  	v3 =	vunpack.i.u.bf16.f32 v3;
	v5 =	vmul.f32 v22, v20  }
0x2ac: {  	v3 =	vmul.f32 v3, v20  }
0x2ad: {  	[tilespmem:s19+$0xFFFFFFA0] =	vst v5  }
0x2ae: {  	[tilespmem:s19+$0xFFFFFFB0] =	vst v3  }
0x2af: {  	v3 =	vld [tilespmem:s18+$0xFFFFFFE0];
	_ =	sdelay $0x4  }
0x2b0: {  	v23 =	vunpack.i.l.bf16.f32 v3  }
0x2b1: {  	v3 =	vunpack.i.u.bf16.f32 v3;
	v5 =	vmul.f32 v23, v20  }
0x2b2: {  	v3 =	vmul.f32 v3, v20  }
0x2b3: {  	[tilespmem:s19+$0xFFFFFFC0] =	vst v5  }
0x2b4: {  	[tilespmem:s19+$0xFFFFFFD0] =	vst v3  }
0x2b5: {  	v3 =	vld [tilespmem:s18+$0xFFFFFFF0];
	_ =	sdelay $0x4  }
0x2b6: {  	v24 =	vunpack.i.l.bf16.f32 v3  }
0x2b7: {  	v3 =	vunpack.i.u.bf16.f32 v3;
	v5 =	vmul.f32 v24, v20  }
0x2b8: {  	v3 =	vmul.f32 v3, v20  }
0x2b9: {  	[tilespmem:s19+$0xFFFFFFE0] =	vst v5  }
0x2ba: {  	[tilespmem:s19+$0xFFFFFFF0] =	vst v3  }
0x2bb: {  	v3 =	vld [tilespmem:s18+$0x0];
	_ =	sdelay $0x3  }
0x2bc: {  	v25 =	vbroadcast v2, $0x8  }
0x2bd: {  	v26 =	vunpack.i.l.bf16.f32 v3  }
0x2be: {  	v3 =	vunpack.i.u.bf16.f32 v3;
	v5 =	vmul.f32 v26, v25  }
0x2bf: {  	v3 =	vmul.f32 v3, v25  }
0x2c0: {  	[tilespmem:s19+$0x0] =	vst v5  }
0x2c1: {  	[tilespmem:s19+$0x10] =	vst v3  }
0x2c2: {  	v3 =	vld [tilespmem:s18+$0x10];
	_ =	sdelay $0x4  }
0x2c3: {  	v27 =	vunpack.i.l.bf16.f32 v3  }
0x2c4: {  	v3 =	vunpack.i.u.bf16.f32 v3;
	v5 =	vmul.f32 v27, v25  }
0x2c5: {  	v3 =	vmul.f32 v3, v25  }
0x2c6: {  	[tilespmem:s19+$0x20] =	vst v5  }
0x2c7: {  	[tilespmem:s19+$0x30] =	vst v3  }
0x2c8: {  	v3 =	vld [tilespmem:s18+$0x20];
	_ =	sdelay $0x4  }
0x2c9: {  	v28 =	vunpack.i.l.bf16.f32 v3  }
0x2ca: {  	v3 =	vunpack.i.u.bf16.f32 v3;
	v5 =	vmul.f32 v28, v25  }
0x2cb: {  	v3 =	vmul.f32 v3, v25  }
0x2cc: {  	[tilespmem:s19+$0x40] =	vst v5  }
0x2cd: {  	[tilespmem:s19+$0x50] =	vst v3  }
0x2ce: {  	v3 =	vld [tilespmem:s18+$0x30];
	_ =	sdelay $0x4  }
0x2cf: {  	v29 =	vunpack.i.l.bf16.f32 v3  }
0x2d0: {  	v3 =	vunpack.i.u.bf16.f32 v3;
	v5 =	vmul.f32 v29, v25  }
0x2d1: {  	v3 =	vmul.f32 v3, v25  }
0x2d2: {  	[tilespmem:s19+$0x60] =	vst v5  }
0x2d3: {  	[tilespmem:s19+$0x70] =	vst v3  }
0x2d4: {  	v3 =	vld [tilespmem:s18+$0x40];
	_ =	sdelay $0x3  }
0x2d5: {  	v30 =	vbroadcast v2, $0x9  }
0x2d6: {  	v31 =	vunpack.i.l.bf16.f32 v3  }
0x2d7: {  	v3 =	vunpack.i.u.bf16.f32 v3;
	v5 =	vmul.f32 v31, v30  }
0x2d8: {  	v3 =	vmul.f32 v3, v30  }
0x2d9: {  	[tilespmem:s19+$0x80] =	vst v5  }
0x2da: {  	[tilespmem:s19+$0x90] =	vst v3  }
0x2db: {  	v3 =	vld [tilespmem:s18+$0x50];
	_ =	sdelay $0x4  }
0x2dc: {  	v32 =	vunpack.i.l.bf16.f32 v3  }
0x2dd: {  	v3 =	vunpack.i.u.bf16.f32 v3;
	v5 =	vmul.f32 v32, v30  }
0x2de: {  	v3 =	vmul.f32 v3, v30  }
0x2df: {  	[tilespmem:s19+$0xA0] =	vst v5  }
0x2e0: {  	[tilespmem:s19+$0xB0] =	vst v3  }
0x2e1: {  	v3 =	vld [tilespmem:s18+$0x60];
	_ =	sdelay $0x4  }
0x2e2: {  	v33 =	vunpack.i.l.bf16.f32 v3  }
0x2e3: {  	v3 =	vunpack.i.u.bf16.f32 v3;
	v5 =	vmul.f32 v33, v30  }
0x2e4: {  	v3 =	vmul.f32 v3, v30  }
0x2e5: {  	[tilespmem:s19+$0xC0] =	vst v5  }
0x2e6: {  	[tilespmem:s19+$0xD0] =	vst v3  }
0x2e7: {  	v3 =	vld [tilespmem:s18+$0x70];
	_ =	sdelay $0x4  }
0x2e8: {  	v34 =	vunpack.i.l.bf16.f32 v3  }
0x2e9: {  	v3 =	vunpack.i.u.bf16.f32 v3;
	v5 =	vmul.f32 v34, v30  }
0x2ea: {  	v3 =	vmul.f32 v3, v30  }
0x2eb: {  	[tilespmem:s19+$0xE0] =	vst v5  }
0x2ec: {  	[tilespmem:s19+$0xF0] =	vst v3  }
0x2ed: {  	v3 =	vld [tilespmem:s18+$0x80];
	_ =	sdelay $0x3  }
0x2ee: {  	v35 =	vbroadcast v2, $0xA  }
0x2ef: {  	v36 =	vunpack.i.l.bf16.f32 v3  }
0x2f0: {  	v3 =	vunpack.i.u.bf16.f32 v3;
	v5 =	vmul.f32 v36, v35  }
0x2f1: {  	v3 =	vmul.f32 v3, v35  }
0x2f2: {  	[tilespmem:s19+$0x100] =	vst v5  }
0x2f3: {  	[tilespmem:s19+$0x110] =	vst v3  }
0x2f4: {  	v3 =	vld [tilespmem:s18+$0x90];
	_ =	sdelay $0x4  }
0x2f5: {  	v37 =	vunpack.i.l.bf16.f32 v3  }
0x2f6: {  	v3 =	vunpack.i.u.bf16.f32 v3;
	v5 =	vmul.f32 v37, v35  }
0x2f7: {  	v3 =	vmul.f32 v3, v35  }
0x2f8: {  	[tilespmem:s19+$0x120] =	vst v5  }
0x2f9: {  	[tilespmem:s19+$0x130] =	vst v3  }
0x2fa: {  	v3 =	vld [tilespmem:s18+$0xA0];
	_ =	sdelay $0x4  }
0x2fb: {  	v38 =	vunpack.i.l.bf16.f32 v3  }
0x2fc: {  	v3 =	vunpack.i.u.bf16.f32 v3;
	v5 =	vmul.f32 v38, v35  }
0x2fd: {  	v3 =	vmul.f32 v3, v35  }
0x2fe: {  	[tilespmem:s19+$0x140] =	vst v5  }
0x2ff: {  	[tilespmem:s19+$0x150] =	vst v3  }
0x300: {  	v3 =	vld [tilespmem:s18+$0xB0];
	_ =	sdelay $0x4  }
0x301: {  	v39 =	vunpack.i.l.bf16.f32 v3  }
0x302: {  	v3 =	vunpack.i.u.bf16.f32 v3;
	v5 =	vmul.f32 v39, v35  }
0x303: {  	v3 =	vmul.f32 v3, v35  }
0x304: {  	[tilespmem:s19+$0x160] =	vst v5  }
0x305: {  	[tilespmem:s19+$0x170] =	vst v3  }
0x306: {  	v3 =	vld [tilespmem:s18+$0xC0];
	_ =	sdelay $0x3  }
0x307: {  	v40 =	vbroadcast v2, $0xB  }
0x308: {  	v41 =	vunpack.i.l.bf16.f32 v3  }
0x309: {  	v3 =	vunpack.i.u.bf16.f32 v3;
	v5 =	vmul.f32 v41, v40  }
0x30a: {  	v3 =	vmul.f32 v3, v40  }
0x30b: {  	[tilespmem:s19+$0x180] =	vst v5  }
0x30c: {  	[tilespmem:s19+$0x190] =	vst v3  }
0x30d: {  	v3 =	vld [tilespmem:s18+$0xD0];
	_ =	sdelay $0x4  }
0x30e: {  	v42 =	vunpack.i.l.bf16.f32 v3  }
0x30f: {  	v3 =	vunpack.i.u.bf16.f32 v3;
	v5 =	vmul.f32 v42, v40  }
0x310: {  	v3 =	vmul.f32 v3, v40  }
0x311: {  	[tilespmem:s19+$0x1A0] =	vst v5  }
0x312: {  	[tilespmem:s19+$0x1B0] =	vst v3  }
0x313: {  	v3 =	vld [tilespmem:s18+$0xE0];
	_ =	sdelay $0x4  }
0x314: {  	v43 =	vunpack.i.l.bf16.f32 v3  }
0x315: {  	v3 =	vunpack.i.u.bf16.f32 v3;
	v5 =	vmul.f32 v43, v40  }
0x316: {  	v3 =	vmul.f32 v3, v40  }
0x317: {  	[tilespmem:s19+$0x1C0] =	vst v5  }
0x318: {  	[tilespmem:s19+$0x1D0] =	vst v3  }
0x319: {  	v3 =	vld [tilespmem:s18+$0xF0];
	_ =	sdelay $0x4  }
0x31a: {  	v44 =	vunpack.i.l.bf16.f32 v3  }
0x31b: {  	v3 =	vunpack.i.u.bf16.f32 v3;
	v5 =	vmul.f32 v44, v40  }
0x31c: {  	v3 =	vmul.f32 v3, v40  }
0x31d: {  	[tilespmem:s19+$0x1E0] =	vst v5  }
0x31e: {  	[tilespmem:s19+$0x1F0] =	vst v3  }
0x31f: {  	v3 =	vld [tilespmem:s18+$0x100];
	_ =	sdelay $0x3  }
0x320: {  	v45 =	vbroadcast v2, $0xC  }
0x321: {  	v46 =	vunpack.i.l.bf16.f32 v3  }
0x322: {  	v3 =	vunpack.i.u.bf16.f32 v3;
	v5 =	vmul.f32 v46, v45  }
0x323: {  	v3 =	vmul.f32 v3, v45  }
0x324: {  	[tilespmem:s19+$0x200] =	vst v5  }
0x325: {  	[tilespmem:s19+$0x210] =	vst v3  }
0x326: {  	v3 =	vld [tilespmem:s18+$0x110];
	_ =	sdelay $0x4  }
0x327: {  	v47 =	vunpack.i.l.bf16.f32 v3  }
0x328: {  	v3 =	vunpack.i.u.bf16.f32 v3;
	v5 =	vmul.f32 v47, v45  }
0x329: {  	v3 =	vmul.f32 v3, v45  }
0x32a: {  	[tilespmem:s19+$0x220] =	vst v5  }
0x32b: {  	[tilespmem:s19+$0x230] =	vst v3  }
0x32c: {  	v3 =	vld [tilespmem:s18+$0x120];
	_ =	sdelay $0x4  }
0x32d: {  	v48 =	vunpack.i.l.bf16.f32 v3  }
0x32e: {  	v3 =	vunpack.i.u.bf16.f32 v3;
	v5 =	vmul.f32 v48, v45  }
0x32f: {  	v3 =	vmul.f32 v3, v45  }
0x330: {  	[tilespmem:s19+$0x240] =	vst v5  }
0x331: {  	[tilespmem:s19+$0x250] =	vst v3  }
0x332: {  	v3 =	vld [tilespmem:s18+$0x130];
	_ =	sdelay $0x4  }
0x333: {  	v49 =	vunpack.i.l.bf16.f32 v3  }
0x334: {  	v3 =	vunpack.i.u.bf16.f32 v3;
	v5 =	vmul.f32 v49, v45  }
0x335: {  	v3 =	vmul.f32 v3, v45  }
0x336: {  	[tilespmem:s19+$0x260] =	vst v5  }
0x337: {  	[tilespmem:s19+$0x270] =	vst v3  }
0x338: {  	v3 =	vld [tilespmem:s18+$0x140];
	_ =	sdelay $0x3  }
0x339: {  	v50 =	vbroadcast v2, $0xD  }
0x33a: {  	v51 =	vunpack.i.l.bf16.f32 v3  }
0x33b: {  	v3 =	vunpack.i.u.bf16.f32 v3;
	v5 =	vmul.f32 v51, v50  }
0x33c: {  	v3 =	vmul.f32 v3, v50  }
0x33d: {  	[tilespmem:s19+$0x280] =	vst v5  }
0x33e: {  	[tilespmem:s19+$0x290] =	vst v3  }
0x33f: {  	v3 =	vld [tilespmem:s18+$0x150];
	_ =	sdelay $0x4  }
0x340: {  	v52 =	vunpack.i.l.bf16.f32 v3  }
0x341: {  	v3 =	vunpack.i.u.bf16.f32 v3;
	v5 =	vmul.f32 v52, v50  }
0x342: {  	v3 =	vmul.f32 v3, v50  }
0x343: {  	[tilespmem:s19+$0x2A0] =	vst v5  }
0x344: {  	[tilespmem:s19+$0x2B0] =	vst v3  }
0x345: {  	v3 =	vld [tilespmem:s18+$0x160];
	_ =	sdelay $0x4  }
0x346: {  	v53 =	vunpack.i.l.bf16.f32 v3  }
0x347: {  	v3 =	vunpack.i.u.bf16.f32 v3;
	v5 =	vmul.f32 v53, v50  }
0x348: {  	v3 =	vmul.f32 v3, v50  }
0x349: {  	[tilespmem:s19+$0x2C0] =	vst v5  }
0x34a: {  	[tilespmem:s19+$0x2D0] =	vst v3  }
0x34b: {  	v3 =	vld [tilespmem:s18+$0x170];
	_ =	sdelay $0x4  }
0x34c: {  	v54 =	vunpack.i.l.bf16.f32 v3  }
0x34d: {  	v3 =	vunpack.i.u.bf16.f32 v3;
	v5 =	vmul.f32 v54, v50  }
0x34e: {  	v3 =	vmul.f32 v3, v50  }
0x34f: {  	[tilespmem:s19+$0x2E0] =	vst v5  }
0x350: {  	[tilespmem:s19+$0x2F0] =	vst v3  }
0x351: {  	v3 =	vld [tilespmem:s18+$0x180];
	_ =	sdelay $0x3  }
0x352: {  	v55 =	vbroadcast v2, $0xE  }
0x353: {  	v56 =	vunpack.i.l.bf16.f32 v3  }
0x354: {  	v3 =	vunpack.i.u.bf16.f32 v3;
	v5 =	vmul.f32 v56, v55  }
0x355: {  	v3 =	vmul.f32 v3, v55  }
0x356: {  	[tilespmem:s19+$0x300] =	vst v5  }
0x357: {  	[tilespmem:s19+$0x310] =	vst v3  }
0x358: {  	v3 =	vld [tilespmem:s18+$0x190];
	_ =	sdelay $0x4  }
0x359: {  	v57 =	vunpack.i.l.bf16.f32 v3  }
0x35a: {  	v3 =	vunpack.i.u.bf16.f32 v3;
	v5 =	vmul.f32 v57, v55  }
0x35b: {  	v3 =	vmul.f32 v3, v55  }
0x35c: {  	[tilespmem:s19+$0x320] =	vst v5  }
0x35d: {  	[tilespmem:s19+$0x330] =	vst v3  }
0x35e: {  	v3 =	vld [tilespmem:s18+$0x1A0];
	_ =	sdelay $0x4  }
0x35f: {  	v58 =	vunpack.i.l.bf16.f32 v3  }
0x360: {  	v3 =	vunpack.i.u.bf16.f32 v3;
	v5 =	vmul.f32 v58, v55  }
0x361: {  	v3 =	vmul.f32 v3, v55  }
0x362: {  	[tilespmem:s19+$0x340] =	vst v5  }
0x363: {  	[tilespmem:s19+$0x350] =	vst v3  }
0x364: {  	v3 =	vld [tilespmem:s18+$0x1B0];
	_ =	sdelay $0x4  }
0x365: {  	v59 =	vunpack.i.l.bf16.f32 v3  }
0x366: {  	v3 =	vunpack.i.u.bf16.f32 v3;
	v5 =	vmul.f32 v59, v55  }
0x367: {  	v3 =	vmul.f32 v3, v55  }
0x368: {  	[tilespmem:s19+$0x360] =	vst v5  }
0x369: {  	[tilespmem:s19+$0x370] =	vst v3  }
0x36a: {  	v3 =	vld [tilespmem:s18+$0x1C0];
	_ =	sdelay $0x3  }
0x36b: {  	v2 =	vbroadcast v2, $0xF  }
0x36c: {  	v60 =	vunpack.i.l.bf16.f32 v3  }
0x36d: {  	v3 =	vunpack.i.u.bf16.f32 v3;
	v4 =	vmul.f32 v60, v2  }
0x36e: {  	v3 =	vmul.f32 v3, v2  }
0x36f: {  	[tilespmem:s19+$0x380] =	vst v4  }
0x370: {  	[tilespmem:s19+$0x390] =	vst v3  }
0x371: {  	v3 =	vld [tilespmem:s18+$0x1D0];
	_ =	sdelay $0x4  }
0x372: {  	v61 =	vunpack.i.l.bf16.f32 v3  }
0x373: {  	v3 =	vunpack.i.u.bf16.f32 v3;
	v4 =	vmul.f32 v61, v2  }
0x374: {  	v3 =	vmul.f32 v3, v2  }
0x375: {  	[tilespmem:s19+$0x3A0] =	vst v4  }
0x376: {  	[tilespmem:s19+$0x3B0] =	vst v3  }
0x377: {  	v3 =	vld [tilespmem:s18+$0x1E0];
	_ =	sdelay $0x4  }
0x378: {  	v62 =	vunpack.i.l.bf16.f32 v3  }
0x379: {  	v3 =	vunpack.i.u.bf16.f32 v3;
	v4 =	vmul.f32 v62, v2  }
0x37a: {  	v3 =	vmul.f32 v3, v2  }
0x37b: {  	[tilespmem:s19+$0x3C0] =	vst v4  }
0x37c: {  	[tilespmem:s19+$0x3D0] =	vst v3  }
0x37d: {  	v3 =	vld [tilespmem:s18+$0x1F0];
	_ =	sdelay $0x3  }
0x37e: {  	p0 =	sne.s32 s17, $0x1C0  }
.Ltmp2:
0x37f: {  	v63 =	vunpack.i.l.bf16.f32 v3;
	(pc) =	sbr.rel @p0 .LBB2_8-.Ltmp2, $4  }
0x380: {  	v3 =	vunpack.i.u.bf16.f32 v3;
	v4 =	vmul.f32 v63, v2  }
0x381: {  	v2 =	vmul.f32 v3, v2  }
0x382: {  	[tilespmem:s19+$0x3E0] =	vst v4  }
0x383: {  	s17 =	sadd.s32 $0x40, s17;
	s18 =	sadd.s32 $0x400, s18;
	[tilespmem:s19+$0x3F0] =	vst v2;
	s19 =	sadd.s32 $0x800, s19  }
0x384: {  	s15 =	sadd.s32 $0x1, s15  }
0x385: {  	p0 =	sne.s32 s15, $0x8  }
.Ltmp3:
0x386: {  	s8 =	sadd.s32 $0x800, s16;
	(pc) =	sbr.rel @p0 .LBB2_5-.Ltmp3, $4  }
0x387: {  	[spmem:s3] =	stream.indirect.scatter.add.f32 [tilespmem:s21], [sflag:$0x3], $0x80, s8, s24, $0xb8;
	[tilespmem:$0x1D800] =	vst v63  }
0x388: {  	_ =	swait.ge [sflag:s22], $0x4000  }
0x389: {  	[sflag:s22] =	ssyncset.done $0x0  }
0x38a: {  	s0 =	sadd.s32 $0x100, s0;
	s4 =	sadd.s32 $0x100, s4;
	[sflag:s22] =	ssyncadd.s32 $0xFFFFC000  }
0x38b: {  	s31 =	sadd.s32 $0x1, s31  }
0x38c: {  	p0 =	sne.s32 s31, $0xA  }
.Ltmp4:
0x38d: {  	_ = 	snop;
	(pc) =	sbr.rel @p0 .LBB2_4-.Ltmp4, $1  }
0x38e: {  	_ =	sdelay $0x3  }
0x38f: {  	s0 =	stileid.u32  }
0x390: {  	[bflag:$0x0] =	sbarrier.arrive $0xFFFF;
	s0 =	sshll.u32 s0, $0x6  }
0x391: {  	s4 =	sshrl.u32 s9, $0x3;
	s20 =	rddreg [dreg:$0x6];
	s0 =	sor.u32 $0x1C03, s0  }
0x392: {  	[hbm:s20], [sflag:s0] =	dma.local [spmem:s4], $0x800  }
0x393: {  	_ =	swait.ge [sflag:s22], $0x800  }
0x394: {  	s8 =	smov.u32 s9;
	s30 =	smov.u32 s10;
	[sflag:s22] =	ssyncset.done $0x0  }
0x395: {  	s9 =	sshrl.u32 s10, $0x3;
	s10 =	rddreg [dreg:$0x7];
	[sflag:s22] =	ssyncadd.s32 $0xFFFFF800  }
0x396: {  	[hbm:s10], [sflag:s0] =	dma.local [spmem:s9], $0x800  }
0x397: {  	_ =	swait.ge [sflag:s22], $0x800  }
0x398: {  	s31 =	smov.u32 s11;
	[sflag:s22] =	ssyncset.done $0x0  }
0x399: {  	s11 =	sshrl.u32 s11, $0x3;
	s15 =	rddreg [dreg:$0x8];
	[sflag:s22] =	ssyncadd.s32 $0xFFFFF800  }
0x39a: {  	[hbm:s15], [sflag:s0] =	dma.local [spmem:s11], $0x800  }
0x39b: {  	_ =	swait.ge [sflag:s22], $0x800  }
0x39c: {  	[sflag:s22] =	ssyncset.done $0x0;
	s16 =	rddreg [dreg:$0x5]  }
0x39d: {  	s17 =	rddreg [dreg:$0x9];
	[sflag:s22] =	ssyncadd.s32 $0xFFFFF800;
	s4 =	sshrl.u32 s16, $0x3  }
0x39e: {  	[hbm:s17], [sflag:s0] =	dma.local [spmem:s4], $0x800  }
0x39f: {  	_ =	swait.ge [sflag:s22], $0x800  }
0x3a0: {  	[sflag:s22] =	ssyncset.done $0x0  }
0x3a1: {  	s18 =	sshrl.u32 s12, $0x3;
	s19 =	rddreg [dreg:$0xa];
	[sflag:s22] =	ssyncadd.s32 $0xFFFFF800  }
0x3a2: {  	[hbm:s19], [sflag:s0] =	dma.local [spmem:s18], $0x800  }
0x3a3: {  	_ =	swait.ge [sflag:s22], $0x800  }
0x3a4: {  	s5 =	sadd.s32 $0x1, s5;
	s20 =	rddreg [dreg:$0xb]  }
0x3a5: {  	p0 =	sne.s32 s5, s20  }
.Ltmp5:
0x3a6: {  	_ = 	snop;
	(pc) =	sbr.rel @p0 .LBB2_1-.Ltmp5, $3  }
0x3a7: {  	_ =	sdelay $0x1  }
0x3a8: {  	[sflag:s22] =	ssyncset.done $0x0  }
0x3a9: {  	[sflag:s22] =	ssyncadd.s32 $0xFFFFF800  }
0x3aa: {  	_ =	sfence.sel $0x180000  }
0x3ab: {  	[bflag:$0x0] =	sbarrier.arrive $0xFFFF  }
0x3ac: {  	_ =	strace $0x9000004A  }
0x3ad: {  	s0 =	stileid.u32;
	[bflag:$0x2] =	sbarrier.arrive $0xFFFF  }
0x3ae: {  	p0 =	sne.s32 s0, $0x0;
	s0 =	rddreg [dreg:$0x4]  }
0x3af: {  	s0 =	sadd.s32 @!p0 $0x100000, s0  }
0x3b0: {  	[sflag:s0] =	ssyncadd.tile.s32 @!p0 $0x1;
	_ =	shalt  }
.Lfunc_end2:
_tile_overlayer_lowered:
.L_overlay_start_2:
0x3b1: {  	(tag) =	ssettag $0x2  }
0x3b2: {  	s0 =	rddreg [dreg:$0x0];
	s2 =	stileid.u32  }
0x3b3: {  	s1 =	rddreg [dreg:$0x1];
	p0 =	sne.s32 s2, $0x0  }
0x3b4: {  	s3 =	rddreg [dreg:$0x2];
	[bflag:$0x3] =	sbarrier.arrive $0xFFFF;
	s2 =	simm.s32 @!p0 $0x1C03  }
0x3b5: {  	[timem:s3], [sflag:s2] =	dma.local @!p0 [hbm:s0], s1  }
0x3b6: {  	s0 =	simm.s32 @!p0 $0x3  }
0x3b7: {  	_ =	swait.ge @!p0 [sflag:s0], s1  }
0x3b8: {  	s1 =	ssub.s32 @!p0 $0x0, s1;
	[sflag:s0] =	ssyncset.done @!p0 $0x0  }
0x3b9: {  	[sflag:s0] =	ssyncadd.s32 @!p0 s1  }
0x3ba: {  	[bflag:$0x3] =	sbarrier.arrive $0xFFFF  }
0x3bb: {  	_ =	shalt  }

</sc_bundles>
